<compile_context>
chip_gen: v7x
topology: tpu7x:2x2x1
jax: 0.10.2.dev20260603
libtpu: 0.0.44.dev20260713+nightly
codegen_flags: <defaults>
</compile_context>

<pallas_src>
import dataclasses
import functools

import jax
import jax.numpy as jnp
import numpy as np
from jax import lax
from jax.experimental import pallas as pl
from jax.experimental.pallas import tpu as pltpu
from jax.experimental.pallas import tpu_sc as plsc

_D = 128
_SEQ = 50
_B = 4096
_OUT = 512
_NC = 2
_NS = 16
_NW = _NC * _NS
_ROWS_PER_TILE = _B // _NW
_ROWS_PER_GATHER = 2
_IDX_PER_GATHER = _ROWS_PER_GATHER * _SEQ
_GATHERS_PER_TILE = _ROWS_PER_TILE // _ROWS_PER_GATHER
_LANES = 16
_NBUF = 4

_PERM = np.concatenate(
    [np.concatenate([g * 32 + np.arange(0, 32, 2),
                     g * 32 + np.arange(1, 32, 2)])
     for g in range(_D // 32)])


def _sc_pool(table_bf16, idx_flat):
    mesh = plsc.VectorSubcoreMesh(core_axis_name="c", subcore_axis_name="s")
    cp = pltpu.CompilerParams()
    if "needs_layout_passes" in pltpu.CompilerParams.__dataclass_fields__:
        cp = dataclasses.replace(cp, needs_layout_passes=False)
    if "use_tc_tiling_on_sc" in pltpu.CompilerParams.__dataclass_fields__:
        cp = dataclasses.replace(cp, use_tc_tiling_on_sc=False)

    @functools.partial(
        pl.kernel,
        mesh=mesh,
        compiler_params=cp,
        out_type=jax.ShapeDtypeStruct((_B, _D), jnp.float32),
        scratch_types=(
            [pltpu.VMEM((_GATHERS_PER_TILE, _IDX_PER_GATHER), jnp.int32)]
            + [pltpu.VMEM((_IDX_PER_GATHER, _D), jnp.float32)] * _NBUF
            + [pltpu.VMEM((_ROWS_PER_TILE, _D), jnp.float32)]
            + [pltpu.SemaphoreType.DMA] * _NBUF
        ),
    )
    def k(table_hbm, idx_hbm, out_hbm, idx_v, *rest):
        bufs = rest[:_NBUF]
        out_v = rest[_NBUF]
        sems = rest[_NBUF + 1:]
        wid = lax.axis_index("s") * _NC + lax.axis_index("c")
        row0 = wid * _ROWS_PER_TILE
        pltpu.sync_copy(
            idx_hbm.at[pl.ds(wid * _GATHERS_PER_TILE, _GATHERS_PER_TILE)],
            idx_v)

        def src(g):
            return table_hbm.at[idx_v.at[g]]

        def fire(g, b):
            pltpu.async_copy(src(g), bufs[b], sems[b])

        def wait(g, b):
            pltpu.make_async_copy(src(g), bufs[b], sems[b]).wait()

        def reduce(buf, g):
            @pl.loop(0, _D // _LANES)
            def _reduce(cc):
                c0 = cc * _LANES
                for r in range(_ROWS_PER_GATHER):
                    base = r * _SEQ
                    accs = [buf[base + a, pl.ds(c0, _LANES)]
                            for a in range(4)]
                    for l in range(4, _SEQ):
                        accs[l % 4] = accs[l % 4] + buf[base + l,
                                                        pl.ds(c0, _LANES)]
                    out_v[g * _ROWS_PER_GATHER + r, pl.ds(c0, _LANES)] = (
                        ((accs[0] + accs[1]) + (accs[2] + accs[3]))
                        * (1.0 / _SEQ))

        for b in range(_NBUF):
            fire(b, b)

        @pl.loop(0, _GATHERS_PER_TILE - _NBUF, step=_NBUF)
        def _main(g0):
            for b in range(_NBUF):
                g = g0 + b
                wait(g, b)
                reduce(bufs[b], g)
                fire(g + _NBUF, b)

        for b in range(_NBUF):
            g = _GATHERS_PER_TILE - _NBUF + b
            wait(g, b)
            reduce(bufs[b], g)

        pltpu.sync_copy(out_v, out_hbm.at[pl.ds(row0, _ROWS_PER_TILE)])

    return k(table_bf16, idx_flat)


def _tc_project(pooled, w, bias):
    blk = 2048

    def body(p_ref, w_ref, b_ref, o_ref):
        o_ref[...] = lax.dot_general(
            p_ref[...], w_ref[...], (((1,), (0,)), ((), ())),
            preferred_element_type=jnp.float32,
            precision=lax.Precision.DEFAULT) + b_ref[...]

    return pl.pallas_call(
        body,
        grid=(_B // blk,),
        in_specs=[
            pl.BlockSpec((blk, _D), lambda i: (i, 0)),
            pl.BlockSpec((_D, _OUT), lambda i: (0, 0)),
            pl.BlockSpec((1, _OUT), lambda i: (0, 0)),
        ],
        out_specs=pl.BlockSpec((blk, _OUT), lambda i: (i, 0)),
        out_shape=jax.ShapeDtypeStruct((_B, _OUT), jnp.float32),
    )(pooled, w, bias.reshape(1, _OUT))


def kernel(x, table, W, b):
    xp = x.astype(jnp.int32).reshape(_B // _ROWS_PER_GATHER, _IDX_PER_GATHER)
    pooled = _sc_pool(table, xp)
    return _tc_project(pooled, W, b)

# --- scband reference (transcript-rebuilt; emitter-appended) ---
"""Pipeline reference for scband-text-encoder-326417515042 (READ-ONLY COPY).

The authoritative reference and input builder live on the scoring server;
editing this copy changes nothing except your own understanding.
"""

import jax, jax.numpy as jnp
import numpy as np

VOCAB = 100000
EMBED_DIM = 128
OUTPUT_DIM = 512
BATCH = 4096
SEQ = 50


def setup_inputs(seed: int = 0) -> dict:
    key = jax.random.key(seed)
    k1, k2, k3, k4 = jax.random.split(key, 4)
    x = jax.random.randint(k1, (BATCH, SEQ), 0, VOCAB, dtype=jnp.int64 if jax.config.jax_enable_x64 else jnp.int32)
    # embedding table (nn.Embedding default init ~ N(0,1))
    table = jax.random.normal(k2, (VOCAB, EMBED_DIM), dtype=jnp.float32)
    # linear layer params (kaiming-uniform-ish)
    bound = 1.0 / np.sqrt(EMBED_DIM)
    W = jax.random.uniform(k3, (EMBED_DIM, OUTPUT_DIM), minval=-bound, maxval=bound, dtype=jnp.float32)
    b = jax.random.uniform(k4, (OUTPUT_DIM,), minval=-bound, maxval=bound, dtype=jnp.float32)
    return {"x": x, "table": table, "W": W, "b": b}


def reference(x, table, W, b):
    # embedding lookup: [B, L, D]
    emb = jnp.take(table, x, axis=0)
    # mean over sequence dim
    pooled = jnp.mean(emb, axis=1)
    # linear projection
    out = pooled @ W + b
    return out

if __name__ == "__main__":
    import jax
    _d = setup_inputs()
    print(jax.jit(kernel)(*tuple(_d.values())))

</pallas_src>

<mosaic_0001>
#map = affine_map<(d0, d1) -> (0, 0)>
module attributes {stable_mosaic.version = 14 : i64} {
  func.func @k(%arg0: i32, %arg1: i32, %arg2: memref<100000x128xf32, #tpu.memory_space<hbm>>, %arg3: memref<2048x100xi32, #tpu.memory_space<hbm>>, %arg4: memref<4096x128xf32, #tpu.memory_space<hbm>>, %arg5: memref<64x100xi32, #tpu.memory_space<vmem>>, %arg6: memref<100x128xf32, #tpu.memory_space<vmem>>, %arg7: memref<100x128xf32, #tpu.memory_space<vmem>>, %arg8: memref<100x128xf32, #tpu.memory_space<vmem>>, %arg9: memref<100x128xf32, #tpu.memory_space<vmem>>, %arg10: memref<128x128xf32, #tpu.memory_space<vmem>>, %arg11: memref<!tpu.dma_semaphore, #tpu.memory_space<semaphore_mem>>, %arg12: memref<!tpu.dma_semaphore, #tpu.memory_space<semaphore_mem>>, %arg13: memref<!tpu.dma_semaphore, #tpu.memory_space<semaphore_mem>>, %arg14: memref<!tpu.dma_semaphore, #tpu.memory_space<semaphore_mem>>) attributes {dimension_semantics = [#tpu.dimension_semantics<core_parallel>, #tpu.dimension_semantics<subcore_parallel>], iteration_bounds = array<i64: 2, 16>, scalar_prefetch = 0 : i64, scratch_operands = 10 : i64, tpu.core_type = #tpu.core_type<sc_vector_subcore>, window_params = [{transform_indices = #map}, {transform_indices = #map}, {transform_indices = #map}]} {
    %mul3A = arith.constant 2 : i32
    %mul3A_0 = arith.muli %arg1, %mul3A : i32
    %add3A = arith.addi %mul3A_0, %arg0 : i32
    %mul3A_1 = arith.constant 128 : i32
    %mul3A_2 = arith.muli %add3A, %mul3A_1 : i32
    %mul3A_3 = arith.constant 64 : i32
    %mul3A_4 = arith.muli %add3A, %mul3A_3 : i32
    "tpu.region"() ({
      %run_scoped3A = tpu.sem_alloc : memref<!tpu.dma_semaphore, #tpu.memory_space<semaphore_mem>>
      %dma_start3A_83 = arith.constant 0 : i32
      %dma_start3A_84 = tpu.memref_slice %arg3[%mul3A_4, %dma_start3A_83] : memref<2048x100xi32, #tpu.memory_space<hbm>> -> memref<64x100xi32, #tpu.memory_space<hbm>>
      %dma_start3A_85 = arith.constant 0 : i32
      %dma_start3A_86 = tpu.memref_slice %arg3[%mul3A_4, %dma_start3A_85] : memref<2048x100xi32, #tpu.memory_space<hbm>> -> memref<64x100xi32, #tpu.memory_space<hbm>>
      tpu.enqueue_dma source(%dma_start3A_86 : memref<64x100xi32, #tpu.memory_space<hbm>>) target(%arg5 : memref<64x100xi32, #tpu.memory_space<vmem>>) target_semaphore(%run_scoped3A : memref<!tpu.dma_semaphore, #tpu.memory_space<semaphore_mem>>)
      %dma_wait3A_87 = arith.constant 0 : i32
      %dma_wait3A_88 = tpu.memref_slice %arg3[%mul3A_4, %dma_wait3A_87] : memref<2048x100xi32, #tpu.memory_space<hbm>> -> memref<64x100xi32, #tpu.memory_space<hbm>>
      %dma_wait3A_89 = arith.constant 0 : i32
      %dma_wait3A_90 = tpu.memref_slice %arg3[%mul3A_4, %dma_wait3A_89] : memref<2048x100xi32, #tpu.memory_space<hbm>> -> memref<64x100xi32, #tpu.memory_space<hbm>>
      tpu.wait_dma2 semaphore(%run_scoped3A : memref<!tpu.dma_semaphore, #tpu.memory_space<semaphore_mem>>) src(%dma_wait3A_90 : memref<64x100xi32, #tpu.memory_space<hbm>>) dst(%arg5 : memref<64x100xi32, #tpu.memory_space<vmem>>)
      tpu.yield
    }) : () -> ()
    %dma_start3A = arith.constant 0 : i32
    %dma_start3A_5 = arith.constant 0 : i32
    %dma_start3A_6 = tpu.memref_slice %arg5[%dma_start3A, %dma_start3A_5] : memref<64x100xi32, #tpu.memory_space<vmem>> -> memref<1x100xi32, #tpu.memory_space<vmem>>
    %dma_start3A_7 = tpu.memref_squeeze %dma_start3A_6 : memref<1x100xi32, #tpu.memory_space<vmem>> -> memref<100xi32, #tpu.memory_space<vmem>>
    %dma_start3A_8 = arith.constant 0 : i32
    %dma_start3A_9 = arith.constant 0 : i32
    %dma_start3A_10 = tpu.memref_slice %arg2[%dma_start3A_8, %dma_start3A_9] : memref<100000x128xf32, #tpu.memory_space<hbm>> -> memref<100000x128xf32, #tpu.memory_space<hbm>>
    tpu.enqueue_indirect_dma source(%dma_start3A_10 : memref<100000x128xf32, #tpu.memory_space<hbm>>) target(%arg6 : memref<100x128xf32, #tpu.memory_space<vmem>>) offsets(%dma_start3A_7 : memref<100xi32, #tpu.memory_space<vmem>>) semaphore(%arg11 : memref<!tpu.dma_semaphore, #tpu.memory_space<semaphore_mem>>)
    %dma_start3A_11 = arith.constant 1 : i32
    %dma_start3A_12 = arith.constant 0 : i32
    %dma_start3A_13 = tpu.memref_slice %arg5[%dma_start3A_11, %dma_start3A_12] : memref<64x100xi32, #tpu.memory_space<vmem>> -> memref<1x100xi32, #tpu.memory_space<vmem>>
    %dma_start3A_14 = tpu.memref_squeeze %dma_start3A_13 : memref<1x100xi32, #tpu.memory_space<vmem>> -> memref<100xi32, #tpu.memory_space<vmem>>
    %dma_start3A_15 = arith.constant 0 : i32
    %dma_start3A_16 = arith.constant 0 : i32
    %dma_start3A_17 = tpu.memref_slice %arg2[%dma_start3A_15, %dma_start3A_16] : memref<100000x128xf32, #tpu.memory_space<hbm>> -> memref<100000x128xf32, #tpu.memory_space<hbm>>
    tpu.enqueue_indirect_dma source(%dma_start3A_17 : memref<100000x128xf32, #tpu.memory_space<hbm>>) target(%arg7 : memref<100x128xf32, #tpu.memory_space<vmem>>) offsets(%dma_start3A_14 : memref<100xi32, #tpu.memory_space<vmem>>) semaphore(%arg12 : memref<!tpu.dma_semaphore, #tpu.memory_space<semaphore_mem>>)
    %dma_start3A_18 = arith.constant 2 : i32
    %dma_start3A_19 = arith.constant 0 : i32
    %dma_start3A_20 = tpu.memref_slice %arg5[%dma_start3A_18, %dma_start3A_19] : memref<64x100xi32, #tpu.memory_space<vmem>> -> memref<1x100xi32, #tpu.memory_space<vmem>>
    %dma_start3A_21 = tpu.memref_squeeze %dma_start3A_20 : memref<1x100xi32, #tpu.memory_space<vmem>> -> memref<100xi32, #tpu.memory_space<vmem>>
    %dma_start3A_22 = arith.constant 0 : i32
    %dma_start3A_23 = arith.constant 0 : i32
    %dma_start3A_24 = tpu.memref_slice %arg2[%dma_start3A_22, %dma_start3A_23] : memref<100000x128xf32, #tpu.memory_space<hbm>> -> memref<100000x128xf32, #tpu.memory_space<hbm>>
    tpu.enqueue_indirect_dma source(%dma_start3A_24 : memref<100000x128xf32, #tpu.memory_space<hbm>>) target(%arg8 : memref<100x128xf32, #tpu.memory_space<vmem>>) offsets(%dma_start3A_21 : memref<100xi32, #tpu.memory_space<vmem>>) semaphore(%arg13 : memref<!tpu.dma_semaphore, #tpu.memory_space<semaphore_mem>>)
    %dma_start3A_25 = arith.constant 3 : i32
    %dma_start3A_26 = arith.constant 0 : i32
    %dma_start3A_27 = tpu.memref_slice %arg5[%dma_start3A_25, %dma_start3A_26] : memref<64x100xi32, #tpu.memory_space<vmem>> -> memref<1x100xi32, #tpu.memory_space<vmem>>
    %dma_start3A_28 = tpu.memref_squeeze %dma_start3A_27 : memref<1x100xi32, #tpu.memory_space<vmem>> -> memref<100xi32, #tpu.memory_space<vmem>>
    %dma_start3A_29 = arith.constant 0 : i32
    %dma_start3A_30 = arith.constant 0 : i32
    %dma_start3A_31 = tpu.memref_slice %arg2[%dma_start3A_29, %dma_start3A_30] : memref<100000x128xf32, #tpu.memory_space<hbm>> -> memref<100000x128xf32, #tpu.memory_space<hbm>>
    tpu.enqueue_indirect_dma source(%dma_start3A_31 : memref<100000x128xf32, #tpu.memory_space<hbm>>) target(%arg9 : memref<100x128xf32, #tpu.memory_space<vmem>>) offsets(%dma_start3A_28 : memref<100xi32, #tpu.memory_space<vmem>>) semaphore(%arg14 : memref<!tpu.dma_semaphore, #tpu.memory_space<semaphore_mem>>)
    %scan3A = arith.constant 0 : i32
    %scan3A_32 = arith.constant 15 : i32
    %scan3A_33 = arith.addi %scan3A, %scan3A_32 : i32
    %scan3A_34 = arith.constant 1 : i32
    scf.for %scan3A_83 = %scan3A to %scan3A_33 step %scan3A_34  : i32 {
      %mul3A_84 = arith.constant 4 : i32
      %mul3A_85 = arith.muli %scan3A_83, %mul3A_84 : i32
      %add3A_86 = arith.constant 0 : i32
      %add3A_87 = arith.addi %add3A_86, %mul3A_85 : i32
      %add3A_88 = arith.constant 0 : i32
      %add3A_89 = arith.addi %add3A_87, %add3A_88 : i32
      %dma_wait3A_90 = arith.constant 0 : i32
      %dma_wait3A_91 = tpu.memref_slice %arg5[%add3A_89, %dma_wait3A_90] : memref<64x100xi32, #tpu.memory_space<vmem>> -> memref<1x100xi32, #tpu.memory_space<vmem>>
      %dma_wait3A_92 = tpu.memref_squeeze %dma_wait3A_91 : memref<1x100xi32, #tpu.memory_space<vmem>> -> memref<100xi32, #tpu.memory_space<vmem>>
      %dma_wait3A_93 = arith.constant 0 : i32
      %dma_wait3A_94 = arith.constant 0 : i32
      %dma_wait3A_95 = tpu.memref_slice %arg2[%dma_wait3A_93, %dma_wait3A_94] : memref<100000x128xf32, #tpu.memory_space<hbm>> -> memref<100000x128xf32, #tpu.memory_space<hbm>>
      tpu.wait_indirect_dma semaphore(%arg11 : memref<!tpu.dma_semaphore, #tpu.memory_space<semaphore_mem>>) src(%dma_wait3A_95 : memref<100000x128xf32, #tpu.memory_space<hbm>>) dst(%arg6 : memref<100x128xf32, #tpu.memory_space<vmem>>)
      %scan3A_96 = arith.constant 0 : i32
      %scan3A_97 = arith.constant 8 : i32
      %scan3A_98 = arith.addi %scan3A_96, %scan3A_97 : i32
      %scan3A_99 = arith.constant 1 : i32
      scf.for %scan3A_172 = %scan3A_96 to %scan3A_98 step %scan3A_99  : i32 {
        %mul3A_173 = arith.constant 1 : i32
        %mul3A_174 = arith.muli %scan3A_172, %mul3A_173 : i32
        %add3A_175 = arith.constant 0 : i32
        %add3A_176 = arith.addi %add3A_175, %mul3A_174 : i32
        %mul3A_177 = arith.constant 16 : i32
        %mul3A_178 = arith.muli %add3A_176, %mul3A_177 : i32
        %get3A = arith.constant 0 : i32
        %get3A_179 = arith.index_cast %get3A : i32 to index
        %get3A_180 = arith.index_cast %mul3A_178 : i32 to index
        %get3A_181 = tpu.vector_load %arg6[%get3A_179, %get3A_180] {strides = array<i32>} : memref<100x128xf32, #tpu.memory_space<vmem>>, vector<16xf32>,
        %get3A_182 = arith.constant 1 : i32
        %get3A_183 = arith.index_cast %get3A_182 : i32 to index
        %get3A_184 = arith.index_cast %mul3A_178 : i32 to index
        %get3A_185 = tpu.vector_load %arg6[%get3A_183, %get3A_184] {strides = array<i32>} : memref<100x128xf32, #tpu.memory_space<vmem>>, vector<16xf32>,
        %get3A_186 = arith.constant 2 : i32
        %get3A_187 = arith.index_cast %get3A_186 : i32 to index
        %get3A_188 = arith.index_cast %mul3A_178 : i32 to index
        %get3A_189 = tpu.vector_load %arg6[%get3A_187, %get3A_188] {strides = array<i32>} : memref<100x128xf32, #tpu.memory_space<vmem>>, vector<16xf32>,
        %get3A_190 = arith.constant 3 : i32
        %get3A_191 = arith.index_cast %get3A_190 : i32 to index
        %get3A_192 = arith.index_cast %mul3A_178 : i32 to index
        %get3A_193 = tpu.vector_load %arg6[%get3A_191, %get3A_192] {strides = array<i32>} : memref<100x128xf32, #tpu.memory_space<vmem>>, vector<16xf32>,
        %get3A_194 = arith.constant 4 : i32
        %get3A_195 = arith.index_cast %get3A_194 : i32 to index
        %get3A_196 = arith.index_cast %mul3A_178 : i32 to index
        %get3A_197 = tpu.vector_load %arg6[%get3A_195, %get3A_196] {strides = array<i32>} : memref<100x128xf32, #tpu.memory_space<vmem>>, vector<16xf32>,
        %add3A_198 = arith.addf %get3A_181, %get3A_197 : vector<16xf32>
        %get3A_199 = arith.constant 5 : i32
        %get3A_200 = arith.index_cast %get3A_199 : i32 to index
        %get3A_201 = arith.index_cast %mul3A_178 : i32 to index
        %get3A_202 = tpu.vector_load %arg6[%get3A_200, %get3A_201] {strides = array<i32>} : memref<100x128xf32, #tpu.memory_space<vmem>>, vector<16xf32>,
        %add3A_203 = arith.addf %get3A_185, %get3A_202 : vector<16xf32>
        %get3A_204 = arith.constant 6 : i32
        %get3A_205 = arith.index_cast %get3A_204 : i32 to index
        %get3A_206 = arith.index_cast %mul3A_178 : i32 to index
        %get3A_207 = tpu.vector_load %arg6[%get3A_205, %get3A_206] {strides = array<i32>} : memref<100x128xf32, #tpu.memory_space<vmem>>, vector<16xf32>,
        %add3A_208 = arith.addf %get3A_189, %get3A_207 : vector<16xf32>
        %get3A_209 = arith.constant 7 : i32
        %get3A_210 = arith.index_cast %get3A_209 : i32 to index
        %get3A_211 = arith.index_cast %mul3A_178 : i32 to index
        %get3A_212 = tpu.vector_load %arg6[%get3A_210, %get3A_211] {strides = array<i32>} : memref<100x128xf32, #tpu.memory_space<vmem>>, vector<16xf32>,
        %add3A_213 = arith.addf %get3A_193, %get3A_212 : vector<16xf32>
        %get3A_214 = arith.constant 8 : i32
        %get3A_215 = arith.index_cast %get3A_214 : i32 to index
        %get3A_216 = arith.index_cast %mul3A_178 : i32 to index
        %get3A_217 = tpu.vector_load %arg6[%get3A_215, %get3A_216] {strides = array<i32>} : memref<100x128xf32, #tpu.memory_space<vmem>>, vector<16xf32>,
        %add3A_218 = arith.addf %add3A_198, %get3A_217 : vector<16xf32>
        %get3A_219 = arith.constant 9 : i32
        %get3A_220 = arith.index_cast %get3A_219 : i32 to index
        %get3A_221 = arith.index_cast %mul3A_178 : i32 to index
        %get3A_222 = tpu.vector_load %arg6[%get3A_220, %get3A_221] {strides = array<i32>} : memref<100x128xf32, #tpu.memory_space<vmem>>, vector<16xf32>,
        %add3A_223 = arith.addf %add3A_203, %get3A_222 : vector<16xf32>
        %get3A_224 = arith.constant 10 : i32
        %get3A_225 = arith.index_cast %get3A_224 : i32 to index
        %get3A_226 = arith.index_cast %mul3A_178 : i32 to index
        %get3A_227 = tpu.vector_load %arg6[%get3A_225, %get3A_226] {strides = array<i32>} : memref<100x128xf32, #tpu.memory_space<vmem>>, vector<16xf32>,
        %add3A_228 = arith.addf %add3A_208, %get3A_227 : vector<16xf32>
        %get3A_229 = arith.constant 11 : i32
        %get3A_230 = arith.index_cast %get3A_229 : i32 to index
        %get3A_231 = arith.index_cast %mul3A_178 : i32 to index
        %get3A_232 = tpu.vector_load %arg6[%get3A_230, %get3A_231] {strides = array<i32>} : memref<100x128xf32, #tpu.memory_space<vmem>>, vector<16xf32>,
        %add3A_233 = arith.addf %add3A_213, %get3A_232 : vector<16xf32>
        %get3A_234 = arith.constant 12 : i32
        %get3A_235 = arith.index_cast %get3A_234 : i32 to index
        %get3A_236 = arith.index_cast %mul3A_178 : i32 to index
        %get3A_237 = tpu.vector_load %arg6[%get3A_235, %get3A_236] {strides = array<i32>} : memref<100x128xf32, #tpu.memory_space<vmem>>, vector<16xf32>,
        %add3A_238 = arith.addf %add3A_218, %get3A_237 : vector<16xf32>
        %get3A_239 = arith.constant 13 : i32
        %get3A_240 = arith.index_cast %get3A_239 : i32 to index
        %get3A_241 = arith.index_cast %mul3A_178 : i32 to index
        %get3A_242 = tpu.vector_load %arg6[%get3A_240, %get3A_241] {strides = array<i32>} : memref<100x128xf32, #tpu.memory_space<vmem>>, vector<16xf32>,
        %add3A_243 = arith.addf %add3A_223, %get3A_242 : vector<16xf32>
        %get3A_244 = arith.constant 14 : i32
        %get3A_245 = arith.index_cast %get3A_244 : i32 to index
        %get3A_246 = arith.index_cast %mul3A_178 : i32 to index
        %get3A_247 = tpu.vector_load %arg6[%get3A_245, %get3A_246] {strides = array<i32>} : memref<100x128xf32, #tpu.memory_space<vmem>>, vector<16xf32>,
        %add3A_248 = arith.addf %add3A_228, %get3A_247 : vector<16xf32>
        %get3A_249 = arith.constant 15 : i32
        %get3A_250 = arith.index_cast %get3A_249 : i32 to index
        %get3A_251 = arith.index_cast %mul3A_178 : i32 to index
        %get3A_252 = tpu.vector_load %arg6[%get3A_250, %get3A_251] {strides = array<i32>} : memref<100x128xf32, #tpu.memory_space<vmem>>, vector<16xf32>,
        %add3A_253 = arith.addf %add3A_233, %get3A_252 : vector<16xf32>
        %get3A_254 = arith.constant 16 : i32
        %get3A_255 = arith.index_cast %get3A_254 : i32 to index
        %get3A_256 = arith.index_cast %mul3A_178 : i32 to index
        %get3A_257 = tpu.vector_load %arg6[%get3A_255, %get3A_256] {strides = array<i32>} : memref<100x128xf32, #tpu.memory_space<vmem>>, vector<16xf32>,
        %add3A_258 = arith.addf %add3A_238, %get3A_257 : vector<16xf32>
        %get3A_259 = arith.constant 17 : i32
        %get3A_260 = arith.index_cast %get3A_259 : i32 to index
        %get3A_261 = arith.index_cast %mul3A_178 : i32 to index
        %get3A_262 = tpu.vector_load %arg6[%get3A_260, %get3A_261] {strides = array<i32>} : memref<100x128xf32, #tpu.memory_space<vmem>>, vector<16xf32>,
        %add3A_263 = arith.addf %add3A_243, %get3A_262 : vector<16xf32>
        %get3A_264 = arith.constant 18 : i32
        %get3A_265 = arith.index_cast %get3A_264 : i32 to index
        %get3A_266 = arith.index_cast %mul3A_178 : i32 to index
        %get3A_267 = tpu.vector_load %arg6[%get3A_265, %get3A_266] {strides = array<i32>} : memref<100x128xf32, #tpu.memory_space<vmem>>, vector<16xf32>,
        %add3A_268 = arith.addf %add3A_248, %get3A_267 : vector<16xf32>
        %get3A_269 = arith.constant 19 : i32
        %get3A_270 = arith.index_cast %get3A_269 : i32 to index
        %get3A_271 = arith.index_cast %mul3A_178 : i32 to index
        %get3A_272 = tpu.vector_load %arg6[%get3A_270, %get3A_271] {strides = array<i32>} : memref<100x128xf32, #tpu.memory_space<vmem>>, vector<16xf32>,
        %add3A_273 = arith.addf %add3A_253, %get3A_272 : vector<16xf32>
        %get3A_274 = arith.constant 20 : i32
        %get3A_275 = arith.index_cast %get3A_274 : i32 to index
        %get3A_276 = arith.index_cast %mul3A_178 : i32 to index
        %get3A_277 = tpu.vector_load %arg6[%get3A_275, %get3A_276] {strides = array<i32>} : memref<100x128xf32, #tpu.memory_space<vmem>>, vector<16xf32>,
        %add3A_278 = arith.addf %add3A_258, %get3A_277 : vector<16xf32>
        %get3A_279 = arith.constant 21 : i32
        %get3A_280 = arith.index_cast %get3A_279 : i32 to index
        %get3A_281 = arith.index_cast %mul3A_178 : i32 to index
        %get3A_282 = tpu.vector_load %arg6[%get3A_280, %get3A_281] {strides = array<i32>} : memref<100x128xf32, #tpu.memory_space<vmem>>, vector<16xf32>,
        %add3A_283 = arith.addf %add3A_263, %get3A_282 : vector<16xf32>
        %get3A_284 = arith.constant 22 : i32
        %get3A_285 = arith.index_cast %get3A_284 : i32 to index
        %get3A_286 = arith.index_cast %mul3A_178 : i32 to index
        %get3A_287 = tpu.vector_load %arg6[%get3A_285, %get3A_286] {strides = array<i32>} : memref<100x128xf32, #tpu.memory_space<vmem>>, vector<16xf32>,
        %add3A_288 = arith.addf %add3A_268, %get3A_287 : vector<16xf32>
        %get3A_289 = arith.constant 23 : i32
        %get3A_290 = arith.index_cast %get3A_289 : i32 to index
        %get3A_291 = arith.index_cast %mul3A_178 : i32 to index
        %get3A_292 = tpu.vector_load %arg6[%get3A_290, %get3A_291] {strides = array<i32>} : memref<100x128xf32, #tpu.memory_space<vmem>>, vector<16xf32>,
        %add3A_293 = arith.addf %add3A_273, %get3A_292 : vector<16xf32>
        %get3A_294 = arith.constant 24 : i32
        %get3A_295 = arith.index_cast %get3A_294 : i32 to index
        %get3A_296 = arith.index_cast %mul3A_178 : i32 to index
        %get3A_297 = tpu.vector_load %arg6[%get3A_295, %get3A_296] {strides = array<i32>} : memref<100x128xf32, #tpu.memory_space<vmem>>, vector<16xf32>,
        %add3A_298 = arith.addf %add3A_278, %get3A_297 : vector<16xf32>
        %get3A_299 = arith.constant 25 : i32
        %get3A_300 = arith.index_cast %get3A_299 : i32 to index
        %get3A_301 = arith.index_cast %mul3A_178 : i32 to index
        %get3A_302 = tpu.vector_load %arg6[%get3A_300, %get3A_301] {strides = array<i32>} : memref<100x128xf32, #tpu.memory_space<vmem>>, vector<16xf32>,
        %add3A_303 = arith.addf %add3A_283, %get3A_302 : vector<16xf32>
        %get3A_304 = arith.constant 26 : i32
        %get3A_305 = arith.index_cast %get3A_304 : i32 to index
        %get3A_306 = arith.index_cast %mul3A_178 : i32 to index
        %get3A_307 = tpu.vector_load %arg6[%get3A_305, %get3A_306] {strides = array<i32>} : memref<100x128xf32, #tpu.memory_space<vmem>>, vector<16xf32>,
        %add3A_308 = arith.addf %add3A_288, %get3A_307 : vector<16xf32>
        %get3A_309 = arith.constant 27 : i32
        %get3A_310 = arith.index_cast %get3A_309 : i32 to index
        %get3A_311 = arith.index_cast %mul3A_178 : i32 to index
        %get3A_312 = tpu.vector_load %arg6[%get3A_310, %get3A_311] {strides = array<i32>} : memref<100x128xf32, #tpu.memory_space<vmem>>, vector<16xf32>,
        %add3A_313 = arith.addf %add3A_293, %get3A_312 : vector<16xf32>
        %get3A_314 = arith.constant 28 : i32
        %get3A_315 = arith.index_cast %get3A_314 : i32 to index
        %get3A_316 = arith.index_cast %mul3A_178 : i32 to index
        %get3A_317 = tpu.vector_load %arg6[%get3A_315, %get3A_316] {strides = array<i32>} : memref<100x128xf32, #tpu.memory_space<vmem>>, vector<16xf32>,
        %add3A_318 = arith.addf %add3A_298, %get3A_317 : vector<16xf32>
        %get3A_319 = arith.constant 29 : i32
        %get3A_320 = arith.index_cast %get3A_319 : i32 to index
        %get3A_321 = arith.index_cast %mul3A_178 : i32 to index
        %get3A_322 = tpu.vector_load %arg6[%get3A_320, %get3A_321] {strides = array<i32>} : memref<100x128xf32, #tpu.memory_space<vmem>>, vector<16xf32>,
        %add3A_323 = arith.addf %add3A_303, %get3A_322 : vector<16xf32>
        %get3A_324 = arith.constant 30 : i32
        %get3A_325 = arith.index_cast %get3A_324 : i32 to index
        %get3A_326 = arith.index_cast %mul3A_178 : i32 to index
        %get3A_327 = tpu.vector_load %arg6[%get3A_325, %get3A_326] {strides = array<i32>} : memref<100x128xf32, #tpu.memory_space<vmem>>, vector<16xf32>,
        %add3A_328 = arith.addf %add3A_308, %get3A_327 : vector<16xf32>
        %get3A_329 = arith.constant 31 : i32
        %get3A_330 = arith.index_cast %get3A_329 : i32 to index
        %get3A_331 = arith.index_cast %mul3A_178 : i32 to index
        %get3A_332 = tpu.vector_load %arg6[%get3A_330, %get3A_331] {strides = array<i32>} : memref<100x128xf32, #tpu.memory_space<vmem>>, vector<16xf32>,
        %add3A_333 = arith.addf %add3A_313, %get3A_332 : vector<16xf32>
        %get3A_334 = arith.constant 32 : i32
        %get3A_335 = arith.index_cast %get3A_334 : i32 to index
        %get3A_336 = arith.index_cast %mul3A_178 : i32 to index
        %get3A_337 = tpu.vector_load %arg6[%get3A_335, %get3A_336] {strides = array<i32>} : memref<100x128xf32, #tpu.memory_space<vmem>>, vector<16xf32>,
        %add3A_338 = arith.addf %add3A_318, %get3A_337 : vector<16xf32>
        %get3A_339 = arith.constant 33 : i32
        %get3A_340 = arith.index_cast %get3A_339 : i32 to index
        %get3A_341 = arith.index_cast %mul3A_178 : i32 to index
        %get3A_342 = tpu.vector_load %arg6[%get3A_340, %get3A_341] {strides = array<i32>} : memref<100x128xf32, #tpu.memory_space<vmem>>, vector<16xf32>,
        %add3A_343 = arith.addf %add3A_323, %get3A_342 : vector<16xf32>
        %get3A_344 = arith.constant 34 : i32
        %get3A_345 = arith.index_cast %get3A_344 : i32 to index
        %get3A_346 = arith.index_cast %mul3A_178 : i32 to index
        %get3A_347 = tpu.vector_load %arg6[%get3A_345, %get3A_346] {strides = array<i32>} : memref<100x128xf32, #tpu.memory_space<vmem>>, vector<16xf32>,
        %add3A_348 = arith.addf %add3A_328, %get3A_347 : vector<16xf32>
        %get3A_349 = arith.constant 35 : i32
        %get3A_350 = arith.index_cast %get3A_349 : i32 to index
        %get3A_351 = arith.index_cast %mul3A_178 : i32 to index
        %get3A_352 = tpu.vector_load %arg6[%get3A_350, %get3A_351] {strides = array<i32>} : memref<100x128xf32, #tpu.memory_space<vmem>>, vector<16xf32>,
        %add3A_353 = arith.addf %add3A_333, %get3A_352 : vector<16xf32>
        %get3A_354 = arith.constant 36 : i32
        %get3A_355 = arith.index_cast %get3A_354 : i32 to index
        %get3A_356 = arith.index_cast %mul3A_178 : i32 to index
        %get3A_357 = tpu.vector_load %arg6[%get3A_355, %get3A_356] {strides = array<i32>} : memref<100x128xf32, #tpu.memory_space<vmem>>, vector<16xf32>,
        %add3A_358 = arith.addf %add3A_338, %get3A_357 : vector<16xf32>
        %get3A_359 = arith.constant 37 : i32
        %get3A_360 = arith.index_cast %get3A_359 : i32 to index
        %get3A_361 = arith.index_cast %mul3A_178 : i32 to index
        %get3A_362 = tpu.vector_load %arg6[%get3A_360, %get3A_361] {strides = array<i32>} : memref<100x128xf32, #tpu.memory_space<vmem>>, vector<16xf32>,
        %add3A_363 = arith.addf %add3A_343, %get3A_362 : vector<16xf32>
        %get3A_364 = arith.constant 38 : i32
        %get3A_365 = arith.index_cast %get3A_364 : i32 to index
        %get3A_366 = arith.index_cast %mul3A_178 : i32 to index
        %get3A_367 = tpu.vector_load %arg6[%get3A_365, %get3A_366] {strides = array<i32>} : memref<100x128xf32, #tpu.memory_space<vmem>>, vector<16xf32>,
        %add3A_368 = arith.addf %add3A_348, %get3A_367 : vector<16xf32>
        %get3A_369 = arith.constant 39 : i32
        %get3A_370 = arith.index_cast %get3A_369 : i32 to index
        %get3A_371 = arith.index_cast %mul3A_178 : i32 to index
        %get3A_372 = tpu.vector_load %arg6[%get3A_370, %get3A_371] {strides = array<i32>} : memref<100x128xf32, #tpu.memory_space<vmem>>, vector<16xf32>,
        %add3A_373 = arith.addf %add3A_353, %get3A_372 : vector<16xf32>
        %get3A_374 = arith.constant 40 : i32
        %get3A_375 = arith.index_cast %get3A_374 : i32 to index
        %get3A_376 = arith.index_cast %mul3A_178 : i32 to index
        %get3A_377 = tpu.vector_load %arg6[%get3A_375, %get3A_376] {strides = array<i32>} : memref<100x128xf32, #tpu.memory_space<vmem>>, vector<16xf32>,
        %add3A_378 = arith.addf %add3A_358, %get3A_377 : vector<16xf32>
        %get3A_379 = arith.constant 41 : i32
        %get3A_380 = arith.index_cast %get3A_379 : i32 to index
        %get3A_381 = arith.index_cast %mul3A_178 : i32 to index
        %get3A_382 = tpu.vector_load %arg6[%get3A_380, %get3A_381] {strides = array<i32>} : memref<100x128xf32, #tpu.memory_space<vmem>>, vector<16xf32>,
        %add3A_383 = arith.addf %add3A_363, %get3A_382 : vector<16xf32>
        %get3A_384 = arith.constant 42 : i32
        %get3A_385 = arith.index_cast %get3A_384 : i32 to index
        %get3A_386 = arith.index_cast %mul3A_178 : i32 to index
        %get3A_387 = tpu.vector_load %arg6[%get3A_385, %get3A_386] {strides = array<i32>} : memref<100x128xf32, #tpu.memory_space<vmem>>, vector<16xf32>,
        %add3A_388 = arith.addf %add3A_368, %get3A_387 : vector<16xf32>
        %get3A_389 = arith.constant 43 : i32
        %get3A_390 = arith.index_cast %get3A_389 : i32 to index
        %get3A_391 = arith.index_cast %mul3A_178 : i32 to index
        %get3A_392 = tpu.vector_load %arg6[%get3A_390, %get3A_391] {strides = array<i32>} : memref<100x128xf32, #tpu.memory_space<vmem>>, vector<16xf32>,
        %add3A_393 = arith.addf %add3A_373, %get3A_392 : vector<16xf32>
        %get3A_394 = arith.constant 44 : i32
        %get3A_395 = arith.index_cast %get3A_394 : i32 to index
        %get3A_396 = arith.index_cast %mul3A_178 : i32 to index
        %get3A_397 = tpu.vector_load %arg6[%get3A_395, %get3A_396] {strides = array<i32>} : memref<100x128xf32, #tpu.memory_space<vmem>>, vector<16xf32>,
        %add3A_398 = arith.addf %add3A_378, %get3A_397 : vector<16xf32>
        %get3A_399 = arith.constant 45 : i32
        %get3A_400 = arith.index_cast %get3A_399 : i32 to index
        %get3A_401 = arith.index_cast %mul3A_178 : i32 to index
        %get3A_402 = tpu.vector_load %arg6[%get3A_400, %get3A_401] {strides = array<i32>} : memref<100x128xf32, #tpu.memory_space<vmem>>, vector<16xf32>,
        %add3A_403 = arith.addf %add3A_383, %get3A_402 : vector<16xf32>
        %get3A_404 = arith.constant 46 : i32
        %get3A_405 = arith.index_cast %get3A_404 : i32 to index
        %get3A_406 = arith.index_cast %mul3A_178 : i32 to index
        %get3A_407 = tpu.vector_load %arg6[%get3A_405, %get3A_406] {strides = array<i32>} : memref<100x128xf32, #tpu.memory_space<vmem>>, vector<16xf32>,
        %add3A_408 = arith.addf %add3A_388, %get3A_407 : vector<16xf32>
        %get3A_409 = arith.constant 47 : i32
        %get3A_410 = arith.index_cast %get3A_409 : i32 to index
        %get3A_411 = arith.index_cast %mul3A_178 : i32 to index
        %get3A_412 = tpu.vector_load %arg6[%get3A_410, %get3A_411] {strides = array<i32>} : memref<100x128xf32, #tpu.memory_space<vmem>>, vector<16xf32>,
        %add3A_413 = arith.addf %add3A_393, %get3A_412 : vector<16xf32>
        %get3A_414 = arith.constant 48 : i32
        %get3A_415 = arith.index_cast %get3A_414 : i32 to index
        %get3A_416 = arith.index_cast %mul3A_178 : i32 to index
        %get3A_417 = tpu.vector_load %arg6[%get3A_415, %get3A_416] {strides = array<i32>} : memref<100x128xf32, #tpu.memory_space<vmem>>, vector<16xf32>,
        %add3A_418 = arith.addf %add3A_398, %get3A_417 : vector<16xf32>
        %get3A_419 = arith.constant 49 : i32
        %get3A_420 = arith.index_cast %get3A_419 : i32 to index
        %get3A_421 = arith.index_cast %mul3A_178 : i32 to index
        %get3A_422 = tpu.vector_load %arg6[%get3A_420, %get3A_421] {strides = array<i32>} : memref<100x128xf32, #tpu.memory_space<vmem>>, vector<16xf32>,
        %add3A_423 = arith.addf %add3A_403, %get3A_422 : vector<16xf32>
        %add3A_424 = arith.addf %add3A_418, %add3A_423 : vector<16xf32>
        %add3A_425 = arith.addf %add3A_408, %add3A_413 : vector<16xf32>
        %add3A_426 = arith.addf %add3A_424, %add3A_425 : vector<16xf32>
        %mul3A_427 = arith.constant 2.000000e-02 : f32
        %mul3A_428 = vector.broadcast %mul3A_427 : f32 to vector<16xf32>
        %mul3A_429 = arith.mulf %add3A_426, %mul3A_428 : vector<16xf32>
        %mul3A_430 = arith.constant 2 : i32
        %mul3A_431 = arith.muli %add3A_89, %mul3A_430 : i32
        %add3A_432 = arith.constant 0 : i32
        %add3A_433 = arith.addi %mul3A_431, %add3A_432 : i32
        %swap3A = arith.index_cast %add3A_433 : i32 to index
        %swap3A_434 = arith.index_cast %mul3A_178 : i32 to index
        %swap3A_435 = tpu.vector_load %arg10[%swap3A, %swap3A_434] {strides = array<i32>} : memref<128x128xf32, #tpu.memory_space<vmem>>, vector<16xf32>,
        tpu.vector_store %arg10[%swap3A, %swap3A_434], %mul3A_429 {strides = array<i32>} : memref<128x128xf32, #tpu.memory_space<vmem>>, vector<16xf32>,
        %get3A_436 = arith.constant 50 : i32
        %get3A_437 = arith.index_cast %get3A_436 : i32 to index
        %get3A_438 = arith.index_cast %mul3A_178 : i32 to index
        %get3A_439 = tpu.vector_load %arg6[%get3A_437, %get3A_438] {strides = array<i32>} : memref<100x128xf32, #tpu.memory_space<vmem>>, vector<16xf32>,
        %get3A_440 = arith.constant 51 : i32
        %get3A_441 = arith.index_cast %get3A_440 : i32 to index
        %get3A_442 = arith.index_cast %mul3A_178 : i32 to index
        %get3A_443 = tpu.vector_load %arg6[%get3A_441, %get3A_442] {strides = array<i32>} : memref<100x128xf32, #tpu.memory_space<vmem>>, vector<16xf32>,
        %get3A_444 = arith.constant 52 : i32
        %get3A_445 = arith.index_cast %get3A_444 : i32 to index
        %get3A_446 = arith.index_cast %mul3A_178 : i32 to index
        %get3A_447 = tpu.vector_load %arg6[%get3A_445, %get3A_446] {strides = array<i32>} : memref<100x128xf32, #tpu.memory_space<vmem>>, vector<16xf32>,
        %get3A_448 = arith.constant 53 : i32
        %get3A_449 = arith.index_cast %get3A_448 : i32 to index
        %get3A_450 = arith.index_cast %mul3A_178 : i32 to index
        %get3A_451 = tpu.vector_load %arg6[%get3A_449, %get3A_450] {strides = array<i32>} : memref<100x128xf32, #tpu.memory_space<vmem>>, vector<16xf32>,
        %get3A_452 = arith.constant 54 : i32
        %get3A_453 = arith.index_cast %get3A_452 : i32 to index
        %get3A_454 = arith.index_cast %mul3A_178 : i32 to index
        %get3A_455 = tpu.vector_load %arg6[%get3A_453, %get3A_454] {strides = array<i32>} : memref<100x128xf32, #tpu.memory_space<vmem>>, vector<16xf32>,
        %add3A_456 = arith.addf %get3A_439, %get3A_455 : vector<16xf32>
        %get3A_457 = arith.constant 55 : i32
        %get3A_458 = arith.index_cast %get3A_457 : i32 to index
        %get3A_459 = arith.index_cast %mul3A_178 : i32 to index
        %get3A_460 = tpu.vector_load %arg6[%get3A_458, %get3A_459] {strides = array<i32>} : memref<100x128xf32, #tpu.memory_space<vmem>>, vector<16xf32>,
        %add3A_461 = arith.addf %get3A_443, %get3A_460 : vector<16xf32>
        %get3A_462 = arith.constant 56 : i32
        %get3A_463 = arith.index_cast %get3A_462 : i32 to index
        %get3A_464 = arith.index_cast %mul3A_178 : i32 to index
        %get3A_465 = tpu.vector_load %arg6[%get3A_463, %get3A_464] {strides = array<i32>} : memref<100x128xf32, #tpu.memory_space<vmem>>, vector<16xf32>,
        %add3A_466 = arith.addf %get3A_447, %get3A_465 : vector<16xf32>
        %get3A_467 = arith.constant 57 : i32
        %get3A_468 = arith.index_cast %get3A_467 : i32 to index
        %get3A_469 = arith.index_cast %mul3A_178 : i32 to index
        %get3A_470 = tpu.vector_load %arg6[%get3A_468, %get3A_469] {strides = array<i32>} : memref<100x128xf32, #tpu.memory_space<vmem>>, vector<16xf32>,
        %add3A_471 = arith.addf %get3A_451, %get3A_470 : vector<16xf32>
        %get3A_472 = arith.constant 58 : i32
        %get3A_473 = arith.index_cast %get3A_472 : i32 to index
        %get3A_474 = arith.index_cast %mul3A_178 : i32 to index
        %get3A_475 = tpu.vector_load %arg6[%get3A_473, %get3A_474] {strides = array<i32>} : memref<100x128xf32, #tpu.memory_space<vmem>>, vector<16xf32>,
        %add3A_476 = arith.addf %add3A_456, %get3A_475 : vector<16xf32>
        %get3A_477 = arith.constant 59 : i32
        %get3A_478 = arith.index_cast %get3A_477 : i32 to index
        %get3A_479 = arith.index_cast %mul3A_178 : i32 to index
        %get3A_480 = tpu.vector_load %arg6[%get3A_478, %get3A_479] {strides = array<i32>} : memref<100x128xf32, #tpu.memory_space<vmem>>, vector<16xf32>,
        %add3A_481 = arith.addf %add3A_461, %get3A_480 : vector<16xf32>
        %get3A_482 = arith.constant 60 : i32
        %get3A_483 = arith.index_cast %get3A_482 : i32 to index
        %get3A_484 = arith.index_cast %mul3A_178 : i32 to index
        %get3A_485 = tpu.vector_load %arg6[%get3A_483, %get3A_484] {strides = array<i32>} : memref<100x128xf32, #tpu.memory_space<vmem>>, vector<16xf32>,
        %add3A_486 = arith.addf %add3A_466, %get3A_485 : vector<16xf32>
        %get3A_487 = arith.constant 61 : i32
        %get3A_488 = arith.index_cast %get3A_487 : i32 to index
        %get3A_489 = arith.index_cast %mul3A_178 : i32 to index
        %get3A_490 = tpu.vector_load %arg6[%get3A_488, %get3A_489] {strides = array<i32>} : memref<100x128xf32, #tpu.memory_space<vmem>>, vector<16xf32>,
        %add3A_491 = arith.addf %add3A_471, %get3A_490 : vector<16xf32>
        %get3A_492 = arith.constant 62 : i32
        %get3A_493 = arith.index_cast %get3A_492 : i32 to index
        %get3A_494 = arith.index_cast %mul3A_178 : i32 to index
        %get3A_495 = tpu.vector_load %arg6[%get3A_493, %get3A_494] {strides = array<i32>} : memref<100x128xf32, #tpu.memory_space<vmem>>, vector<16xf32>,
        %add3A_496 = arith.addf %add3A_476, %get3A_495 : vector<16xf32>
        %get3A_497 = arith.constant 63 : i32
        %get3A_498 = arith.index_cast %get3A_497 : i32 to index
        %get3A_499 = arith.index_cast %mul3A_178 : i32 to index
        %get3A_500 = tpu.vector_load %arg6[%get3A_498, %get3A_499] {strides = array<i32>} : memref<100x128xf32, #tpu.memory_space<vmem>>, vector<16xf32>,
        %add3A_501 = arith.addf %add3A_481, %get3A_500 : vector<16xf32>
        %get3A_502 = arith.constant 64 : i32
        %get3A_503 = arith.index_cast %get3A_502 : i32 to index
        %get3A_504 = arith.index_cast %mul3A_178 : i32 to index
        %get3A_505 = tpu.vector_load %arg6[%get3A_503, %get3A_504] {strides = array<i32>} : memref<100x128xf32, #tpu.memory_space<vmem>>, vector<16xf32>,
        %add3A_506 = arith.addf %add3A_486, %get3A_505 : vector<16xf32>
        %get3A_507 = arith.constant 65 : i32
        %get3A_508 = arith.index_cast %get3A_507 : i32 to index
        %get3A_509 = arith.index_cast %mul3A_178 : i32 to index
        %get3A_510 = tpu.vector_load %arg6[%get3A_508, %get3A_509] {strides = array<i32>} : memref<100x128xf32, #tpu.memory_space<vmem>>, vector<16xf32>,
        %add3A_511 = arith.addf %add3A_491, %get3A_510 : vector<16xf32>
        %get3A_512 = arith.constant 66 : i32
        %get3A_513 = arith.index_cast %get3A_512 : i32 to index
        %get3A_514 = arith.index_cast %mul3A_178 : i32 to index
        %get3A_515 = tpu.vector_load %arg6[%get3A_513, %get3A_514] {strides = array<i32>} : memref<100x128xf32, #tpu.memory_space<vmem>>, vector<16xf32>,
        %add3A_516 = arith.addf %add3A_496, %get3A_515 : vector<16xf32>
        %get3A_517 = arith.constant 67 : i32
        %get3A_518 = arith.index_cast %get3A_517 : i32 to index
        %get3A_519 = arith.index_cast %mul3A_178 : i32 to index
        %get3A_520 = tpu.vector_load %arg6[%get3A_518, %get3A_519] {strides = array<i32>} : memref<100x128xf32, #tpu.memory_space<vmem>>, vector<16xf32>,
        %add3A_521 = arith.addf %add3A_501, %get3A_520 : vector<16xf32>
        %get3A_522 = arith.constant 68 : i32
        %get3A_523 = arith.index_cast %get3A_522 : i32 to index
        %get3A_524 = arith.index_cast %mul3A_178 : i32 to index
        %get3A_525 = tpu.vector_load %arg6[%get3A_523, %get3A_524] {strides = array<i32>} : memref<100x128xf32, #tpu.memory_space<vmem>>, vector<16xf32>,
        %add3A_526 = arith.addf %add3A_506, %get3A_525 : vector<16xf32>
        %get3A_527 = arith.constant 69 : i32
        %get3A_528 = arith.index_cast %get3A_527 : i32 to index
        %get3A_529 = arith.index_cast %mul3A_178 : i32 to index
        %get3A_530 = tpu.vector_load %arg6[%get3A_528, %get3A_529] {strides = array<i32>} : memref<100x128xf32, #tpu.memory_space<vmem>>, vector<16xf32>,
        %add3A_531 = arith.addf %add3A_511, %get3A_530 : vector<16xf32>
        %get3A_532 = arith.constant 70 : i32
        %get3A_533 = arith.index_cast %get3A_532 : i32 to index
        %get3A_534 = arith.index_cast %mul3A_178 : i32 to index
        %get3A_535 = tpu.vector_load %arg6[%get3A_533, %get3A_534] {strides = array<i32>} : memref<100x128xf32, #tpu.memory_space<vmem>>, vector<16xf32>,
        %add3A_536 = arith.addf %add3A_516, %get3A_535 : vector<16xf32>
        %get3A_537 = arith.constant 71 : i32
        %get3A_538 = arith.index_cast %get3A_537 : i32 to index
        %get3A_539 = arith.index_cast %mul3A_178 : i32 to index
        %get3A_540 = tpu.vector_load %arg6[%get3A_538, %get3A_539] {strides = array<i32>} : memref<100x128xf32, #tpu.memory_space<vmem>>, vector<16xf32>,
        %add3A_541 = arith.addf %add3A_521, %get3A_540 : vector<16xf32>
        %get3A_542 = arith.constant 72 : i32
        %get3A_543 = arith.index_cast %get3A_542 : i32 to index
        %get3A_544 = arith.index_cast %mul3A_178 : i32 to index
        %get3A_545 = tpu.vector_load %arg6[%get3A_543, %get3A_544] {strides = array<i32>} : memref<100x128xf32, #tpu.memory_space<vmem>>, vector<16xf32>,
        %add3A_546 = arith.addf %add3A_526, %get3A_545 : vector<16xf32>
        %get3A_547 = arith.constant 73 : i32
        %get3A_548 = arith.index_cast %get3A_547 : i32 to index
        %get3A_549 = arith.index_cast %mul3A_178 : i32 to index
        %get3A_550 = tpu.vector_load %arg6[%get3A_548, %get3A_549] {strides = array<i32>} : memref<100x128xf32, #tpu.memory_space<vmem>>, vector<16xf32>,
        %add3A_551 = arith.addf %add3A_531, %get3A_550 : vector<16xf32>
        %get3A_552 = arith.constant 74 : i32
        %get3A_553 = arith.index_cast %get3A_552 : i32 to index
        %get3A_554 = arith.index_cast %mul3A_178 : i32 to index
        %get3A_555 = tpu.vector_load %arg6[%get3A_553, %get3A_554] {strides = array<i32>} : memref<100x128xf32, #tpu.memory_space<vmem>>, vector<16xf32>,
        %add3A_556 = arith.addf %add3A_536, %get3A_555 : vector<16xf32>
        %get3A_557 = arith.constant 75 : i32
        %get3A_558 = arith.index_cast %get3A_557 : i32 to index
        %get3A_559 = arith.index_cast %mul3A_178 : i32 to index
        %get3A_560 = tpu.vector_load %arg6[%get3A_558, %get3A_559] {strides = array<i32>} : memref<100x128xf32, #tpu.memory_space<vmem>>, vector<16xf32>,
        %add3A_561 = arith.addf %add3A_541, %get3A_560 : vector<16xf32>
        %get3A_562 = arith.constant 76 : i32
        %get3A_563 = arith.index_cast %get3A_562 : i32 to index
        %get3A_564 = arith.index_cast %mul3A_178 : i32 to index
        %get3A_565 = tpu.vector_load %arg6[%get3A_563, %get3A_564] {strides = array<i32>} : memref<100x128xf32, #tpu.memory_space<vmem>>, vector<16xf32>,
        %add3A_566 = arith.addf %add3A_546, %get3A_565 : vector<16xf32>
        %get3A_567 = arith.constant 77 : i32
        %get3A_568 = arith.index_cast %get3A_567 : i32 to index
        %get3A_569 = arith.index_cast %mul3A_178 : i32 to index
        %get3A_570 = tpu.vector_load %arg6[%get3A_568, %get3A_569] {strides = array<i32>} : memref<100x128xf32, #tpu.memory_space<vmem>>, vector<16xf32>,
        %add3A_571 = arith.addf %add3A_551, %get3A_570 : vector<16xf32>
        %get3A_572 = arith.constant 78 : i32
        %get3A_573 = arith.index_cast %get3A_572 : i32 to index
        %get3A_574 = arith.index_cast %mul3A_178 : i32 to index
        %get3A_575 = tpu.vector_load %arg6[%get3A_573, %get3A_574] {strides = array<i32>} : memref<100x128xf32, #tpu.memory_space<vmem>>, vector<16xf32>,
        %add3A_576 = arith.addf %add3A_556, %get3A_575 : vector<16xf32>
        %get3A_577 = arith.constant 79 : i32
        %get3A_578 = arith.index_cast %get3A_577 : i32 to index
        %get3A_579 = arith.index_cast %mul3A_178 : i32 to index
        %get3A_580 = tpu.vector_load %arg6[%get3A_578, %get3A_579] {strides = array<i32>} : memref<100x128xf32, #tpu.memory_space<vmem>>, vector<16xf32>,
        %add3A_581 = arith.addf %add3A_561, %get3A_580 : vector<16xf32>
        %get3A_582 = arith.constant 80 : i32
        %get3A_583 = arith.index_cast %get3A_582 : i32 to index
        %get3A_584 = arith.index_cast %mul3A_178 : i32 to index
        %get3A_585 = tpu.vector_load %arg6[%get3A_583, %get3A_584] {strides = array<i32>} : memref<100x128xf32, #tpu.memory_space<vmem>>, vector<16xf32>,
        %add3A_586 = arith.addf %add3A_566, %get3A_585 : vector<16xf32>
        %get3A_587 = arith.constant 81 : i32
        %get3A_588 = arith.index_cast %get3A_587 : i32 to index
        %get3A_589 = arith.index_cast %mul3A_178 : i32 to index
        %get3A_590 = tpu.vector_load %arg6[%get3A_588, %get3A_589] {strides = array<i32>} : memref<100x128xf32, #tpu.memory_space<vmem>>, vector<16xf32>,
        %add3A_591 = arith.addf %add3A_571, %get3A_590 : vector<16xf32>
        %get3A_592 = arith.constant 82 : i32
        %get3A_593 = arith.index_cast %get3A_592 : i32 to index
        %get3A_594 = arith.index_cast %mul3A_178 : i32 to index
        %get3A_595 = tpu.vector_load %arg6[%get3A_593, %get3A_594] {strides = array<i32>} : memref<100x128xf32, #tpu.memory_space<vmem>>, vector<16xf32>,
        %add3A_596 = arith.addf %add3A_576, %get3A_595 : vector<16xf32>
        %get3A_597 = arith.constant 83 : i32
        %get3A_598 = arith.index_cast %get3A_597 : i32 to index
        %get3A_599 = arith.index_cast %mul3A_178 : i32 to index
        %get3A_600 = tpu.vector_load %arg6[%get3A_598, %get3A_599] {strides = array<i32>} : memref<100x128xf32, #tpu.memory_space<vmem>>, vector<16xf32>,
        %add3A_601 = arith.addf %add3A_581, %get3A_600 : vector<16xf32>
        %get3A_602 = arith.constant 84 : i32
        %get3A_603 = arith.index_cast %get3A_602 : i32 to index
        %get3A_604 = arith.index_cast %mul3A_178 : i32 to index
        %get3A_605 = tpu.vector_load %arg6[%get3A_603, %get3A_604] {strides = array<i32>} : memref<100x128xf32, #tpu.memory_space<vmem>>, vector<16xf32>,
        %add3A_606 = arith.addf %add3A_586, %get3A_605 : vector<16xf32>
        %get3A_607 = arith.constant 85 : i32
        %get3A_608 = arith.index_cast %get3A_607 : i32 to index
        %get3A_609 = arith.index_cast %mul3A_178 : i32 to index
        %get3A_610 = tpu.vector_load %arg6[%get3A_608, %get3A_609] {strides = array<i32>} : memref<100x128xf32, #tpu.memory_space<vmem>>, vector<16xf32>,
        %add3A_611 = arith.addf %add3A_591, %get3A_610 : vector<16xf32>
        %get3A_612 = arith.constant 86 : i32
        %get3A_613 = arith.index_cast %get3A_612 : i32 to index
        %get3A_614 = arith.index_cast %mul3A_178 : i32 to index
        %get3A_615 = tpu.vector_load %arg6[%get3A_613, %get3A_614] {strides = array<i32>} : memref<100x128xf32, #tpu.memory_space<vmem>>, vector<16xf32>,
        %add3A_616 = arith.addf %add3A_596, %get3A_615 : vector<16xf32>
        %get3A_617 = arith.constant 87 : i32
        %get3A_618 = arith.index_cast %get3A_617 : i32 to index
        %get3A_619 = arith.index_cast %mul3A_178 : i32 to index
        %get3A_620 = tpu.vector_load %arg6[%get3A_618, %get3A_619] {strides = array<i32>} : memref<100x128xf32, #tpu.memory_space<vmem>>, vector<16xf32>,
        %add3A_621 = arith.addf %add3A_601, %get3A_620 : vector<16xf32>
        %get3A_622 = arith.constant 88 : i32
        %get3A_623 = arith.index_cast %get3A_622 : i32 to index
        %get3A_624 = arith.index_cast %mul3A_178 : i32 to index
        %get3A_625 = tpu.vector_load %arg6[%get3A_623, %get3A_624] {strides = array<i32>} : memref<100x128xf32, #tpu.memory_space<vmem>>, vector<16xf32>,
        %add3A_626 = arith.addf %add3A_606, %get3A_625 : vector<16xf32>
        %get3A_627 = arith.constant 89 : i32
        %get3A_628 = arith.index_cast %get3A_627 : i32 to index
        %get3A_629 = arith.index_cast %mul3A_178 : i32 to index
        %get3A_630 = tpu.vector_load %arg6[%get3A_628, %get3A_629] {strides = array<i32>} : memref<100x128xf32, #tpu.memory_space<vmem>>, vector<16xf32>,
        %add3A_631 = arith.addf %add3A_611, %get3A_630 : vector<16xf32>
        %get3A_632 = arith.constant 90 : i32
        %get3A_633 = arith.index_cast %get3A_632 : i32 to index
        %get3A_634 = arith.index_cast %mul3A_178 : i32 to index
        %get3A_635 = tpu.vector_load %arg6[%get3A_633, %get3A_634] {strides = array<i32>} : memref<100x128xf32, #tpu.memory_space<vmem>>, vector<16xf32>,
        %add3A_636 = arith.addf %add3A_616, %get3A_635 : vector<16xf32>
        %get3A_637 = arith.constant 91 : i32
        %get3A_638 = arith.index_cast %get3A_637 : i32 to index
        %get3A_639 = arith.index_cast %mul3A_178 : i32 to index
        %get3A_640 = tpu.vector_load %arg6[%get3A_638, %get3A_639] {strides = array<i32>} : memref<100x128xf32, #tpu.memory_space<vmem>>, vector<16xf32>,
        %add3A_641 = arith.addf %add3A_621, %get3A_640 : vector<16xf32>
        %get3A_642 = arith.constant 92 : i32
        %get3A_643 = arith.index_cast %get3A_642 : i32 to index
        %get3A_644 = arith.index_cast %mul3A_178 : i32 to index
        %get3A_645 = tpu.vector_load %arg6[%get3A_643, %get3A_644] {strides = array<i32>} : memref<100x128xf32, #tpu.memory_space<vmem>>, vector<16xf32>,
        %add3A_646 = arith.addf %add3A_626, %get3A_645 : vector<16xf32>
        %get3A_647 = arith.constant 93 : i32
        %get3A_648 = arith.index_cast %get3A_647 : i32 to index
        %get3A_649 = arith.index_cast %mul3A_178 : i32 to index
        %get3A_650 = tpu.vector_load %arg6[%get3A_648, %get3A_649] {strides = array<i32>} : memref<100x128xf32, #tpu.memory_space<vmem>>, vector<16xf32>,
        %add3A_651 = arith.addf %add3A_631, %get3A_650 : vector<16xf32>
        %get3A_652 = arith.constant 94 : i32
        %get3A_653 = arith.index_cast %get3A_652 : i32 to index
        %get3A_654 = arith.index_cast %mul3A_178 : i32 to index
        %get3A_655 = tpu.vector_load %arg6[%get3A_653, %get3A_654] {strides = array<i32>} : memref<100x128xf32, #tpu.memory_space<vmem>>, vector<16xf32>,
        %add3A_656 = arith.addf %add3A_636, %get3A_655 : vector<16xf32>
        %get3A_657 = arith.constant 95 : i32
        %get3A_658 = arith.index_cast %get3A_657 : i32 to index
        %get3A_659 = arith.index_cast %mul3A_178 : i32 to index
        %get3A_660 = tpu.vector_load %arg6[%get3A_658, %get3A_659] {strides = array<i32>} : memref<100x128xf32, #tpu.memory_space<vmem>>, vector<16xf32>,
        %add3A_661 = arith.addf %add3A_641, %get3A_660 : vector<16xf32>
        %get3A_662 = arith.constant 96 : i32
        %get3A_663 = arith.index_cast %get3A_662 : i32 to index
        %get3A_664 = arith.index_cast %mul3A_178 : i32 to index
        %get3A_665 = tpu.vector_load %arg6[%get3A_663, %get3A_664] {strides = array<i32>} : memref<100x128xf32, #tpu.memory_space<vmem>>, vector<16xf32>,
        %add3A_666 = arith.addf %add3A_646, %get3A_665 : vector<16xf32>
        %get3A_667 = arith.constant 97 : i32
        %get3A_668 = arith.index_cast %get3A_667 : i32 to index
        %get3A_669 = arith.index_cast %mul3A_178 : i32 to index
        %get3A_670 = tpu.vector_load %arg6[%get3A_668, %get3A_669] {strides = array<i32>} : memref<100x128xf32, #tpu.memory_space<vmem>>, vector<16xf32>,
        %add3A_671 = arith.addf %add3A_651, %get3A_670 : vector<16xf32>
        %get3A_672 = arith.constant 98 : i32
        %get3A_673 = arith.index_cast %get3A_672 : i32 to index
        %get3A_674 = arith.index_cast %mul3A_178 : i32 to index
        %get3A_675 = tpu.vector_load %arg6[%get3A_673, %get3A_674] {strides = array<i32>} : memref<100x128xf32, #tpu.memory_space<vmem>>, vector<16xf32>,
        %add3A_676 = arith.addf %add3A_656, %get3A_675 : vector<16xf32>
        %get3A_677 = arith.constant 99 : i32
        %get3A_678 = arith.index_cast %get3A_677 : i32 to index
        %get3A_679 = arith.index_cast %mul3A_178 : i32 to index
        %get3A_680 = tpu.vector_load %arg6[%get3A_678, %get3A_679] {strides = array<i32>} : memref<100x128xf32, #tpu.memory_space<vmem>>, vector<16xf32>,
        %add3A_681 = arith.addf %add3A_661, %get3A_680 : vector<16xf32>
        %add3A_682 = arith.addf %add3A_676, %add3A_681 : vector<16xf32>
        %add3A_683 = arith.addf %add3A_666, %add3A_671 : vector<16xf32>
        %add3A_684 = arith.addf %add3A_682, %add3A_683 : vector<16xf32>
        %mul3A_685 = arith.constant 2.000000e-02 : f32
        %mul3A_686 = vector.broadcast %mul3A_685 : f32 to vector<16xf32>
        %mul3A_687 = arith.mulf %add3A_684, %mul3A_686 : vector<16xf32>
        %mul3A_688 = arith.constant 2 : i32
        %mul3A_689 = arith.muli %add3A_89, %mul3A_688 : i32
        %add3A_690 = arith.constant 1 : i32
        %add3A_691 = arith.addi %mul3A_689, %add3A_690 : i32
        %swap3A_692 = arith.index_cast %add3A_691 : i32 to index
        %swap3A_693 = arith.index_cast %mul3A_178 : i32 to index
        %swap3A_694 = tpu.vector_load %arg10[%swap3A_692, %swap3A_693] {strides = array<i32>} : memref<128x128xf32, #tpu.memory_space<vmem>>, vector<16xf32>,
        tpu.vector_store %arg10[%swap3A_692, %swap3A_693], %mul3A_687 {strides = array<i32>} : memref<128x128xf32, #tpu.memory_space<vmem>>, vector<16xf32>,
      }
      %scan3A_100 = arith.constant 8 : i32
      %add3A_101 = arith.constant 4 : i32
      %add3A_102 = arith.addi %add3A_89, %add3A_101 : i32
      %dma_start3A_103 = arith.constant 0 : i32
      %dma_start3A_104 = tpu.memref_slice %arg5[%add3A_102, %dma_start3A_103] : memref<64x100xi32, #tpu.memory_space<vmem>> -> memref<1x100xi32, #tpu.memory_space<vmem>>
      %dma_start3A_105 = tpu.memref_squeeze %dma_start3A_104 : memref<1x100xi32, #tpu.memory_space<vmem>> -> memref<100xi32, #tpu.memory_space<vmem>>
      %dma_start3A_106 = arith.constant 0 : i32
      %dma_start3A_107 = arith.constant 0 : i32
      %dma_start3A_108 = tpu.memref_slice %arg2[%dma_start3A_106, %dma_start3A_107] : memref<100000x128xf32, #tpu.memory_space<hbm>> -> memref<100000x128xf32, #tpu.memory_space<hbm>>
      tpu.enqueue_indirect_dma source(%dma_start3A_108 : memref<100000x128xf32, #tpu.memory_space<hbm>>) target(%arg6 : memref<100x128xf32, #tpu.memory_space<vmem>>) offsets(%dma_start3A_105 : memref<100xi32, #tpu.memory_space<vmem>>) semaphore(%arg11 : memref<!tpu.dma_semaphore, #tpu.memory_space<semaphore_mem>>)
      %add3A_109 = arith.constant 1 : i32
      %add3A_110 = arith.addi %add3A_87, %add3A_109 : i32
      %dma_wait3A_111 = arith.constant 0 : i32
      %dma_wait3A_112 = tpu.memref_slice %arg5[%add3A_110, %dma_wait3A_111] : memref<64x100xi32, #tpu.memory_space<vmem>> -> memref<1x100xi32, #tpu.memory_space<vmem>>
      %dma_wait3A_113 = tpu.memref_squeeze %dma_wait3A_112 : memref<1x100xi32, #tpu.memory_space<vmem>> -> memref<100xi32, #tpu.memory_space<vmem>>
      %dma_wait3A_114 = arith.constant 0 : i32
      %dma_wait3A_115 = arith.constant 0 : i32
      %dma_wait3A_116 = tpu.memref_slice %arg2[%dma_wait3A_114, %dma_wait3A_115] : memref<100000x128xf32, #tpu.memory_space<hbm>> -> memref<100000x128xf32, #tpu.memory_space<hbm>>
      tpu.wait_indirect_dma semaphore(%arg12 : memref<!tpu.dma_semaphore, #tpu.memory_space<semaphore_mem>>) src(%dma_wait3A_116 : memref<100000x128xf32, #tpu.memory_space<hbm>>) dst(%arg7 : memref<100x128xf32, #tpu.memory_space<vmem>>)
      %scan3A_117 = arith.constant 0 : i32
      %scan3A_118 = arith.constant 8 : i32
      %scan3A_119 = arith.addi %scan3A_117, %scan3A_118 : i32
      %scan3A_120 = arith.constant 1 : i32
      scf.for %scan3A_172 = %scan3A_117 to %scan3A_119 step %scan3A_120  : i32 {
        %mul3A_173 = arith.constant 1 : i32
        %mul3A_174 = arith.muli %scan3A_172, %mul3A_173 : i32
        %add3A_175 = arith.constant 0 : i32
        %add3A_176 = arith.addi %add3A_175, %mul3A_174 : i32
        %mul3A_177 = arith.constant 16 : i32
        %mul3A_178 = arith.muli %add3A_176, %mul3A_177 : i32
        %get3A = arith.constant 0 : i32
        %get3A_179 = arith.index_cast %get3A : i32 to index
        %get3A_180 = arith.index_cast %mul3A_178 : i32 to index
        %get3A_181 = tpu.vector_load %arg7[%get3A_179, %get3A_180] {strides = array<i32>} : memref<100x128xf32, #tpu.memory_space<vmem>>, vector<16xf32>,
        %get3A_182 = arith.constant 1 : i32
        %get3A_183 = arith.index_cast %get3A_182 : i32 to index
        %get3A_184 = arith.index_cast %mul3A_178 : i32 to index
        %get3A_185 = tpu.vector_load %arg7[%get3A_183, %get3A_184] {strides = array<i32>} : memref<100x128xf32, #tpu.memory_space<vmem>>, vector<16xf32>,
        %get3A_186 = arith.constant 2 : i32
        %get3A_187 = arith.index_cast %get3A_186 : i32 to index
        %get3A_188 = arith.index_cast %mul3A_178 : i32 to index
        %get3A_189 = tpu.vector_load %arg7[%get3A_187, %get3A_188] {strides = array<i32>} : memref<100x128xf32, #tpu.memory_space<vmem>>, vector<16xf32>,
        %get3A_190 = arith.constant 3 : i32
        %get3A_191 = arith.index_cast %get3A_190 : i32 to index
        %get3A_192 = arith.index_cast %mul3A_178 : i32 to index
        %get3A_193 = tpu.vector_load %arg7[%get3A_191, %get3A_192] {strides = array<i32>} : memref<100x128xf32, #tpu.memory_space<vmem>>, vector<16xf32>,
        %get3A_194 = arith.constant 4 : i32
        %get3A_195 = arith.index_cast %get3A_194 : i32 to index
        %get3A_196 = arith.index_cast %mul3A_178 : i32 to index
        %get3A_197 = tpu.vector_load %arg7[%get3A_195, %get3A_196] {strides = array<i32>} : memref<100x128xf32, #tpu.memory_space<vmem>>, vector<16xf32>,
        %add3A_198 = arith.addf %get3A_181, %get3A_197 : vector<16xf32>
        %get3A_199 = arith.constant 5 : i32
        %get3A_200 = arith.index_cast %get3A_199 : i32 to index
        %get3A_201 = arith.index_cast %mul3A_178 : i32 to index
        %get3A_202 = tpu.vector_load %arg7[%get3A_200, %get3A_201] {strides = array<i32>} : memref<100x128xf32, #tpu.memory_space<vmem>>, vector<16xf32>,
        %add3A_203 = arith.addf %get3A_185, %get3A_202 : vector<16xf32>
        %get3A_204 = arith.constant 6 : i32
        %get3A_205 = arith.index_cast %get3A_204 : i32 to index
        %get3A_206 = arith.index_cast %mul3A_178 : i32 to index
        %get3A_207 = tpu.vector_load %arg7[%get3A_205, %get3A_206] {strides = array<i32>} : memref<100x128xf32, #tpu.memory_space<vmem>>, vector<16xf32>,
        %add3A_208 = arith.addf %get3A_189, %get3A_207 : vector<16xf32>
        %get3A_209 = arith.constant 7 : i32
        %get3A_210 = arith.index_cast %get3A_209 : i32 to index
        %get3A_211 = arith.index_cast %mul3A_178 : i32 to index
        %get3A_212 = tpu.vector_load %arg7[%get3A_210, %get3A_211] {strides = array<i32>} : memref<100x128xf32, #tpu.memory_space<vmem>>, vector<16xf32>,
        %add3A_213 = arith.addf %get3A_193, %get3A_212 : vector<16xf32>
        %get3A_214 = arith.constant 8 : i32
        %get3A_215 = arith.index_cast %get3A_214 : i32 to index
        %get3A_216 = arith.index_cast %mul3A_178 : i32 to index
        %get3A_217 = tpu.vector_load %arg7[%get3A_215, %get3A_216] {strides = array<i32>} : memref<100x128xf32, #tpu.memory_space<vmem>>, vector<16xf32>,
        %add3A_218 = arith.addf %add3A_198, %get3A_217 : vector<16xf32>
        %get3A_219 = arith.constant 9 : i32
        %get3A_220 = arith.index_cast %get3A_219 : i32 to index
        %get3A_221 = arith.index_cast %mul3A_178 : i32 to index
        %get3A_222 = tpu.vector_load %arg7[%get3A_220, %get3A_221] {strides = array<i32>} : memref<100x128xf32, #tpu.memory_space<vmem>>, vector<16xf32>,
        %add3A_223 = arith.addf %add3A_203, %get3A_222 : vector<16xf32>
        %get3A_224 = arith.constant 10 : i32
        %get3A_225 = arith.index_cast %get3A_224 : i32 to index
        %get3A_226 = arith.index_cast %mul3A_178 : i32 to index
        %get3A_227 = tpu.vector_load %arg7[%get3A_225, %get3A_226] {strides = array<i32>} : memref<100x128xf32, #tpu.memory_space<vmem>>, vector<16xf32>,
        %add3A_228 = arith.addf %add3A_208, %get3A_227 : vector<16xf32>
        %get3A_229 = arith.constant 11 : i32
        %get3A_230 = arith.index_cast %get3A_229 : i32 to index
        %get3A_231 = arith.index_cast %mul3A_178 : i32 to index
        %get3A_232 = tpu.vector_load %arg7[%get3A_230, %get3A_231] {strides = array<i32>} : memref<100x128xf32, #tpu.memory_space<vmem>>, vector<16xf32>,
        %add3A_233 = arith.addf %add3A_213, %get3A_232 : vector<16xf32>
        %get3A_234 = arith.constant 12 : i32
        %get3A_235 = arith.index_cast %get3A_234 : i32 to index
        %get3A_236 = arith.index_cast %mul3A_178 : i32 to index
        %get3A_237 = tpu.vector_load %arg7[%get3A_235, %get3A_236] {strides = array<i32>} : memref<100x128xf32, #tpu.memory_space<vmem>>, vector<16xf32>,
        %add3A_238 = arith.addf %add3A_218, %get3A_237 : vector<16xf32>
        %get3A_239 = arith.constant 13 : i32
        %get3A_240 = arith.index_cast %get3A_239 : i32 to index
        %get3A_241 = arith.index_cast %mul3A_178 : i32 to index
        %get3A_242 = tpu.vector_load %arg7[%get3A_240, %get3A_241] {strides = array<i32>} : memref<100x128xf32, #tpu.memory_space<vmem>>, vector<16xf32>,
        %add3A_243 = arith.addf %add3A_223, %get3A_242 : vector<16xf32>
        %get3A_244 = arith.constant 14 : i32
        %get3A_245 = arith.index_cast %get3A_244 : i32 to index
        %get3A_246 = arith.index_cast %mul3A_178 : i32 to index
        %get3A_247 = tpu.vector_load %arg7[%get3A_245, %get3A_246] {strides = array<i32>} : memref<100x128xf32, #tpu.memory_space<vmem>>, vector<16xf32>,
        %add3A_248 = arith.addf %add3A_228, %get3A_247 : vector<16xf32>
        %get3A_249 = arith.constant 15 : i32
        %get3A_250 = arith.index_cast %get3A_249 : i32 to index
        %get3A_251 = arith.index_cast %mul3A_178 : i32 to index
        %get3A_252 = tpu.vector_load %arg7[%get3A_250, %get3A_251] {strides = array<i32>} : memref<100x128xf32, #tpu.memory_space<vmem>>, vector<16xf32>,
        %add3A_253 = arith.addf %add3A_233, %get3A_252 : vector<16xf32>
        %get3A_254 = arith.constant 16 : i32
        %get3A_255 = arith.index_cast %get3A_254 : i32 to index
        %get3A_256 = arith.index_cast %mul3A_178 : i32 to index
        %get3A_257 = tpu.vector_load %arg7[%get3A_255, %get3A_256] {strides = array<i32>} : memref<100x128xf32, #tpu.memory_space<vmem>>, vector<16xf32>,
        %add3A_258 = arith.addf %add3A_238, %get3A_257 : vector<16xf32>
        %get3A_259 = arith.constant 17 : i32
        %get3A_260 = arith.index_cast %get3A_259 : i32 to index
        %get3A_261 = arith.index_cast %mul3A_178 : i32 to index
        %get3A_262 = tpu.vector_load %arg7[%get3A_260, %get3A_261] {strides = array<i32>} : memref<100x128xf32, #tpu.memory_space<vmem>>, vector<16xf32>,
        %add3A_263 = arith.addf %add3A_243, %get3A_262 : vector<16xf32>
        %get3A_264 = arith.constant 18 : i32
        %get3A_265 = arith.index_cast %get3A_264 : i32 to index
        %get3A_266 = arith.index_cast %mul3A_178 : i32 to index
        %get3A_267 = tpu.vector_load %arg7[%get3A_265, %get3A_266] {strides = array<i32>} : memref<100x128xf32, #tpu.memory_space<vmem>>, vector<16xf32>,
        %add3A_268 = arith.addf %add3A_248, %get3A_267 : vector<16xf32>
        %get3A_269 = arith.constant 19 : i32
        %get3A_270 = arith.index_cast %get3A_269 : i32 to index
        %get3A_271 = arith.index_cast %mul3A_178 : i32 to index
        %get3A_272 = tpu.vector_load %arg7[%get3A_270, %get3A_271] {strides = array<i32>} : memref<100x128xf32, #tpu.memory_space<vmem>>, vector<16xf32>,
        %add3A_273 = arith.addf %add3A_253, %get3A_272 : vector<16xf32>
        %get3A_274 = arith.constant 20 : i32
        %get3A_275 = arith.index_cast %get3A_274 : i32 to index
        %get3A_276 = arith.index_cast %mul3A_178 : i32 to index
        %get3A_277 = tpu.vector_load %arg7[%get3A_275, %get3A_276] {strides = array<i32>} : memref<100x128xf32, #tpu.memory_space<vmem>>, vector<16xf32>,
        %add3A_278 = arith.addf %add3A_258, %get3A_277 : vector<16xf32>
        %get3A_279 = arith.constant 21 : i32
        %get3A_280 = arith.index_cast %get3A_279 : i32 to index
        %get3A_281 = arith.index_cast %mul3A_178 : i32 to index
        %get3A_282 = tpu.vector_load %arg7[%get3A_280, %get3A_281] {strides = array<i32>} : memref<100x128xf32, #tpu.memory_space<vmem>>, vector<16xf32>,
        %add3A_283 = arith.addf %add3A_263, %get3A_282 : vector<16xf32>
        %get3A_284 = arith.constant 22 : i32
        %get3A_285 = arith.index_cast %get3A_284 : i32 to index
        %get3A_286 = arith.index_cast %mul3A_178 : i32 to index
        %get3A_287 = tpu.vector_load %arg7[%get3A_285, %get3A_286] {strides = array<i32>} : memref<100x128xf32, #tpu.memory_space<vmem>>, vector<16xf32>,
        %add3A_288 = arith.addf %add3A_268, %get3A_287 : vector<16xf32>
        %get3A_289 = arith.constant 23 : i32
        %get3A_290 = arith.index_cast %get3A_289 : i32 to index
        %get3A_291 = arith.index_cast %mul3A_178 : i32 to index
        %get3A_292 = tpu.vector_load %arg7[%get3A_290, %get3A_291] {strides = array<i32>} : memref<100x128xf32, #tpu.memory_space<vmem>>, vector<16xf32>,
        %add3A_293 = arith.addf %add3A_273, %get3A_292 : vector<16xf32>
        %get3A_294 = arith.constant 24 : i32
        %get3A_295 = arith.index_cast %get3A_294 : i32 to index
        %get3A_296 = arith.index_cast %mul3A_178 : i32 to index
        %get3A_297 = tpu.vector_load %arg7[%get3A_295, %get3A_296] {strides = array<i32>} : memref<100x128xf32, #tpu.memory_space<vmem>>, vector<16xf32>,
        %add3A_298 = arith.addf %add3A_278, %get3A_297 : vector<16xf32>
        %get3A_299 = arith.constant 25 : i32
        %get3A_300 = arith.index_cast %get3A_299 : i32 to index
        %get3A_301 = arith.index_cast %mul3A_178 : i32 to index
        %get3A_302 = tpu.vector_load %arg7[%get3A_300, %get3A_301] {strides = array<i32>} : memref<100x128xf32, #tpu.memory_space<vmem>>, vector<16xf32>,
        %add3A_303 = arith.addf %add3A_283, %get3A_302 : vector<16xf32>
        %get3A_304 = arith.constant 26 : i32
        %get3A_305 = arith.index_cast %get3A_304 : i32 to index
        %get3A_306 = arith.index_cast %mul3A_178 : i32 to index
        %get3A_307 = tpu.vector_load %arg7[%get3A_305, %get3A_306] {strides = array<i32>} : memref<100x128xf32, #tpu.memory_space<vmem>>, vector<16xf32>,
        %add3A_308 = arith.addf %add3A_288, %get3A_307 : vector<16xf32>
        %get3A_309 = arith.constant 27 : i32
        %get3A_310 = arith.index_cast %get3A_309 : i32 to index
        %get3A_311 = arith.index_cast %mul3A_178 : i32 to index
        %get3A_312 = tpu.vector_load %arg7[%get3A_310, %get3A_311] {strides = array<i32>} : memref<100x128xf32, #tpu.memory_space<vmem>>, vector<16xf32>,
        %add3A_313 = arith.addf %add3A_293, %get3A_312 : vector<16xf32>
        %get3A_314 = arith.constant 28 : i32
        %get3A_315 = arith.index_cast %get3A_314 : i32 to index
        %get3A_316 = arith.index_cast %mul3A_178 : i32 to index
        %get3A_317 = tpu.vector_load %arg7[%get3A_315, %get3A_316] {strides = array<i32>} : memref<100x128xf32, #tpu.memory_space<vmem>>, vector<16xf32>,
        %add3A_318 = arith.addf %add3A_298, %get3A_317 : vector<16xf32>
        %get3A_319 = arith.constant 29 : i32
        %get3A_320 = arith.index_cast %get3A_319 : i32 to index
        %get3A_321 = arith.index_cast %mul3A_178 : i32 to index
        %get3A_322 = tpu.vector_load %arg7[%get3A_320, %get3A_321] {strides = array<i32>} : memref<100x128xf32, #tpu.memory_space<vmem>>, vector<16xf32>,
        %add3A_323 = arith.addf %add3A_303, %get3A_322 : vector<16xf32>
        %get3A_324 = arith.constant 30 : i32
        %get3A_325 = arith.index_cast %get3A_324 : i32 to index
        %get3A_326 = arith.index_cast %mul3A_178 : i32 to index
        %get3A_327 = tpu.vector_load %arg7[%get3A_325, %get3A_326] {strides = array<i32>} : memref<100x128xf32, #tpu.memory_space<vmem>>, vector<16xf32>,
        %add3A_328 = arith.addf %add3A_308, %get3A_327 : vector<16xf32>
        %get3A_329 = arith.constant 31 : i32
        %get3A_330 = arith.index_cast %get3A_329 : i32 to index
        %get3A_331 = arith.index_cast %mul3A_178 : i32 to index
        %get3A_332 = tpu.vector_load %arg7[%get3A_330, %get3A_331] {strides = array<i32>} : memref<100x128xf32, #tpu.memory_space<vmem>>, vector<16xf32>,
        %add3A_333 = arith.addf %add3A_313, %get3A_332 : vector<16xf32>
        %get3A_334 = arith.constant 32 : i32
        %get3A_335 = arith.index_cast %get3A_334 : i32 to index
        %get3A_336 = arith.index_cast %mul3A_178 : i32 to index
        %get3A_337 = tpu.vector_load %arg7[%get3A_335, %get3A_336] {strides = array<i32>} : memref<100x128xf32, #tpu.memory_space<vmem>>, vector<16xf32>,
        %add3A_338 = arith.addf %add3A_318, %get3A_337 : vector<16xf32>
        %get3A_339 = arith.constant 33 : i32
        %get3A_340 = arith.index_cast %get3A_339 : i32 to index
        %get3A_341 = arith.index_cast %mul3A_178 : i32 to index
        %get3A_342 = tpu.vector_load %arg7[%get3A_340, %get3A_341] {strides = array<i32>} : memref<100x128xf32, #tpu.memory_space<vmem>>, vector<16xf32>,
        %add3A_343 = arith.addf %add3A_323, %get3A_342 : vector<16xf32>
        %get3A_344 = arith.constant 34 : i32
        %get3A_345 = arith.index_cast %get3A_344 : i32 to index
        %get3A_346 = arith.index_cast %mul3A_178 : i32 to index
        %get3A_347 = tpu.vector_load %arg7[%get3A_345, %get3A_346] {strides = array<i32>} : memref<100x128xf32, #tpu.memory_space<vmem>>, vector<16xf32>,
        %add3A_348 = arith.addf %add3A_328, %get3A_347 : vector<16xf32>
        %get3A_349 = arith.constant 35 : i32
        %get3A_350 = arith.index_cast %get3A_349 : i32 to index
        %get3A_351 = arith.index_cast %mul3A_178 : i32 to index
        %get3A_352 = tpu.vector_load %arg7[%get3A_350, %get3A_351] {strides = array<i32>} : memref<100x128xf32, #tpu.memory_space<vmem>>, vector<16xf32>,
        %add3A_353 = arith.addf %add3A_333, %get3A_352 : vector<16xf32>
        %get3A_354 = arith.constant 36 : i32
        %get3A_355 = arith.index_cast %get3A_354 : i32 to index
        %get3A_356 = arith.index_cast %mul3A_178 : i32 to index
        %get3A_357 = tpu.vector_load %arg7[%get3A_355, %get3A_356] {strides = array<i32>} : memref<100x128xf32, #tpu.memory_space<vmem>>, vector<16xf32>,
        %add3A_358 = arith.addf %add3A_338, %get3A_357 : vector<16xf32>
        %get3A_359 = arith.constant 37 : i32
        %get3A_360 = arith.index_cast %get3A_359 : i32 to index
        %get3A_361 = arith.index_cast %mul3A_178 : i32 to index
        %get3A_362 = tpu.vector_load %arg7[%get3A_360, %get3A_361] {strides = array<i32>} : memref<100x128xf32, #tpu.memory_space<vmem>>, vector<16xf32>,
        %add3A_363 = arith.addf %add3A_343, %get3A_362 : vector<16xf32>
        %get3A_364 = arith.constant 38 : i32
        %get3A_365 = arith.index_cast %get3A_364 : i32 to index
        %get3A_366 = arith.index_cast %mul3A_178 : i32 to index
        %get3A_367 = tpu.vector_load %arg7[%get3A_365, %get3A_366] {strides = array<i32>} : memref<100x128xf32, #tpu.memory_space<vmem>>, vector<16xf32>,
        %add3A_368 = arith.addf %add3A_348, %get3A_367 : vector<16xf32>
        %get3A_369 = arith.constant 39 : i32
        %get3A_370 = arith.index_cast %get3A_369 : i32 to index
        %get3A_371 = arith.index_cast %mul3A_178 : i32 to index
        %get3A_372 = tpu.vector_load %arg7[%get3A_370, %get3A_371] {strides = array<i32>} : memref<100x128xf32, #tpu.memory_space<vmem>>, vector<16xf32>,
        %add3A_373 = arith.addf %add3A_353, %get3A_372 : vector<16xf32>
        %get3A_374 = arith.constant 40 : i32
        %get3A_375 = arith.index_cast %get3A_374 : i32 to index
        %get3A_376 = arith.index_cast %mul3A_178 : i32 to index
        %get3A_377 = tpu.vector_load %arg7[%get3A_375, %get3A_376] {strides = array<i32>} : memref<100x128xf32, #tpu.memory_space<vmem>>, vector<16xf32>,
        %add3A_378 = arith.addf %add3A_358, %get3A_377 : vector<16xf32>
        %get3A_379 = arith.constant 41 : i32
        %get3A_380 = arith.index_cast %get3A_379 : i32 to index
        %get3A_381 = arith.index_cast %mul3A_178 : i32 to index
        %get3A_382 = tpu.vector_load %arg7[%get3A_380, %get3A_381] {strides = array<i32>} : memref<100x128xf32, #tpu.memory_space<vmem>>, vector<16xf32>,
        %add3A_383 = arith.addf %add3A_363, %get3A_382 : vector<16xf32>
        %get3A_384 = arith.constant 42 : i32
        %get3A_385 = arith.index_cast %get3A_384 : i32 to index
        %get3A_386 = arith.index_cast %mul3A_178 : i32 to index
        %get3A_387 = tpu.vector_load %arg7[%get3A_385, %get3A_386] {strides = array<i32>} : memref<100x128xf32, #tpu.memory_space<vmem>>, vector<16xf32>,
        %add3A_388 = arith.addf %add3A_368, %get3A_387 : vector<16xf32>
        %get3A_389 = arith.constant 43 : i32
        %get3A_390 = arith.index_cast %get3A_389 : i32 to index
        %get3A_391 = arith.index_cast %mul3A_178 : i32 to index
        %get3A_392 = tpu.vector_load %arg7[%get3A_390, %get3A_391] {strides = array<i32>} : memref<100x128xf32, #tpu.memory_space<vmem>>, vector<16xf32>,
        %add3A_393 = arith.addf %add3A_373, %get3A_392 : vector<16xf32>
        %get3A_394 = arith.constant 44 : i32
        %get3A_395 = arith.index_cast %get3A_394 : i32 to index
        %get3A_396 = arith.index_cast %mul3A_178 : i32 to index
        %get3A_397 = tpu.vector_load %arg7[%get3A_395, %get3A_396] {strides = array<i32>} : memref<100x128xf32, #tpu.memory_space<vmem>>, vector<16xf32>,
        %add3A_398 = arith.addf %add3A_378, %get3A_397 : vector<16xf32>
        %get3A_399 = arith.constant 45 : i32
        %get3A_400 = arith.index_cast %get3A_399 : i32 to index
        %get3A_401 = arith.index_cast %mul3A_178 : i32 to index
        %get3A_402 = tpu.vector_load %arg7[%get3A_400, %get3A_401] {strides = array<i32>} : memref<100x128xf32, #tpu.memory_space<vmem>>, vector<16xf32>,
        %add3A_403 = arith.addf %add3A_383, %get3A_402 : vector<16xf32>
        %get3A_404 = arith.constant 46 : i32
        %get3A_405 = arith.index_cast %get3A_404 : i32 to index
        %get3A_406 = arith.index_cast %mul3A_178 : i32 to index
        %get3A_407 = tpu.vector_load %arg7[%get3A_405, %get3A_406] {strides = array<i32>} : memref<100x128xf32, #tpu.memory_space<vmem>>, vector<16xf32>,
        %add3A_408 = arith.addf %add3A_388, %get3A_407 : vector<16xf32>
        %get3A_409 = arith.constant 47 : i32
        %get3A_410 = arith.index_cast %get3A_409 : i32 to index
        %get3A_411 = arith.index_cast %mul3A_178 : i32 to index
        %get3A_412 = tpu.vector_load %arg7[%get3A_410, %get3A_411] {strides = array<i32>} : memref<100x128xf32, #tpu.memory_space<vmem>>, vector<16xf32>,
        %add3A_413 = arith.addf %add3A_393, %get3A_412 : vector<16xf32>
        %get3A_414 = arith.constant 48 : i32
        %get3A_415 = arith.index_cast %get3A_414 : i32 to index
        %get3A_416 = arith.index_cast %mul3A_178 : i32 to index
        %get3A_417 = tpu.vector_load %arg7[%get3A_415, %get3A_416] {strides = array<i32>} : memref<100x128xf32, #tpu.memory_space<vmem>>, vector<16xf32>,
        %add3A_418 = arith.addf %add3A_398, %get3A_417 : vector<16xf32>
        %get3A_419 = arith.constant 49 : i32
        %get3A_420 = arith.index_cast %get3A_419 : i32 to index
        %get3A_421 = arith.index_cast %mul3A_178 : i32 to index
        %get3A_422 = tpu.vector_load %arg7[%get3A_420, %get3A_421] {strides = array<i32>} : memref<100x128xf32, #tpu.memory_space<vmem>>, vector<16xf32>,
        %add3A_423 = arith.addf %add3A_403, %get3A_422 : vector<16xf32>
        %add3A_424 = arith.addf %add3A_418, %add3A_423 : vector<16xf32>
        %add3A_425 = arith.addf %add3A_408, %add3A_413 : vector<16xf32>
        %add3A_426 = arith.addf %add3A_424, %add3A_425 : vector<16xf32>
        %mul3A_427 = arith.constant 2.000000e-02 : f32
        %mul3A_428 = vector.broadcast %mul3A_427 : f32 to vector<16xf32>
        %mul3A_429 = arith.mulf %add3A_426, %mul3A_428 : vector<16xf32>
        %mul3A_430 = arith.constant 2 : i32
        %mul3A_431 = arith.muli %add3A_110, %mul3A_430 : i32
        %add3A_432 = arith.constant 0 : i32
        %add3A_433 = arith.addi %mul3A_431, %add3A_432 : i32
        %swap3A = arith.index_cast %add3A_433 : i32 to index
        %swap3A_434 = arith.index_cast %mul3A_178 : i32 to index
        %swap3A_435 = tpu.vector_load %arg10[%swap3A, %swap3A_434] {strides = array<i32>} : memref<128x128xf32, #tpu.memory_space<vmem>>, vector<16xf32>,
        tpu.vector_store %arg10[%swap3A, %swap3A_434], %mul3A_429 {strides = array<i32>} : memref<128x128xf32, #tpu.memory_space<vmem>>, vector<16xf32>,
        %get3A_436 = arith.constant 50 : i32
        %get3A_437 = arith.index_cast %get3A_436 : i32 to index
        %get3A_438 = arith.index_cast %mul3A_178 : i32 to index
        %get3A_439 = tpu.vector_load %arg7[%get3A_437, %get3A_438] {strides = array<i32>} : memref<100x128xf32, #tpu.memory_space<vmem>>, vector<16xf32>,
        %get3A_440 = arith.constant 51 : i32
        %get3A_441 = arith.index_cast %get3A_440 : i32 to index
        %get3A_442 = arith.index_cast %mul3A_178 : i32 to index
        %get3A_443 = tpu.vector_load %arg7[%get3A_441, %get3A_442] {strides = array<i32>} : memref<100x128xf32, #tpu.memory_space<vmem>>, vector<16xf32>,
        %get3A_444 = arith.constant 52 : i32
        %get3A_445 = arith.index_cast %get3A_444 : i32 to index
        %get3A_446 = arith.index_cast %mul3A_178 : i32 to index
        %get3A_447 = tpu.vector_load %arg7[%get3A_445, %get3A_446] {strides = array<i32>} : memref<100x128xf32, #tpu.memory_space<vmem>>, vector<16xf32>,
        %get3A_448 = arith.constant 53 : i32
        %get3A_449 = arith.index_cast %get3A_448 : i32 to index
        %get3A_450 = arith.index_cast %mul3A_178 : i32 to index
        %get3A_451 = tpu.vector_load %arg7[%get3A_449, %get3A_450] {strides = array<i32>} : memref<100x128xf32, #tpu.memory_space<vmem>>, vector<16xf32>,
        %get3A_452 = arith.constant 54 : i32
        %get3A_453 = arith.index_cast %get3A_452 : i32 to index
        %get3A_454 = arith.index_cast %mul3A_178 : i32 to index
        %get3A_455 = tpu.vector_load %arg7[%get3A_453, %get3A_454] {strides = array<i32>} : memref<100x128xf32, #tpu.memory_space<vmem>>, vector<16xf32>,
        %add3A_456 = arith.addf %get3A_439, %get3A_455 : vector<16xf32>
        %get3A_457 = arith.constant 55 : i32
        %get3A_458 = arith.index_cast %get3A_457 : i32 to index
        %get3A_459 = arith.index_cast %mul3A_178 : i32 to index
        %get3A_460 = tpu.vector_load %arg7[%get3A_458, %get3A_459] {strides = array<i32>} : memref<100x128xf32, #tpu.memory_space<vmem>>, vector<16xf32>,
        %add3A_461 = arith.addf %get3A_443, %get3A_460 : vector<16xf32>
        %get3A_462 = arith.constant 56 : i32
        %get3A_463 = arith.index_cast %get3A_462 : i32 to index
        %get3A_464 = arith.index_cast %mul3A_178 : i32 to index
        %get3A_465 = tpu.vector_load %arg7[%get3A_463, %get3A_464] {strides = array<i32>} : memref<100x128xf32, #tpu.memory_space<vmem>>, vector<16xf32>,
        %add3A_466 = arith.addf %get3A_447, %get3A_465 : vector<16xf32>
        %get3A_467 = arith.constant 57 : i32
        %get3A_468 = arith.index_cast %get3A_467 : i32 to index
        %get3A_469 = arith.index_cast %mul3A_178 : i32 to index
        %get3A_470 = tpu.vector_load %arg7[%get3A_468, %get3A_469] {strides = array<i32>} : memref<100x128xf32, #tpu.memory_space<vmem>>, vector<16xf32>,
        %add3A_471 = arith.addf %get3A_451, %get3A_470 : vector<16xf32>
        %get3A_472 = arith.constant 58 : i32
        %get3A_473 = arith.index_cast %get3A_472 : i32 to index
        %get3A_474 = arith.index_cast %mul3A_178 : i32 to index
        %get3A_475 = tpu.vector_load %arg7[%get3A_473, %get3A_474] {strides = array<i32>} : memref<100x128xf32, #tpu.memory_space<vmem>>, vector<16xf32>,
        %add3A_476 = arith.addf %add3A_456, %get3A_475 : vector<16xf32>
        %get3A_477 = arith.constant 59 : i32
        %get3A_478 = arith.index_cast %get3A_477 : i32 to index
        %get3A_479 = arith.index_cast %mul3A_178 : i32 to index
        %get3A_480 = tpu.vector_load %arg7[%get3A_478, %get3A_479] {strides = array<i32>} : memref<100x128xf32, #tpu.memory_space<vmem>>, vector<16xf32>,
        %add3A_481 = arith.addf %add3A_461, %get3A_480 : vector<16xf32>
        %get3A_482 = arith.constant 60 : i32
        %get3A_483 = arith.index_cast %get3A_482 : i32 to index
        %get3A_484 = arith.index_cast %mul3A_178 : i32 to index
        %get3A_485 = tpu.vector_load %arg7[%get3A_483, %get3A_484] {strides = array<i32>} : memref<100x128xf32, #tpu.memory_space<vmem>>, vector<16xf32>,
        %add3A_486 = arith.addf %add3A_466, %get3A_485 : vector<16xf32>
        %get3A_487 = arith.constant 61 : i32
        %get3A_488 = arith.index_cast %get3A_487 : i32 to index
        %get3A_489 = arith.index_cast %mul3A_178 : i32 to index
        %get3A_490 = tpu.vector_load %arg7[%get3A_488, %get3A_489] {strides = array<i32>} : memref<100x128xf32, #tpu.memory_space<vmem>>, vector<16xf32>,
        %add3A_491 = arith.addf %add3A_471, %get3A_490 : vector<16xf32>
        %get3A_492 = arith.constant 62 : i32
        %get3A_493 = arith.index_cast %get3A_492 : i32 to index
        %get3A_494 = arith.index_cast %mul3A_178 : i32 to index
        %get3A_495 = tpu.vector_load %arg7[%get3A_493, %get3A_494] {strides = array<i32>} : memref<100x128xf32, #tpu.memory_space<vmem>>, vector<16xf32>,
        %add3A_496 = arith.addf %add3A_476, %get3A_495 : vector<16xf32>
        %get3A_497 = arith.constant 63 : i32
        %get3A_498 = arith.index_cast %get3A_497 : i32 to index
        %get3A_499 = arith.index_cast %mul3A_178 : i32 to index
        %get3A_500 = tpu.vector_load %arg7[%get3A_498, %get3A_499] {strides = array<i32>} : memref<100x128xf32, #tpu.memory_space<vmem>>, vector<16xf32>,
        %add3A_501 = arith.addf %add3A_481, %get3A_500 : vector<16xf32>
        %get3A_502 = arith.constant 64 : i32
        %get3A_503 = arith.index_cast %get3A_502 : i32 to index
        %get3A_504 = arith.index_cast %mul3A_178 : i32 to index
        %get3A_505 = tpu.vector_load %arg7[%get3A_503, %get3A_504] {strides = array<i32>} : memref<100x128xf32, #tpu.memory_space<vmem>>, vector<16xf32>,
        %add3A_506 = arith.addf %add3A_486, %get3A_505 : vector<16xf32>
        %get3A_507 = arith.constant 65 : i32
        %get3A_508 = arith.index_cast %get3A_507 : i32 to index
        %get3A_509 = arith.index_cast %mul3A_178 : i32 to index
        %get3A_510 = tpu.vector_load %arg7[%get3A_508, %get3A_509] {strides = array<i32>} : memref<100x128xf32, #tpu.memory_space<vmem>>, vector<16xf32>,
        %add3A_511 = arith.addf %add3A_491, %get3A_510 : vector<16xf32>
        %get3A_512 = arith.constant 66 : i32
        %get3A_513 = arith.index_cast %get3A_512 : i32 to index
        %get3A_514 = arith.index_cast %mul3A_178 : i32 to index
        %get3A_515 = tpu.vector_load %arg7[%get3A_513, %get3A_514] {strides = array<i32>} : memref<100x128xf32, #tpu.memory_space<vmem>>, vector<16xf32>,
        %add3A_516 = arith.addf %add3A_496, %get3A_515 : vector<16xf32>
        %get3A_517 = arith.constant 67 : i32
        %get3A_518 = arith.index_cast %get3A_517 : i32 to index
        %get3A_519 = arith.index_cast %mul3A_178 : i32 to index
        %get3A_520 = tpu.vector_load %arg7[%get3A_518, %get3A_519] {strides = array<i32>} : memref<100x128xf32, #tpu.memory_space<vmem>>, vector<16xf32>,
        %add3A_521 = arith.addf %add3A_501, %get3A_520 : vector<16xf32>
        %get3A_522 = arith.constant 68 : i32
        %get3A_523 = arith.index_cast %get3A_522 : i32 to index
        %get3A_524 = arith.index_cast %mul3A_178 : i32 to index
        %get3A_525 = tpu.vector_load %arg7[%get3A_523, %get3A_524] {strides = array<i32>} : memref<100x128xf32, #tpu.memory_space<vmem>>, vector<16xf32>,
        %add3A_526 = arith.addf %add3A_506, %get3A_525 : vector<16xf32>
        %get3A_527 = arith.constant 69 : i32
        %get3A_528 = arith.index_cast %get3A_527 : i32 to index
        %get3A_529 = arith.index_cast %mul3A_178 : i32 to index
        %get3A_530 = tpu.vector_load %arg7[%get3A_528, %get3A_529] {strides = array<i32>} : memref<100x128xf32, #tpu.memory_space<vmem>>, vector<16xf32>,
        %add3A_531 = arith.addf %add3A_511, %get3A_530 : vector<16xf32>
        %get3A_532 = arith.constant 70 : i32
        %get3A_533 = arith.index_cast %get3A_532 : i32 to index
        %get3A_534 = arith.index_cast %mul3A_178 : i32 to index
        %get3A_535 = tpu.vector_load %arg7[%get3A_533, %get3A_534] {strides = array<i32>} : memref<100x128xf32, #tpu.memory_space<vmem>>, vector<16xf32>,
        %add3A_536 = arith.addf %add3A_516, %get3A_535 : vector<16xf32>
        %get3A_537 = arith.constant 71 : i32
        %get3A_538 = arith.index_cast %get3A_537 : i32 to index
        %get3A_539 = arith.index_cast %mul3A_178 : i32 to index
        %get3A_540 = tpu.vector_load %arg7[%get3A_538, %get3A_539] {strides = array<i32>} : memref<100x128xf32, #tpu.memory_space<vmem>>, vector<16xf32>,
        %add3A_541 = arith.addf %add3A_521, %get3A_540 : vector<16xf32>
        %get3A_542 = arith.constant 72 : i32
        %get3A_543 = arith.index_cast %get3A_542 : i32 to index
        %get3A_544 = arith.index_cast %mul3A_178 : i32 to index
        %get3A_545 = tpu.vector_load %arg7[%get3A_543, %get3A_544] {strides = array<i32>} : memref<100x128xf32, #tpu.memory_space<vmem>>, vector<16xf32>,
        %add3A_546 = arith.addf %add3A_526, %get3A_545 : vector<16xf32>
        %get3A_547 = arith.constant 73 : i32
        %get3A_548 = arith.index_cast %get3A_547 : i32 to index
        %get3A_549 = arith.index_cast %mul3A_178 : i32 to index
        %get3A_550 = tpu.vector_load %arg7[%get3A_548, %get3A_549] {strides = array<i32>} : memref<100x128xf32, #tpu.memory_space<vmem>>, vector<16xf32>,
        %add3A_551 = arith.addf %add3A_531, %get3A_550 : vector<16xf32>
        %get3A_552 = arith.constant 74 : i32
        %get3A_553 = arith.index_cast %get3A_552 : i32 to index
        %get3A_554 = arith.index_cast %mul3A_178 : i32 to index
        %get3A_555 = tpu.vector_load %arg7[%get3A_553, %get3A_554] {strides = array<i32>} : memref<100x128xf32, #tpu.memory_space<vmem>>, vector<16xf32>,
        %add3A_556 = arith.addf %add3A_536, %get3A_555 : vector<16xf32>
        %get3A_557 = arith.constant 75 : i32
        %get3A_558 = arith.index_cast %get3A_557 : i32 to index
        %get3A_559 = arith.index_cast %mul3A_178 : i32 to index
        %get3A_560 = tpu.vector_load %arg7[%get3A_558, %get3A_559] {strides = array<i32>} : memref<100x128xf32, #tpu.memory_space<vmem>>, vector<16xf32>,
        %add3A_561 = arith.addf %add3A_541, %get3A_560 : vector<16xf32>
        %get3A_562 = arith.constant 76 : i32
        %get3A_563 = arith.index_cast %get3A_562 : i32 to index
        %get3A_564 = arith.index_cast %mul3A_178 : i32 to index
        %get3A_565 = tpu.vector_load %arg7[%get3A_563, %get3A_564] {strides = array<i32>} : memref<100x128xf32, #tpu.memory_space<vmem>>, vector<16xf32>,
        %add3A_566 = arith.addf %add3A_546, %get3A_565 : vector<16xf32>
        %get3A_567 = arith.constant 77 : i32
        %get3A_568 = arith.index_cast %get3A_567 : i32 to index
        %get3A_569 = arith.index_cast %mul3A_178 : i32 to index
        %get3A_570 = tpu.vector_load %arg7[%get3A_568, %get3A_569] {strides = array<i32>} : memref<100x128xf32, #tpu.memory_space<vmem>>, vector<16xf32>,
        %add3A_571 = arith.addf %add3A_551, %get3A_570 : vector<16xf32>
        %get3A_572 = arith.constant 78 : i32
        %get3A_573 = arith.index_cast %get3A_572 : i32 to index
        %get3A_574 = arith.index_cast %mul3A_178 : i32 to index
        %get3A_575 = tpu.vector_load %arg7[%get3A_573, %get3A_574] {strides = array<i32>} : memref<100x128xf32, #tpu.memory_space<vmem>>, vector<16xf32>,
        %add3A_576 = arith.addf %add3A_556, %get3A_575 : vector<16xf32>
        %get3A_577 = arith.constant 79 : i32
        %get3A_578 = arith.index_cast %get3A_577 : i32 to index
        %get3A_579 = arith.index_cast %mul3A_178 : i32 to index
        %get3A_580 = tpu.vector_load %arg7[%get3A_578, %get3A_579] {strides = array<i32>} : memref<100x128xf32, #tpu.memory_space<vmem>>, vector<16xf32>,
        %add3A_581 = arith.addf %add3A_561, %get3A_580 : vector<16xf32>
        %get3A_582 = arith.constant 80 : i32
        %get3A_583 = arith.index_cast %get3A_582 : i32 to index
        %get3A_584 = arith.index_cast %mul3A_178 : i32 to index
        %get3A_585 = tpu.vector_load %arg7[%get3A_583, %get3A_584] {strides = array<i32>} : memref<100x128xf32, #tpu.memory_space<vmem>>, vector<16xf32>,
        %add3A_586 = arith.addf %add3A_566, %get3A_585 : vector<16xf32>
        %get3A_587 = arith.constant 81 : i32
        %get3A_588 = arith.index_cast %get3A_587 : i32 to index
        %get3A_589 = arith.index_cast %mul3A_178 : i32 to index
        %get3A_590 = tpu.vector_load %arg7[%get3A_588, %get3A_589] {strides = array<i32>} : memref<100x128xf32, #tpu.memory_space<vmem>>, vector<16xf32>,
        %add3A_591 = arith.addf %add3A_571, %get3A_590 : vector<16xf32>
        %get3A_592 = arith.constant 82 : i32
        %get3A_593 = arith.index_cast %get3A_592 : i32 to index
        %get3A_594 = arith.index_cast %mul3A_178 : i32 to index
        %get3A_595 = tpu.vector_load %arg7[%get3A_593, %get3A_594] {strides = array<i32>} : memref<100x128xf32, #tpu.memory_space<vmem>>, vector<16xf32>,
        %add3A_596 = arith.addf %add3A_576, %get3A_595 : vector<16xf32>
        %get3A_597 = arith.constant 83 : i32
        %get3A_598 = arith.index_cast %get3A_597 : i32 to index
        %get3A_599 = arith.index_cast %mul3A_178 : i32 to index
        %get3A_600 = tpu.vector_load %arg7[%get3A_598, %get3A_599] {strides = array<i32>} : memref<100x128xf32, #tpu.memory_space<vmem>>, vector<16xf32>,
        %add3A_601 = arith.addf %add3A_581, %get3A_600 : vector<16xf32>
        %get3A_602 = arith.constant 84 : i32
        %get3A_603 = arith.index_cast %get3A_602 : i32 to index
        %get3A_604 = arith.index_cast %mul3A_178 : i32 to index
        %get3A_605 = tpu.vector_load %arg7[%get3A_603, %get3A_604] {strides = array<i32>} : memref<100x128xf32, #tpu.memory_space<vmem>>, vector<16xf32>,
        %add3A_606 = arith.addf %add3A_586, %get3A_605 : vector<16xf32>
        %get3A_607 = arith.constant 85 : i32
        %get3A_608 = arith.index_cast %get3A_607 : i32 to index
        %get3A_609 = arith.index_cast %mul3A_178 : i32 to index
        %get3A_610 = tpu.vector_load %arg7[%get3A_608, %get3A_609] {strides = array<i32>} : memref<100x128xf32, #tpu.memory_space<vmem>>, vector<16xf32>,
        %add3A_611 = arith.addf %add3A_591, %get3A_610 : vector<16xf32>
        %get3A_612 = arith.constant 86 : i32
        %get3A_613 = arith.index_cast %get3A_612 : i32 to index
        %get3A_614 = arith.index_cast %mul3A_178 : i32 to index
        %get3A_615 = tpu.vector_load %arg7[%get3A_613, %get3A_614] {strides = array<i32>} : memref<100x128xf32, #tpu.memory_space<vmem>>, vector<16xf32>,
        %add3A_616 = arith.addf %add3A_596, %get3A_615 : vector<16xf32>
        %get3A_617 = arith.constant 87 : i32
        %get3A_618 = arith.index_cast %get3A_617 : i32 to index
        %get3A_619 = arith.index_cast %mul3A_178 : i32 to index
        %get3A_620 = tpu.vector_load %arg7[%get3A_618, %get3A_619] {strides = array<i32>} : memref<100x128xf32, #tpu.memory_space<vmem>>, vector<16xf32>,
        %add3A_621 = arith.addf %add3A_601, %get3A_620 : vector<16xf32>
        %get3A_622 = arith.constant 88 : i32
        %get3A_623 = arith.index_cast %get3A_622 : i32 to index
        %get3A_624 = arith.index_cast %mul3A_178 : i32 to index
        %get3A_625 = tpu.vector_load %arg7[%get3A_623, %get3A_624] {strides = array<i32>} : memref<100x128xf32, #tpu.memory_space<vmem>>, vector<16xf32>,
        %add3A_626 = arith.addf %add3A_606, %get3A_625 : vector<16xf32>
        %get3A_627 = arith.constant 89 : i32
        %get3A_628 = arith.index_cast %get3A_627 : i32 to index
        %get3A_629 = arith.index_cast %mul3A_178 : i32 to index
        %get3A_630 = tpu.vector_load %arg7[%get3A_628, %get3A_629] {strides = array<i32>} : memref<100x128xf32, #tpu.memory_space<vmem>>, vector<16xf32>,
        %add3A_631 = arith.addf %add3A_611, %get3A_630 : vector<16xf32>
        %get3A_632 = arith.constant 90 : i32
        %get3A_633 = arith.index_cast %get3A_632 : i32 to index
        %get3A_634 = arith.index_cast %mul3A_178 : i32 to index
        %get3A_635 = tpu.vector_load %arg7[%get3A_633, %get3A_634] {strides = array<i32>} : memref<100x128xf32, #tpu.memory_space<vmem>>, vector<16xf32>,
        %add3A_636 = arith.addf %add3A_616, %get3A_635 : vector<16xf32>
        %get3A_637 = arith.constant 91 : i32
        %get3A_638 = arith.index_cast %get3A_637 : i32 to index
        %get3A_639 = arith.index_cast %mul3A_178 : i32 to index
        %get3A_640 = tpu.vector_load %arg7[%get3A_638, %get3A_639] {strides = array<i32>} : memref<100x128xf32, #tpu.memory_space<vmem>>, vector<16xf32>,
        %add3A_641 = arith.addf %add3A_621, %get3A_640 : vector<16xf32>
        %get3A_642 = arith.constant 92 : i32
        %get3A_643 = arith.index_cast %get3A_642 : i32 to index
        %get3A_644 = arith.index_cast %mul3A_178 : i32 to index
        %get3A_645 = tpu.vector_load %arg7[%get3A_643, %get3A_644] {strides = array<i32>} : memref<100x128xf32, #tpu.memory_space<vmem>>, vector<16xf32>,
        %add3A_646 = arith.addf %add3A_626, %get3A_645 : vector<16xf32>
        %get3A_647 = arith.constant 93 : i32
        %get3A_648 = arith.index_cast %get3A_647 : i32 to index
        %get3A_649 = arith.index_cast %mul3A_178 : i32 to index
        %get3A_650 = tpu.vector_load %arg7[%get3A_648, %get3A_649] {strides = array<i32>} : memref<100x128xf32, #tpu.memory_space<vmem>>, vector<16xf32>,
        %add3A_651 = arith.addf %add3A_631, %get3A_650 : vector<16xf32>
        %get3A_652 = arith.constant 94 : i32
        %get3A_653 = arith.index_cast %get3A_652 : i32 to index
        %get3A_654 = arith.index_cast %mul3A_178 : i32 to index
        %get3A_655 = tpu.vector_load %arg7[%get3A_653, %get3A_654] {strides = array<i32>} : memref<100x128xf32, #tpu.memory_space<vmem>>, vector<16xf32>,
        %add3A_656 = arith.addf %add3A_636, %get3A_655 : vector<16xf32>
        %get3A_657 = arith.constant 95 : i32
        %get3A_658 = arith.index_cast %get3A_657 : i32 to index
        %get3A_659 = arith.index_cast %mul3A_178 : i32 to index
        %get3A_660 = tpu.vector_load %arg7[%get3A_658, %get3A_659] {strides = array<i32>} : memref<100x128xf32, #tpu.memory_space<vmem>>, vector<16xf32>,
        %add3A_661 = arith.addf %add3A_641, %get3A_660 : vector<16xf32>
        %get3A_662 = arith.constant 96 : i32
        %get3A_663 = arith.index_cast %get3A_662 : i32 to index
        %get3A_664 = arith.index_cast %mul3A_178 : i32 to index
        %get3A_665 = tpu.vector_load %arg7[%get3A_663, %get3A_664] {strides = array<i32>} : memref<100x128xf32, #tpu.memory_space<vmem>>, vector<16xf32>,
        %add3A_666 = arith.addf %add3A_646, %get3A_665 : vector<16xf32>
        %get3A_667 = arith.constant 97 : i32
        %get3A_668 = arith.index_cast %get3A_667 : i32 to index
        %get3A_669 = arith.index_cast %mul3A_178 : i32 to index
        %get3A_670 = tpu.vector_load %arg7[%get3A_668, %get3A_669] {strides = array<i32>} : memref<100x128xf32, #tpu.memory_space<vmem>>, vector<16xf32>,
        %add3A_671 = arith.addf %add3A_651, %get3A_670 : vector<16xf32>
        %get3A_672 = arith.constant 98 : i32
        %get3A_673 = arith.index_cast %get3A_672 : i32 to index
        %get3A_674 = arith.index_cast %mul3A_178 : i32 to index
        %get3A_675 = tpu.vector_load %arg7[%get3A_673, %get3A_674] {strides = array<i32>} : memref<100x128xf32, #tpu.memory_space<vmem>>, vector<16xf32>,
        %add3A_676 = arith.addf %add3A_656, %get3A_675 : vector<16xf32>
        %get3A_677 = arith.constant 99 : i32
        %get3A_678 = arith.index_cast %get3A_677 : i32 to index
        %get3A_679 = arith.index_cast %mul3A_178 : i32 to index
        %get3A_680 = tpu.vector_load %arg7[%get3A_678, %get3A_679] {strides = array<i32>} : memref<100x128xf32, #tpu.memory_space<vmem>>, vector<16xf32>,
        %add3A_681 = arith.addf %add3A_661, %get3A_680 : vector<16xf32>
        %add3A_682 = arith.addf %add3A_676, %add3A_681 : vector<16xf32>
        %add3A_683 = arith.addf %add3A_666, %add3A_671 : vector<16xf32>
        %add3A_684 = arith.addf %add3A_682, %add3A_683 : vector<16xf32>
        %mul3A_685 = arith.constant 2.000000e-02 : f32
        %mul3A_686 = vector.broadcast %mul3A_685 : f32 to vector<16xf32>
        %mul3A_687 = arith.mulf %add3A_684, %mul3A_686 : vector<16xf32>
        %mul3A_688 = arith.constant 2 : i32
        %mul3A_689 = arith.muli %add3A_110, %mul3A_688 : i32
        %add3A_690 = arith.constant 1 : i32
        %add3A_691 = arith.addi %mul3A_689, %add3A_690 : i32
        %swap3A_692 = arith.index_cast %add3A_691 : i32 to index
        %swap3A_693 = arith.index_cast %mul3A_178 : i32 to index
        %swap3A_694 = tpu.vector_load %arg10[%swap3A_692, %swap3A_693] {strides = array<i32>} : memref<128x128xf32, #tpu.memory_space<vmem>>, vector<16xf32>,
        tpu.vector_store %arg10[%swap3A_692, %swap3A_693], %mul3A_687 {strides = array<i32>} : memref<128x128xf32, #tpu.memory_space<vmem>>, vector<16xf32>,
      }
      %scan3A_121 = arith.constant 8 : i32
      %add3A_122 = arith.constant 4 : i32
      %add3A_123 = arith.addi %add3A_110, %add3A_122 : i32
      %dma_start3A_124 = arith.constant 0 : i32
      %dma_start3A_125 = tpu.memref_slice %arg5[%add3A_123, %dma_start3A_124] : memref<64x100xi32, #tpu.memory_space<vmem>> -> memref<1x100xi32, #tpu.memory_space<vmem>>
      %dma_start3A_126 = tpu.memref_squeeze %dma_start3A_125 : memref<1x100xi32, #tpu.memory_space<vmem>> -> memref<100xi32, #tpu.memory_space<vmem>>
      %dma_start3A_127 = arith.constant 0 : i32
      %dma_start3A_128 = arith.constant 0 : i32
      %dma_start3A_129 = tpu.memref_slice %arg2[%dma_start3A_127, %dma_start3A_128] : memref<100000x128xf32, #tpu.memory_space<hbm>> -> memref<100000x128xf32, #tpu.memory_space<hbm>>
      tpu.enqueue_indirect_dma source(%dma_start3A_129 : memref<100000x128xf32, #tpu.memory_space<hbm>>) target(%arg7 : memref<100x128xf32, #tpu.memory_space<vmem>>) offsets(%dma_start3A_126 : memref<100xi32, #tpu.memory_space<vmem>>) semaphore(%arg12 : memref<!tpu.dma_semaphore, #tpu.memory_space<semaphore_mem>>)
      %add3A_130 = arith.constant 2 : i32
      %add3A_131 = arith.addi %add3A_87, %add3A_130 : i32
      %dma_wait3A_132 = arith.constant 0 : i32
      %dma_wait3A_133 = tpu.memref_slice %arg5[%add3A_131, %dma_wait3A_132] : memref<64x100xi32, #tpu.memory_space<vmem>> -> memref<1x100xi32, #tpu.memory_space<vmem>>
      %dma_wait3A_134 = tpu.memref_squeeze %dma_wait3A_133 : memref<1x100xi32, #tpu.memory_space<vmem>> -> memref<100xi32, #tpu.memory_space<vmem>>
      %dma_wait3A_135 = arith.constant 0 : i32
      %dma_wait3A_136 = arith.constant 0 : i32
      %dma_wait3A_137 = tpu.memref_slice %arg2[%dma_wait3A_135, %dma_wait3A_136] : memref<100000x128xf32, #tpu.memory_space<hbm>> -> memref<100000x128xf32, #tpu.memory_space<hbm>>
      tpu.wait_indirect_dma semaphore(%arg13 : memref<!tpu.dma_semaphore, #tpu.memory_space<semaphore_mem>>) src(%dma_wait3A_137 : memref<100000x128xf32, #tpu.memory_space<hbm>>) dst(%arg8 : memref<100x128xf32, #tpu.memory_space<vmem>>)
      %scan3A_138 = arith.constant 0 : i32
      %scan3A_139 = arith.constant 8 : i32
      %scan3A_140 = arith.addi %scan3A_138, %scan3A_139 : i32
      %scan3A_141 = arith.constant 1 : i32
      scf.for %scan3A_172 = %scan3A_138 to %scan3A_140 step %scan3A_141  : i32 {
        %mul3A_173 = arith.constant 1 : i32
        %mul3A_174 = arith.muli %scan3A_172, %mul3A_173 : i32
        %add3A_175 = arith.constant 0 : i32
        %add3A_176 = arith.addi %add3A_175, %mul3A_174 : i32
        %mul3A_177 = arith.constant 16 : i32
        %mul3A_178 = arith.muli %add3A_176, %mul3A_177 : i32
        %get3A = arith.constant 0 : i32
        %get3A_179 = arith.index_cast %get3A : i32 to index
        %get3A_180 = arith.index_cast %mul3A_178 : i32 to index
        %get3A_181 = tpu.vector_load %arg8[%get3A_179, %get3A_180] {strides = array<i32>} : memref<100x128xf32, #tpu.memory_space<vmem>>, vector<16xf32>,
        %get3A_182 = arith.constant 1 : i32
        %get3A_183 = arith.index_cast %get3A_182 : i32 to index
        %get3A_184 = arith.index_cast %mul3A_178 : i32 to index
        %get3A_185 = tpu.vector_load %arg8[%get3A_183, %get3A_184] {strides = array<i32>} : memref<100x128xf32, #tpu.memory_space<vmem>>, vector<16xf32>,
        %get3A_186 = arith.constant 2 : i32
        %get3A_187 = arith.index_cast %get3A_186 : i32 to index
        %get3A_188 = arith.index_cast %mul3A_178 : i32 to index
        %get3A_189 = tpu.vector_load %arg8[%get3A_187, %get3A_188] {strides = array<i32>} : memref<100x128xf32, #tpu.memory_space<vmem>>, vector<16xf32>,
        %get3A_190 = arith.constant 3 : i32
        %get3A_191 = arith.index_cast %get3A_190 : i32 to index
        %get3A_192 = arith.index_cast %mul3A_178 : i32 to index
        %get3A_193 = tpu.vector_load %arg8[%get3A_191, %get3A_192] {strides = array<i32>} : memref<100x128xf32, #tpu.memory_space<vmem>>, vector<16xf32>,
        %get3A_194 = arith.constant 4 : i32
        %get3A_195 = arith.index_cast %get3A_194 : i32 to index
        %get3A_196 = arith.index_cast %mul3A_178 : i32 to index
        %get3A_197 = tpu.vector_load %arg8[%get3A_195, %get3A_196] {strides = array<i32>} : memref<100x128xf32, #tpu.memory_space<vmem>>, vector<16xf32>,
        %add3A_198 = arith.addf %get3A_181, %get3A_197 : vector<16xf32>
        %get3A_199 = arith.constant 5 : i32
        %get3A_200 = arith.index_cast %get3A_199 : i32 to index
        %get3A_201 = arith.index_cast %mul3A_178 : i32 to index
        %get3A_202 = tpu.vector_load %arg8[%get3A_200, %get3A_201] {strides = array<i32>} : memref<100x128xf32, #tpu.memory_space<vmem>>, vector<16xf32>,
        %add3A_203 = arith.addf %get3A_185, %get3A_202 : vector<16xf32>
        %get3A_204 = arith.constant 6 : i32
        %get3A_205 = arith.index_cast %get3A_204 : i32 to index
        %get3A_206 = arith.index_cast %mul3A_178 : i32 to index
        %get3A_207 = tpu.vector_load %arg8[%get3A_205, %get3A_206] {strides = array<i32>} : memref<100x128xf32, #tpu.memory_space<vmem>>, vector<16xf32>,
        %add3A_208 = arith.addf %get3A_189, %get3A_207 : vector<16xf32>
        %get3A_209 = arith.constant 7 : i32
        %get3A_210 = arith.index_cast %get3A_209 : i32 to index
        %get3A_211 = arith.index_cast %mul3A_178 : i32 to index
        %get3A_212 = tpu.vector_load %arg8[%get3A_210, %get3A_211] {strides = array<i32>} : memref<100x128xf32, #tpu.memory_space<vmem>>, vector<16xf32>,
        %add3A_213 = arith.addf %get3A_193, %get3A_212 : vector<16xf32>
        %get3A_214 = arith.constant 8 : i32
        %get3A_215 = arith.index_cast %get3A_214 : i32 to index
        %get3A_216 = arith.index_cast %mul3A_178 : i32 to index
        %get3A_217 = tpu.vector_load %arg8[%get3A_215, %get3A_216] {strides = array<i32>} : memref<100x128xf32, #tpu.memory_space<vmem>>, vector<16xf32>,
        %add3A_218 = arith.addf %add3A_198, %get3A_217 : vector<16xf32>
        %get3A_219 = arith.constant 9 : i32
        %get3A_220 = arith.index_cast %get3A_219 : i32 to index
        %get3A_221 = arith.index_cast %mul3A_178 : i32 to index
        %get3A_222 = tpu.vector_load %arg8[%get3A_220, %get3A_221] {strides = array<i32>} : memref<100x128xf32, #tpu.memory_space<vmem>>, vector<16xf32>,
        %add3A_223 = arith.addf %add3A_203, %get3A_222 : vector<16xf32>
        %get3A_224 = arith.constant 10 : i32
        %get3A_225 = arith.index_cast %get3A_224 : i32 to index
        %get3A_226 = arith.index_cast %mul3A_178 : i32 to index
        %get3A_227 = tpu.vector_load %arg8[%get3A_225, %get3A_226] {strides = array<i32>} : memref<100x128xf32, #tpu.memory_space<vmem>>, vector<16xf32>,
        %add3A_228 = arith.addf %add3A_208, %get3A_227 : vector<16xf32>
        %get3A_229 = arith.constant 11 : i32
        %get3A_230 = arith.index_cast %get3A_229 : i32 to index
        %get3A_231 = arith.index_cast %mul3A_178 : i32 to index
        %get3A_232 = tpu.vector_load %arg8[%get3A_230, %get3A_231] {strides = array<i32>} : memref<100x128xf32, #tpu.memory_space<vmem>>, vector<16xf32>,
        %add3A_233 = arith.addf %add3A_213, %get3A_232 : vector<16xf32>
        %get3A_234 = arith.constant 12 : i32
        %get3A_235 = arith.index_cast %get3A_234 : i32 to index
        %get3A_236 = arith.index_cast %mul3A_178 : i32 to index
        %get3A_237 = tpu.vector_load %arg8[%get3A_235, %get3A_236] {strides = array<i32>} : memref<100x128xf32, #tpu.memory_space<vmem>>, vector<16xf32>,
        %add3A_238 = arith.addf %add3A_218, %get3A_237 : vector<16xf32>
        %get3A_239 = arith.constant 13 : i32
        %get3A_240 = arith.index_cast %get3A_239 : i32 to index
        %get3A_241 = arith.index_cast %mul3A_178 : i32 to index
        %get3A_242 = tpu.vector_load %arg8[%get3A_240, %get3A_241] {strides = array<i32>} : memref<100x128xf32, #tpu.memory_space<vmem>>, vector<16xf32>,
        %add3A_243 = arith.addf %add3A_223, %get3A_242 : vector<16xf32>
        %get3A_244 = arith.constant 14 : i32
        %get3A_245 = arith.index_cast %get3A_244 : i32 to index
        %get3A_246 = arith.index_cast %mul3A_178 : i32 to index
        %get3A_247 = tpu.vector_load %arg8[%get3A_245, %get3A_246] {strides = array<i32>} : memref<100x128xf32, #tpu.memory_space<vmem>>, vector<16xf32>,
        %add3A_248 = arith.addf %add3A_228, %get3A_247 : vector<16xf32>
        %get3A_249 = arith.constant 15 : i32
        %get3A_250 = arith.index_cast %get3A_249 : i32 to index
        %get3A_251 = arith.index_cast %mul3A_178 : i32 to index
        %get3A_252 = tpu.vector_load %arg8[%get3A_250, %get3A_251] {strides = array<i32>} : memref<100x128xf32, #tpu.memory_space<vmem>>, vector<16xf32>,
        %add3A_253 = arith.addf %add3A_233, %get3A_252 : vector<16xf32>
        %get3A_254 = arith.constant 16 : i32
        %get3A_255 = arith.index_cast %get3A_254 : i32 to index
        %get3A_256 = arith.index_cast %mul3A_178 : i32 to index
        %get3A_257 = tpu.vector_load %arg8[%get3A_255, %get3A_256] {strides = array<i32>} : memref<100x128xf32, #tpu.memory_space<vmem>>, vector<16xf32>,
        %add3A_258 = arith.addf %add3A_238, %get3A_257 : vector<16xf32>
        %get3A_259 = arith.constant 17 : i32
        %get3A_260 = arith.index_cast %get3A_259 : i32 to index
        %get3A_261 = arith.index_cast %mul3A_178 : i32 to index
        %get3A_262 = tpu.vector_load %arg8[%get3A_260, %get3A_261] {strides = array<i32>} : memref<100x128xf32, #tpu.memory_space<vmem>>, vector<16xf32>,
        %add3A_263 = arith.addf %add3A_243, %get3A_262 : vector<16xf32>
        %get3A_264 = arith.constant 18 : i32
        %get3A_265 = arith.index_cast %get3A_264 : i32 to index
        %get3A_266 = arith.index_cast %mul3A_178 : i32 to index
        %get3A_267 = tpu.vector_load %arg8[%get3A_265, %get3A_266] {strides = array<i32>} : memref<100x128xf32, #tpu.memory_space<vmem>>, vector<16xf32>,
        %add3A_268 = arith.addf %add3A_248, %get3A_267 : vector<16xf32>
        %get3A_269 = arith.constant 19 : i32
        %get3A_270 = arith.index_cast %get3A_269 : i32 to index
        %get3A_271 = arith.index_cast %mul3A_178 : i32 to index
        %get3A_272 = tpu.vector_load %arg8[%get3A_270, %get3A_271] {strides = array<i32>} : memref<100x128xf32, #tpu.memory_space<vmem>>, vector<16xf32>,
        %add3A_273 = arith.addf %add3A_253, %get3A_272 : vector<16xf32>
        %get3A_274 = arith.constant 20 : i32
        %get3A_275 = arith.index_cast %get3A_274 : i32 to index
        %get3A_276 = arith.index_cast %mul3A_178 : i32 to index
        %get3A_277 = tpu.vector_load %arg8[%get3A_275, %get3A_276] {strides = array<i32>} : memref<100x128xf32, #tpu.memory_space<vmem>>, vector<16xf32>,
        %add3A_278 = arith.addf %add3A_258, %get3A_277 : vector<16xf32>
        %get3A_279 = arith.constant 21 : i32
        %get3A_280 = arith.index_cast %get3A_279 : i32 to index
        %get3A_281 = arith.index_cast %mul3A_178 : i32 to index
        %get3A_282 = tpu.vector_load %arg8[%get3A_280, %get3A_281] {strides = array<i32>} : memref<100x128xf32, #tpu.memory_space<vmem>>, vector<16xf32>,
        %add3A_283 = arith.addf %add3A_263, %get3A_282 : vector<16xf32>
        %get3A_284 = arith.constant 22 : i32
        %get3A_285 = arith.index_cast %get3A_284 : i32 to index
        %get3A_286 = arith.index_cast %mul3A_178 : i32 to index
        %get3A_287 = tpu.vector_load %arg8[%get3A_285, %get3A_286] {strides = array<i32>} : memref<100x128xf32, #tpu.memory_space<vmem>>, vector<16xf32>,
        %add3A_288 = arith.addf %add3A_268, %get3A_287 : vector<16xf32>
        %get3A_289 = arith.constant 23 : i32
        %get3A_290 = arith.index_cast %get3A_289 : i32 to index
        %get3A_291 = arith.index_cast %mul3A_178 : i32 to index
        %get3A_292 = tpu.vector_load %arg8[%get3A_290, %get3A_291] {strides = array<i32>} : memref<100x128xf32, #tpu.memory_space<vmem>>, vector<16xf32>,
        %add3A_293 = arith.addf %add3A_273, %get3A_292 : vector<16xf32>
        %get3A_294 = arith.constant 24 : i32
        %get3A_295 = arith.index_cast %get3A_294 : i32 to index
        %get3A_296 = arith.index_cast %mul3A_178 : i32 to index
        %get3A_297 = tpu.vector_load %arg8[%get3A_295, %get3A_296] {strides = array<i32>} : memref<100x128xf32, #tpu.memory_space<vmem>>, vector<16xf32>,
        %add3A_298 = arith.addf %add3A_278, %get3A_297 : vector<16xf32>
        %get3A_299 = arith.constant 25 : i32
        %get3A_300 = arith.index_cast %get3A_299 : i32 to index
        %get3A_301 = arith.index_cast %mul3A_178 : i32 to index
        %get3A_302 = tpu.vector_load %arg8[%get3A_300, %get3A_301] {strides = array<i32>} : memref<100x128xf32, #tpu.memory_space<vmem>>, vector<16xf32>,
        %add3A_303 = arith.addf %add3A_283, %get3A_302 : vector<16xf32>
        %get3A_304 = arith.constant 26 : i32
        %get3A_305 = arith.index_cast %get3A_304 : i32 to index
        %get3A_306 = arith.index_cast %mul3A_178 : i32 to index
        %get3A_307 = tpu.vector_load %arg8[%get3A_305, %get3A_306] {strides = array<i32>} : memref<100x128xf32, #tpu.memory_space<vmem>>, vector<16xf32>,
        %add3A_308 = arith.addf %add3A_288, %get3A_307 : vector<16xf32>
        %get3A_309 = arith.constant 27 : i32
        %get3A_310 = arith.index_cast %get3A_309 : i32 to index
        %get3A_311 = arith.index_cast %mul3A_178 : i32 to index
        %get3A_312 = tpu.vector_load %arg8[%get3A_310, %get3A_311] {strides = array<i32>} : memref<100x128xf32, #tpu.memory_space<vmem>>, vector<16xf32>,
        %add3A_313 = arith.addf %add3A_293, %get3A_312 : vector<16xf32>
        %get3A_314 = arith.constant 28 : i32
        %get3A_315 = arith.index_cast %get3A_314 : i32 to index
        %get3A_316 = arith.index_cast %mul3A_178 : i32 to index
        %get3A_317 = tpu.vector_load %arg8[%get3A_315, %get3A_316] {strides = array<i32>} : memref<100x128xf32, #tpu.memory_space<vmem>>, vector<16xf32>,
        %add3A_318 = arith.addf %add3A_298, %get3A_317 : vector<16xf32>
        %get3A_319 = arith.constant 29 : i32
        %get3A_320 = arith.index_cast %get3A_319 : i32 to index
        %get3A_321 = arith.index_cast %mul3A_178 : i32 to index
        %get3A_322 = tpu.vector_load %arg8[%get3A_320, %get3A_321] {strides = array<i32>} : memref<100x128xf32, #tpu.memory_space<vmem>>, vector<16xf32>,
        %add3A_323 = arith.addf %add3A_303, %get3A_322 : vector<16xf32>
        %get3A_324 = arith.constant 30 : i32
        %get3A_325 = arith.index_cast %get3A_324 : i32 to index
        %get3A_326 = arith.index_cast %mul3A_178 : i32 to index
        %get3A_327 = tpu.vector_load %arg8[%get3A_325, %get3A_326] {strides = array<i32>} : memref<100x128xf32, #tpu.memory_space<vmem>>, vector<16xf32>,
        %add3A_328 = arith.addf %add3A_308, %get3A_327 : vector<16xf32>
        %get3A_329 = arith.constant 31 : i32
        %get3A_330 = arith.index_cast %get3A_329 : i32 to index
        %get3A_331 = arith.index_cast %mul3A_178 : i32 to index
        %get3A_332 = tpu.vector_load %arg8[%get3A_330, %get3A_331] {strides = array<i32>} : memref<100x128xf32, #tpu.memory_space<vmem>>, vector<16xf32>,
        %add3A_333 = arith.addf %add3A_313, %get3A_332 : vector<16xf32>
        %get3A_334 = arith.constant 32 : i32
        %get3A_335 = arith.index_cast %get3A_334 : i32 to index
        %get3A_336 = arith.index_cast %mul3A_178 : i32 to index
        %get3A_337 = tpu.vector_load %arg8[%get3A_335, %get3A_336] {strides = array<i32>} : memref<100x128xf32, #tpu.memory_space<vmem>>, vector<16xf32>,
        %add3A_338 = arith.addf %add3A_318, %get3A_337 : vector<16xf32>
        %get3A_339 = arith.constant 33 : i32
        %get3A_340 = arith.index_cast %get3A_339 : i32 to index
        %get3A_341 = arith.index_cast %mul3A_178 : i32 to index
        %get3A_342 = tpu.vector_load %arg8[%get3A_340, %get3A_341] {strides = array<i32>} : memref<100x128xf32, #tpu.memory_space<vmem>>, vector<16xf32>,
        %add3A_343 = arith.addf %add3A_323, %get3A_342 : vector<16xf32>
        %get3A_344 = arith.constant 34 : i32
        %get3A_345 = arith.index_cast %get3A_344 : i32 to index
        %get3A_346 = arith.index_cast %mul3A_178 : i32 to index
        %get3A_347 = tpu.vector_load %arg8[%get3A_345, %get3A_346] {strides = array<i32>} : memref<100x128xf32, #tpu.memory_space<vmem>>, vector<16xf32>,
        %add3A_348 = arith.addf %add3A_328, %get3A_347 : vector<16xf32>
        %get3A_349 = arith.constant 35 : i32
        %get3A_350 = arith.index_cast %get3A_349 : i32 to index
        %get3A_351 = arith.index_cast %mul3A_178 : i32 to index
        %get3A_352 = tpu.vector_load %arg8[%get3A_350, %get3A_351] {strides = array<i32>} : memref<100x128xf32, #tpu.memory_space<vmem>>, vector<16xf32>,
        %add3A_353 = arith.addf %add3A_333, %get3A_352 : vector<16xf32>
        %get3A_354 = arith.constant 36 : i32
        %get3A_355 = arith.index_cast %get3A_354 : i32 to index
        %get3A_356 = arith.index_cast %mul3A_178 : i32 to index
        %get3A_357 = tpu.vector_load %arg8[%get3A_355, %get3A_356] {strides = array<i32>} : memref<100x128xf32, #tpu.memory_space<vmem>>, vector<16xf32>,
        %add3A_358 = arith.addf %add3A_338, %get3A_357 : vector<16xf32>
        %get3A_359 = arith.constant 37 : i32
        %get3A_360 = arith.index_cast %get3A_359 : i32 to index
        %get3A_361 = arith.index_cast %mul3A_178 : i32 to index
        %get3A_362 = tpu.vector_load %arg8[%get3A_360, %get3A_361] {strides = array<i32>} : memref<100x128xf32, #tpu.memory_space<vmem>>, vector<16xf32>,
        %add3A_363 = arith.addf %add3A_343, %get3A_362 : vector<16xf32>
        %get3A_364 = arith.constant 38 : i32
        %get3A_365 = arith.index_cast %get3A_364 : i32 to index
        %get3A_366 = arith.index_cast %mul3A_178 : i32 to index
        %get3A_367 = tpu.vector_load %arg8[%get3A_365, %get3A_366] {strides = array<i32>} : memref<100x128xf32, #tpu.memory_space<vmem>>, vector<16xf32>,
        %add3A_368 = arith.addf %add3A_348, %get3A_367 : vector<16xf32>
        %get3A_369 = arith.constant 39 : i32
        %get3A_370 = arith.index_cast %get3A_369 : i32 to index
        %get3A_371 = arith.index_cast %mul3A_178 : i32 to index
        %get3A_372 = tpu.vector_load %arg8[%get3A_370, %get3A_371] {strides = array<i32>} : memref<100x128xf32, #tpu.memory_space<vmem>>, vector<16xf32>,
        %add3A_373 = arith.addf %add3A_353, %get3A_372 : vector<16xf32>
        %get3A_374 = arith.constant 40 : i32
        %get3A_375 = arith.index_cast %get3A_374 : i32 to index
        %get3A_376 = arith.index_cast %mul3A_178 : i32 to index
        %get3A_377 = tpu.vector_load %arg8[%get3A_375, %get3A_376] {strides = array<i32>} : memref<100x128xf32, #tpu.memory_space<vmem>>, vector<16xf32>,
        %add3A_378 = arith.addf %add3A_358, %get3A_377 : vector<16xf32>
        %get3A_379 = arith.constant 41 : i32
        %get3A_380 = arith.index_cast %get3A_379 : i32 to index
        %get3A_381 = arith.index_cast %mul3A_178 : i32 to index
        %get3A_382 = tpu.vector_load %arg8[%get3A_380, %get3A_381] {strides = array<i32>} : memref<100x128xf32, #tpu.memory_space<vmem>>, vector<16xf32>,
        %add3A_383 = arith.addf %add3A_363, %get3A_382 : vector<16xf32>
        %get3A_384 = arith.constant 42 : i32
        %get3A_385 = arith.index_cast %get3A_384 : i32 to index
        %get3A_386 = arith.index_cast %mul3A_178 : i32 to index
        %get3A_387 = tpu.vector_load %arg8[%get3A_385, %get3A_386] {strides = array<i32>} : memref<100x128xf32, #tpu.memory_space<vmem>>, vector<16xf32>,
        %add3A_388 = arith.addf %add3A_368, %get3A_387 : vector<16xf32>
        %get3A_389 = arith.constant 43 : i32
        %get3A_390 = arith.index_cast %get3A_389 : i32 to index
        %get3A_391 = arith.index_cast %mul3A_178 : i32 to index
        %get3A_392 = tpu.vector_load %arg8[%get3A_390, %get3A_391] {strides = array<i32>} : memref<100x128xf32, #tpu.memory_space<vmem>>, vector<16xf32>,
        %add3A_393 = arith.addf %add3A_373, %get3A_392 : vector<16xf32>
        %get3A_394 = arith.constant 44 : i32
        %get3A_395 = arith.index_cast %get3A_394 : i32 to index
        %get3A_396 = arith.index_cast %mul3A_178 : i32 to index
        %get3A_397 = tpu.vector_load %arg8[%get3A_395, %get3A_396] {strides = array<i32>} : memref<100x128xf32, #tpu.memory_space<vmem>>, vector<16xf32>,
        %add3A_398 = arith.addf %add3A_378, %get3A_397 : vector<16xf32>
        %get3A_399 = arith.constant 45 : i32
        %get3A_400 = arith.index_cast %get3A_399 : i32 to index
        %get3A_401 = arith.index_cast %mul3A_178 : i32 to index
        %get3A_402 = tpu.vector_load %arg8[%get3A_400, %get3A_401] {strides = array<i32>} : memref<100x128xf32, #tpu.memory_space<vmem>>, vector<16xf32>,
        %add3A_403 = arith.addf %add3A_383, %get3A_402 : vector<16xf32>
        %get3A_404 = arith.constant 46 : i32
        %get3A_405 = arith.index_cast %get3A_404 : i32 to index
        %get3A_406 = arith.index_cast %mul3A_178 : i32 to index
        %get3A_407 = tpu.vector_load %arg8[%get3A_405, %get3A_406] {strides = array<i32>} : memref<100x128xf32, #tpu.memory_space<vmem>>, vector<16xf32>,
        %add3A_408 = arith.addf %add3A_388, %get3A_407 : vector<16xf32>
        %get3A_409 = arith.constant 47 : i32
        %get3A_410 = arith.index_cast %get3A_409 : i32 to index
        %get3A_411 = arith.index_cast %mul3A_178 : i32 to index
        %get3A_412 = tpu.vector_load %arg8[%get3A_410, %get3A_411] {strides = array<i32>} : memref<100x128xf32, #tpu.memory_space<vmem>>, vector<16xf32>,
        %add3A_413 = arith.addf %add3A_393, %get3A_412 : vector<16xf32>
        %get3A_414 = arith.constant 48 : i32
        %get3A_415 = arith.index_cast %get3A_414 : i32 to index
        %get3A_416 = arith.index_cast %mul3A_178 : i32 to index
        %get3A_417 = tpu.vector_load %arg8[%get3A_415, %get3A_416] {strides = array<i32>} : memref<100x128xf32, #tpu.memory_space<vmem>>, vector<16xf32>,
        %add3A_418 = arith.addf %add3A_398, %get3A_417 : vector<16xf32>
        %get3A_419 = arith.constant 49 : i32
        %get3A_420 = arith.index_cast %get3A_419 : i32 to index
        %get3A_421 = arith.index_cast %mul3A_178 : i32 to index
        %get3A_422 = tpu.vector_load %arg8[%get3A_420, %get3A_421] {strides = array<i32>} : memref<100x128xf32, #tpu.memory_space<vmem>>, vector<16xf32>,
        %add3A_423 = arith.addf %add3A_403, %get3A_422 : vector<16xf32>
        %add3A_424 = arith.addf %add3A_418, %add3A_423 : vector<16xf32>
        %add3A_425 = arith.addf %add3A_408, %add3A_413 : vector<16xf32>
        %add3A_426 = arith.addf %add3A_424, %add3A_425 : vector<16xf32>
        %mul3A_427 = arith.constant 2.000000e-02 : f32
        %mul3A_428 = vector.broadcast %mul3A_427 : f32 to vector<16xf32>
        %mul3A_429 = arith.mulf %add3A_426, %mul3A_428 : vector<16xf32>
        %mul3A_430 = arith.constant 2 : i32
        %mul3A_431 = arith.muli %add3A_131, %mul3A_430 : i32
        %add3A_432 = arith.constant 0 : i32
        %add3A_433 = arith.addi %mul3A_431, %add3A_432 : i32
        %swap3A = arith.index_cast %add3A_433 : i32 to index
        %swap3A_434 = arith.index_cast %mul3A_178 : i32 to index
        %swap3A_435 = tpu.vector_load %arg10[%swap3A, %swap3A_434] {strides = array<i32>} : memref<128x128xf32, #tpu.memory_space<vmem>>, vector<16xf32>,
        tpu.vector_store %arg10[%swap3A, %swap3A_434], %mul3A_429 {strides = array<i32>} : memref<128x128xf32, #tpu.memory_space<vmem>>, vector<16xf32>,
        %get3A_436 = arith.constant 50 : i32
        %get3A_437 = arith.index_cast %get3A_436 : i32 to index
        %get3A_438 = arith.index_cast %mul3A_178 : i32 to index
        %get3A_439 = tpu.vector_load %arg8[%get3A_437, %get3A_438] {strides = array<i32>} : memref<100x128xf32, #tpu.memory_space<vmem>>, vector<16xf32>,
        %get3A_440 = arith.constant 51 : i32
        %get3A_441 = arith.index_cast %get3A_440 : i32 to index
        %get3A_442 = arith.index_cast %mul3A_178 : i32 to index
        %get3A_443 = tpu.vector_load %arg8[%get3A_441, %get3A_442] {strides = array<i32>} : memref<100x128xf32, #tpu.memory_space<vmem>>, vector<16xf32>,
        %get3A_444 = arith.constant 52 : i32
        %get3A_445 = arith.index_cast %get3A_444 : i32 to index
        %get3A_446 = arith.index_cast %mul3A_178 : i32 to index
        %get3A_447 = tpu.vector_load %arg8[%get3A_445, %get3A_446] {strides = array<i32>} : memref<100x128xf32, #tpu.memory_space<vmem>>, vector<16xf32>,
        %get3A_448 = arith.constant 53 : i32
        %get3A_449 = arith.index_cast %get3A_448 : i32 to index
        %get3A_450 = arith.index_cast %mul3A_178 : i32 to index
        %get3A_451 = tpu.vector_load %arg8[%get3A_449, %get3A_450] {strides = array<i32>} : memref<100x128xf32, #tpu.memory_space<vmem>>, vector<16xf32>,
        %get3A_452 = arith.constant 54 : i32
        %get3A_453 = arith.index_cast %get3A_452 : i32 to index
        %get3A_454 = arith.index_cast %mul3A_178 : i32 to index
        %get3A_455 = tpu.vector_load %arg8[%get3A_453, %get3A_454] {strides = array<i32>} : memref<100x128xf32, #tpu.memory_space<vmem>>, vector<16xf32>,
        %add3A_456 = arith.addf %get3A_439, %get3A_455 : vector<16xf32>
        %get3A_457 = arith.constant 55 : i32
        %get3A_458 = arith.index_cast %get3A_457 : i32 to index
        %get3A_459 = arith.index_cast %mul3A_178 : i32 to index
        %get3A_460 = tpu.vector_load %arg8[%get3A_458, %get3A_459] {strides = array<i32>} : memref<100x128xf32, #tpu.memory_space<vmem>>, vector<16xf32>,
        %add3A_461 = arith.addf %get3A_443, %get3A_460 : vector<16xf32>
        %get3A_462 = arith.constant 56 : i32
        %get3A_463 = arith.index_cast %get3A_462 : i32 to index
        %get3A_464 = arith.index_cast %mul3A_178 : i32 to index
        %get3A_465 = tpu.vector_load %arg8[%get3A_463, %get3A_464] {strides = array<i32>} : memref<100x128xf32, #tpu.memory_space<vmem>>, vector<16xf32>,
        %add3A_466 = arith.addf %get3A_447, %get3A_465 : vector<16xf32>
        %get3A_467 = arith.constant 57 : i32
        %get3A_468 = arith.index_cast %get3A_467 : i32 to index
        %get3A_469 = arith.index_cast %mul3A_178 : i32 to index
        %get3A_470 = tpu.vector_load %arg8[%get3A_468, %get3A_469] {strides = array<i32>} : memref<100x128xf32, #tpu.memory_space<vmem>>, vector<16xf32>,
        %add3A_471 = arith.addf %get3A_451, %get3A_470 : vector<16xf32>
        %get3A_472 = arith.constant 58 : i32
        %get3A_473 = arith.index_cast %get3A_472 : i32 to index
        %get3A_474 = arith.index_cast %mul3A_178 : i32 to index
        %get3A_475 = tpu.vector_load %arg8[%get3A_473, %get3A_474] {strides = array<i32>} : memref<100x128xf32, #tpu.memory_space<vmem>>, vector<16xf32>,
        %add3A_476 = arith.addf %add3A_456, %get3A_475 : vector<16xf32>
        %get3A_477 = arith.constant 59 : i32
        %get3A_478 = arith.index_cast %get3A_477 : i32 to index
        %get3A_479 = arith.index_cast %mul3A_178 : i32 to index
        %get3A_480 = tpu.vector_load %arg8[%get3A_478, %get3A_479] {strides = array<i32>} : memref<100x128xf32, #tpu.memory_space<vmem>>, vector<16xf32>,
        %add3A_481 = arith.addf %add3A_461, %get3A_480 : vector<16xf32>
        %get3A_482 = arith.constant 60 : i32
        %get3A_483 = arith.index_cast %get3A_482 : i32 to index
        %get3A_484 = arith.index_cast %mul3A_178 : i32 to index
        %get3A_485 = tpu.vector_load %arg8[%get3A_483, %get3A_484] {strides = array<i32>} : memref<100x128xf32, #tpu.memory_space<vmem>>, vector<16xf32>,
        %add3A_486 = arith.addf %add3A_466, %get3A_485 : vector<16xf32>
        %get3A_487 = arith.constant 61 : i32
        %get3A_488 = arith.index_cast %get3A_487 : i32 to index
        %get3A_489 = arith.index_cast %mul3A_178 : i32 to index
        %get3A_490 = tpu.vector_load %arg8[%get3A_488, %get3A_489] {strides = array<i32>} : memref<100x128xf32, #tpu.memory_space<vmem>>, vector<16xf32>,
        %add3A_491 = arith.addf %add3A_471, %get3A_490 : vector<16xf32>
        %get3A_492 = arith.constant 62 : i32
        %get3A_493 = arith.index_cast %get3A_492 : i32 to index
        %get3A_494 = arith.index_cast %mul3A_178 : i32 to index
        %get3A_495 = tpu.vector_load %arg8[%get3A_493, %get3A_494] {strides = array<i32>} : memref<100x128xf32, #tpu.memory_space<vmem>>, vector<16xf32>,
        %add3A_496 = arith.addf %add3A_476, %get3A_495 : vector<16xf32>
        %get3A_497 = arith.constant 63 : i32
        %get3A_498 = arith.index_cast %get3A_497 : i32 to index
        %get3A_499 = arith.index_cast %mul3A_178 : i32 to index
        %get3A_500 = tpu.vector_load %arg8[%get3A_498, %get3A_499] {strides = array<i32>} : memref<100x128xf32, #tpu.memory_space<vmem>>, vector<16xf32>,
        %add3A_501 = arith.addf %add3A_481, %get3A_500 : vector<16xf32>
        %get3A_502 = arith.constant 64 : i32
        %get3A_503 = arith.index_cast %get3A_502 : i32 to index
        %get3A_504 = arith.index_cast %mul3A_178 : i32 to index
        %get3A_505 = tpu.vector_load %arg8[%get3A_503, %get3A_504] {strides = array<i32>} : memref<100x128xf32, #tpu.memory_space<vmem>>, vector<16xf32>,
        %add3A_506 = arith.addf %add3A_486, %get3A_505 : vector<16xf32>
        %get3A_507 = arith.constant 65 : i32
        %get3A_508 = arith.index_cast %get3A_507 : i32 to index
        %get3A_509 = arith.index_cast %mul3A_178 : i32 to index
        %get3A_510 = tpu.vector_load %arg8[%get3A_508, %get3A_509] {strides = array<i32>} : memref<100x128xf32, #tpu.memory_space<vmem>>, vector<16xf32>,
        %add3A_511 = arith.addf %add3A_491, %get3A_510 : vector<16xf32>
        %get3A_512 = arith.constant 66 : i32
        %get3A_513 = arith.index_cast %get3A_512 : i32 to index
        %get3A_514 = arith.index_cast %mul3A_178 : i32 to index
        %get3A_515 = tpu.vector_load %arg8[%get3A_513, %get3A_514] {strides = array<i32>} : memref<100x128xf32, #tpu.memory_space<vmem>>, vector<16xf32>,
        %add3A_516 = arith.addf %add3A_496, %get3A_515 : vector<16xf32>
        %get3A_517 = arith.constant 67 : i32
        %get3A_518 = arith.index_cast %get3A_517 : i32 to index
        %get3A_519 = arith.index_cast %mul3A_178 : i32 to index
        %get3A_520 = tpu.vector_load %arg8[%get3A_518, %get3A_519] {strides = array<i32>} : memref<100x128xf32, #tpu.memory_space<vmem>>, vector<16xf32>,
        %add3A_521 = arith.addf %add3A_501, %get3A_520 : vector<16xf32>
        %get3A_522 = arith.constant 68 : i32
        %get3A_523 = arith.index_cast %get3A_522 : i32 to index
        %get3A_524 = arith.index_cast %mul3A_178 : i32 to index
        %get3A_525 = tpu.vector_load %arg8[%get3A_523, %get3A_524] {strides = array<i32>} : memref<100x128xf32, #tpu.memory_space<vmem>>, vector<16xf32>,
        %add3A_526 = arith.addf %add3A_506, %get3A_525 : vector<16xf32>
        %get3A_527 = arith.constant 69 : i32
        %get3A_528 = arith.index_cast %get3A_527 : i32 to index
        %get3A_529 = arith.index_cast %mul3A_178 : i32 to index
        %get3A_530 = tpu.vector_load %arg8[%get3A_528, %get3A_529] {strides = array<i32>} : memref<100x128xf32, #tpu.memory_space<vmem>>, vector<16xf32>,
        %add3A_531 = arith.addf %add3A_511, %get3A_530 : vector<16xf32>
        %get3A_532 = arith.constant 70 : i32
        %get3A_533 = arith.index_cast %get3A_532 : i32 to index
        %get3A_534 = arith.index_cast %mul3A_178 : i32 to index
        %get3A_535 = tpu.vector_load %arg8[%get3A_533, %get3A_534] {strides = array<i32>} : memref<100x128xf32, #tpu.memory_space<vmem>>, vector<16xf32>,
        %add3A_536 = arith.addf %add3A_516, %get3A_535 : vector<16xf32>
        %get3A_537 = arith.constant 71 : i32
        %get3A_538 = arith.index_cast %get3A_537 : i32 to index
        %get3A_539 = arith.index_cast %mul3A_178 : i32 to index
        %get3A_540 = tpu.vector_load %arg8[%get3A_538, %get3A_539] {strides = array<i32>} : memref<100x128xf32, #tpu.memory_space<vmem>>, vector<16xf32>,
        %add3A_541 = arith.addf %add3A_521, %get3A_540 : vector<16xf32>
        %get3A_542 = arith.constant 72 : i32
        %get3A_543 = arith.index_cast %get3A_542 : i32 to index
        %get3A_544 = arith.index_cast %mul3A_178 : i32 to index
        %get3A_545 = tpu.vector_load %arg8[%get3A_543, %get3A_544] {strides = array<i32>} : memref<100x128xf32, #tpu.memory_space<vmem>>, vector<16xf32>,
        %add3A_546 = arith.addf %add3A_526, %get3A_545 : vector<16xf32>
        %get3A_547 = arith.constant 73 : i32
        %get3A_548 = arith.index_cast %get3A_547 : i32 to index
        %get3A_549 = arith.index_cast %mul3A_178 : i32 to index
        %get3A_550 = tpu.vector_load %arg8[%get3A_548, %get3A_549] {strides = array<i32>} : memref<100x128xf32, #tpu.memory_space<vmem>>, vector<16xf32>,
        %add3A_551 = arith.addf %add3A_531, %get3A_550 : vector<16xf32>
        %get3A_552 = arith.constant 74 : i32
        %get3A_553 = arith.index_cast %get3A_552 : i32 to index
        %get3A_554 = arith.index_cast %mul3A_178 : i32 to index
        %get3A_555 = tpu.vector_load %arg8[%get3A_553, %get3A_554] {strides = array<i32>} : memref<100x128xf32, #tpu.memory_space<vmem>>, vector<16xf32>,
        %add3A_556 = arith.addf %add3A_536, %get3A_555 : vector<16xf32>
        %get3A_557 = arith.constant 75 : i32
        %get3A_558 = arith.index_cast %get3A_557 : i32 to index
        %get3A_559 = arith.index_cast %mul3A_178 : i32 to index
        %get3A_560 = tpu.vector_load %arg8[%get3A_558, %get3A_559] {strides = array<i32>} : memref<100x128xf32, #tpu.memory_space<vmem>>, vector<16xf32>,
        %add3A_561 = arith.addf %add3A_541, %get3A_560 : vector<16xf32>
        %get3A_562 = arith.constant 76 : i32
        %get3A_563 = arith.index_cast %get3A_562 : i32 to index
        %get3A_564 = arith.index_cast %mul3A_178 : i32 to index
        %get3A_565 = tpu.vector_load %arg8[%get3A_563, %get3A_564] {strides = array<i32>} : memref<100x128xf32, #tpu.memory_space<vmem>>, vector<16xf32>,
        %add3A_566 = arith.addf %add3A_546, %get3A_565 : vector<16xf32>
        %get3A_567 = arith.constant 77 : i32
        %get3A_568 = arith.index_cast %get3A_567 : i32 to index
        %get3A_569 = arith.index_cast %mul3A_178 : i32 to index
        %get3A_570 = tpu.vector_load %arg8[%get3A_568, %get3A_569] {strides = array<i32>} : memref<100x128xf32, #tpu.memory_space<vmem>>, vector<16xf32>,
        %add3A_571 = arith.addf %add3A_551, %get3A_570 : vector<16xf32>
        %get3A_572 = arith.constant 78 : i32
        %get3A_573 = arith.index_cast %get3A_572 : i32 to index
        %get3A_574 = arith.index_cast %mul3A_178 : i32 to index
        %get3A_575 = tpu.vector_load %arg8[%get3A_573, %get3A_574] {strides = array<i32>} : memref<100x128xf32, #tpu.memory_space<vmem>>, vector<16xf32>,
        %add3A_576 = arith.addf %add3A_556, %get3A_575 : vector<16xf32>
        %get3A_577 = arith.constant 79 : i32
        %get3A_578 = arith.index_cast %get3A_577 : i32 to index
        %get3A_579 = arith.index_cast %mul3A_178 : i32 to index
        %get3A_580 = tpu.vector_load %arg8[%get3A_578, %get3A_579] {strides = array<i32>} : memref<100x128xf32, #tpu.memory_space<vmem>>, vector<16xf32>,
        %add3A_581 = arith.addf %add3A_561, %get3A_580 : vector<16xf32>
        %get3A_582 = arith.constant 80 : i32
        %get3A_583 = arith.index_cast %get3A_582 : i32 to index
        %get3A_584 = arith.index_cast %mul3A_178 : i32 to index
        %get3A_585 = tpu.vector_load %arg8[%get3A_583, %get3A_584] {strides = array<i32>} : memref<100x128xf32, #tpu.memory_space<vmem>>, vector<16xf32>,
        %add3A_586 = arith.addf %add3A_566, %get3A_585 : vector<16xf32>
        %get3A_587 = arith.constant 81 : i32
        %get3A_588 = arith.index_cast %get3A_587 : i32 to index
        %get3A_589 = arith.index_cast %mul3A_178 : i32 to index
        %get3A_590 = tpu.vector_load %arg8[%get3A_588, %get3A_589] {strides = array<i32>} : memref<100x128xf32, #tpu.memory_space<vmem>>, vector<16xf32>,
        %add3A_591 = arith.addf %add3A_571, %get3A_590 : vector<16xf32>
        %get3A_592 = arith.constant 82 : i32
        %get3A_593 = arith.index_cast %get3A_592 : i32 to index
        %get3A_594 = arith.index_cast %mul3A_178 : i32 to index
        %get3A_595 = tpu.vector_load %arg8[%get3A_593, %get3A_594] {strides = array<i32>} : memref<100x128xf32, #tpu.memory_space<vmem>>, vector<16xf32>,
        %add3A_596 = arith.addf %add3A_576, %get3A_595 : vector<16xf32>
        %get3A_597 = arith.constant 83 : i32
        %get3A_598 = arith.index_cast %get3A_597 : i32 to index
        %get3A_599 = arith.index_cast %mul3A_178 : i32 to index
        %get3A_600 = tpu.vector_load %arg8[%get3A_598, %get3A_599] {strides = array<i32>} : memref<100x128xf32, #tpu.memory_space<vmem>>, vector<16xf32>,
        %add3A_601 = arith.addf %add3A_581, %get3A_600 : vector<16xf32>
        %get3A_602 = arith.constant 84 : i32
        %get3A_603 = arith.index_cast %get3A_602 : i32 to index
        %get3A_604 = arith.index_cast %mul3A_178 : i32 to index
        %get3A_605 = tpu.vector_load %arg8[%get3A_603, %get3A_604] {strides = array<i32>} : memref<100x128xf32, #tpu.memory_space<vmem>>, vector<16xf32>,
        %add3A_606 = arith.addf %add3A_586, %get3A_605 : vector<16xf32>
        %get3A_607 = arith.constant 85 : i32
        %get3A_608 = arith.index_cast %get3A_607 : i32 to index
        %get3A_609 = arith.index_cast %mul3A_178 : i32 to index
        %get3A_610 = tpu.vector_load %arg8[%get3A_608, %get3A_609] {strides = array<i32>} : memref<100x128xf32, #tpu.memory_space<vmem>>, vector<16xf32>,
        %add3A_611 = arith.addf %add3A_591, %get3A_610 : vector<16xf32>
        %get3A_612 = arith.constant 86 : i32
        %get3A_613 = arith.index_cast %get3A_612 : i32 to index
        %get3A_614 = arith.index_cast %mul3A_178 : i32 to index
        %get3A_615 = tpu.vector_load %arg8[%get3A_613, %get3A_614] {strides = array<i32>} : memref<100x128xf32, #tpu.memory_space<vmem>>, vector<16xf32>,
        %add3A_616 = arith.addf %add3A_596, %get3A_615 : vector<16xf32>
        %get3A_617 = arith.constant 87 : i32
        %get3A_618 = arith.index_cast %get3A_617 : i32 to index
        %get3A_619 = arith.index_cast %mul3A_178 : i32 to index
        %get3A_620 = tpu.vector_load %arg8[%get3A_618, %get3A_619] {strides = array<i32>} : memref<100x128xf32, #tpu.memory_space<vmem>>, vector<16xf32>,
        %add3A_621 = arith.addf %add3A_601, %get3A_620 : vector<16xf32>
        %get3A_622 = arith.constant 88 : i32
        %get3A_623 = arith.index_cast %get3A_622 : i32 to index
        %get3A_624 = arith.index_cast %mul3A_178 : i32 to index
        %get3A_625 = tpu.vector_load %arg8[%get3A_623, %get3A_624] {strides = array<i32>} : memref<100x128xf32, #tpu.memory_space<vmem>>, vector<16xf32>,
        %add3A_626 = arith.addf %add3A_606, %get3A_625 : vector<16xf32>
        %get3A_627 = arith.constant 89 : i32
        %get3A_628 = arith.index_cast %get3A_627 : i32 to index
        %get3A_629 = arith.index_cast %mul3A_178 : i32 to index
        %get3A_630 = tpu.vector_load %arg8[%get3A_628, %get3A_629] {strides = array<i32>} : memref<100x128xf32, #tpu.memory_space<vmem>>, vector<16xf32>,
        %add3A_631 = arith.addf %add3A_611, %get3A_630 : vector<16xf32>
        %get3A_632 = arith.constant 90 : i32
        %get3A_633 = arith.index_cast %get3A_632 : i32 to index
        %get3A_634 = arith.index_cast %mul3A_178 : i32 to index
        %get3A_635 = tpu.vector_load %arg8[%get3A_633, %get3A_634] {strides = array<i32>} : memref<100x128xf32, #tpu.memory_space<vmem>>, vector<16xf32>,
        %add3A_636 = arith.addf %add3A_616, %get3A_635 : vector<16xf32>
        %get3A_637 = arith.constant 91 : i32
        %get3A_638 = arith.index_cast %get3A_637 : i32 to index
        %get3A_639 = arith.index_cast %mul3A_178 : i32 to index
        %get3A_640 = tpu.vector_load %arg8[%get3A_638, %get3A_639] {strides = array<i32>} : memref<100x128xf32, #tpu.memory_space<vmem>>, vector<16xf32>,
        %add3A_641 = arith.addf %add3A_621, %get3A_640 : vector<16xf32>
        %get3A_642 = arith.constant 92 : i32
        %get3A_643 = arith.index_cast %get3A_642 : i32 to index
        %get3A_644 = arith.index_cast %mul3A_178 : i32 to index
        %get3A_645 = tpu.vector_load %arg8[%get3A_643, %get3A_644] {strides = array<i32>} : memref<100x128xf32, #tpu.memory_space<vmem>>, vector<16xf32>,
        %add3A_646 = arith.addf %add3A_626, %get3A_645 : vector<16xf32>
        %get3A_647 = arith.constant 93 : i32
        %get3A_648 = arith.index_cast %get3A_647 : i32 to index
        %get3A_649 = arith.index_cast %mul3A_178 : i32 to index
        %get3A_650 = tpu.vector_load %arg8[%get3A_648, %get3A_649] {strides = array<i32>} : memref<100x128xf32, #tpu.memory_space<vmem>>, vector<16xf32>,
        %add3A_651 = arith.addf %add3A_631, %get3A_650 : vector<16xf32>
        %get3A_652 = arith.constant 94 : i32
        %get3A_653 = arith.index_cast %get3A_652 : i32 to index
        %get3A_654 = arith.index_cast %mul3A_178 : i32 to index
        %get3A_655 = tpu.vector_load %arg8[%get3A_653, %get3A_654] {strides = array<i32>} : memref<100x128xf32, #tpu.memory_space<vmem>>, vector<16xf32>,
        %add3A_656 = arith.addf %add3A_636, %get3A_655 : vector<16xf32>
        %get3A_657 = arith.constant 95 : i32
        %get3A_658 = arith.index_cast %get3A_657 : i32 to index
        %get3A_659 = arith.index_cast %mul3A_178 : i32 to index
        %get3A_660 = tpu.vector_load %arg8[%get3A_658, %get3A_659] {strides = array<i32>} : memref<100x128xf32, #tpu.memory_space<vmem>>, vector<16xf32>,
        %add3A_661 = arith.addf %add3A_641, %get3A_660 : vector<16xf32>
        %get3A_662 = arith.constant 96 : i32
        %get3A_663 = arith.index_cast %get3A_662 : i32 to index
        %get3A_664 = arith.index_cast %mul3A_178 : i32 to index
        %get3A_665 = tpu.vector_load %arg8[%get3A_663, %get3A_664] {strides = array<i32>} : memref<100x128xf32, #tpu.memory_space<vmem>>, vector<16xf32>,
        %add3A_666 = arith.addf %add3A_646, %get3A_665 : vector<16xf32>
        %get3A_667 = arith.constant 97 : i32
        %get3A_668 = arith.index_cast %get3A_667 : i32 to index
        %get3A_669 = arith.index_cast %mul3A_178 : i32 to index
        %get3A_670 = tpu.vector_load %arg8[%get3A_668, %get3A_669] {strides = array<i32>} : memref<100x128xf32, #tpu.memory_space<vmem>>, vector<16xf32>,
        %add3A_671 = arith.addf %add3A_651, %get3A_670 : vector<16xf32>
        %get3A_672 = arith.constant 98 : i32
        %get3A_673 = arith.index_cast %get3A_672 : i32 to index
        %get3A_674 = arith.index_cast %mul3A_178 : i32 to index
        %get3A_675 = tpu.vector_load %arg8[%get3A_673, %get3A_674] {strides = array<i32>} : memref<100x128xf32, #tpu.memory_space<vmem>>, vector<16xf32>,
        %add3A_676 = arith.addf %add3A_656, %get3A_675 : vector<16xf32>
        %get3A_677 = arith.constant 99 : i32
        %get3A_678 = arith.index_cast %get3A_677 : i32 to index
        %get3A_679 = arith.index_cast %mul3A_178 : i32 to index
        %get3A_680 = tpu.vector_load %arg8[%get3A_678, %get3A_679] {strides = array<i32>} : memref<100x128xf32, #tpu.memory_space<vmem>>, vector<16xf32>,
        %add3A_681 = arith.addf %add3A_661, %get3A_680 : vector<16xf32>
        %add3A_682 = arith.addf %add3A_676, %add3A_681 : vector<16xf32>
        %add3A_683 = arith.addf %add3A_666, %add3A_671 : vector<16xf32>
        %add3A_684 = arith.addf %add3A_682, %add3A_683 : vector<16xf32>
        %mul3A_685 = arith.constant 2.000000e-02 : f32
        %mul3A_686 = vector.broadcast %mul3A_685 : f32 to vector<16xf32>
        %mul3A_687 = arith.mulf %add3A_684, %mul3A_686 : vector<16xf32>
        %mul3A_688 = arith.constant 2 : i32
        %mul3A_689 = arith.muli %add3A_131, %mul3A_688 : i32
        %add3A_690 = arith.constant 1 : i32
        %add3A_691 = arith.addi %mul3A_689, %add3A_690 : i32
        %swap3A_692 = arith.index_cast %add3A_691 : i32 to index
        %swap3A_693 = arith.index_cast %mul3A_178 : i32 to index
        %swap3A_694 = tpu.vector_load %arg10[%swap3A_692, %swap3A_693] {strides = array<i32>} : memref<128x128xf32, #tpu.memory_space<vmem>>, vector<16xf32>,
        tpu.vector_store %arg10[%swap3A_692, %swap3A_693], %mul3A_687 {strides = array<i32>} : memref<128x128xf32, #tpu.memory_space<vmem>>, vector<16xf32>,
      }
      %scan3A_142 = arith.constant 8 : i32
      %add3A_143 = arith.constant 4 : i32
      %add3A_144 = arith.addi %add3A_131, %add3A_143 : i32
      %dma_start3A_145 = arith.constant 0 : i32
      %dma_start3A_146 = tpu.memref_slice %arg5[%add3A_144, %dma_start3A_145] : memref<64x100xi32, #tpu.memory_space<vmem>> -> memref<1x100xi32, #tpu.memory_space<vmem>>
      %dma_start3A_147 = tpu.memref_squeeze %dma_start3A_146 : memref<1x100xi32, #tpu.memory_space<vmem>> -> memref<100xi32, #tpu.memory_space<vmem>>
      %dma_start3A_148 = arith.constant 0 : i32
      %dma_start3A_149 = arith.constant 0 : i32
      %dma_start3A_150 = tpu.memref_slice %arg2[%dma_start3A_148, %dma_start3A_149] : memref<100000x128xf32, #tpu.memory_space<hbm>> -> memref<100000x128xf32, #tpu.memory_space<hbm>>
      tpu.enqueue_indirect_dma source(%dma_start3A_150 : memref<100000x128xf32, #tpu.memory_space<hbm>>) target(%arg8 : memref<100x128xf32, #tpu.memory_space<vmem>>) offsets(%dma_start3A_147 : memref<100xi32, #tpu.memory_space<vmem>>) semaphore(%arg13 : memref<!tpu.dma_semaphore, #tpu.memory_space<semaphore_mem>>)
      %add3A_151 = arith.constant 3 : i32
      %add3A_152 = arith.addi %add3A_87, %add3A_151 : i32
      %dma_wait3A_153 = arith.constant 0 : i32
      %dma_wait3A_154 = tpu.memref_slice %arg5[%add3A_152, %dma_wait3A_153] : memref<64x100xi32, #tpu.memory_space<vmem>> -> memref<1x100xi32, #tpu.memory_space<vmem>>
      %dma_wait3A_155 = tpu.memref_squeeze %dma_wait3A_154 : memref<1x100xi32, #tpu.memory_space<vmem>> -> memref<100xi32, #tpu.memory_space<vmem>>
      %dma_wait3A_156 = arith.constant 0 : i32
      %dma_wait3A_157 = arith.constant 0 : i32
      %dma_wait3A_158 = tpu.memref_slice %arg2[%dma_wait3A_156, %dma_wait3A_157] : memref<100000x128xf32, #tpu.memory_space<hbm>> -> memref<100000x128xf32, #tpu.memory_space<hbm>>
      tpu.wait_indirect_dma semaphore(%arg14 : memref<!tpu.dma_semaphore, #tpu.memory_space<semaphore_mem>>) src(%dma_wait3A_158 : memref<100000x128xf32, #tpu.memory_space<hbm>>) dst(%arg9 : memref<100x128xf32, #tpu.memory_space<vmem>>)
      %scan3A_159 = arith.constant 0 : i32
      %scan3A_160 = arith.constant 8 : i32
      %scan3A_161 = arith.addi %scan3A_159, %scan3A_160 : i32
      %scan3A_162 = arith.constant 1 : i32
      scf.for %scan3A_172 = %scan3A_159 to %scan3A_161 step %scan3A_162  : i32 {
        %mul3A_173 = arith.constant 1 : i32
        %mul3A_174 = arith.muli %scan3A_172, %mul3A_173 : i32
        %add3A_175 = arith.constant 0 : i32
        %add3A_176 = arith.addi %add3A_175, %mul3A_174 : i32
        %mul3A_177 = arith.constant 16 : i32
        %mul3A_178 = arith.muli %add3A_176, %mul3A_177 : i32
        %get3A = arith.constant 0 : i32
        %get3A_179 = arith.index_cast %get3A : i32 to index
        %get3A_180 = arith.index_cast %mul3A_178 : i32 to index
        %get3A_181 = tpu.vector_load %arg9[%get3A_179, %get3A_180] {strides = array<i32>} : memref<100x128xf32, #tpu.memory_space<vmem>>, vector<16xf32>,
        %get3A_182 = arith.constant 1 : i32
        %get3A_183 = arith.index_cast %get3A_182 : i32 to index
        %get3A_184 = arith.index_cast %mul3A_178 : i32 to index
        %get3A_185 = tpu.vector_load %arg9[%get3A_183, %get3A_184] {strides = array<i32>} : memref<100x128xf32, #tpu.memory_space<vmem>>, vector<16xf32>,
        %get3A_186 = arith.constant 2 : i32
        %get3A_187 = arith.index_cast %get3A_186 : i32 to index
        %get3A_188 = arith.index_cast %mul3A_178 : i32 to index
        %get3A_189 = tpu.vector_load %arg9[%get3A_187, %get3A_188] {strides = array<i32>} : memref<100x128xf32, #tpu.memory_space<vmem>>, vector<16xf32>,
        %get3A_190 = arith.constant 3 : i32
        %get3A_191 = arith.index_cast %get3A_190 : i32 to index
        %get3A_192 = arith.index_cast %mul3A_178 : i32 to index
        %get3A_193 = tpu.vector_load %arg9[%get3A_191, %get3A_192] {strides = array<i32>} : memref<100x128xf32, #tpu.memory_space<vmem>>, vector<16xf32>,
        %get3A_194 = arith.constant 4 : i32
        %get3A_195 = arith.index_cast %get3A_194 : i32 to index
        %get3A_196 = arith.index_cast %mul3A_178 : i32 to index
        %get3A_197 = tpu.vector_load %arg9[%get3A_195, %get3A_196] {strides = array<i32>} : memref<100x128xf32, #tpu.memory_space<vmem>>, vector<16xf32>,
        %add3A_198 = arith.addf %get3A_181, %get3A_197 : vector<16xf32>
        %get3A_199 = arith.constant 5 : i32
        %get3A_200 = arith.index_cast %get3A_199 : i32 to index
        %get3A_201 = arith.index_cast %mul3A_178 : i32 to index
        %get3A_202 = tpu.vector_load %arg9[%get3A_200, %get3A_201] {strides = array<i32>} : memref<100x128xf32, #tpu.memory_space<vmem>>, vector<16xf32>,
        %add3A_203 = arith.addf %get3A_185, %get3A_202 : vector<16xf32>
        %get3A_204 = arith.constant 6 : i32
        %get3A_205 = arith.index_cast %get3A_204 : i32 to index
        %get3A_206 = arith.index_cast %mul3A_178 : i32 to index
        %get3A_207 = tpu.vector_load %arg9[%get3A_205, %get3A_206] {strides = array<i32>} : memref<100x128xf32, #tpu.memory_space<vmem>>, vector<16xf32>,
        %add3A_208 = arith.addf %get3A_189, %get3A_207 : vector<16xf32>
        %get3A_209 = arith.constant 7 : i32
        %get3A_210 = arith.index_cast %get3A_209 : i32 to index
        %get3A_211 = arith.index_cast %mul3A_178 : i32 to index
        %get3A_212 = tpu.vector_load %arg9[%get3A_210, %get3A_211] {strides = array<i32>} : memref<100x128xf32, #tpu.memory_space<vmem>>, vector<16xf32>,
        %add3A_213 = arith.addf %get3A_193, %get3A_212 : vector<16xf32>
        %get3A_214 = arith.constant 8 : i32
        %get3A_215 = arith.index_cast %get3A_214 : i32 to index
        %get3A_216 = arith.index_cast %mul3A_178 : i32 to index
        %get3A_217 = tpu.vector_load %arg9[%get3A_215, %get3A_216] {strides = array<i32>} : memref<100x128xf32, #tpu.memory_space<vmem>>, vector<16xf32>,
        %add3A_218 = arith.addf %add3A_198, %get3A_217 : vector<16xf32>
        %get3A_219 = arith.constant 9 : i32
        %get3A_220 = arith.index_cast %get3A_219 : i32 to index
        %get3A_221 = arith.index_cast %mul3A_178 : i32 to index
        %get3A_222 = tpu.vector_load %arg9[%get3A_220, %get3A_221] {strides = array<i32>} : memref<100x128xf32, #tpu.memory_space<vmem>>, vector<16xf32>,
        %add3A_223 = arith.addf %add3A_203, %get3A_222 : vector<16xf32>
        %get3A_224 = arith.constant 10 : i32
        %get3A_225 = arith.index_cast %get3A_224 : i32 to index
        %get3A_226 = arith.index_cast %mul3A_178 : i32 to index
        %get3A_227 = tpu.vector_load %arg9[%get3A_225, %get3A_226] {strides = array<i32>} : memref<100x128xf32, #tpu.memory_space<vmem>>, vector<16xf32>,
        %add3A_228 = arith.addf %add3A_208, %get3A_227 : vector<16xf32>
        %get3A_229 = arith.constant 11 : i32
        %get3A_230 = arith.index_cast %get3A_229 : i32 to index
        %get3A_231 = arith.index_cast %mul3A_178 : i32 to index
        %get3A_232 = tpu.vector_load %arg9[%get3A_230, %get3A_231] {strides = array<i32>} : memref<100x128xf32, #tpu.memory_space<vmem>>, vector<16xf32>,
        %add3A_233 = arith.addf %add3A_213, %get3A_232 : vector<16xf32>
        %get3A_234 = arith.constant 12 : i32
        %get3A_235 = arith.index_cast %get3A_234 : i32 to index
        %get3A_236 = arith.index_cast %mul3A_178 : i32 to index
        %get3A_237 = tpu.vector_load %arg9[%get3A_235, %get3A_236] {strides = array<i32>} : memref<100x128xf32, #tpu.memory_space<vmem>>, vector<16xf32>,
        %add3A_238 = arith.addf %add3A_218, %get3A_237 : vector<16xf32>
        %get3A_239 = arith.constant 13 : i32
        %get3A_240 = arith.index_cast %get3A_239 : i32 to index
        %get3A_241 = arith.index_cast %mul3A_178 : i32 to index
        %get3A_242 = tpu.vector_load %arg9[%get3A_240, %get3A_241] {strides = array<i32>} : memref<100x128xf32, #tpu.memory_space<vmem>>, vector<16xf32>,
        %add3A_243 = arith.addf %add3A_223, %get3A_242 : vector<16xf32>
        %get3A_244 = arith.constant 14 : i32
        %get3A_245 = arith.index_cast %get3A_244 : i32 to index
        %get3A_246 = arith.index_cast %mul3A_178 : i32 to index
        %get3A_247 = tpu.vector_load %arg9[%get3A_245, %get3A_246] {strides = array<i32>} : memref<100x128xf32, #tpu.memory_space<vmem>>, vector<16xf32>,
        %add3A_248 = arith.addf %add3A_228, %get3A_247 : vector<16xf32>
        %get3A_249 = arith.constant 15 : i32
        %get3A_250 = arith.index_cast %get3A_249 : i32 to index
        %get3A_251 = arith.index_cast %mul3A_178 : i32 to index
        %get3A_252 = tpu.vector_load %arg9[%get3A_250, %get3A_251] {strides = array<i32>} : memref<100x128xf32, #tpu.memory_space<vmem>>, vector<16xf32>,
        %add3A_253 = arith.addf %add3A_233, %get3A_252 : vector<16xf32>
        %get3A_254 = arith.constant 16 : i32
        %get3A_255 = arith.index_cast %get3A_254 : i32 to index
        %get3A_256 = arith.index_cast %mul3A_178 : i32 to index
        %get3A_257 = tpu.vector_load %arg9[%get3A_255, %get3A_256] {strides = array<i32>} : memref<100x128xf32, #tpu.memory_space<vmem>>, vector<16xf32>,
        %add3A_258 = arith.addf %add3A_238, %get3A_257 : vector<16xf32>
        %get3A_259 = arith.constant 17 : i32
        %get3A_260 = arith.index_cast %get3A_259 : i32 to index
        %get3A_261 = arith.index_cast %mul3A_178 : i32 to index
        %get3A_262 = tpu.vector_load %arg9[%get3A_260, %get3A_261] {strides = array<i32>} : memref<100x128xf32, #tpu.memory_space<vmem>>, vector<16xf32>,
        %add3A_263 = arith.addf %add3A_243, %get3A_262 : vector<16xf32>
        %get3A_264 = arith.constant 18 : i32
        %get3A_265 = arith.index_cast %get3A_264 : i32 to index
        %get3A_266 = arith.index_cast %mul3A_178 : i32 to index
        %get3A_267 = tpu.vector_load %arg9[%get3A_265, %get3A_266] {strides = array<i32>} : memref<100x128xf32, #tpu.memory_space<vmem>>, vector<16xf32>,
        %add3A_268 = arith.addf %add3A_248, %get3A_267 : vector<16xf32>
        %get3A_269 = arith.constant 19 : i32
        %get3A_270 = arith.index_cast %get3A_269 : i32 to index
        %get3A_271 = arith.index_cast %mul3A_178 : i32 to index
        %get3A_272 = tpu.vector_load %arg9[%get3A_270, %get3A_271] {strides = array<i32>} : memref<100x128xf32, #tpu.memory_space<vmem>>, vector<16xf32>,
        %add3A_273 = arith.addf %add3A_253, %get3A_272 : vector<16xf32>
        %get3A_274 = arith.constant 20 : i32
        %get3A_275 = arith.index_cast %get3A_274 : i32 to index
        %get3A_276 = arith.index_cast %mul3A_178 : i32 to index
        %get3A_277 = tpu.vector_load %arg9[%get3A_275, %get3A_276] {strides = array<i32>} : memref<100x128xf32, #tpu.memory_space<vmem>>, vector<16xf32>,
        %add3A_278 = arith.addf %add3A_258, %get3A_277 : vector<16xf32>
        %get3A_279 = arith.constant 21 : i32
        %get3A_280 = arith.index_cast %get3A_279 : i32 to index
        %get3A_281 = arith.index_cast %mul3A_178 : i32 to index
        %get3A_282 = tpu.vector_load %arg9[%get3A_280, %get3A_281] {strides = array<i32>} : memref<100x128xf32, #tpu.memory_space<vmem>>, vector<16xf32>,
        %add3A_283 = arith.addf %add3A_263, %get3A_282 : vector<16xf32>
        %get3A_284 = arith.constant 22 : i32
        %get3A_285 = arith.index_cast %get3A_284 : i32 to index
        %get3A_286 = arith.index_cast %mul3A_178 : i32 to index
        %get3A_287 = tpu.vector_load %arg9[%get3A_285, %get3A_286] {strides = array<i32>} : memref<100x128xf32, #tpu.memory_space<vmem>>, vector<16xf32>,
        %add3A_288 = arith.addf %add3A_268, %get3A_287 : vector<16xf32>
        %get3A_289 = arith.constant 23 : i32
        %get3A_290 = arith.index_cast %get3A_289 : i32 to index
        %get3A_291 = arith.index_cast %mul3A_178 : i32 to index
        %get3A_292 = tpu.vector_load %arg9[%get3A_290, %get3A_291] {strides = array<i32>} : memref<100x128xf32, #tpu.memory_space<vmem>>, vector<16xf32>,
        %add3A_293 = arith.addf %add3A_273, %get3A_292 : vector<16xf32>
        %get3A_294 = arith.constant 24 : i32
        %get3A_295 = arith.index_cast %get3A_294 : i32 to index
        %get3A_296 = arith.index_cast %mul3A_178 : i32 to index
        %get3A_297 = tpu.vector_load %arg9[%get3A_295, %get3A_296] {strides = array<i32>} : memref<100x128xf32, #tpu.memory_space<vmem>>, vector<16xf32>,
        %add3A_298 = arith.addf %add3A_278, %get3A_297 : vector<16xf32>
        %get3A_299 = arith.constant 25 : i32
        %get3A_300 = arith.index_cast %get3A_299 : i32 to index
        %get3A_301 = arith.index_cast %mul3A_178 : i32 to index
        %get3A_302 = tpu.vector_load %arg9[%get3A_300, %get3A_301] {strides = array<i32>} : memref<100x128xf32, #tpu.memory_space<vmem>>, vector<16xf32>,
        %add3A_303 = arith.addf %add3A_283, %get3A_302 : vector<16xf32>
        %get3A_304 = arith.constant 26 : i32
        %get3A_305 = arith.index_cast %get3A_304 : i32 to index
        %get3A_306 = arith.index_cast %mul3A_178 : i32 to index
        %get3A_307 = tpu.vector_load %arg9[%get3A_305, %get3A_306] {strides = array<i32>} : memref<100x128xf32, #tpu.memory_space<vmem>>, vector<16xf32>,
        %add3A_308 = arith.addf %add3A_288, %get3A_307 : vector<16xf32>
        %get3A_309 = arith.constant 27 : i32
        %get3A_310 = arith.index_cast %get3A_309 : i32 to index
        %get3A_311 = arith.index_cast %mul3A_178 : i32 to index
        %get3A_312 = tpu.vector_load %arg9[%get3A_310, %get3A_311] {strides = array<i32>} : memref<100x128xf32, #tpu.memory_space<vmem>>, vector<16xf32>,
        %add3A_313 = arith.addf %add3A_293, %get3A_312 : vector<16xf32>
        %get3A_314 = arith.constant 28 : i32
        %get3A_315 = arith.index_cast %get3A_314 : i32 to index
        %get3A_316 = arith.index_cast %mul3A_178 : i32 to index
        %get3A_317 = tpu.vector_load %arg9[%get3A_315, %get3A_316] {strides = array<i32>} : memref<100x128xf32, #tpu.memory_space<vmem>>, vector<16xf32>,
        %add3A_318 = arith.addf %add3A_298, %get3A_317 : vector<16xf32>
        %get3A_319 = arith.constant 29 : i32
        %get3A_320 = arith.index_cast %get3A_319 : i32 to index
        %get3A_321 = arith.index_cast %mul3A_178 : i32 to index
        %get3A_322 = tpu.vector_load %arg9[%get3A_320, %get3A_321] {strides = array<i32>} : memref<100x128xf32, #tpu.memory_space<vmem>>, vector<16xf32>,
        %add3A_323 = arith.addf %add3A_303, %get3A_322 : vector<16xf32>
        %get3A_324 = arith.constant 30 : i32
        %get3A_325 = arith.index_cast %get3A_324 : i32 to index
        %get3A_326 = arith.index_cast %mul3A_178 : i32 to index
        %get3A_327 = tpu.vector_load %arg9[%get3A_325, %get3A_326] {strides = array<i32>} : memref<100x128xf32, #tpu.memory_space<vmem>>, vector<16xf32>,
        %add3A_328 = arith.addf %add3A_308, %get3A_327 : vector<16xf32>
        %get3A_329 = arith.constant 31 : i32
        %get3A_330 = arith.index_cast %get3A_329 : i32 to index
        %get3A_331 = arith.index_cast %mul3A_178 : i32 to index
        %get3A_332 = tpu.vector_load %arg9[%get3A_330, %get3A_331] {strides = array<i32>} : memref<100x128xf32, #tpu.memory_space<vmem>>, vector<16xf32>,
        %add3A_333 = arith.addf %add3A_313, %get3A_332 : vector<16xf32>
        %get3A_334 = arith.constant 32 : i32
        %get3A_335 = arith.index_cast %get3A_334 : i32 to index
        %get3A_336 = arith.index_cast %mul3A_178 : i32 to index
        %get3A_337 = tpu.vector_load %arg9[%get3A_335, %get3A_336] {strides = array<i32>} : memref<100x128xf32, #tpu.memory_space<vmem>>, vector<16xf32>,
        %add3A_338 = arith.addf %add3A_318, %get3A_337 : vector<16xf32>
        %get3A_339 = arith.constant 33 : i32
        %get3A_340 = arith.index_cast %get3A_339 : i32 to index
        %get3A_341 = arith.index_cast %mul3A_178 : i32 to index
        %get3A_342 = tpu.vector_load %arg9[%get3A_340, %get3A_341] {strides = array<i32>} : memref<100x128xf32, #tpu.memory_space<vmem>>, vector<16xf32>,
        %add3A_343 = arith.addf %add3A_323, %get3A_342 : vector<16xf32>
        %get3A_344 = arith.constant 34 : i32
        %get3A_345 = arith.index_cast %get3A_344 : i32 to index
        %get3A_346 = arith.index_cast %mul3A_178 : i32 to index
        %get3A_347 = tpu.vector_load %arg9[%get3A_345, %get3A_346] {strides = array<i32>} : memref<100x128xf32, #tpu.memory_space<vmem>>, vector<16xf32>,
        %add3A_348 = arith.addf %add3A_328, %get3A_347 : vector<16xf32>
        %get3A_349 = arith.constant 35 : i32
        %get3A_350 = arith.index_cast %get3A_349 : i32 to index
        %get3A_351 = arith.index_cast %mul3A_178 : i32 to index
        %get3A_352 = tpu.vector_load %arg9[%get3A_350, %get3A_351] {strides = array<i32>} : memref<100x128xf32, #tpu.memory_space<vmem>>, vector<16xf32>,
        %add3A_353 = arith.addf %add3A_333, %get3A_352 : vector<16xf32>
        %get3A_354 = arith.constant 36 : i32
        %get3A_355 = arith.index_cast %get3A_354 : i32 to index
        %get3A_356 = arith.index_cast %mul3A_178 : i32 to index
        %get3A_357 = tpu.vector_load %arg9[%get3A_355, %get3A_356] {strides = array<i32>} : memref<100x128xf32, #tpu.memory_space<vmem>>, vector<16xf32>,
        %add3A_358 = arith.addf %add3A_338, %get3A_357 : vector<16xf32>
        %get3A_359 = arith.constant 37 : i32
        %get3A_360 = arith.index_cast %get3A_359 : i32 to index
        %get3A_361 = arith.index_cast %mul3A_178 : i32 to index
        %get3A_362 = tpu.vector_load %arg9[%get3A_360, %get3A_361] {strides = array<i32>} : memref<100x128xf32, #tpu.memory_space<vmem>>, vector<16xf32>,
        %add3A_363 = arith.addf %add3A_343, %get3A_362 : vector<16xf32>
        %get3A_364 = arith.constant 38 : i32
        %get3A_365 = arith.index_cast %get3A_364 : i32 to index
        %get3A_366 = arith.index_cast %mul3A_178 : i32 to index
        %get3A_367 = tpu.vector_load %arg9[%get3A_365, %get3A_366] {strides = array<i32>} : memref<100x128xf32, #tpu.memory_space<vmem>>, vector<16xf32>,
        %add3A_368 = arith.addf %add3A_348, %get3A_367 : vector<16xf32>
        %get3A_369 = arith.constant 39 : i32
        %get3A_370 = arith.index_cast %get3A_369 : i32 to index
        %get3A_371 = arith.index_cast %mul3A_178 : i32 to index
        %get3A_372 = tpu.vector_load %arg9[%get3A_370, %get3A_371] {strides = array<i32>} : memref<100x128xf32, #tpu.memory_space<vmem>>, vector<16xf32>,
        %add3A_373 = arith.addf %add3A_353, %get3A_372 : vector<16xf32>
        %get3A_374 = arith.constant 40 : i32
        %get3A_375 = arith.index_cast %get3A_374 : i32 to index
        %get3A_376 = arith.index_cast %mul3A_178 : i32 to index
        %get3A_377 = tpu.vector_load %arg9[%get3A_375, %get3A_376] {strides = array<i32>} : memref<100x128xf32, #tpu.memory_space<vmem>>, vector<16xf32>,
        %add3A_378 = arith.addf %add3A_358, %get3A_377 : vector<16xf32>
        %get3A_379 = arith.constant 41 : i32
        %get3A_380 = arith.index_cast %get3A_379 : i32 to index
        %get3A_381 = arith.index_cast %mul3A_178 : i32 to index
        %get3A_382 = tpu.vector_load %arg9[%get3A_380, %get3A_381] {strides = array<i32>} : memref<100x128xf32, #tpu.memory_space<vmem>>, vector<16xf32>,
        %add3A_383 = arith.addf %add3A_363, %get3A_382 : vector<16xf32>
        %get3A_384 = arith.constant 42 : i32
        %get3A_385 = arith.index_cast %get3A_384 : i32 to index
        %get3A_386 = arith.index_cast %mul3A_178 : i32 to index
        %get3A_387 = tpu.vector_load %arg9[%get3A_385, %get3A_386] {strides = array<i32>} : memref<100x128xf32, #tpu.memory_space<vmem>>, vector<16xf32>,
        %add3A_388 = arith.addf %add3A_368, %get3A_387 : vector<16xf32>
        %get3A_389 = arith.constant 43 : i32
        %get3A_390 = arith.index_cast %get3A_389 : i32 to index
        %get3A_391 = arith.index_cast %mul3A_178 : i32 to index
        %get3A_392 = tpu.vector_load %arg9[%get3A_390, %get3A_391] {strides = array<i32>} : memref<100x128xf32, #tpu.memory_space<vmem>>, vector<16xf32>,
        %add3A_393 = arith.addf %add3A_373, %get3A_392 : vector<16xf32>
        %get3A_394 = arith.constant 44 : i32
        %get3A_395 = arith.index_cast %get3A_394 : i32 to index
        %get3A_396 = arith.index_cast %mul3A_178 : i32 to index
        %get3A_397 = tpu.vector_load %arg9[%get3A_395, %get3A_396] {strides = array<i32>} : memref<100x128xf32, #tpu.memory_space<vmem>>, vector<16xf32>,
        %add3A_398 = arith.addf %add3A_378, %get3A_397 : vector<16xf32>
        %get3A_399 = arith.constant 45 : i32
        %get3A_400 = arith.index_cast %get3A_399 : i32 to index
        %get3A_401 = arith.index_cast %mul3A_178 : i32 to index
        %get3A_402 = tpu.vector_load %arg9[%get3A_400, %get3A_401] {strides = array<i32>} : memref<100x128xf32, #tpu.memory_space<vmem>>, vector<16xf32>,
        %add3A_403 = arith.addf %add3A_383, %get3A_402 : vector<16xf32>
        %get3A_404 = arith.constant 46 : i32
        %get3A_405 = arith.index_cast %get3A_404 : i32 to index
        %get3A_406 = arith.index_cast %mul3A_178 : i32 to index
        %get3A_407 = tpu.vector_load %arg9[%get3A_405, %get3A_406] {strides = array<i32>} : memref<100x128xf32, #tpu.memory_space<vmem>>, vector<16xf32>,
        %add3A_408 = arith.addf %add3A_388, %get3A_407 : vector<16xf32>
        %get3A_409 = arith.constant 47 : i32
        %get3A_410 = arith.index_cast %get3A_409 : i32 to index
        %get3A_411 = arith.index_cast %mul3A_178 : i32 to index
        %get3A_412 = tpu.vector_load %arg9[%get3A_410, %get3A_411] {strides = array<i32>} : memref<100x128xf32, #tpu.memory_space<vmem>>, vector<16xf32>,
        %add3A_413 = arith.addf %add3A_393, %get3A_412 : vector<16xf32>
        %get3A_414 = arith.constant 48 : i32
        %get3A_415 = arith.index_cast %get3A_414 : i32 to index
        %get3A_416 = arith.index_cast %mul3A_178 : i32 to index
        %get3A_417 = tpu.vector_load %arg9[%get3A_415, %get3A_416] {strides = array<i32>} : memref<100x128xf32, #tpu.memory_space<vmem>>, vector<16xf32>,
        %add3A_418 = arith.addf %add3A_398, %get3A_417 : vector<16xf32>
        %get3A_419 = arith.constant 49 : i32
        %get3A_420 = arith.index_cast %get3A_419 : i32 to index
        %get3A_421 = arith.index_cast %mul3A_178 : i32 to index
        %get3A_422 = tpu.vector_load %arg9[%get3A_420, %get3A_421] {strides = array<i32>} : memref<100x128xf32, #tpu.memory_space<vmem>>, vector<16xf32>,
        %add3A_423 = arith.addf %add3A_403, %get3A_422 : vector<16xf32>
        %add3A_424 = arith.addf %add3A_418, %add3A_423 : vector<16xf32>
        %add3A_425 = arith.addf %add3A_408, %add3A_413 : vector<16xf32>
        %add3A_426 = arith.addf %add3A_424, %add3A_425 : vector<16xf32>
        %mul3A_427 = arith.constant 2.000000e-02 : f32
        %mul3A_428 = vector.broadcast %mul3A_427 : f32 to vector<16xf32>
        %mul3A_429 = arith.mulf %add3A_426, %mul3A_428 : vector<16xf32>
        %mul3A_430 = arith.constant 2 : i32
        %mul3A_431 = arith.muli %add3A_152, %mul3A_430 : i32
        %add3A_432 = arith.constant 0 : i32
        %add3A_433 = arith.addi %mul3A_431, %add3A_432 : i32
        %swap3A = arith.index_cast %add3A_433 : i32 to index
        %swap3A_434 = arith.index_cast %mul3A_178 : i32 to index
        %swap3A_435 = tpu.vector_load %arg10[%swap3A, %swap3A_434] {strides = array<i32>} : memref<128x128xf32, #tpu.memory_space<vmem>>, vector<16xf32>,
        tpu.vector_store %arg10[%swap3A, %swap3A_434], %mul3A_429 {strides = array<i32>} : memref<128x128xf32, #tpu.memory_space<vmem>>, vector<16xf32>,
        %get3A_436 = arith.constant 50 : i32
        %get3A_437 = arith.index_cast %get3A_436 : i32 to index
        %get3A_438 = arith.index_cast %mul3A_178 : i32 to index
        %get3A_439 = tpu.vector_load %arg9[%get3A_437, %get3A_438] {strides = array<i32>} : memref<100x128xf32, #tpu.memory_space<vmem>>, vector<16xf32>,
        %get3A_440 = arith.constant 51 : i32
        %get3A_441 = arith.index_cast %get3A_440 : i32 to index
        %get3A_442 = arith.index_cast %mul3A_178 : i32 to index
        %get3A_443 = tpu.vector_load %arg9[%get3A_441, %get3A_442] {strides = array<i32>} : memref<100x128xf32, #tpu.memory_space<vmem>>, vector<16xf32>,
        %get3A_444 = arith.constant 52 : i32
        %get3A_445 = arith.index_cast %get3A_444 : i32 to index
        %get3A_446 = arith.index_cast %mul3A_178 : i32 to index
        %get3A_447 = tpu.vector_load %arg9[%get3A_445, %get3A_446] {strides = array<i32>} : memref<100x128xf32, #tpu.memory_space<vmem>>, vector<16xf32>,
        %get3A_448 = arith.constant 53 : i32
        %get3A_449 = arith.index_cast %get3A_448 : i32 to index
        %get3A_450 = arith.index_cast %mul3A_178 : i32 to index
        %get3A_451 = tpu.vector_load %arg9[%get3A_449, %get3A_450] {strides = array<i32>} : memref<100x128xf32, #tpu.memory_space<vmem>>, vector<16xf32>,
        %get3A_452 = arith.constant 54 : i32
        %get3A_453 = arith.index_cast %get3A_452 : i32 to index
        %get3A_454 = arith.index_cast %mul3A_178 : i32 to index
        %get3A_455 = tpu.vector_load %arg9[%get3A_453, %get3A_454] {strides = array<i32>} : memref<100x128xf32, #tpu.memory_space<vmem>>, vector<16xf32>,
        %add3A_456 = arith.addf %get3A_439, %get3A_455 : vector<16xf32>
        %get3A_457 = arith.constant 55 : i32
        %get3A_458 = arith.index_cast %get3A_457 : i32 to index
        %get3A_459 = arith.index_cast %mul3A_178 : i32 to index
        %get3A_460 = tpu.vector_load %arg9[%get3A_458, %get3A_459] {strides = array<i32>} : memref<100x128xf32, #tpu.memory_space<vmem>>, vector<16xf32>,
        %add3A_461 = arith.addf %get3A_443, %get3A_460 : vector<16xf32>
        %get3A_462 = arith.constant 56 : i32
        %get3A_463 = arith.index_cast %get3A_462 : i32 to index
        %get3A_464 = arith.index_cast %mul3A_178 : i32 to index
        %get3A_465 = tpu.vector_load %arg9[%get3A_463, %get3A_464] {strides = array<i32>} : memref<100x128xf32, #tpu.memory_space<vmem>>, vector<16xf32>,
        %add3A_466 = arith.addf %get3A_447, %get3A_465 : vector<16xf32>
        %get3A_467 = arith.constant 57 : i32
        %get3A_468 = arith.index_cast %get3A_467 : i32 to index
        %get3A_469 = arith.index_cast %mul3A_178 : i32 to index
        %get3A_470 = tpu.vector_load %arg9[%get3A_468, %get3A_469] {strides = array<i32>} : memref<100x128xf32, #tpu.memory_space<vmem>>, vector<16xf32>,
        %add3A_471 = arith.addf %get3A_451, %get3A_470 : vector<16xf32>
        %get3A_472 = arith.constant 58 : i32
        %get3A_473 = arith.index_cast %get3A_472 : i32 to index
        %get3A_474 = arith.index_cast %mul3A_178 : i32 to index
        %get3A_475 = tpu.vector_load %arg9[%get3A_473, %get3A_474] {strides = array<i32>} : memref<100x128xf32, #tpu.memory_space<vmem>>, vector<16xf32>,
        %add3A_476 = arith.addf %add3A_456, %get3A_475 : vector<16xf32>
        %get3A_477 = arith.constant 59 : i32
        %get3A_478 = arith.index_cast %get3A_477 : i32 to index
        %get3A_479 = arith.index_cast %mul3A_178 : i32 to index
        %get3A_480 = tpu.vector_load %arg9[%get3A_478, %get3A_479] {strides = array<i32>} : memref<100x128xf32, #tpu.memory_space<vmem>>, vector<16xf32>,
        %add3A_481 = arith.addf %add3A_461, %get3A_480 : vector<16xf32>
        %get3A_482 = arith.constant 60 : i32
        %get3A_483 = arith.index_cast %get3A_482 : i32 to index
        %get3A_484 = arith.index_cast %mul3A_178 : i32 to index
        %get3A_485 = tpu.vector_load %arg9[%get3A_483, %get3A_484] {strides = array<i32>} : memref<100x128xf32, #tpu.memory_space<vmem>>, vector<16xf32>,
        %add3A_486 = arith.addf %add3A_466, %get3A_485 : vector<16xf32>
        %get3A_487 = arith.constant 61 : i32
        %get3A_488 = arith.index_cast %get3A_487 : i32 to index
        %get3A_489 = arith.index_cast %mul3A_178 : i32 to index
        %get3A_490 = tpu.vector_load %arg9[%get3A_488, %get3A_489] {strides = array<i32>} : memref<100x128xf32, #tpu.memory_space<vmem>>, vector<16xf32>,
        %add3A_491 = arith.addf %add3A_471, %get3A_490 : vector<16xf32>
        %get3A_492 = arith.constant 62 : i32
        %get3A_493 = arith.index_cast %get3A_492 : i32 to index
        %get3A_494 = arith.index_cast %mul3A_178 : i32 to index
        %get3A_495 = tpu.vector_load %arg9[%get3A_493, %get3A_494] {strides = array<i32>} : memref<100x128xf32, #tpu.memory_space<vmem>>, vector<16xf32>,
        %add3A_496 = arith.addf %add3A_476, %get3A_495 : vector<16xf32>
        %get3A_497 = arith.constant 63 : i32
        %get3A_498 = arith.index_cast %get3A_497 : i32 to index
        %get3A_499 = arith.index_cast %mul3A_178 : i32 to index
        %get3A_500 = tpu.vector_load %arg9[%get3A_498, %get3A_499] {strides = array<i32>} : memref<100x128xf32, #tpu.memory_space<vmem>>, vector<16xf32>,
        %add3A_501 = arith.addf %add3A_481, %get3A_500 : vector<16xf32>
        %get3A_502 = arith.constant 64 : i32
        %get3A_503 = arith.index_cast %get3A_502 : i32 to index
        %get3A_504 = arith.index_cast %mul3A_178 : i32 to index
        %get3A_505 = tpu.vector_load %arg9[%get3A_503, %get3A_504] {strides = array<i32>} : memref<100x128xf32, #tpu.memory_space<vmem>>, vector<16xf32>,
        %add3A_506 = arith.addf %add3A_486, %get3A_505 : vector<16xf32>
        %get3A_507 = arith.constant 65 : i32
        %get3A_508 = arith.index_cast %get3A_507 : i32 to index
        %get3A_509 = arith.index_cast %mul3A_178 : i32 to index
        %get3A_510 = tpu.vector_load %arg9[%get3A_508, %get3A_509] {strides = array<i32>} : memref<100x128xf32, #tpu.memory_space<vmem>>, vector<16xf32>,
        %add3A_511 = arith.addf %add3A_491, %get3A_510 : vector<16xf32>
        %get3A_512 = arith.constant 66 : i32
        %get3A_513 = arith.index_cast %get3A_512 : i32 to index
        %get3A_514 = arith.index_cast %mul3A_178 : i32 to index
        %get3A_515 = tpu.vector_load %arg9[%get3A_513, %get3A_514] {strides = array<i32>} : memref<100x128xf32, #tpu.memory_space<vmem>>, vector<16xf32>,
        %add3A_516 = arith.addf %add3A_496, %get3A_515 : vector<16xf32>
        %get3A_517 = arith.constant 67 : i32
        %get3A_518 = arith.index_cast %get3A_517 : i32 to index
        %get3A_519 = arith.index_cast %mul3A_178 : i32 to index
        %get3A_520 = tpu.vector_load %arg9[%get3A_518, %get3A_519] {strides = array<i32>} : memref<100x128xf32, #tpu.memory_space<vmem>>, vector<16xf32>,
        %add3A_521 = arith.addf %add3A_501, %get3A_520 : vector<16xf32>
        %get3A_522 = arith.constant 68 : i32
        %get3A_523 = arith.index_cast %get3A_522 : i32 to index
        %get3A_524 = arith.index_cast %mul3A_178 : i32 to index
        %get3A_525 = tpu.vector_load %arg9[%get3A_523, %get3A_524] {strides = array<i32>} : memref<100x128xf32, #tpu.memory_space<vmem>>, vector<16xf32>,
        %add3A_526 = arith.addf %add3A_506, %get3A_525 : vector<16xf32>
        %get3A_527 = arith.constant 69 : i32
        %get3A_528 = arith.index_cast %get3A_527 : i32 to index
        %get3A_529 = arith.index_cast %mul3A_178 : i32 to index
        %get3A_530 = tpu.vector_load %arg9[%get3A_528, %get3A_529] {strides = array<i32>} : memref<100x128xf32, #tpu.memory_space<vmem>>, vector<16xf32>,
        %add3A_531 = arith.addf %add3A_511, %get3A_530 : vector<16xf32>
        %get3A_532 = arith.constant 70 : i32
        %get3A_533 = arith.index_cast %get3A_532 : i32 to index
        %get3A_534 = arith.index_cast %mul3A_178 : i32 to index
        %get3A_535 = tpu.vector_load %arg9[%get3A_533, %get3A_534] {strides = array<i32>} : memref<100x128xf32, #tpu.memory_space<vmem>>, vector<16xf32>,
        %add3A_536 = arith.addf %add3A_516, %get3A_535 : vector<16xf32>
        %get3A_537 = arith.constant 71 : i32
        %get3A_538 = arith.index_cast %get3A_537 : i32 to index
        %get3A_539 = arith.index_cast %mul3A_178 : i32 to index
        %get3A_540 = tpu.vector_load %arg9[%get3A_538, %get3A_539] {strides = array<i32>} : memref<100x128xf32, #tpu.memory_space<vmem>>, vector<16xf32>,
        %add3A_541 = arith.addf %add3A_521, %get3A_540 : vector<16xf32>
        %get3A_542 = arith.constant 72 : i32
        %get3A_543 = arith.index_cast %get3A_542 : i32 to index
        %get3A_544 = arith.index_cast %mul3A_178 : i32 to index
        %get3A_545 = tpu.vector_load %arg9[%get3A_543, %get3A_544] {strides = array<i32>} : memref<100x128xf32, #tpu.memory_space<vmem>>, vector<16xf32>,
        %add3A_546 = arith.addf %add3A_526, %get3A_545 : vector<16xf32>
        %get3A_547 = arith.constant 73 : i32
        %get3A_548 = arith.index_cast %get3A_547 : i32 to index
        %get3A_549 = arith.index_cast %mul3A_178 : i32 to index
        %get3A_550 = tpu.vector_load %arg9[%get3A_548, %get3A_549] {strides = array<i32>} : memref<100x128xf32, #tpu.memory_space<vmem>>, vector<16xf32>,
        %add3A_551 = arith.addf %add3A_531, %get3A_550 : vector<16xf32>
        %get3A_552 = arith.constant 74 : i32
        %get3A_553 = arith.index_cast %get3A_552 : i32 to index
        %get3A_554 = arith.index_cast %mul3A_178 : i32 to index
        %get3A_555 = tpu.vector_load %arg9[%get3A_553, %get3A_554] {strides = array<i32>} : memref<100x128xf32, #tpu.memory_space<vmem>>, vector<16xf32>,
        %add3A_556 = arith.addf %add3A_536, %get3A_555 : vector<16xf32>
        %get3A_557 = arith.constant 75 : i32
        %get3A_558 = arith.index_cast %get3A_557 : i32 to index
        %get3A_559 = arith.index_cast %mul3A_178 : i32 to index
        %get3A_560 = tpu.vector_load %arg9[%get3A_558, %get3A_559] {strides = array<i32>} : memref<100x128xf32, #tpu.memory_space<vmem>>, vector<16xf32>,
        %add3A_561 = arith.addf %add3A_541, %get3A_560 : vector<16xf32>
        %get3A_562 = arith.constant 76 : i32
        %get3A_563 = arith.index_cast %get3A_562 : i32 to index
        %get3A_564 = arith.index_cast %mul3A_178 : i32 to index
        %get3A_565 = tpu.vector_load %arg9[%get3A_563, %get3A_564] {strides = array<i32>} : memref<100x128xf32, #tpu.memory_space<vmem>>, vector<16xf32>,
        %add3A_566 = arith.addf %add3A_546, %get3A_565 : vector<16xf32>
        %get3A_567 = arith.constant 77 : i32
        %get3A_568 = arith.index_cast %get3A_567 : i32 to index
        %get3A_569 = arith.index_cast %mul3A_178 : i32 to index
        %get3A_570 = tpu.vector_load %arg9[%get3A_568, %get3A_569] {strides = array<i32>} : memref<100x128xf32, #tpu.memory_space<vmem>>, vector<16xf32>,
        %add3A_571 = arith.addf %add3A_551, %get3A_570 : vector<16xf32>
        %get3A_572 = arith.constant 78 : i32
        %get3A_573 = arith.index_cast %get3A_572 : i32 to index
        %get3A_574 = arith.index_cast %mul3A_178 : i32 to index
        %get3A_575 = tpu.vector_load %arg9[%get3A_573, %get3A_574] {strides = array<i32>} : memref<100x128xf32, #tpu.memory_space<vmem>>, vector<16xf32>,
        %add3A_576 = arith.addf %add3A_556, %get3A_575 : vector<16xf32>
        %get3A_577 = arith.constant 79 : i32
        %get3A_578 = arith.index_cast %get3A_577 : i32 to index
        %get3A_579 = arith.index_cast %mul3A_178 : i32 to index
        %get3A_580 = tpu.vector_load %arg9[%get3A_578, %get3A_579] {strides = array<i32>} : memref<100x128xf32, #tpu.memory_space<vmem>>, vector<16xf32>,
        %add3A_581 = arith.addf %add3A_561, %get3A_580 : vector<16xf32>
        %get3A_582 = arith.constant 80 : i32
        %get3A_583 = arith.index_cast %get3A_582 : i32 to index
        %get3A_584 = arith.index_cast %mul3A_178 : i32 to index
        %get3A_585 = tpu.vector_load %arg9[%get3A_583, %get3A_584] {strides = array<i32>} : memref<100x128xf32, #tpu.memory_space<vmem>>, vector<16xf32>,
        %add3A_586 = arith.addf %add3A_566, %get3A_585 : vector<16xf32>
        %get3A_587 = arith.constant 81 : i32
        %get3A_588 = arith.index_cast %get3A_587 : i32 to index
        %get3A_589 = arith.index_cast %mul3A_178 : i32 to index
        %get3A_590 = tpu.vector_load %arg9[%get3A_588, %get3A_589] {strides = array<i32>} : memref<100x128xf32, #tpu.memory_space<vmem>>, vector<16xf32>,
        %add3A_591 = arith.addf %add3A_571, %get3A_590 : vector<16xf32>
        %get3A_592 = arith.constant 82 : i32
        %get3A_593 = arith.index_cast %get3A_592 : i32 to index
        %get3A_594 = arith.index_cast %mul3A_178 : i32 to index
        %get3A_595 = tpu.vector_load %arg9[%get3A_593, %get3A_594] {strides = array<i32>} : memref<100x128xf32, #tpu.memory_space<vmem>>, vector<16xf32>,
        %add3A_596 = arith.addf %add3A_576, %get3A_595 : vector<16xf32>
        %get3A_597 = arith.constant 83 : i32
        %get3A_598 = arith.index_cast %get3A_597 : i32 to index
        %get3A_599 = arith.index_cast %mul3A_178 : i32 to index
        %get3A_600 = tpu.vector_load %arg9[%get3A_598, %get3A_599] {strides = array<i32>} : memref<100x128xf32, #tpu.memory_space<vmem>>, vector<16xf32>,
        %add3A_601 = arith.addf %add3A_581, %get3A_600 : vector<16xf32>
        %get3A_602 = arith.constant 84 : i32
        %get3A_603 = arith.index_cast %get3A_602 : i32 to index
        %get3A_604 = arith.index_cast %mul3A_178 : i32 to index
        %get3A_605 = tpu.vector_load %arg9[%get3A_603, %get3A_604] {strides = array<i32>} : memref<100x128xf32, #tpu.memory_space<vmem>>, vector<16xf32>,
        %add3A_606 = arith.addf %add3A_586, %get3A_605 : vector<16xf32>
        %get3A_607 = arith.constant 85 : i32
        %get3A_608 = arith.index_cast %get3A_607 : i32 to index
        %get3A_609 = arith.index_cast %mul3A_178 : i32 to index
        %get3A_610 = tpu.vector_load %arg9[%get3A_608, %get3A_609] {strides = array<i32>} : memref<100x128xf32, #tpu.memory_space<vmem>>, vector<16xf32>,
        %add3A_611 = arith.addf %add3A_591, %get3A_610 : vector<16xf32>
        %get3A_612 = arith.constant 86 : i32
        %get3A_613 = arith.index_cast %get3A_612 : i32 to index
        %get3A_614 = arith.index_cast %mul3A_178 : i32 to index
        %get3A_615 = tpu.vector_load %arg9[%get3A_613, %get3A_614] {strides = array<i32>} : memref<100x128xf32, #tpu.memory_space<vmem>>, vector<16xf32>,
        %add3A_616 = arith.addf %add3A_596, %get3A_615 : vector<16xf32>
        %get3A_617 = arith.constant 87 : i32
        %get3A_618 = arith.index_cast %get3A_617 : i32 to index
        %get3A_619 = arith.index_cast %mul3A_178 : i32 to index
        %get3A_620 = tpu.vector_load %arg9[%get3A_618, %get3A_619] {strides = array<i32>} : memref<100x128xf32, #tpu.memory_space<vmem>>, vector<16xf32>,
        %add3A_621 = arith.addf %add3A_601, %get3A_620 : vector<16xf32>
        %get3A_622 = arith.constant 88 : i32
        %get3A_623 = arith.index_cast %get3A_622 : i32 to index
        %get3A_624 = arith.index_cast %mul3A_178 : i32 to index
        %get3A_625 = tpu.vector_load %arg9[%get3A_623, %get3A_624] {strides = array<i32>} : memref<100x128xf32, #tpu.memory_space<vmem>>, vector<16xf32>,
        %add3A_626 = arith.addf %add3A_606, %get3A_625 : vector<16xf32>
        %get3A_627 = arith.constant 89 : i32
        %get3A_628 = arith.index_cast %get3A_627 : i32 to index
        %get3A_629 = arith.index_cast %mul3A_178 : i32 to index
        %get3A_630 = tpu.vector_load %arg9[%get3A_628, %get3A_629] {strides = array<i32>} : memref<100x128xf32, #tpu.memory_space<vmem>>, vector<16xf32>,
        %add3A_631 = arith.addf %add3A_611, %get3A_630 : vector<16xf32>
        %get3A_632 = arith.constant 90 : i32
        %get3A_633 = arith.index_cast %get3A_632 : i32 to index
        %get3A_634 = arith.index_cast %mul3A_178 : i32 to index
        %get3A_635 = tpu.vector_load %arg9[%get3A_633, %get3A_634] {strides = array<i32>} : memref<100x128xf32, #tpu.memory_space<vmem>>, vector<16xf32>,
        %add3A_636 = arith.addf %add3A_616, %get3A_635 : vector<16xf32>
        %get3A_637 = arith.constant 91 : i32
        %get3A_638 = arith.index_cast %get3A_637 : i32 to index
        %get3A_639 = arith.index_cast %mul3A_178 : i32 to index
        %get3A_640 = tpu.vector_load %arg9[%get3A_638, %get3A_639] {strides = array<i32>} : memref<100x128xf32, #tpu.memory_space<vmem>>, vector<16xf32>,
        %add3A_641 = arith.addf %add3A_621, %get3A_640 : vector<16xf32>
        %get3A_642 = arith.constant 92 : i32
        %get3A_643 = arith.index_cast %get3A_642 : i32 to index
        %get3A_644 = arith.index_cast %mul3A_178 : i32 to index
        %get3A_645 = tpu.vector_load %arg9[%get3A_643, %get3A_644] {strides = array<i32>} : memref<100x128xf32, #tpu.memory_space<vmem>>, vector<16xf32>,
        %add3A_646 = arith.addf %add3A_626, %get3A_645 : vector<16xf32>
        %get3A_647 = arith.constant 93 : i32
        %get3A_648 = arith.index_cast %get3A_647 : i32 to index
        %get3A_649 = arith.index_cast %mul3A_178 : i32 to index
        %get3A_650 = tpu.vector_load %arg9[%get3A_648, %get3A_649] {strides = array<i32>} : memref<100x128xf32, #tpu.memory_space<vmem>>, vector<16xf32>,
        %add3A_651 = arith.addf %add3A_631, %get3A_650 : vector<16xf32>
        %get3A_652 = arith.constant 94 : i32
        %get3A_653 = arith.index_cast %get3A_652 : i32 to index
        %get3A_654 = arith.index_cast %mul3A_178 : i32 to index
        %get3A_655 = tpu.vector_load %arg9[%get3A_653, %get3A_654] {strides = array<i32>} : memref<100x128xf32, #tpu.memory_space<vmem>>, vector<16xf32>,
        %add3A_656 = arith.addf %add3A_636, %get3A_655 : vector<16xf32>
        %get3A_657 = arith.constant 95 : i32
        %get3A_658 = arith.index_cast %get3A_657 : i32 to index
        %get3A_659 = arith.index_cast %mul3A_178 : i32 to index
        %get3A_660 = tpu.vector_load %arg9[%get3A_658, %get3A_659] {strides = array<i32>} : memref<100x128xf32, #tpu.memory_space<vmem>>, vector<16xf32>,
        %add3A_661 = arith.addf %add3A_641, %get3A_660 : vector<16xf32>
        %get3A_662 = arith.constant 96 : i32
        %get3A_663 = arith.index_cast %get3A_662 : i32 to index
        %get3A_664 = arith.index_cast %mul3A_178 : i32 to index
        %get3A_665 = tpu.vector_load %arg9[%get3A_663, %get3A_664] {strides = array<i32>} : memref<100x128xf32, #tpu.memory_space<vmem>>, vector<16xf32>,
        %add3A_666 = arith.addf %add3A_646, %get3A_665 : vector<16xf32>
        %get3A_667 = arith.constant 97 : i32
        %get3A_668 = arith.index_cast %get3A_667 : i32 to index
        %get3A_669 = arith.index_cast %mul3A_178 : i32 to index
        %get3A_670 = tpu.vector_load %arg9[%get3A_668, %get3A_669] {strides = array<i32>} : memref<100x128xf32, #tpu.memory_space<vmem>>, vector<16xf32>,
        %add3A_671 = arith.addf %add3A_651, %get3A_670 : vector<16xf32>
        %get3A_672 = arith.constant 98 : i32
        %get3A_673 = arith.index_cast %get3A_672 : i32 to index
        %get3A_674 = arith.index_cast %mul3A_178 : i32 to index
        %get3A_675 = tpu.vector_load %arg9[%get3A_673, %get3A_674] {strides = array<i32>} : memref<100x128xf32, #tpu.memory_space<vmem>>, vector<16xf32>,
        %add3A_676 = arith.addf %add3A_656, %get3A_675 : vector<16xf32>
        %get3A_677 = arith.constant 99 : i32
        %get3A_678 = arith.index_cast %get3A_677 : i32 to index
        %get3A_679 = arith.index_cast %mul3A_178 : i32 to index
        %get3A_680 = tpu.vector_load %arg9[%get3A_678, %get3A_679] {strides = array<i32>} : memref<100x128xf32, #tpu.memory_space<vmem>>, vector<16xf32>,
        %add3A_681 = arith.addf %add3A_661, %get3A_680 : vector<16xf32>
        %add3A_682 = arith.addf %add3A_676, %add3A_681 : vector<16xf32>
        %add3A_683 = arith.addf %add3A_666, %add3A_671 : vector<16xf32>
        %add3A_684 = arith.addf %add3A_682, %add3A_683 : vector<16xf32>
        %mul3A_685 = arith.constant 2.000000e-02 : f32
        %mul3A_686 = vector.broadcast %mul3A_685 : f32 to vector<16xf32>
        %mul3A_687 = arith.mulf %add3A_684, %mul3A_686 : vector<16xf32>
        %mul3A_688 = arith.constant 2 : i32
        %mul3A_689 = arith.muli %add3A_152, %mul3A_688 : i32
        %add3A_690 = arith.constant 1 : i32
        %add3A_691 = arith.addi %mul3A_689, %add3A_690 : i32
        %swap3A_692 = arith.index_cast %add3A_691 : i32 to index
        %swap3A_693 = arith.index_cast %mul3A_178 : i32 to index
        %swap3A_694 = tpu.vector_load %arg10[%swap3A_692, %swap3A_693] {strides = array<i32>} : memref<128x128xf32, #tpu.memory_space<vmem>>, vector<16xf32>,
        tpu.vector_store %arg10[%swap3A_692, %swap3A_693], %mul3A_687 {strides = array<i32>} : memref<128x128xf32, #tpu.memory_space<vmem>>, vector<16xf32>,
      }
      %scan3A_163 = arith.constant 8 : i32
      %add3A_164 = arith.constant 4 : i32
      %add3A_165 = arith.addi %add3A_152, %add3A_164 : i32
      %dma_start3A_166 = arith.constant 0 : i32
      %dma_start3A_167 = tpu.memref_slice %arg5[%add3A_165, %dma_start3A_166] : memref<64x100xi32, #tpu.memory_space<vmem>> -> memref<1x100xi32, #tpu.memory_space<vmem>>
      %dma_start3A_168 = tpu.memref_squeeze %dma_start3A_167 : memref<1x100xi32, #tpu.memory_space<vmem>> -> memref<100xi32, #tpu.memory_space<vmem>>
      %dma_start3A_169 = arith.constant 0 : i32
      %dma_start3A_170 = arith.constant 0 : i32
      %dma_start3A_171 = tpu.memref_slice %arg2[%dma_start3A_169, %dma_start3A_170] : memref<100000x128xf32, #tpu.memory_space<hbm>> -> memref<100000x128xf32, #tpu.memory_space<hbm>>
      tpu.enqueue_indirect_dma source(%dma_start3A_171 : memref<100000x128xf32, #tpu.memory_space<hbm>>) target(%arg9 : memref<100x128xf32, #tpu.memory_space<vmem>>) offsets(%dma_start3A_168 : memref<100xi32, #tpu.memory_space<vmem>>) semaphore(%arg14 : memref<!tpu.dma_semaphore, #tpu.memory_space<semaphore_mem>>)
    }
    %scan3A_35 = arith.constant 15 : i32
    %dma_wait3A = arith.constant 60 : i32
    %dma_wait3A_36 = arith.constant 0 : i32
    %dma_wait3A_37 = tpu.memref_slice %arg5[%dma_wait3A, %dma_wait3A_36] : memref<64x100xi32, #tpu.memory_space<vmem>> -> memref<1x100xi32, #tpu.memory_space<vmem>>
    %dma_wait3A_38 = tpu.memref_squeeze %dma_wait3A_37 : memref<1x100xi32, #tpu.memory_space<vmem>> -> memref<100xi32, #tpu.memory_space<vmem>>
    %dma_wait3A_39 = arith.constant 0 : i32
    %dma_wait3A_40 = arith.constant 0 : i32
    %dma_wait3A_41 = tpu.memref_slice %arg2[%dma_wait3A_39, %dma_wait3A_40] : memref<100000x128xf32, #tpu.memory_space<hbm>> -> memref<100000x128xf32, #tpu.memory_space<hbm>>
    tpu.wait_indirect_dma semaphore(%arg11 : memref<!tpu.dma_semaphore, #tpu.memory_space<semaphore_mem>>) src(%dma_wait3A_41 : memref<100000x128xf32, #tpu.memory_space<hbm>>) dst(%arg6 : memref<100x128xf32, #tpu.memory_space<vmem>>)
    %scan3A_42 = arith.constant 0 : i32
    %scan3A_43 = arith.constant 8 : i32
    %scan3A_44 = arith.addi %scan3A_42, %scan3A_43 : i32
    %scan3A_45 = arith.constant 1 : i32
    scf.for %scan3A_83 = %scan3A_42 to %scan3A_44 step %scan3A_45  : i32 {
      %mul3A_84 = arith.constant 1 : i32
      %mul3A_85 = arith.muli %scan3A_83, %mul3A_84 : i32
      %add3A_86 = arith.constant 0 : i32
      %add3A_87 = arith.addi %add3A_86, %mul3A_85 : i32
      %mul3A_88 = arith.constant 16 : i32
      %mul3A_89 = arith.muli %add3A_87, %mul3A_88 : i32
      %get3A = arith.constant 0 : i32
      %get3A_90 = arith.index_cast %get3A : i32 to index
      %get3A_91 = arith.index_cast %mul3A_89 : i32 to index
      %get3A_92 = tpu.vector_load %arg6[%get3A_90, %get3A_91] {strides = array<i32>} : memref<100x128xf32, #tpu.memory_space<vmem>>, vector<16xf32>,
      %get3A_93 = arith.constant 1 : i32
      %get3A_94 = arith.index_cast %get3A_93 : i32 to index
      %get3A_95 = arith.index_cast %mul3A_89 : i32 to index
      %get3A_96 = tpu.vector_load %arg6[%get3A_94, %get3A_95] {strides = array<i32>} : memref<100x128xf32, #tpu.memory_space<vmem>>, vector<16xf32>,
      %get3A_97 = arith.constant 2 : i32
      %get3A_98 = arith.index_cast %get3A_97 : i32 to index
      %get3A_99 = arith.index_cast %mul3A_89 : i32 to index
      %get3A_100 = tpu.vector_load %arg6[%get3A_98, %get3A_99] {strides = array<i32>} : memref<100x128xf32, #tpu.memory_space<vmem>>, vector<16xf32>,
      %get3A_101 = arith.constant 3 : i32
      %get3A_102 = arith.index_cast %get3A_101 : i32 to index
      %get3A_103 = arith.index_cast %mul3A_89 : i32 to index
      %get3A_104 = tpu.vector_load %arg6[%get3A_102, %get3A_103] {strides = array<i32>} : memref<100x128xf32, #tpu.memory_space<vmem>>, vector<16xf32>,
      %get3A_105 = arith.constant 4 : i32
      %get3A_106 = arith.index_cast %get3A_105 : i32 to index
      %get3A_107 = arith.index_cast %mul3A_89 : i32 to index
      %get3A_108 = tpu.vector_load %arg6[%get3A_106, %get3A_107] {strides = array<i32>} : memref<100x128xf32, #tpu.memory_space<vmem>>, vector<16xf32>,
      %add3A_109 = arith.addf %get3A_92, %get3A_108 : vector<16xf32>
      %get3A_110 = arith.constant 5 : i32
      %get3A_111 = arith.index_cast %get3A_110 : i32 to index
      %get3A_112 = arith.index_cast %mul3A_89 : i32 to index
      %get3A_113 = tpu.vector_load %arg6[%get3A_111, %get3A_112] {strides = array<i32>} : memref<100x128xf32, #tpu.memory_space<vmem>>, vector<16xf32>,
      %add3A_114 = arith.addf %get3A_96, %get3A_113 : vector<16xf32>
      %get3A_115 = arith.constant 6 : i32
      %get3A_116 = arith.index_cast %get3A_115 : i32 to index
      %get3A_117 = arith.index_cast %mul3A_89 : i32 to index
      %get3A_118 = tpu.vector_load %arg6[%get3A_116, %get3A_117] {strides = array<i32>} : memref<100x128xf32, #tpu.memory_space<vmem>>, vector<16xf32>,
      %add3A_119 = arith.addf %get3A_100, %get3A_118 : vector<16xf32>
      %get3A_120 = arith.constant 7 : i32
      %get3A_121 = arith.index_cast %get3A_120 : i32 to index
      %get3A_122 = arith.index_cast %mul3A_89 : i32 to index
      %get3A_123 = tpu.vector_load %arg6[%get3A_121, %get3A_122] {strides = array<i32>} : memref<100x128xf32, #tpu.memory_space<vmem>>, vector<16xf32>,
      %add3A_124 = arith.addf %get3A_104, %get3A_123 : vector<16xf32>
      %get3A_125 = arith.constant 8 : i32
      %get3A_126 = arith.index_cast %get3A_125 : i32 to index
      %get3A_127 = arith.index_cast %mul3A_89 : i32 to index
      %get3A_128 = tpu.vector_load %arg6[%get3A_126, %get3A_127] {strides = array<i32>} : memref<100x128xf32, #tpu.memory_space<vmem>>, vector<16xf32>,
      %add3A_129 = arith.addf %add3A_109, %get3A_128 : vector<16xf32>
      %get3A_130 = arith.constant 9 : i32
      %get3A_131 = arith.index_cast %get3A_130 : i32 to index
      %get3A_132 = arith.index_cast %mul3A_89 : i32 to index
      %get3A_133 = tpu.vector_load %arg6[%get3A_131, %get3A_132] {strides = array<i32>} : memref<100x128xf32, #tpu.memory_space<vmem>>, vector<16xf32>,
      %add3A_134 = arith.addf %add3A_114, %get3A_133 : vector<16xf32>
      %get3A_135 = arith.constant 10 : i32
      %get3A_136 = arith.index_cast %get3A_135 : i32 to index
      %get3A_137 = arith.index_cast %mul3A_89 : i32 to index
      %get3A_138 = tpu.vector_load %arg6[%get3A_136, %get3A_137] {strides = array<i32>} : memref<100x128xf32, #tpu.memory_space<vmem>>, vector<16xf32>,
      %add3A_139 = arith.addf %add3A_119, %get3A_138 : vector<16xf32>
      %get3A_140 = arith.constant 11 : i32
      %get3A_141 = arith.index_cast %get3A_140 : i32 to index
      %get3A_142 = arith.index_cast %mul3A_89 : i32 to index
      %get3A_143 = tpu.vector_load %arg6[%get3A_141, %get3A_142] {strides = array<i32>} : memref<100x128xf32, #tpu.memory_space<vmem>>, vector<16xf32>,
      %add3A_144 = arith.addf %add3A_124, %get3A_143 : vector<16xf32>
      %get3A_145 = arith.constant 12 : i32
      %get3A_146 = arith.index_cast %get3A_145 : i32 to index
      %get3A_147 = arith.index_cast %mul3A_89 : i32 to index
      %get3A_148 = tpu.vector_load %arg6[%get3A_146, %get3A_147] {strides = array<i32>} : memref<100x128xf32, #tpu.memory_space<vmem>>, vector<16xf32>,
      %add3A_149 = arith.addf %add3A_129, %get3A_148 : vector<16xf32>
      %get3A_150 = arith.constant 13 : i32
      %get3A_151 = arith.index_cast %get3A_150 : i32 to index
      %get3A_152 = arith.index_cast %mul3A_89 : i32 to index
      %get3A_153 = tpu.vector_load %arg6[%get3A_151, %get3A_152] {strides = array<i32>} : memref<100x128xf32, #tpu.memory_space<vmem>>, vector<16xf32>,
      %add3A_154 = arith.addf %add3A_134, %get3A_153 : vector<16xf32>
      %get3A_155 = arith.constant 14 : i32
      %get3A_156 = arith.index_cast %get3A_155 : i32 to index
      %get3A_157 = arith.index_cast %mul3A_89 : i32 to index
      %get3A_158 = tpu.vector_load %arg6[%get3A_156, %get3A_157] {strides = array<i32>} : memref<100x128xf32, #tpu.memory_space<vmem>>, vector<16xf32>,
      %add3A_159 = arith.addf %add3A_139, %get3A_158 : vector<16xf32>
      %get3A_160 = arith.constant 15 : i32
      %get3A_161 = arith.index_cast %get3A_160 : i32 to index
      %get3A_162 = arith.index_cast %mul3A_89 : i32 to index
      %get3A_163 = tpu.vector_load %arg6[%get3A_161, %get3A_162] {strides = array<i32>} : memref<100x128xf32, #tpu.memory_space<vmem>>, vector<16xf32>,
      %add3A_164 = arith.addf %add3A_144, %get3A_163 : vector<16xf32>
      %get3A_165 = arith.constant 16 : i32
      %get3A_166 = arith.index_cast %get3A_165 : i32 to index
      %get3A_167 = arith.index_cast %mul3A_89 : i32 to index
      %get3A_168 = tpu.vector_load %arg6[%get3A_166, %get3A_167] {strides = array<i32>} : memref<100x128xf32, #tpu.memory_space<vmem>>, vector<16xf32>,
      %add3A_169 = arith.addf %add3A_149, %get3A_168 : vector<16xf32>
      %get3A_170 = arith.constant 17 : i32
      %get3A_171 = arith.index_cast %get3A_170 : i32 to index
      %get3A_172 = arith.index_cast %mul3A_89 : i32 to index
      %get3A_173 = tpu.vector_load %arg6[%get3A_171, %get3A_172] {strides = array<i32>} : memref<100x128xf32, #tpu.memory_space<vmem>>, vector<16xf32>,
      %add3A_174 = arith.addf %add3A_154, %get3A_173 : vector<16xf32>
      %get3A_175 = arith.constant 18 : i32
      %get3A_176 = arith.index_cast %get3A_175 : i32 to index
      %get3A_177 = arith.index_cast %mul3A_89 : i32 to index
      %get3A_178 = tpu.vector_load %arg6[%get3A_176, %get3A_177] {strides = array<i32>} : memref<100x128xf32, #tpu.memory_space<vmem>>, vector<16xf32>,
      %add3A_179 = arith.addf %add3A_159, %get3A_178 : vector<16xf32>
      %get3A_180 = arith.constant 19 : i32
      %get3A_181 = arith.index_cast %get3A_180 : i32 to index
      %get3A_182 = arith.index_cast %mul3A_89 : i32 to index
      %get3A_183 = tpu.vector_load %arg6[%get3A_181, %get3A_182] {strides = array<i32>} : memref<100x128xf32, #tpu.memory_space<vmem>>, vector<16xf32>,
      %add3A_184 = arith.addf %add3A_164, %get3A_183 : vector<16xf32>
      %get3A_185 = arith.constant 20 : i32
      %get3A_186 = arith.index_cast %get3A_185 : i32 to index
      %get3A_187 = arith.index_cast %mul3A_89 : i32 to index
      %get3A_188 = tpu.vector_load %arg6[%get3A_186, %get3A_187] {strides = array<i32>} : memref<100x128xf32, #tpu.memory_space<vmem>>, vector<16xf32>,
      %add3A_189 = arith.addf %add3A_169, %get3A_188 : vector<16xf32>
      %get3A_190 = arith.constant 21 : i32
      %get3A_191 = arith.index_cast %get3A_190 : i32 to index
      %get3A_192 = arith.index_cast %mul3A_89 : i32 to index
      %get3A_193 = tpu.vector_load %arg6[%get3A_191, %get3A_192] {strides = array<i32>} : memref<100x128xf32, #tpu.memory_space<vmem>>, vector<16xf32>,
      %add3A_194 = arith.addf %add3A_174, %get3A_193 : vector<16xf32>
      %get3A_195 = arith.constant 22 : i32
      %get3A_196 = arith.index_cast %get3A_195 : i32 to index
      %get3A_197 = arith.index_cast %mul3A_89 : i32 to index
      %get3A_198 = tpu.vector_load %arg6[%get3A_196, %get3A_197] {strides = array<i32>} : memref<100x128xf32, #tpu.memory_space<vmem>>, vector<16xf32>,
      %add3A_199 = arith.addf %add3A_179, %get3A_198 : vector<16xf32>
      %get3A_200 = arith.constant 23 : i32
      %get3A_201 = arith.index_cast %get3A_200 : i32 to index
      %get3A_202 = arith.index_cast %mul3A_89 : i32 to index
      %get3A_203 = tpu.vector_load %arg6[%get3A_201, %get3A_202] {strides = array<i32>} : memref<100x128xf32, #tpu.memory_space<vmem>>, vector<16xf32>,
      %add3A_204 = arith.addf %add3A_184, %get3A_203 : vector<16xf32>
      %get3A_205 = arith.constant 24 : i32
      %get3A_206 = arith.index_cast %get3A_205 : i32 to index
      %get3A_207 = arith.index_cast %mul3A_89 : i32 to index
      %get3A_208 = tpu.vector_load %arg6[%get3A_206, %get3A_207] {strides = array<i32>} : memref<100x128xf32, #tpu.memory_space<vmem>>, vector<16xf32>,
      %add3A_209 = arith.addf %add3A_189, %get3A_208 : vector<16xf32>
      %get3A_210 = arith.constant 25 : i32
      %get3A_211 = arith.index_cast %get3A_210 : i32 to index
      %get3A_212 = arith.index_cast %mul3A_89 : i32 to index
      %get3A_213 = tpu.vector_load %arg6[%get3A_211, %get3A_212] {strides = array<i32>} : memref<100x128xf32, #tpu.memory_space<vmem>>, vector<16xf32>,
      %add3A_214 = arith.addf %add3A_194, %get3A_213 : vector<16xf32>
      %get3A_215 = arith.constant 26 : i32
      %get3A_216 = arith.index_cast %get3A_215 : i32 to index
      %get3A_217 = arith.index_cast %mul3A_89 : i32 to index
      %get3A_218 = tpu.vector_load %arg6[%get3A_216, %get3A_217] {strides = array<i32>} : memref<100x128xf32, #tpu.memory_space<vmem>>, vector<16xf32>,
      %add3A_219 = arith.addf %add3A_199, %get3A_218 : vector<16xf32>
      %get3A_220 = arith.constant 27 : i32
      %get3A_221 = arith.index_cast %get3A_220 : i32 to index
      %get3A_222 = arith.index_cast %mul3A_89 : i32 to index
      %get3A_223 = tpu.vector_load %arg6[%get3A_221, %get3A_222] {strides = array<i32>} : memref<100x128xf32, #tpu.memory_space<vmem>>, vector<16xf32>,
      %add3A_224 = arith.addf %add3A_204, %get3A_223 : vector<16xf32>
      %get3A_225 = arith.constant 28 : i32
      %get3A_226 = arith.index_cast %get3A_225 : i32 to index
      %get3A_227 = arith.index_cast %mul3A_89 : i32 to index
      %get3A_228 = tpu.vector_load %arg6[%get3A_226, %get3A_227] {strides = array<i32>} : memref<100x128xf32, #tpu.memory_space<vmem>>, vector<16xf32>,
      %add3A_229 = arith.addf %add3A_209, %get3A_228 : vector<16xf32>
      %get3A_230 = arith.constant 29 : i32
      %get3A_231 = arith.index_cast %get3A_230 : i32 to index
      %get3A_232 = arith.index_cast %mul3A_89 : i32 to index
      %get3A_233 = tpu.vector_load %arg6[%get3A_231, %get3A_232] {strides = array<i32>} : memref<100x128xf32, #tpu.memory_space<vmem>>, vector<16xf32>,
      %add3A_234 = arith.addf %add3A_214, %get3A_233 : vector<16xf32>
      %get3A_235 = arith.constant 30 : i32
      %get3A_236 = arith.index_cast %get3A_235 : i32 to index
      %get3A_237 = arith.index_cast %mul3A_89 : i32 to index
      %get3A_238 = tpu.vector_load %arg6[%get3A_236, %get3A_237] {strides = array<i32>} : memref<100x128xf32, #tpu.memory_space<vmem>>, vector<16xf32>,
      %add3A_239 = arith.addf %add3A_219, %get3A_238 : vector<16xf32>
      %get3A_240 = arith.constant 31 : i32
      %get3A_241 = arith.index_cast %get3A_240 : i32 to index
      %get3A_242 = arith.index_cast %mul3A_89 : i32 to index
      %get3A_243 = tpu.vector_load %arg6[%get3A_241, %get3A_242] {strides = array<i32>} : memref<100x128xf32, #tpu.memory_space<vmem>>, vector<16xf32>,
      %add3A_244 = arith.addf %add3A_224, %get3A_243 : vector<16xf32>
      %get3A_245 = arith.constant 32 : i32
      %get3A_246 = arith.index_cast %get3A_245 : i32 to index
      %get3A_247 = arith.index_cast %mul3A_89 : i32 to index
      %get3A_248 = tpu.vector_load %arg6[%get3A_246, %get3A_247] {strides = array<i32>} : memref<100x128xf32, #tpu.memory_space<vmem>>, vector<16xf32>,
      %add3A_249 = arith.addf %add3A_229, %get3A_248 : vector<16xf32>
      %get3A_250 = arith.constant 33 : i32
      %get3A_251 = arith.index_cast %get3A_250 : i32 to index
      %get3A_252 = arith.index_cast %mul3A_89 : i32 to index
      %get3A_253 = tpu.vector_load %arg6[%get3A_251, %get3A_252] {strides = array<i32>} : memref<100x128xf32, #tpu.memory_space<vmem>>, vector<16xf32>,
      %add3A_254 = arith.addf %add3A_234, %get3A_253 : vector<16xf32>
      %get3A_255 = arith.constant 34 : i32
      %get3A_256 = arith.index_cast %get3A_255 : i32 to index
      %get3A_257 = arith.index_cast %mul3A_89 : i32 to index
      %get3A_258 = tpu.vector_load %arg6[%get3A_256, %get3A_257] {strides = array<i32>} : memref<100x128xf32, #tpu.memory_space<vmem>>, vector<16xf32>,
      %add3A_259 = arith.addf %add3A_239, %get3A_258 : vector<16xf32>
      %get3A_260 = arith.constant 35 : i32
      %get3A_261 = arith.index_cast %get3A_260 : i32 to index
      %get3A_262 = arith.index_cast %mul3A_89 : i32 to index
      %get3A_263 = tpu.vector_load %arg6[%get3A_261, %get3A_262] {strides = array<i32>} : memref<100x128xf32, #tpu.memory_space<vmem>>, vector<16xf32>,
      %add3A_264 = arith.addf %add3A_244, %get3A_263 : vector<16xf32>
      %get3A_265 = arith.constant 36 : i32
      %get3A_266 = arith.index_cast %get3A_265 : i32 to index
      %get3A_267 = arith.index_cast %mul3A_89 : i32 to index
      %get3A_268 = tpu.vector_load %arg6[%get3A_266, %get3A_267] {strides = array<i32>} : memref<100x128xf32, #tpu.memory_space<vmem>>, vector<16xf32>,
      %add3A_269 = arith.addf %add3A_249, %get3A_268 : vector<16xf32>
      %get3A_270 = arith.constant 37 : i32
      %get3A_271 = arith.index_cast %get3A_270 : i32 to index
      %get3A_272 = arith.index_cast %mul3A_89 : i32 to index
      %get3A_273 = tpu.vector_load %arg6[%get3A_271, %get3A_272] {strides = array<i32>} : memref<100x128xf32, #tpu.memory_space<vmem>>, vector<16xf32>,
      %add3A_274 = arith.addf %add3A_254, %get3A_273 : vector<16xf32>
      %get3A_275 = arith.constant 38 : i32
      %get3A_276 = arith.index_cast %get3A_275 : i32 to index
      %get3A_277 = arith.index_cast %mul3A_89 : i32 to index
      %get3A_278 = tpu.vector_load %arg6[%get3A_276, %get3A_277] {strides = array<i32>} : memref<100x128xf32, #tpu.memory_space<vmem>>, vector<16xf32>,
      %add3A_279 = arith.addf %add3A_259, %get3A_278 : vector<16xf32>
      %get3A_280 = arith.constant 39 : i32
      %get3A_281 = arith.index_cast %get3A_280 : i32 to index
      %get3A_282 = arith.index_cast %mul3A_89 : i32 to index
      %get3A_283 = tpu.vector_load %arg6[%get3A_281, %get3A_282] {strides = array<i32>} : memref<100x128xf32, #tpu.memory_space<vmem>>, vector<16xf32>,
      %add3A_284 = arith.addf %add3A_264, %get3A_283 : vector<16xf32>
      %get3A_285 = arith.constant 40 : i32
      %get3A_286 = arith.index_cast %get3A_285 : i32 to index
      %get3A_287 = arith.index_cast %mul3A_89 : i32 to index
      %get3A_288 = tpu.vector_load %arg6[%get3A_286, %get3A_287] {strides = array<i32>} : memref<100x128xf32, #tpu.memory_space<vmem>>, vector<16xf32>,
      %add3A_289 = arith.addf %add3A_269, %get3A_288 : vector<16xf32>
      %get3A_290 = arith.constant 41 : i32
      %get3A_291 = arith.index_cast %get3A_290 : i32 to index
      %get3A_292 = arith.index_cast %mul3A_89 : i32 to index
      %get3A_293 = tpu.vector_load %arg6[%get3A_291, %get3A_292] {strides = array<i32>} : memref<100x128xf32, #tpu.memory_space<vmem>>, vector<16xf32>,
      %add3A_294 = arith.addf %add3A_274, %get3A_293 : vector<16xf32>
      %get3A_295 = arith.constant 42 : i32
      %get3A_296 = arith.index_cast %get3A_295 : i32 to index
      %get3A_297 = arith.index_cast %mul3A_89 : i32 to index
      %get3A_298 = tpu.vector_load %arg6[%get3A_296, %get3A_297] {strides = array<i32>} : memref<100x128xf32, #tpu.memory_space<vmem>>, vector<16xf32>,
      %add3A_299 = arith.addf %add3A_279, %get3A_298 : vector<16xf32>
      %get3A_300 = arith.constant 43 : i32
      %get3A_301 = arith.index_cast %get3A_300 : i32 to index
      %get3A_302 = arith.index_cast %mul3A_89 : i32 to index
      %get3A_303 = tpu.vector_load %arg6[%get3A_301, %get3A_302] {strides = array<i32>} : memref<100x128xf32, #tpu.memory_space<vmem>>, vector<16xf32>,
      %add3A_304 = arith.addf %add3A_284, %get3A_303 : vector<16xf32>
      %get3A_305 = arith.constant 44 : i32
      %get3A_306 = arith.index_cast %get3A_305 : i32 to index
      %get3A_307 = arith.index_cast %mul3A_89 : i32 to index
      %get3A_308 = tpu.vector_load %arg6[%get3A_306, %get3A_307] {strides = array<i32>} : memref<100x128xf32, #tpu.memory_space<vmem>>, vector<16xf32>,
      %add3A_309 = arith.addf %add3A_289, %get3A_308 : vector<16xf32>
      %get3A_310 = arith.constant 45 : i32
      %get3A_311 = arith.index_cast %get3A_310 : i32 to index
      %get3A_312 = arith.index_cast %mul3A_89 : i32 to index
      %get3A_313 = tpu.vector_load %arg6[%get3A_311, %get3A_312] {strides = array<i32>} : memref<100x128xf32, #tpu.memory_space<vmem>>, vector<16xf32>,
      %add3A_314 = arith.addf %add3A_294, %get3A_313 : vector<16xf32>
      %get3A_315 = arith.constant 46 : i32
      %get3A_316 = arith.index_cast %get3A_315 : i32 to index
      %get3A_317 = arith.index_cast %mul3A_89 : i32 to index
      %get3A_318 = tpu.vector_load %arg6[%get3A_316, %get3A_317] {strides = array<i32>} : memref<100x128xf32, #tpu.memory_space<vmem>>, vector<16xf32>,
      %add3A_319 = arith.addf %add3A_299, %get3A_318 : vector<16xf32>
      %get3A_320 = arith.constant 47 : i32
      %get3A_321 = arith.index_cast %get3A_320 : i32 to index
      %get3A_322 = arith.index_cast %mul3A_89 : i32 to index
      %get3A_323 = tpu.vector_load %arg6[%get3A_321, %get3A_322] {strides = array<i32>} : memref<100x128xf32, #tpu.memory_space<vmem>>, vector<16xf32>,
      %add3A_324 = arith.addf %add3A_304, %get3A_323 : vector<16xf32>
      %get3A_325 = arith.constant 48 : i32
      %get3A_326 = arith.index_cast %get3A_325 : i32 to index
      %get3A_327 = arith.index_cast %mul3A_89 : i32 to index
      %get3A_328 = tpu.vector_load %arg6[%get3A_326, %get3A_327] {strides = array<i32>} : memref<100x128xf32, #tpu.memory_space<vmem>>, vector<16xf32>,
      %add3A_329 = arith.addf %add3A_309, %get3A_328 : vector<16xf32>
      %get3A_330 = arith.constant 49 : i32
      %get3A_331 = arith.index_cast %get3A_330 : i32 to index
      %get3A_332 = arith.index_cast %mul3A_89 : i32 to index
      %get3A_333 = tpu.vector_load %arg6[%get3A_331, %get3A_332] {strides = array<i32>} : memref<100x128xf32, #tpu.memory_space<vmem>>, vector<16xf32>,
      %add3A_334 = arith.addf %add3A_314, %get3A_333 : vector<16xf32>
      %add3A_335 = arith.addf %add3A_329, %add3A_334 : vector<16xf32>
      %add3A_336 = arith.addf %add3A_319, %add3A_324 : vector<16xf32>
      %add3A_337 = arith.addf %add3A_335, %add3A_336 : vector<16xf32>
      %mul3A_338 = arith.constant 2.000000e-02 : f32
      %mul3A_339 = vector.broadcast %mul3A_338 : f32 to vector<16xf32>
      %mul3A_340 = arith.mulf %add3A_337, %mul3A_339 : vector<16xf32>
      %swap3A = arith.constant 120 : i32
      %swap3A_341 = arith.index_cast %swap3A : i32 to index
      %swap3A_342 = arith.index_cast %mul3A_89 : i32 to index
      %swap3A_343 = tpu.vector_load %arg10[%swap3A_341, %swap3A_342] {strides = array<i32>} : memref<128x128xf32, #tpu.memory_space<vmem>>, vector<16xf32>,
      tpu.vector_store %arg10[%swap3A_341, %swap3A_342], %mul3A_340 {strides = array<i32>} : memref<128x128xf32, #tpu.memory_space<vmem>>, vector<16xf32>,
      %get3A_344 = arith.constant 50 : i32
      %get3A_345 = arith.index_cast %get3A_344 : i32 to index
      %get3A_346 = arith.index_cast %mul3A_89 : i32 to index
      %get3A_347 = tpu.vector_load %arg6[%get3A_345, %get3A_346] {strides = array<i32>} : memref<100x128xf32, #tpu.memory_space<vmem>>, vector<16xf32>,
      %get3A_348 = arith.constant 51 : i32
      %get3A_349 = arith.index_cast %get3A_348 : i32 to index
      %get3A_350 = arith.index_cast %mul3A_89 : i32 to index
      %get3A_351 = tpu.vector_load %arg6[%get3A_349, %get3A_350] {strides = array<i32>} : memref<100x128xf32, #tpu.memory_space<vmem>>, vector<16xf32>,
      %get3A_352 = arith.constant 52 : i32
      %get3A_353 = arith.index_cast %get3A_352 : i32 to index
      %get3A_354 = arith.index_cast %mul3A_89 : i32 to index
      %get3A_355 = tpu.vector_load %arg6[%get3A_353, %get3A_354] {strides = array<i32>} : memref<100x128xf32, #tpu.memory_space<vmem>>, vector<16xf32>,
      %get3A_356 = arith.constant 53 : i32
      %get3A_357 = arith.index_cast %get3A_356 : i32 to index
      %get3A_358 = arith.index_cast %mul3A_89 : i32 to index
      %get3A_359 = tpu.vector_load %arg6[%get3A_357, %get3A_358] {strides = array<i32>} : memref<100x128xf32, #tpu.memory_space<vmem>>, vector<16xf32>,
      %get3A_360 = arith.constant 54 : i32
      %get3A_361 = arith.index_cast %get3A_360 : i32 to index
      %get3A_362 = arith.index_cast %mul3A_89 : i32 to index
      %get3A_363 = tpu.vector_load %arg6[%get3A_361, %get3A_362] {strides = array<i32>} : memref<100x128xf32, #tpu.memory_space<vmem>>, vector<16xf32>,
      %add3A_364 = arith.addf %get3A_347, %get3A_363 : vector<16xf32>
      %get3A_365 = arith.constant 55 : i32
      %get3A_366 = arith.index_cast %get3A_365 : i32 to index
      %get3A_367 = arith.index_cast %mul3A_89 : i32 to index
      %get3A_368 = tpu.vector_load %arg6[%get3A_366, %get3A_367] {strides = array<i32>} : memref<100x128xf32, #tpu.memory_space<vmem>>, vector<16xf32>,
      %add3A_369 = arith.addf %get3A_351, %get3A_368 : vector<16xf32>
      %get3A_370 = arith.constant 56 : i32
      %get3A_371 = arith.index_cast %get3A_370 : i32 to index
      %get3A_372 = arith.index_cast %mul3A_89 : i32 to index
      %get3A_373 = tpu.vector_load %arg6[%get3A_371, %get3A_372] {strides = array<i32>} : memref<100x128xf32, #tpu.memory_space<vmem>>, vector<16xf32>,
      %add3A_374 = arith.addf %get3A_355, %get3A_373 : vector<16xf32>
      %get3A_375 = arith.constant 57 : i32
      %get3A_376 = arith.index_cast %get3A_375 : i32 to index
      %get3A_377 = arith.index_cast %mul3A_89 : i32 to index
      %get3A_378 = tpu.vector_load %arg6[%get3A_376, %get3A_377] {strides = array<i32>} : memref<100x128xf32, #tpu.memory_space<vmem>>, vector<16xf32>,
      %add3A_379 = arith.addf %get3A_359, %get3A_378 : vector<16xf32>
      %get3A_380 = arith.constant 58 : i32
      %get3A_381 = arith.index_cast %get3A_380 : i32 to index
      %get3A_382 = arith.index_cast %mul3A_89 : i32 to index
      %get3A_383 = tpu.vector_load %arg6[%get3A_381, %get3A_382] {strides = array<i32>} : memref<100x128xf32, #tpu.memory_space<vmem>>, vector<16xf32>,
      %add3A_384 = arith.addf %add3A_364, %get3A_383 : vector<16xf32>
      %get3A_385 = arith.constant 59 : i32
      %get3A_386 = arith.index_cast %get3A_385 : i32 to index
      %get3A_387 = arith.index_cast %mul3A_89 : i32 to index
      %get3A_388 = tpu.vector_load %arg6[%get3A_386, %get3A_387] {strides = array<i32>} : memref<100x128xf32, #tpu.memory_space<vmem>>, vector<16xf32>,
      %add3A_389 = arith.addf %add3A_369, %get3A_388 : vector<16xf32>
      %get3A_390 = arith.constant 60 : i32
      %get3A_391 = arith.index_cast %get3A_390 : i32 to index
      %get3A_392 = arith.index_cast %mul3A_89 : i32 to index
      %get3A_393 = tpu.vector_load %arg6[%get3A_391, %get3A_392] {strides = array<i32>} : memref<100x128xf32, #tpu.memory_space<vmem>>, vector<16xf32>,
      %add3A_394 = arith.addf %add3A_374, %get3A_393 : vector<16xf32>
      %get3A_395 = arith.constant 61 : i32
      %get3A_396 = arith.index_cast %get3A_395 : i32 to index
      %get3A_397 = arith.index_cast %mul3A_89 : i32 to index
      %get3A_398 = tpu.vector_load %arg6[%get3A_396, %get3A_397] {strides = array<i32>} : memref<100x128xf32, #tpu.memory_space<vmem>>, vector<16xf32>,
      %add3A_399 = arith.addf %add3A_379, %get3A_398 : vector<16xf32>
      %get3A_400 = arith.constant 62 : i32
      %get3A_401 = arith.index_cast %get3A_400 : i32 to index
      %get3A_402 = arith.index_cast %mul3A_89 : i32 to index
      %get3A_403 = tpu.vector_load %arg6[%get3A_401, %get3A_402] {strides = array<i32>} : memref<100x128xf32, #tpu.memory_space<vmem>>, vector<16xf32>,
      %add3A_404 = arith.addf %add3A_384, %get3A_403 : vector<16xf32>
      %get3A_405 = arith.constant 63 : i32
      %get3A_406 = arith.index_cast %get3A_405 : i32 to index
      %get3A_407 = arith.index_cast %mul3A_89 : i32 to index
      %get3A_408 = tpu.vector_load %arg6[%get3A_406, %get3A_407] {strides = array<i32>} : memref<100x128xf32, #tpu.memory_space<vmem>>, vector<16xf32>,
      %add3A_409 = arith.addf %add3A_389, %get3A_408 : vector<16xf32>
      %get3A_410 = arith.constant 64 : i32
      %get3A_411 = arith.index_cast %get3A_410 : i32 to index
      %get3A_412 = arith.index_cast %mul3A_89 : i32 to index
      %get3A_413 = tpu.vector_load %arg6[%get3A_411, %get3A_412] {strides = array<i32>} : memref<100x128xf32, #tpu.memory_space<vmem>>, vector<16xf32>,
      %add3A_414 = arith.addf %add3A_394, %get3A_413 : vector<16xf32>
      %get3A_415 = arith.constant 65 : i32
      %get3A_416 = arith.index_cast %get3A_415 : i32 to index
      %get3A_417 = arith.index_cast %mul3A_89 : i32 to index
      %get3A_418 = tpu.vector_load %arg6[%get3A_416, %get3A_417] {strides = array<i32>} : memref<100x128xf32, #tpu.memory_space<vmem>>, vector<16xf32>,
      %add3A_419 = arith.addf %add3A_399, %get3A_418 : vector<16xf32>
      %get3A_420 = arith.constant 66 : i32
      %get3A_421 = arith.index_cast %get3A_420 : i32 to index
      %get3A_422 = arith.index_cast %mul3A_89 : i32 to index
      %get3A_423 = tpu.vector_load %arg6[%get3A_421, %get3A_422] {strides = array<i32>} : memref<100x128xf32, #tpu.memory_space<vmem>>, vector<16xf32>,
      %add3A_424 = arith.addf %add3A_404, %get3A_423 : vector<16xf32>
      %get3A_425 = arith.constant 67 : i32
      %get3A_426 = arith.index_cast %get3A_425 : i32 to index
      %get3A_427 = arith.index_cast %mul3A_89 : i32 to index
      %get3A_428 = tpu.vector_load %arg6[%get3A_426, %get3A_427] {strides = array<i32>} : memref<100x128xf32, #tpu.memory_space<vmem>>, vector<16xf32>,
      %add3A_429 = arith.addf %add3A_409, %get3A_428 : vector<16xf32>
      %get3A_430 = arith.constant 68 : i32
      %get3A_431 = arith.index_cast %get3A_430 : i32 to index
      %get3A_432 = arith.index_cast %mul3A_89 : i32 to index
      %get3A_433 = tpu.vector_load %arg6[%get3A_431, %get3A_432] {strides = array<i32>} : memref<100x128xf32, #tpu.memory_space<vmem>>, vector<16xf32>,
      %add3A_434 = arith.addf %add3A_414, %get3A_433 : vector<16xf32>
      %get3A_435 = arith.constant 69 : i32
      %get3A_436 = arith.index_cast %get3A_435 : i32 to index
      %get3A_437 = arith.index_cast %mul3A_89 : i32 to index
      %get3A_438 = tpu.vector_load %arg6[%get3A_436, %get3A_437] {strides = array<i32>} : memref<100x128xf32, #tpu.memory_space<vmem>>, vector<16xf32>,
      %add3A_439 = arith.addf %add3A_419, %get3A_438 : vector<16xf32>
      %get3A_440 = arith.constant 70 : i32
      %get3A_441 = arith.index_cast %get3A_440 : i32 to index
      %get3A_442 = arith.index_cast %mul3A_89 : i32 to index
      %get3A_443 = tpu.vector_load %arg6[%get3A_441, %get3A_442] {strides = array<i32>} : memref<100x128xf32, #tpu.memory_space<vmem>>, vector<16xf32>,
      %add3A_444 = arith.addf %add3A_424, %get3A_443 : vector<16xf32>
      %get3A_445 = arith.constant 71 : i32
      %get3A_446 = arith.index_cast %get3A_445 : i32 to index
      %get3A_447 = arith.index_cast %mul3A_89 : i32 to index
      %get3A_448 = tpu.vector_load %arg6[%get3A_446, %get3A_447] {strides = array<i32>} : memref<100x128xf32, #tpu.memory_space<vmem>>, vector<16xf32>,
      %add3A_449 = arith.addf %add3A_429, %get3A_448 : vector<16xf32>
      %get3A_450 = arith.constant 72 : i32
      %get3A_451 = arith.index_cast %get3A_450 : i32 to index
      %get3A_452 = arith.index_cast %mul3A_89 : i32 to index
      %get3A_453 = tpu.vector_load %arg6[%get3A_451, %get3A_452] {strides = array<i32>} : memref<100x128xf32, #tpu.memory_space<vmem>>, vector<16xf32>,
      %add3A_454 = arith.addf %add3A_434, %get3A_453 : vector<16xf32>
      %get3A_455 = arith.constant 73 : i32
      %get3A_456 = arith.index_cast %get3A_455 : i32 to index
      %get3A_457 = arith.index_cast %mul3A_89 : i32 to index
      %get3A_458 = tpu.vector_load %arg6[%get3A_456, %get3A_457] {strides = array<i32>} : memref<100x128xf32, #tpu.memory_space<vmem>>, vector<16xf32>,
      %add3A_459 = arith.addf %add3A_439, %get3A_458 : vector<16xf32>
      %get3A_460 = arith.constant 74 : i32
      %get3A_461 = arith.index_cast %get3A_460 : i32 to index
      %get3A_462 = arith.index_cast %mul3A_89 : i32 to index
      %get3A_463 = tpu.vector_load %arg6[%get3A_461, %get3A_462] {strides = array<i32>} : memref<100x128xf32, #tpu.memory_space<vmem>>, vector<16xf32>,
      %add3A_464 = arith.addf %add3A_444, %get3A_463 : vector<16xf32>
      %get3A_465 = arith.constant 75 : i32
      %get3A_466 = arith.index_cast %get3A_465 : i32 to index
      %get3A_467 = arith.index_cast %mul3A_89 : i32 to index
      %get3A_468 = tpu.vector_load %arg6[%get3A_466, %get3A_467] {strides = array<i32>} : memref<100x128xf32, #tpu.memory_space<vmem>>, vector<16xf32>,
      %add3A_469 = arith.addf %add3A_449, %get3A_468 : vector<16xf32>
      %get3A_470 = arith.constant 76 : i32
      %get3A_471 = arith.index_cast %get3A_470 : i32 to index
      %get3A_472 = arith.index_cast %mul3A_89 : i32 to index
      %get3A_473 = tpu.vector_load %arg6[%get3A_471, %get3A_472] {strides = array<i32>} : memref<100x128xf32, #tpu.memory_space<vmem>>, vector<16xf32>,
      %add3A_474 = arith.addf %add3A_454, %get3A_473 : vector<16xf32>
      %get3A_475 = arith.constant 77 : i32
      %get3A_476 = arith.index_cast %get3A_475 : i32 to index
      %get3A_477 = arith.index_cast %mul3A_89 : i32 to index
      %get3A_478 = tpu.vector_load %arg6[%get3A_476, %get3A_477] {strides = array<i32>} : memref<100x128xf32, #tpu.memory_space<vmem>>, vector<16xf32>,
      %add3A_479 = arith.addf %add3A_459, %get3A_478 : vector<16xf32>
      %get3A_480 = arith.constant 78 : i32
      %get3A_481 = arith.index_cast %get3A_480 : i32 to index
      %get3A_482 = arith.index_cast %mul3A_89 : i32 to index
      %get3A_483 = tpu.vector_load %arg6[%get3A_481, %get3A_482] {strides = array<i32>} : memref<100x128xf32, #tpu.memory_space<vmem>>, vector<16xf32>,
      %add3A_484 = arith.addf %add3A_464, %get3A_483 : vector<16xf32>
      %get3A_485 = arith.constant 79 : i32
      %get3A_486 = arith.index_cast %get3A_485 : i32 to index
      %get3A_487 = arith.index_cast %mul3A_89 : i32 to index
      %get3A_488 = tpu.vector_load %arg6[%get3A_486, %get3A_487] {strides = array<i32>} : memref<100x128xf32, #tpu.memory_space<vmem>>, vector<16xf32>,
      %add3A_489 = arith.addf %add3A_469, %get3A_488 : vector<16xf32>
      %get3A_490 = arith.constant 80 : i32
      %get3A_491 = arith.index_cast %get3A_490 : i32 to index
      %get3A_492 = arith.index_cast %mul3A_89 : i32 to index
      %get3A_493 = tpu.vector_load %arg6[%get3A_491, %get3A_492] {strides = array<i32>} : memref<100x128xf32, #tpu.memory_space<vmem>>, vector<16xf32>,
      %add3A_494 = arith.addf %add3A_474, %get3A_493 : vector<16xf32>
      %get3A_495 = arith.constant 81 : i32
      %get3A_496 = arith.index_cast %get3A_495 : i32 to index
      %get3A_497 = arith.index_cast %mul3A_89 : i32 to index
      %get3A_498 = tpu.vector_load %arg6[%get3A_496, %get3A_497] {strides = array<i32>} : memref<100x128xf32, #tpu.memory_space<vmem>>, vector<16xf32>,
      %add3A_499 = arith.addf %add3A_479, %get3A_498 : vector<16xf32>
      %get3A_500 = arith.constant 82 : i32
      %get3A_501 = arith.index_cast %get3A_500 : i32 to index
      %get3A_502 = arith.index_cast %mul3A_89 : i32 to index
      %get3A_503 = tpu.vector_load %arg6[%get3A_501, %get3A_502] {strides = array<i32>} : memref<100x128xf32, #tpu.memory_space<vmem>>, vector<16xf32>,
      %add3A_504 = arith.addf %add3A_484, %get3A_503 : vector<16xf32>
      %get3A_505 = arith.constant 83 : i32
      %get3A_506 = arith.index_cast %get3A_505 : i32 to index
      %get3A_507 = arith.index_cast %mul3A_89 : i32 to index
      %get3A_508 = tpu.vector_load %arg6[%get3A_506, %get3A_507] {strides = array<i32>} : memref<100x128xf32, #tpu.memory_space<vmem>>, vector<16xf32>,
      %add3A_509 = arith.addf %add3A_489, %get3A_508 : vector<16xf32>
      %get3A_510 = arith.constant 84 : i32
      %get3A_511 = arith.index_cast %get3A_510 : i32 to index
      %get3A_512 = arith.index_cast %mul3A_89 : i32 to index
      %get3A_513 = tpu.vector_load %arg6[%get3A_511, %get3A_512] {strides = array<i32>} : memref<100x128xf32, #tpu.memory_space<vmem>>, vector<16xf32>,
      %add3A_514 = arith.addf %add3A_494, %get3A_513 : vector<16xf32>
      %get3A_515 = arith.constant 85 : i32
      %get3A_516 = arith.index_cast %get3A_515 : i32 to index
      %get3A_517 = arith.index_cast %mul3A_89 : i32 to index
      %get3A_518 = tpu.vector_load %arg6[%get3A_516, %get3A_517] {strides = array<i32>} : memref<100x128xf32, #tpu.memory_space<vmem>>, vector<16xf32>,
      %add3A_519 = arith.addf %add3A_499, %get3A_518 : vector<16xf32>
      %get3A_520 = arith.constant 86 : i32
      %get3A_521 = arith.index_cast %get3A_520 : i32 to index
      %get3A_522 = arith.index_cast %mul3A_89 : i32 to index
      %get3A_523 = tpu.vector_load %arg6[%get3A_521, %get3A_522] {strides = array<i32>} : memref<100x128xf32, #tpu.memory_space<vmem>>, vector<16xf32>,
      %add3A_524 = arith.addf %add3A_504, %get3A_523 : vector<16xf32>
      %get3A_525 = arith.constant 87 : i32
      %get3A_526 = arith.index_cast %get3A_525 : i32 to index
      %get3A_527 = arith.index_cast %mul3A_89 : i32 to index
      %get3A_528 = tpu.vector_load %arg6[%get3A_526, %get3A_527] {strides = array<i32>} : memref<100x128xf32, #tpu.memory_space<vmem>>, vector<16xf32>,
      %add3A_529 = arith.addf %add3A_509, %get3A_528 : vector<16xf32>
      %get3A_530 = arith.constant 88 : i32
      %get3A_531 = arith.index_cast %get3A_530 : i32 to index
      %get3A_532 = arith.index_cast %mul3A_89 : i32 to index
      %get3A_533 = tpu.vector_load %arg6[%get3A_531, %get3A_532] {strides = array<i32>} : memref<100x128xf32, #tpu.memory_space<vmem>>, vector<16xf32>,
      %add3A_534 = arith.addf %add3A_514, %get3A_533 : vector<16xf32>
      %get3A_535 = arith.constant 89 : i32
      %get3A_536 = arith.index_cast %get3A_535 : i32 to index
      %get3A_537 = arith.index_cast %mul3A_89 : i32 to index
      %get3A_538 = tpu.vector_load %arg6[%get3A_536, %get3A_537] {strides = array<i32>} : memref<100x128xf32, #tpu.memory_space<vmem>>, vector<16xf32>,
      %add3A_539 = arith.addf %add3A_519, %get3A_538 : vector<16xf32>
      %get3A_540 = arith.constant 90 : i32
      %get3A_541 = arith.index_cast %get3A_540 : i32 to index
      %get3A_542 = arith.index_cast %mul3A_89 : i32 to index
      %get3A_543 = tpu.vector_load %arg6[%get3A_541, %get3A_542] {strides = array<i32>} : memref<100x128xf32, #tpu.memory_space<vmem>>, vector<16xf32>,
      %add3A_544 = arith.addf %add3A_524, %get3A_543 : vector<16xf32>
      %get3A_545 = arith.constant 91 : i32
      %get3A_546 = arith.index_cast %get3A_545 : i32 to index
      %get3A_547 = arith.index_cast %mul3A_89 : i32 to index
      %get3A_548 = tpu.vector_load %arg6[%get3A_546, %get3A_547] {strides = array<i32>} : memref<100x128xf32, #tpu.memory_space<vmem>>, vector<16xf32>,
      %add3A_549 = arith.addf %add3A_529, %get3A_548 : vector<16xf32>
      %get3A_550 = arith.constant 92 : i32
      %get3A_551 = arith.index_cast %get3A_550 : i32 to index
      %get3A_552 = arith.index_cast %mul3A_89 : i32 to index
      %get3A_553 = tpu.vector_load %arg6[%get3A_551, %get3A_552] {strides = array<i32>} : memref<100x128xf32, #tpu.memory_space<vmem>>, vector<16xf32>,
      %add3A_554 = arith.addf %add3A_534, %get3A_553 : vector<16xf32>
      %get3A_555 = arith.constant 93 : i32
      %get3A_556 = arith.index_cast %get3A_555 : i32 to index
      %get3A_557 = arith.index_cast %mul3A_89 : i32 to index
      %get3A_558 = tpu.vector_load %arg6[%get3A_556, %get3A_557] {strides = array<i32>} : memref<100x128xf32, #tpu.memory_space<vmem>>, vector<16xf32>,
      %add3A_559 = arith.addf %add3A_539, %get3A_558 : vector<16xf32>
      %get3A_560 = arith.constant 94 : i32
      %get3A_561 = arith.index_cast %get3A_560 : i32 to index
      %get3A_562 = arith.index_cast %mul3A_89 : i32 to index
      %get3A_563 = tpu.vector_load %arg6[%get3A_561, %get3A_562] {strides = array<i32>} : memref<100x128xf32, #tpu.memory_space<vmem>>, vector<16xf32>,
      %add3A_564 = arith.addf %add3A_544, %get3A_563 : vector<16xf32>
      %get3A_565 = arith.constant 95 : i32
      %get3A_566 = arith.index_cast %get3A_565 : i32 to index
      %get3A_567 = arith.index_cast %mul3A_89 : i32 to index
      %get3A_568 = tpu.vector_load %arg6[%get3A_566, %get3A_567] {strides = array<i32>} : memref<100x128xf32, #tpu.memory_space<vmem>>, vector<16xf32>,
      %add3A_569 = arith.addf %add3A_549, %get3A_568 : vector<16xf32>
      %get3A_570 = arith.constant 96 : i32
      %get3A_571 = arith.index_cast %get3A_570 : i32 to index
      %get3A_572 = arith.index_cast %mul3A_89 : i32 to index
      %get3A_573 = tpu.vector_load %arg6[%get3A_571, %get3A_572] {strides = array<i32>} : memref<100x128xf32, #tpu.memory_space<vmem>>, vector<16xf32>,
      %add3A_574 = arith.addf %add3A_554, %get3A_573 : vector<16xf32>
      %get3A_575 = arith.constant 97 : i32
      %get3A_576 = arith.index_cast %get3A_575 : i32 to index
      %get3A_577 = arith.index_cast %mul3A_89 : i32 to index
      %get3A_578 = tpu.vector_load %arg6[%get3A_576, %get3A_577] {strides = array<i32>} : memref<100x128xf32, #tpu.memory_space<vmem>>, vector<16xf32>,
      %add3A_579 = arith.addf %add3A_559, %get3A_578 : vector<16xf32>
      %get3A_580 = arith.constant 98 : i32
      %get3A_581 = arith.index_cast %get3A_580 : i32 to index
      %get3A_582 = arith.index_cast %mul3A_89 : i32 to index
      %get3A_583 = tpu.vector_load %arg6[%get3A_581, %get3A_582] {strides = array<i32>} : memref<100x128xf32, #tpu.memory_space<vmem>>, vector<16xf32>,
      %add3A_584 = arith.addf %add3A_564, %get3A_583 : vector<16xf32>
      %get3A_585 = arith.constant 99 : i32
      %get3A_586 = arith.index_cast %get3A_585 : i32 to index
      %get3A_587 = arith.index_cast %mul3A_89 : i32 to index
      %get3A_588 = tpu.vector_load %arg6[%get3A_586, %get3A_587] {strides = array<i32>} : memref<100x128xf32, #tpu.memory_space<vmem>>, vector<16xf32>,
      %add3A_589 = arith.addf %add3A_569, %get3A_588 : vector<16xf32>
      %add3A_590 = arith.addf %add3A_584, %add3A_589 : vector<16xf32>
      %add3A_591 = arith.addf %add3A_574, %add3A_579 : vector<16xf32>
      %add3A_592 = arith.addf %add3A_590, %add3A_591 : vector<16xf32>
      %mul3A_593 = arith.constant 2.000000e-02 : f32
      %mul3A_594 = vector.broadcast %mul3A_593 : f32 to vector<16xf32>
      %mul3A_595 = arith.mulf %add3A_592, %mul3A_594 : vector<16xf32>
      %swap3A_596 = arith.constant 121 : i32
      %swap3A_597 = arith.index_cast %swap3A_596 : i32 to index
      %swap3A_598 = arith.index_cast %mul3A_89 : i32 to index
      %swap3A_599 = tpu.vector_load %arg10[%swap3A_597, %swap3A_598] {strides = array<i32>} : memref<128x128xf32, #tpu.memory_space<vmem>>, vector<16xf32>,
      tpu.vector_store %arg10[%swap3A_597, %swap3A_598], %mul3A_595 {strides = array<i32>} : memref<128x128xf32, #tpu.memory_space<vmem>>, vector<16xf32>,
    }
    %scan3A_46 = arith.constant 8 : i32
    %dma_wait3A_47 = arith.constant 61 : i32
    %dma_wait3A_48 = arith.constant 0 : i32
    %dma_wait3A_49 = tpu.memref_slice %arg5[%dma_wait3A_47, %dma_wait3A_48] : memref<64x100xi32, #tpu.memory_space<vmem>> -> memref<1x100xi32, #tpu.memory_space<vmem>>
    %dma_wait3A_50 = tpu.memref_squeeze %dma_wait3A_49 : memref<1x100xi32, #tpu.memory_space<vmem>> -> memref<100xi32, #tpu.memory_space<vmem>>
    %dma_wait3A_51 = arith.constant 0 : i32
    %dma_wait3A_52 = arith.constant 0 : i32
    %dma_wait3A_53 = tpu.memref_slice %arg2[%dma_wait3A_51, %dma_wait3A_52] : memref<100000x128xf32, #tpu.memory_space<hbm>> -> memref<100000x128xf32, #tpu.memory_space<hbm>>
    tpu.wait_indirect_dma semaphore(%arg12 : memref<!tpu.dma_semaphore, #tpu.memory_space<semaphore_mem>>) src(%dma_wait3A_53 : memref<100000x128xf32, #tpu.memory_space<hbm>>) dst(%arg7 : memref<100x128xf32, #tpu.memory_space<vmem>>)
    %scan3A_54 = arith.constant 0 : i32
    %scan3A_55 = arith.constant 8 : i32
    %scan3A_56 = arith.addi %scan3A_54, %scan3A_55 : i32
    %scan3A_57 = arith.constant 1 : i32
    scf.for %scan3A_83 = %scan3A_54 to %scan3A_56 step %scan3A_57  : i32 {
      %mul3A_84 = arith.constant 1 : i32
      %mul3A_85 = arith.muli %scan3A_83, %mul3A_84 : i32
      %add3A_86 = arith.constant 0 : i32
      %add3A_87 = arith.addi %add3A_86, %mul3A_85 : i32
      %mul3A_88 = arith.constant 16 : i32
      %mul3A_89 = arith.muli %add3A_87, %mul3A_88 : i32
      %get3A = arith.constant 0 : i32
      %get3A_90 = arith.index_cast %get3A : i32 to index
      %get3A_91 = arith.index_cast %mul3A_89 : i32 to index
      %get3A_92 = tpu.vector_load %arg7[%get3A_90, %get3A_91] {strides = array<i32>} : memref<100x128xf32, #tpu.memory_space<vmem>>, vector<16xf32>,
      %get3A_93 = arith.constant 1 : i32
      %get3A_94 = arith.index_cast %get3A_93 : i32 to index
      %get3A_95 = arith.index_cast %mul3A_89 : i32 to index
      %get3A_96 = tpu.vector_load %arg7[%get3A_94, %get3A_95] {strides = array<i32>} : memref<100x128xf32, #tpu.memory_space<vmem>>, vector<16xf32>,
      %get3A_97 = arith.constant 2 : i32
      %get3A_98 = arith.index_cast %get3A_97 : i32 to index
      %get3A_99 = arith.index_cast %mul3A_89 : i32 to index
      %get3A_100 = tpu.vector_load %arg7[%get3A_98, %get3A_99] {strides = array<i32>} : memref<100x128xf32, #tpu.memory_space<vmem>>, vector<16xf32>,
      %get3A_101 = arith.constant 3 : i32
      %get3A_102 = arith.index_cast %get3A_101 : i32 to index
      %get3A_103 = arith.index_cast %mul3A_89 : i32 to index
      %get3A_104 = tpu.vector_load %arg7[%get3A_102, %get3A_103] {strides = array<i32>} : memref<100x128xf32, #tpu.memory_space<vmem>>, vector<16xf32>,
      %get3A_105 = arith.constant 4 : i32
      %get3A_106 = arith.index_cast %get3A_105 : i32 to index
      %get3A_107 = arith.index_cast %mul3A_89 : i32 to index
      %get3A_108 = tpu.vector_load %arg7[%get3A_106, %get3A_107] {strides = array<i32>} : memref<100x128xf32, #tpu.memory_space<vmem>>, vector<16xf32>,
      %add3A_109 = arith.addf %get3A_92, %get3A_108 : vector<16xf32>
      %get3A_110 = arith.constant 5 : i32
      %get3A_111 = arith.index_cast %get3A_110 : i32 to index
      %get3A_112 = arith.index_cast %mul3A_89 : i32 to index
      %get3A_113 = tpu.vector_load %arg7[%get3A_111, %get3A_112] {strides = array<i32>} : memref<100x128xf32, #tpu.memory_space<vmem>>, vector<16xf32>,
      %add3A_114 = arith.addf %get3A_96, %get3A_113 : vector<16xf32>
      %get3A_115 = arith.constant 6 : i32
      %get3A_116 = arith.index_cast %get3A_115 : i32 to index
      %get3A_117 = arith.index_cast %mul3A_89 : i32 to index
      %get3A_118 = tpu.vector_load %arg7[%get3A_116, %get3A_117] {strides = array<i32>} : memref<100x128xf32, #tpu.memory_space<vmem>>, vector<16xf32>,
      %add3A_119 = arith.addf %get3A_100, %get3A_118 : vector<16xf32>
      %get3A_120 = arith.constant 7 : i32
      %get3A_121 = arith.index_cast %get3A_120 : i32 to index
      %get3A_122 = arith.index_cast %mul3A_89 : i32 to index
      %get3A_123 = tpu.vector_load %arg7[%get3A_121, %get3A_122] {strides = array<i32>} : memref<100x128xf32, #tpu.memory_space<vmem>>, vector<16xf32>,
      %add3A_124 = arith.addf %get3A_104, %get3A_123 : vector<16xf32>
      %get3A_125 = arith.constant 8 : i32
      %get3A_126 = arith.index_cast %get3A_125 : i32 to index
      %get3A_127 = arith.index_cast %mul3A_89 : i32 to index
      %get3A_128 = tpu.vector_load %arg7[%get3A_126, %get3A_127] {strides = array<i32>} : memref<100x128xf32, #tpu.memory_space<vmem>>, vector<16xf32>,
      %add3A_129 = arith.addf %add3A_109, %get3A_128 : vector<16xf32>
      %get3A_130 = arith.constant 9 : i32
      %get3A_131 = arith.index_cast %get3A_130 : i32 to index
      %get3A_132 = arith.index_cast %mul3A_89 : i32 to index
      %get3A_133 = tpu.vector_load %arg7[%get3A_131, %get3A_132] {strides = array<i32>} : memref<100x128xf32, #tpu.memory_space<vmem>>, vector<16xf32>,
      %add3A_134 = arith.addf %add3A_114, %get3A_133 : vector<16xf32>
      %get3A_135 = arith.constant 10 : i32
      %get3A_136 = arith.index_cast %get3A_135 : i32 to index
      %get3A_137 = arith.index_cast %mul3A_89 : i32 to index
      %get3A_138 = tpu.vector_load %arg7[%get3A_136, %get3A_137] {strides = array<i32>} : memref<100x128xf32, #tpu.memory_space<vmem>>, vector<16xf32>,
      %add3A_139 = arith.addf %add3A_119, %get3A_138 : vector<16xf32>
      %get3A_140 = arith.constant 11 : i32
      %get3A_141 = arith.index_cast %get3A_140 : i32 to index
      %get3A_142 = arith.index_cast %mul3A_89 : i32 to index
      %get3A_143 = tpu.vector_load %arg7[%get3A_141, %get3A_142] {strides = array<i32>} : memref<100x128xf32, #tpu.memory_space<vmem>>, vector<16xf32>,
      %add3A_144 = arith.addf %add3A_124, %get3A_143 : vector<16xf32>
      %get3A_145 = arith.constant 12 : i32
      %get3A_146 = arith.index_cast %get3A_145 : i32 to index
      %get3A_147 = arith.index_cast %mul3A_89 : i32 to index
      %get3A_148 = tpu.vector_load %arg7[%get3A_146, %get3A_147] {strides = array<i32>} : memref<100x128xf32, #tpu.memory_space<vmem>>, vector<16xf32>,
      %add3A_149 = arith.addf %add3A_129, %get3A_148 : vector<16xf32>
      %get3A_150 = arith.constant 13 : i32
      %get3A_151 = arith.index_cast %get3A_150 : i32 to index
      %get3A_152 = arith.index_cast %mul3A_89 : i32 to index
      %get3A_153 = tpu.vector_load %arg7[%get3A_151, %get3A_152] {strides = array<i32>} : memref<100x128xf32, #tpu.memory_space<vmem>>, vector<16xf32>,
      %add3A_154 = arith.addf %add3A_134, %get3A_153 : vector<16xf32>
      %get3A_155 = arith.constant 14 : i32
      %get3A_156 = arith.index_cast %get3A_155 : i32 to index
      %get3A_157 = arith.index_cast %mul3A_89 : i32 to index
      %get3A_158 = tpu.vector_load %arg7[%get3A_156, %get3A_157] {strides = array<i32>} : memref<100x128xf32, #tpu.memory_space<vmem>>, vector<16xf32>,
      %add3A_159 = arith.addf %add3A_139, %get3A_158 : vector<16xf32>
      %get3A_160 = arith.constant 15 : i32
      %get3A_161 = arith.index_cast %get3A_160 : i32 to index
      %get3A_162 = arith.index_cast %mul3A_89 : i32 to index
      %get3A_163 = tpu.vector_load %arg7[%get3A_161, %get3A_162] {strides = array<i32>} : memref<100x128xf32, #tpu.memory_space<vmem>>, vector<16xf32>,
      %add3A_164 = arith.addf %add3A_144, %get3A_163 : vector<16xf32>
      %get3A_165 = arith.constant 16 : i32
      %get3A_166 = arith.index_cast %get3A_165 : i32 to index
      %get3A_167 = arith.index_cast %mul3A_89 : i32 to index
      %get3A_168 = tpu.vector_load %arg7[%get3A_166, %get3A_167] {strides = array<i32>} : memref<100x128xf32, #tpu.memory_space<vmem>>, vector<16xf32>,
      %add3A_169 = arith.addf %add3A_149, %get3A_168 : vector<16xf32>
      %get3A_170 = arith.constant 17 : i32
      %get3A_171 = arith.index_cast %get3A_170 : i32 to index
      %get3A_172 = arith.index_cast %mul3A_89 : i32 to index
      %get3A_173 = tpu.vector_load %arg7[%get3A_171, %get3A_172] {strides = array<i32>} : memref<100x128xf32, #tpu.memory_space<vmem>>, vector<16xf32>,
      %add3A_174 = arith.addf %add3A_154, %get3A_173 : vector<16xf32>
      %get3A_175 = arith.constant 18 : i32
      %get3A_176 = arith.index_cast %get3A_175 : i32 to index
      %get3A_177 = arith.index_cast %mul3A_89 : i32 to index
      %get3A_178 = tpu.vector_load %arg7[%get3A_176, %get3A_177] {strides = array<i32>} : memref<100x128xf32, #tpu.memory_space<vmem>>, vector<16xf32>,
      %add3A_179 = arith.addf %add3A_159, %get3A_178 : vector<16xf32>
      %get3A_180 = arith.constant 19 : i32
      %get3A_181 = arith.index_cast %get3A_180 : i32 to index
      %get3A_182 = arith.index_cast %mul3A_89 : i32 to index
      %get3A_183 = tpu.vector_load %arg7[%get3A_181, %get3A_182] {strides = array<i32>} : memref<100x128xf32, #tpu.memory_space<vmem>>, vector<16xf32>,
      %add3A_184 = arith.addf %add3A_164, %get3A_183 : vector<16xf32>
      %get3A_185 = arith.constant 20 : i32
      %get3A_186 = arith.index_cast %get3A_185 : i32 to index
      %get3A_187 = arith.index_cast %mul3A_89 : i32 to index
      %get3A_188 = tpu.vector_load %arg7[%get3A_186, %get3A_187] {strides = array<i32>} : memref<100x128xf32, #tpu.memory_space<vmem>>, vector<16xf32>,
      %add3A_189 = arith.addf %add3A_169, %get3A_188 : vector<16xf32>
      %get3A_190 = arith.constant 21 : i32
      %get3A_191 = arith.index_cast %get3A_190 : i32 to index
      %get3A_192 = arith.index_cast %mul3A_89 : i32 to index
      %get3A_193 = tpu.vector_load %arg7[%get3A_191, %get3A_192] {strides = array<i32>} : memref<100x128xf32, #tpu.memory_space<vmem>>, vector<16xf32>,
      %add3A_194 = arith.addf %add3A_174, %get3A_193 : vector<16xf32>
      %get3A_195 = arith.constant 22 : i32
      %get3A_196 = arith.index_cast %get3A_195 : i32 to index
      %get3A_197 = arith.index_cast %mul3A_89 : i32 to index
      %get3A_198 = tpu.vector_load %arg7[%get3A_196, %get3A_197] {strides = array<i32>} : memref<100x128xf32, #tpu.memory_space<vmem>>, vector<16xf32>,
      %add3A_199 = arith.addf %add3A_179, %get3A_198 : vector<16xf32>
      %get3A_200 = arith.constant 23 : i32
      %get3A_201 = arith.index_cast %get3A_200 : i32 to index
      %get3A_202 = arith.index_cast %mul3A_89 : i32 to index
      %get3A_203 = tpu.vector_load %arg7[%get3A_201, %get3A_202] {strides = array<i32>} : memref<100x128xf32, #tpu.memory_space<vmem>>, vector<16xf32>,
      %add3A_204 = arith.addf %add3A_184, %get3A_203 : vector<16xf32>
      %get3A_205 = arith.constant 24 : i32
      %get3A_206 = arith.index_cast %get3A_205 : i32 to index
      %get3A_207 = arith.index_cast %mul3A_89 : i32 to index
      %get3A_208 = tpu.vector_load %arg7[%get3A_206, %get3A_207] {strides = array<i32>} : memref<100x128xf32, #tpu.memory_space<vmem>>, vector<16xf32>,
      %add3A_209 = arith.addf %add3A_189, %get3A_208 : vector<16xf32>
      %get3A_210 = arith.constant 25 : i32
      %get3A_211 = arith.index_cast %get3A_210 : i32 to index
      %get3A_212 = arith.index_cast %mul3A_89 : i32 to index
      %get3A_213 = tpu.vector_load %arg7[%get3A_211, %get3A_212] {strides = array<i32>} : memref<100x128xf32, #tpu.memory_space<vmem>>, vector<16xf32>,
      %add3A_214 = arith.addf %add3A_194, %get3A_213 : vector<16xf32>
      %get3A_215 = arith.constant 26 : i32
      %get3A_216 = arith.index_cast %get3A_215 : i32 to index
      %get3A_217 = arith.index_cast %mul3A_89 : i32 to index
      %get3A_218 = tpu.vector_load %arg7[%get3A_216, %get3A_217] {strides = array<i32>} : memref<100x128xf32, #tpu.memory_space<vmem>>, vector<16xf32>,
      %add3A_219 = arith.addf %add3A_199, %get3A_218 : vector<16xf32>
      %get3A_220 = arith.constant 27 : i32
      %get3A_221 = arith.index_cast %get3A_220 : i32 to index
      %get3A_222 = arith.index_cast %mul3A_89 : i32 to index
      %get3A_223 = tpu.vector_load %arg7[%get3A_221, %get3A_222] {strides = array<i32>} : memref<100x128xf32, #tpu.memory_space<vmem>>, vector<16xf32>,
      %add3A_224 = arith.addf %add3A_204, %get3A_223 : vector<16xf32>
      %get3A_225 = arith.constant 28 : i32
      %get3A_226 = arith.index_cast %get3A_225 : i32 to index
      %get3A_227 = arith.index_cast %mul3A_89 : i32 to index
      %get3A_228 = tpu.vector_load %arg7[%get3A_226, %get3A_227] {strides = array<i32>} : memref<100x128xf32, #tpu.memory_space<vmem>>, vector<16xf32>,
      %add3A_229 = arith.addf %add3A_209, %get3A_228 : vector<16xf32>
      %get3A_230 = arith.constant 29 : i32
      %get3A_231 = arith.index_cast %get3A_230 : i32 to index
      %get3A_232 = arith.index_cast %mul3A_89 : i32 to index
      %get3A_233 = tpu.vector_load %arg7[%get3A_231, %get3A_232] {strides = array<i32>} : memref<100x128xf32, #tpu.memory_space<vmem>>, vector<16xf32>,
      %add3A_234 = arith.addf %add3A_214, %get3A_233 : vector<16xf32>
      %get3A_235 = arith.constant 30 : i32
      %get3A_236 = arith.index_cast %get3A_235 : i32 to index
      %get3A_237 = arith.index_cast %mul3A_89 : i32 to index
      %get3A_238 = tpu.vector_load %arg7[%get3A_236, %get3A_237] {strides = array<i32>} : memref<100x128xf32, #tpu.memory_space<vmem>>, vector<16xf32>,
      %add3A_239 = arith.addf %add3A_219, %get3A_238 : vector<16xf32>
      %get3A_240 = arith.constant 31 : i32
      %get3A_241 = arith.index_cast %get3A_240 : i32 to index
      %get3A_242 = arith.index_cast %mul3A_89 : i32 to index
      %get3A_243 = tpu.vector_load %arg7[%get3A_241, %get3A_242] {strides = array<i32>} : memref<100x128xf32, #tpu.memory_space<vmem>>, vector<16xf32>,
      %add3A_244 = arith.addf %add3A_224, %get3A_243 : vector<16xf32>
      %get3A_245 = arith.constant 32 : i32
      %get3A_246 = arith.index_cast %get3A_245 : i32 to index
      %get3A_247 = arith.index_cast %mul3A_89 : i32 to index
      %get3A_248 = tpu.vector_load %arg7[%get3A_246, %get3A_247] {strides = array<i32>} : memref<100x128xf32, #tpu.memory_space<vmem>>, vector<16xf32>,
      %add3A_249 = arith.addf %add3A_229, %get3A_248 : vector<16xf32>
      %get3A_250 = arith.constant 33 : i32
      %get3A_251 = arith.index_cast %get3A_250 : i32 to index
      %get3A_252 = arith.index_cast %mul3A_89 : i32 to index
      %get3A_253 = tpu.vector_load %arg7[%get3A_251, %get3A_252] {strides = array<i32>} : memref<100x128xf32, #tpu.memory_space<vmem>>, vector<16xf32>,
      %add3A_254 = arith.addf %add3A_234, %get3A_253 : vector<16xf32>
      %get3A_255 = arith.constant 34 : i32
      %get3A_256 = arith.index_cast %get3A_255 : i32 to index
      %get3A_257 = arith.index_cast %mul3A_89 : i32 to index
      %get3A_258 = tpu.vector_load %arg7[%get3A_256, %get3A_257] {strides = array<i32>} : memref<100x128xf32, #tpu.memory_space<vmem>>, vector<16xf32>,
      %add3A_259 = arith.addf %add3A_239, %get3A_258 : vector<16xf32>
      %get3A_260 = arith.constant 35 : i32
      %get3A_261 = arith.index_cast %get3A_260 : i32 to index
      %get3A_262 = arith.index_cast %mul3A_89 : i32 to index
      %get3A_263 = tpu.vector_load %arg7[%get3A_261, %get3A_262] {strides = array<i32>} : memref<100x128xf32, #tpu.memory_space<vmem>>, vector<16xf32>,
      %add3A_264 = arith.addf %add3A_244, %get3A_263 : vector<16xf32>
      %get3A_265 = arith.constant 36 : i32
      %get3A_266 = arith.index_cast %get3A_265 : i32 to index
      %get3A_267 = arith.index_cast %mul3A_89 : i32 to index
      %get3A_268 = tpu.vector_load %arg7[%get3A_266, %get3A_267] {strides = array<i32>} : memref<100x128xf32, #tpu.memory_space<vmem>>, vector<16xf32>,
      %add3A_269 = arith.addf %add3A_249, %get3A_268 : vector<16xf32>
      %get3A_270 = arith.constant 37 : i32
      %get3A_271 = arith.index_cast %get3A_270 : i32 to index
      %get3A_272 = arith.index_cast %mul3A_89 : i32 to index
      %get3A_273 = tpu.vector_load %arg7[%get3A_271, %get3A_272] {strides = array<i32>} : memref<100x128xf32, #tpu.memory_space<vmem>>, vector<16xf32>,
      %add3A_274 = arith.addf %add3A_254, %get3A_273 : vector<16xf32>
      %get3A_275 = arith.constant 38 : i32
      %get3A_276 = arith.index_cast %get3A_275 : i32 to index
      %get3A_277 = arith.index_cast %mul3A_89 : i32 to index
      %get3A_278 = tpu.vector_load %arg7[%get3A_276, %get3A_277] {strides = array<i32>} : memref<100x128xf32, #tpu.memory_space<vmem>>, vector<16xf32>,
      %add3A_279 = arith.addf %add3A_259, %get3A_278 : vector<16xf32>
      %get3A_280 = arith.constant 39 : i32
      %get3A_281 = arith.index_cast %get3A_280 : i32 to index
      %get3A_282 = arith.index_cast %mul3A_89 : i32 to index
      %get3A_283 = tpu.vector_load %arg7[%get3A_281, %get3A_282] {strides = array<i32>} : memref<100x128xf32, #tpu.memory_space<vmem>>, vector<16xf32>,
      %add3A_284 = arith.addf %add3A_264, %get3A_283 : vector<16xf32>
      %get3A_285 = arith.constant 40 : i32
      %get3A_286 = arith.index_cast %get3A_285 : i32 to index
      %get3A_287 = arith.index_cast %mul3A_89 : i32 to index
      %get3A_288 = tpu.vector_load %arg7[%get3A_286, %get3A_287] {strides = array<i32>} : memref<100x128xf32, #tpu.memory_space<vmem>>, vector<16xf32>,
      %add3A_289 = arith.addf %add3A_269, %get3A_288 : vector<16xf32>
      %get3A_290 = arith.constant 41 : i32
      %get3A_291 = arith.index_cast %get3A_290 : i32 to index
      %get3A_292 = arith.index_cast %mul3A_89 : i32 to index
      %get3A_293 = tpu.vector_load %arg7[%get3A_291, %get3A_292] {strides = array<i32>} : memref<100x128xf32, #tpu.memory_space<vmem>>, vector<16xf32>,
      %add3A_294 = arith.addf %add3A_274, %get3A_293 : vector<16xf32>
      %get3A_295 = arith.constant 42 : i32
      %get3A_296 = arith.index_cast %get3A_295 : i32 to index
      %get3A_297 = arith.index_cast %mul3A_89 : i32 to index
      %get3A_298 = tpu.vector_load %arg7[%get3A_296, %get3A_297] {strides = array<i32>} : memref<100x128xf32, #tpu.memory_space<vmem>>, vector<16xf32>,
      %add3A_299 = arith.addf %add3A_279, %get3A_298 : vector<16xf32>
      %get3A_300 = arith.constant 43 : i32
      %get3A_301 = arith.index_cast %get3A_300 : i32 to index
      %get3A_302 = arith.index_cast %mul3A_89 : i32 to index
      %get3A_303 = tpu.vector_load %arg7[%get3A_301, %get3A_302] {strides = array<i32>} : memref<100x128xf32, #tpu.memory_space<vmem>>, vector<16xf32>,
      %add3A_304 = arith.addf %add3A_284, %get3A_303 : vector<16xf32>
      %get3A_305 = arith.constant 44 : i32
      %get3A_306 = arith.index_cast %get3A_305 : i32 to index
      %get3A_307 = arith.index_cast %mul3A_89 : i32 to index
      %get3A_308 = tpu.vector_load %arg7[%get3A_306, %get3A_307] {strides = array<i32>} : memref<100x128xf32, #tpu.memory_space<vmem>>, vector<16xf32>,
      %add3A_309 = arith.addf %add3A_289, %get3A_308 : vector<16xf32>
      %get3A_310 = arith.constant 45 : i32
      %get3A_311 = arith.index_cast %get3A_310 : i32 to index
      %get3A_312 = arith.index_cast %mul3A_89 : i32 to index
      %get3A_313 = tpu.vector_load %arg7[%get3A_311, %get3A_312] {strides = array<i32>} : memref<100x128xf32, #tpu.memory_space<vmem>>, vector<16xf32>,
      %add3A_314 = arith.addf %add3A_294, %get3A_313 : vector<16xf32>
      %get3A_315 = arith.constant 46 : i32
      %get3A_316 = arith.index_cast %get3A_315 : i32 to index
      %get3A_317 = arith.index_cast %mul3A_89 : i32 to index
      %get3A_318 = tpu.vector_load %arg7[%get3A_316, %get3A_317] {strides = array<i32>} : memref<100x128xf32, #tpu.memory_space<vmem>>, vector<16xf32>,
      %add3A_319 = arith.addf %add3A_299, %get3A_318 : vector<16xf32>
      %get3A_320 = arith.constant 47 : i32
      %get3A_321 = arith.index_cast %get3A_320 : i32 to index
      %get3A_322 = arith.index_cast %mul3A_89 : i32 to index
      %get3A_323 = tpu.vector_load %arg7[%get3A_321, %get3A_322] {strides = array<i32>} : memref<100x128xf32, #tpu.memory_space<vmem>>, vector<16xf32>,
      %add3A_324 = arith.addf %add3A_304, %get3A_323 : vector<16xf32>
      %get3A_325 = arith.constant 48 : i32
      %get3A_326 = arith.index_cast %get3A_325 : i32 to index
      %get3A_327 = arith.index_cast %mul3A_89 : i32 to index
      %get3A_328 = tpu.vector_load %arg7[%get3A_326, %get3A_327] {strides = array<i32>} : memref<100x128xf32, #tpu.memory_space<vmem>>, vector<16xf32>,
      %add3A_329 = arith.addf %add3A_309, %get3A_328 : vector<16xf32>
      %get3A_330 = arith.constant 49 : i32
      %get3A_331 = arith.index_cast %get3A_330 : i32 to index
      %get3A_332 = arith.index_cast %mul3A_89 : i32 to index
      %get3A_333 = tpu.vector_load %arg7[%get3A_331, %get3A_332] {strides = array<i32>} : memref<100x128xf32, #tpu.memory_space<vmem>>, vector<16xf32>,
      %add3A_334 = arith.addf %add3A_314, %get3A_333 : vector<16xf32>
      %add3A_335 = arith.addf %add3A_329, %add3A_334 : vector<16xf32>
      %add3A_336 = arith.addf %add3A_319, %add3A_324 : vector<16xf32>
      %add3A_337 = arith.addf %add3A_335, %add3A_336 : vector<16xf32>
      %mul3A_338 = arith.constant 2.000000e-02 : f32
      %mul3A_339 = vector.broadcast %mul3A_338 : f32 to vector<16xf32>
      %mul3A_340 = arith.mulf %add3A_337, %mul3A_339 : vector<16xf32>
      %swap3A = arith.constant 122 : i32
      %swap3A_341 = arith.index_cast %swap3A : i32 to index
      %swap3A_342 = arith.index_cast %mul3A_89 : i32 to index
      %swap3A_343 = tpu.vector_load %arg10[%swap3A_341, %swap3A_342] {strides = array<i32>} : memref<128x128xf32, #tpu.memory_space<vmem>>, vector<16xf32>,
      tpu.vector_store %arg10[%swap3A_341, %swap3A_342], %mul3A_340 {strides = array<i32>} : memref<128x128xf32, #tpu.memory_space<vmem>>, vector<16xf32>,
      %get3A_344 = arith.constant 50 : i32
      %get3A_345 = arith.index_cast %get3A_344 : i32 to index
      %get3A_346 = arith.index_cast %mul3A_89 : i32 to index
      %get3A_347 = tpu.vector_load %arg7[%get3A_345, %get3A_346] {strides = array<i32>} : memref<100x128xf32, #tpu.memory_space<vmem>>, vector<16xf32>,
      %get3A_348 = arith.constant 51 : i32
      %get3A_349 = arith.index_cast %get3A_348 : i32 to index
      %get3A_350 = arith.index_cast %mul3A_89 : i32 to index
      %get3A_351 = tpu.vector_load %arg7[%get3A_349, %get3A_350] {strides = array<i32>} : memref<100x128xf32, #tpu.memory_space<vmem>>, vector<16xf32>,
      %get3A_352 = arith.constant 52 : i32
      %get3A_353 = arith.index_cast %get3A_352 : i32 to index
      %get3A_354 = arith.index_cast %mul3A_89 : i32 to index
      %get3A_355 = tpu.vector_load %arg7[%get3A_353, %get3A_354] {strides = array<i32>} : memref<100x128xf32, #tpu.memory_space<vmem>>, vector<16xf32>,
      %get3A_356 = arith.constant 53 : i32
      %get3A_357 = arith.index_cast %get3A_356 : i32 to index
      %get3A_358 = arith.index_cast %mul3A_89 : i32 to index
      %get3A_359 = tpu.vector_load %arg7[%get3A_357, %get3A_358] {strides = array<i32>} : memref<100x128xf32, #tpu.memory_space<vmem>>, vector<16xf32>,
      %get3A_360 = arith.constant 54 : i32
      %get3A_361 = arith.index_cast %get3A_360 : i32 to index
      %get3A_362 = arith.index_cast %mul3A_89 : i32 to index
      %get3A_363 = tpu.vector_load %arg7[%get3A_361, %get3A_362] {strides = array<i32>} : memref<100x128xf32, #tpu.memory_space<vmem>>, vector<16xf32>,
      %add3A_364 = arith.addf %get3A_347, %get3A_363 : vector<16xf32>
      %get3A_365 = arith.constant 55 : i32
      %get3A_366 = arith.index_cast %get3A_365 : i32 to index
      %get3A_367 = arith.index_cast %mul3A_89 : i32 to index
      %get3A_368 = tpu.vector_load %arg7[%get3A_366, %get3A_367] {strides = array<i32>} : memref<100x128xf32, #tpu.memory_space<vmem>>, vector<16xf32>,
      %add3A_369 = arith.addf %get3A_351, %get3A_368 : vector<16xf32>
      %get3A_370 = arith.constant 56 : i32
      %get3A_371 = arith.index_cast %get3A_370 : i32 to index
      %get3A_372 = arith.index_cast %mul3A_89 : i32 to index
      %get3A_373 = tpu.vector_load %arg7[%get3A_371, %get3A_372] {strides = array<i32>} : memref<100x128xf32, #tpu.memory_space<vmem>>, vector<16xf32>,
      %add3A_374 = arith.addf %get3A_355, %get3A_373 : vector<16xf32>
      %get3A_375 = arith.constant 57 : i32
      %get3A_376 = arith.index_cast %get3A_375 : i32 to index
      %get3A_377 = arith.index_cast %mul3A_89 : i32 to index
      %get3A_378 = tpu.vector_load %arg7[%get3A_376, %get3A_377] {strides = array<i32>} : memref<100x128xf32, #tpu.memory_space<vmem>>, vector<16xf32>,
      %add3A_379 = arith.addf %get3A_359, %get3A_378 : vector<16xf32>
      %get3A_380 = arith.constant 58 : i32
      %get3A_381 = arith.index_cast %get3A_380 : i32 to index
      %get3A_382 = arith.index_cast %mul3A_89 : i32 to index
      %get3A_383 = tpu.vector_load %arg7[%get3A_381, %get3A_382] {strides = array<i32>} : memref<100x128xf32, #tpu.memory_space<vmem>>, vector<16xf32>,
      %add3A_384 = arith.addf %add3A_364, %get3A_383 : vector<16xf32>
      %get3A_385 = arith.constant 59 : i32
      %get3A_386 = arith.index_cast %get3A_385 : i32 to index
      %get3A_387 = arith.index_cast %mul3A_89 : i32 to index
      %get3A_388 = tpu.vector_load %arg7[%get3A_386, %get3A_387] {strides = array<i32>} : memref<100x128xf32, #tpu.memory_space<vmem>>, vector<16xf32>,
      %add3A_389 = arith.addf %add3A_369, %get3A_388 : vector<16xf32>
      %get3A_390 = arith.constant 60 : i32
      %get3A_391 = arith.index_cast %get3A_390 : i32 to index
      %get3A_392 = arith.index_cast %mul3A_89 : i32 to index
      %get3A_393 = tpu.vector_load %arg7[%get3A_391, %get3A_392] {strides = array<i32>} : memref<100x128xf32, #tpu.memory_space<vmem>>, vector<16xf32>,
      %add3A_394 = arith.addf %add3A_374, %get3A_393 : vector<16xf32>
      %get3A_395 = arith.constant 61 : i32
      %get3A_396 = arith.index_cast %get3A_395 : i32 to index
      %get3A_397 = arith.index_cast %mul3A_89 : i32 to index
      %get3A_398 = tpu.vector_load %arg7[%get3A_396, %get3A_397] {strides = array<i32>} : memref<100x128xf32, #tpu.memory_space<vmem>>, vector<16xf32>,
      %add3A_399 = arith.addf %add3A_379, %get3A_398 : vector<16xf32>
      %get3A_400 = arith.constant 62 : i32
      %get3A_401 = arith.index_cast %get3A_400 : i32 to index
      %get3A_402 = arith.index_cast %mul3A_89 : i32 to index
      %get3A_403 = tpu.vector_load %arg7[%get3A_401, %get3A_402] {strides = array<i32>} : memref<100x128xf32, #tpu.memory_space<vmem>>, vector<16xf32>,
      %add3A_404 = arith.addf %add3A_384, %get3A_403 : vector<16xf32>
      %get3A_405 = arith.constant 63 : i32
      %get3A_406 = arith.index_cast %get3A_405 : i32 to index
      %get3A_407 = arith.index_cast %mul3A_89 : i32 to index
      %get3A_408 = tpu.vector_load %arg7[%get3A_406, %get3A_407] {strides = array<i32>} : memref<100x128xf32, #tpu.memory_space<vmem>>, vector<16xf32>,
      %add3A_409 = arith.addf %add3A_389, %get3A_408 : vector<16xf32>
      %get3A_410 = arith.constant 64 : i32
      %get3A_411 = arith.index_cast %get3A_410 : i32 to index
      %get3A_412 = arith.index_cast %mul3A_89 : i32 to index
      %get3A_413 = tpu.vector_load %arg7[%get3A_411, %get3A_412] {strides = array<i32>} : memref<100x128xf32, #tpu.memory_space<vmem>>, vector<16xf32>,
      %add3A_414 = arith.addf %add3A_394, %get3A_413 : vector<16xf32>
      %get3A_415 = arith.constant 65 : i32
      %get3A_416 = arith.index_cast %get3A_415 : i32 to index
      %get3A_417 = arith.index_cast %mul3A_89 : i32 to index
      %get3A_418 = tpu.vector_load %arg7[%get3A_416, %get3A_417] {strides = array<i32>} : memref<100x128xf32, #tpu.memory_space<vmem>>, vector<16xf32>,
      %add3A_419 = arith.addf %add3A_399, %get3A_418 : vector<16xf32>
      %get3A_420 = arith.constant 66 : i32
      %get3A_421 = arith.index_cast %get3A_420 : i32 to index
      %get3A_422 = arith.index_cast %mul3A_89 : i32 to index
      %get3A_423 = tpu.vector_load %arg7[%get3A_421, %get3A_422] {strides = array<i32>} : memref<100x128xf32, #tpu.memory_space<vmem>>, vector<16xf32>,
      %add3A_424 = arith.addf %add3A_404, %get3A_423 : vector<16xf32>
      %get3A_425 = arith.constant 67 : i32
      %get3A_426 = arith.index_cast %get3A_425 : i32 to index
      %get3A_427 = arith.index_cast %mul3A_89 : i32 to index
      %get3A_428 = tpu.vector_load %arg7[%get3A_426, %get3A_427] {strides = array<i32>} : memref<100x128xf32, #tpu.memory_space<vmem>>, vector<16xf32>,
      %add3A_429 = arith.addf %add3A_409, %get3A_428 : vector<16xf32>
      %get3A_430 = arith.constant 68 : i32
      %get3A_431 = arith.index_cast %get3A_430 : i32 to index
      %get3A_432 = arith.index_cast %mul3A_89 : i32 to index
      %get3A_433 = tpu.vector_load %arg7[%get3A_431, %get3A_432] {strides = array<i32>} : memref<100x128xf32, #tpu.memory_space<vmem>>, vector<16xf32>,
      %add3A_434 = arith.addf %add3A_414, %get3A_433 : vector<16xf32>
      %get3A_435 = arith.constant 69 : i32
      %get3A_436 = arith.index_cast %get3A_435 : i32 to index
      %get3A_437 = arith.index_cast %mul3A_89 : i32 to index
      %get3A_438 = tpu.vector_load %arg7[%get3A_436, %get3A_437] {strides = array<i32>} : memref<100x128xf32, #tpu.memory_space<vmem>>, vector<16xf32>,
      %add3A_439 = arith.addf %add3A_419, %get3A_438 : vector<16xf32>
      %get3A_440 = arith.constant 70 : i32
      %get3A_441 = arith.index_cast %get3A_440 : i32 to index
      %get3A_442 = arith.index_cast %mul3A_89 : i32 to index
      %get3A_443 = tpu.vector_load %arg7[%get3A_441, %get3A_442] {strides = array<i32>} : memref<100x128xf32, #tpu.memory_space<vmem>>, vector<16xf32>,
      %add3A_444 = arith.addf %add3A_424, %get3A_443 : vector<16xf32>
      %get3A_445 = arith.constant 71 : i32
      %get3A_446 = arith.index_cast %get3A_445 : i32 to index
      %get3A_447 = arith.index_cast %mul3A_89 : i32 to index
      %get3A_448 = tpu.vector_load %arg7[%get3A_446, %get3A_447] {strides = array<i32>} : memref<100x128xf32, #tpu.memory_space<vmem>>, vector<16xf32>,
      %add3A_449 = arith.addf %add3A_429, %get3A_448 : vector<16xf32>
      %get3A_450 = arith.constant 72 : i32
      %get3A_451 = arith.index_cast %get3A_450 : i32 to index
      %get3A_452 = arith.index_cast %mul3A_89 : i32 to index
      %get3A_453 = tpu.vector_load %arg7[%get3A_451, %get3A_452] {strides = array<i32>} : memref<100x128xf32, #tpu.memory_space<vmem>>, vector<16xf32>,
      %add3A_454 = arith.addf %add3A_434, %get3A_453 : vector<16xf32>
      %get3A_455 = arith.constant 73 : i32
      %get3A_456 = arith.index_cast %get3A_455 : i32 to index
      %get3A_457 = arith.index_cast %mul3A_89 : i32 to index
      %get3A_458 = tpu.vector_load %arg7[%get3A_456, %get3A_457] {strides = array<i32>} : memref<100x128xf32, #tpu.memory_space<vmem>>, vector<16xf32>,
      %add3A_459 = arith.addf %add3A_439, %get3A_458 : vector<16xf32>
      %get3A_460 = arith.constant 74 : i32
      %get3A_461 = arith.index_cast %get3A_460 : i32 to index
      %get3A_462 = arith.index_cast %mul3A_89 : i32 to index
      %get3A_463 = tpu.vector_load %arg7[%get3A_461, %get3A_462] {strides = array<i32>} : memref<100x128xf32, #tpu.memory_space<vmem>>, vector<16xf32>,
      %add3A_464 = arith.addf %add3A_444, %get3A_463 : vector<16xf32>
      %get3A_465 = arith.constant 75 : i32
      %get3A_466 = arith.index_cast %get3A_465 : i32 to index
      %get3A_467 = arith.index_cast %mul3A_89 : i32 to index
      %get3A_468 = tpu.vector_load %arg7[%get3A_466, %get3A_467] {strides = array<i32>} : memref<100x128xf32, #tpu.memory_space<vmem>>, vector<16xf32>,
      %add3A_469 = arith.addf %add3A_449, %get3A_468 : vector<16xf32>
      %get3A_470 = arith.constant 76 : i32
      %get3A_471 = arith.index_cast %get3A_470 : i32 to index
      %get3A_472 = arith.index_cast %mul3A_89 : i32 to index
      %get3A_473 = tpu.vector_load %arg7[%get3A_471, %get3A_472] {strides = array<i32>} : memref<100x128xf32, #tpu.memory_space<vmem>>, vector<16xf32>,
      %add3A_474 = arith.addf %add3A_454, %get3A_473 : vector<16xf32>
      %get3A_475 = arith.constant 77 : i32
      %get3A_476 = arith.index_cast %get3A_475 : i32 to index
      %get3A_477 = arith.index_cast %mul3A_89 : i32 to index
      %get3A_478 = tpu.vector_load %arg7[%get3A_476, %get3A_477] {strides = array<i32>} : memref<100x128xf32, #tpu.memory_space<vmem>>, vector<16xf32>,
      %add3A_479 = arith.addf %add3A_459, %get3A_478 : vector<16xf32>
      %get3A_480 = arith.constant 78 : i32
      %get3A_481 = arith.index_cast %get3A_480 : i32 to index
      %get3A_482 = arith.index_cast %mul3A_89 : i32 to index
      %get3A_483 = tpu.vector_load %arg7[%get3A_481, %get3A_482] {strides = array<i32>} : memref<100x128xf32, #tpu.memory_space<vmem>>, vector<16xf32>,
      %add3A_484 = arith.addf %add3A_464, %get3A_483 : vector<16xf32>
      %get3A_485 = arith.constant 79 : i32
      %get3A_486 = arith.index_cast %get3A_485 : i32 to index
      %get3A_487 = arith.index_cast %mul3A_89 : i32 to index
      %get3A_488 = tpu.vector_load %arg7[%get3A_486, %get3A_487] {strides = array<i32>} : memref<100x128xf32, #tpu.memory_space<vmem>>, vector<16xf32>,
      %add3A_489 = arith.addf %add3A_469, %get3A_488 : vector<16xf32>
      %get3A_490 = arith.constant 80 : i32
      %get3A_491 = arith.index_cast %get3A_490 : i32 to index
      %get3A_492 = arith.index_cast %mul3A_89 : i32 to index
      %get3A_493 = tpu.vector_load %arg7[%get3A_491, %get3A_492] {strides = array<i32>} : memref<100x128xf32, #tpu.memory_space<vmem>>, vector<16xf32>,
      %add3A_494 = arith.addf %add3A_474, %get3A_493 : vector<16xf32>
      %get3A_495 = arith.constant 81 : i32
      %get3A_496 = arith.index_cast %get3A_495 : i32 to index
      %get3A_497 = arith.index_cast %mul3A_89 : i32 to index
      %get3A_498 = tpu.vector_load %arg7[%get3A_496, %get3A_497] {strides = array<i32>} : memref<100x128xf32, #tpu.memory_space<vmem>>, vector<16xf32>,
      %add3A_499 = arith.addf %add3A_479, %get3A_498 : vector<16xf32>
      %get3A_500 = arith.constant 82 : i32
      %get3A_501 = arith.index_cast %get3A_500 : i32 to index
      %get3A_502 = arith.index_cast %mul3A_89 : i32 to index
      %get3A_503 = tpu.vector_load %arg7[%get3A_501, %get3A_502] {strides = array<i32>} : memref<100x128xf32, #tpu.memory_space<vmem>>, vector<16xf32>,
      %add3A_504 = arith.addf %add3A_484, %get3A_503 : vector<16xf32>
      %get3A_505 = arith.constant 83 : i32
      %get3A_506 = arith.index_cast %get3A_505 : i32 to index
      %get3A_507 = arith.index_cast %mul3A_89 : i32 to index
      %get3A_508 = tpu.vector_load %arg7[%get3A_506, %get3A_507] {strides = array<i32>} : memref<100x128xf32, #tpu.memory_space<vmem>>, vector<16xf32>,
      %add3A_509 = arith.addf %add3A_489, %get3A_508 : vector<16xf32>
      %get3A_510 = arith.constant 84 : i32
      %get3A_511 = arith.index_cast %get3A_510 : i32 to index
      %get3A_512 = arith.index_cast %mul3A_89 : i32 to index
      %get3A_513 = tpu.vector_load %arg7[%get3A_511, %get3A_512] {strides = array<i32>} : memref<100x128xf32, #tpu.memory_space<vmem>>, vector<16xf32>,
      %add3A_514 = arith.addf %add3A_494, %get3A_513 : vector<16xf32>
      %get3A_515 = arith.constant 85 : i32
      %get3A_516 = arith.index_cast %get3A_515 : i32 to index
      %get3A_517 = arith.index_cast %mul3A_89 : i32 to index
      %get3A_518 = tpu.vector_load %arg7[%get3A_516, %get3A_517] {strides = array<i32>} : memref<100x128xf32, #tpu.memory_space<vmem>>, vector<16xf32>,
      %add3A_519 = arith.addf %add3A_499, %get3A_518 : vector<16xf32>
      %get3A_520 = arith.constant 86 : i32
      %get3A_521 = arith.index_cast %get3A_520 : i32 to index
      %get3A_522 = arith.index_cast %mul3A_89 : i32 to index
      %get3A_523 = tpu.vector_load %arg7[%get3A_521, %get3A_522] {strides = array<i32>} : memref<100x128xf32, #tpu.memory_space<vmem>>, vector<16xf32>,
      %add3A_524 = arith.addf %add3A_504, %get3A_523 : vector<16xf32>
      %get3A_525 = arith.constant 87 : i32
      %get3A_526 = arith.index_cast %get3A_525 : i32 to index
      %get3A_527 = arith.index_cast %mul3A_89 : i32 to index
      %get3A_528 = tpu.vector_load %arg7[%get3A_526, %get3A_527] {strides = array<i32>} : memref<100x128xf32, #tpu.memory_space<vmem>>, vector<16xf32>,
      %add3A_529 = arith.addf %add3A_509, %get3A_528 : vector<16xf32>
      %get3A_530 = arith.constant 88 : i32
      %get3A_531 = arith.index_cast %get3A_530 : i32 to index
      %get3A_532 = arith.index_cast %mul3A_89 : i32 to index
      %get3A_533 = tpu.vector_load %arg7[%get3A_531, %get3A_532] {strides = array<i32>} : memref<100x128xf32, #tpu.memory_space<vmem>>, vector<16xf32>,
      %add3A_534 = arith.addf %add3A_514, %get3A_533 : vector<16xf32>
      %get3A_535 = arith.constant 89 : i32
      %get3A_536 = arith.index_cast %get3A_535 : i32 to index
      %get3A_537 = arith.index_cast %mul3A_89 : i32 to index
      %get3A_538 = tpu.vector_load %arg7[%get3A_536, %get3A_537] {strides = array<i32>} : memref<100x128xf32, #tpu.memory_space<vmem>>, vector<16xf32>,
      %add3A_539 = arith.addf %add3A_519, %get3A_538 : vector<16xf32>
      %get3A_540 = arith.constant 90 : i32
      %get3A_541 = arith.index_cast %get3A_540 : i32 to index
      %get3A_542 = arith.index_cast %mul3A_89 : i32 to index
      %get3A_543 = tpu.vector_load %arg7[%get3A_541, %get3A_542] {strides = array<i32>} : memref<100x128xf32, #tpu.memory_space<vmem>>, vector<16xf32>,
      %add3A_544 = arith.addf %add3A_524, %get3A_543 : vector<16xf32>
      %get3A_545 = arith.constant 91 : i32
      %get3A_546 = arith.index_cast %get3A_545 : i32 to index
      %get3A_547 = arith.index_cast %mul3A_89 : i32 to index
      %get3A_548 = tpu.vector_load %arg7[%get3A_546, %get3A_547] {strides = array<i32>} : memref<100x128xf32, #tpu.memory_space<vmem>>, vector<16xf32>,
      %add3A_549 = arith.addf %add3A_529, %get3A_548 : vector<16xf32>
      %get3A_550 = arith.constant 92 : i32
      %get3A_551 = arith.index_cast %get3A_550 : i32 to index
      %get3A_552 = arith.index_cast %mul3A_89 : i32 to index
      %get3A_553 = tpu.vector_load %arg7[%get3A_551, %get3A_552] {strides = array<i32>} : memref<100x128xf32, #tpu.memory_space<vmem>>, vector<16xf32>,
      %add3A_554 = arith.addf %add3A_534, %get3A_553 : vector<16xf32>
      %get3A_555 = arith.constant 93 : i32
      %get3A_556 = arith.index_cast %get3A_555 : i32 to index
      %get3A_557 = arith.index_cast %mul3A_89 : i32 to index
      %get3A_558 = tpu.vector_load %arg7[%get3A_556, %get3A_557] {strides = array<i32>} : memref<100x128xf32, #tpu.memory_space<vmem>>, vector<16xf32>,
      %add3A_559 = arith.addf %add3A_539, %get3A_558 : vector<16xf32>
      %get3A_560 = arith.constant 94 : i32
      %get3A_561 = arith.index_cast %get3A_560 : i32 to index
      %get3A_562 = arith.index_cast %mul3A_89 : i32 to index
      %get3A_563 = tpu.vector_load %arg7[%get3A_561, %get3A_562] {strides = array<i32>} : memref<100x128xf32, #tpu.memory_space<vmem>>, vector<16xf32>,
      %add3A_564 = arith.addf %add3A_544, %get3A_563 : vector<16xf32>
      %get3A_565 = arith.constant 95 : i32
      %get3A_566 = arith.index_cast %get3A_565 : i32 to index
      %get3A_567 = arith.index_cast %mul3A_89 : i32 to index
      %get3A_568 = tpu.vector_load %arg7[%get3A_566, %get3A_567] {strides = array<i32>} : memref<100x128xf32, #tpu.memory_space<vmem>>, vector<16xf32>,
      %add3A_569 = arith.addf %add3A_549, %get3A_568 : vector<16xf32>
      %get3A_570 = arith.constant 96 : i32
      %get3A_571 = arith.index_cast %get3A_570 : i32 to index
      %get3A_572 = arith.index_cast %mul3A_89 : i32 to index
      %get3A_573 = tpu.vector_load %arg7[%get3A_571, %get3A_572] {strides = array<i32>} : memref<100x128xf32, #tpu.memory_space<vmem>>, vector<16xf32>,
      %add3A_574 = arith.addf %add3A_554, %get3A_573 : vector<16xf32>
      %get3A_575 = arith.constant 97 : i32
      %get3A_576 = arith.index_cast %get3A_575 : i32 to index
      %get3A_577 = arith.index_cast %mul3A_89 : i32 to index
      %get3A_578 = tpu.vector_load %arg7[%get3A_576, %get3A_577] {strides = array<i32>} : memref<100x128xf32, #tpu.memory_space<vmem>>, vector<16xf32>,
      %add3A_579 = arith.addf %add3A_559, %get3A_578 : vector<16xf32>
      %get3A_580 = arith.constant 98 : i32
      %get3A_581 = arith.index_cast %get3A_580 : i32 to index
      %get3A_582 = arith.index_cast %mul3A_89 : i32 to index
      %get3A_583 = tpu.vector_load %arg7[%get3A_581, %get3A_582] {strides = array<i32>} : memref<100x128xf32, #tpu.memory_space<vmem>>, vector<16xf32>,
      %add3A_584 = arith.addf %add3A_564, %get3A_583 : vector<16xf32>
      %get3A_585 = arith.constant 99 : i32
      %get3A_586 = arith.index_cast %get3A_585 : i32 to index
      %get3A_587 = arith.index_cast %mul3A_89 : i32 to index
      %get3A_588 = tpu.vector_load %arg7[%get3A_586, %get3A_587] {strides = array<i32>} : memref<100x128xf32, #tpu.memory_space<vmem>>, vector<16xf32>,
      %add3A_589 = arith.addf %add3A_569, %get3A_588 : vector<16xf32>
      %add3A_590 = arith.addf %add3A_584, %add3A_589 : vector<16xf32>
      %add3A_591 = arith.addf %add3A_574, %add3A_579 : vector<16xf32>
      %add3A_592 = arith.addf %add3A_590, %add3A_591 : vector<16xf32>
      %mul3A_593 = arith.constant 2.000000e-02 : f32
      %mul3A_594 = vector.broadcast %mul3A_593 : f32 to vector<16xf32>
      %mul3A_595 = arith.mulf %add3A_592, %mul3A_594 : vector<16xf32>
      %swap3A_596 = arith.constant 123 : i32
      %swap3A_597 = arith.index_cast %swap3A_596 : i32 to index
      %swap3A_598 = arith.index_cast %mul3A_89 : i32 to index
      %swap3A_599 = tpu.vector_load %arg10[%swap3A_597, %swap3A_598] {strides = array<i32>} : memref<128x128xf32, #tpu.memory_space<vmem>>, vector<16xf32>,
      tpu.vector_store %arg10[%swap3A_597, %swap3A_598], %mul3A_595 {strides = array<i32>} : memref<128x128xf32, #tpu.memory_space<vmem>>, vector<16xf32>,
    }
    %scan3A_58 = arith.constant 8 : i32
    %dma_wait3A_59 = arith.constant 62 : i32
    %dma_wait3A_60 = arith.constant 0 : i32
    %dma_wait3A_61 = tpu.memref_slice %arg5[%dma_wait3A_59, %dma_wait3A_60] : memref<64x100xi32, #tpu.memory_space<vmem>> -> memref<1x100xi32, #tpu.memory_space<vmem>>
    %dma_wait3A_62 = tpu.memref_squeeze %dma_wait3A_61 : memref<1x100xi32, #tpu.memory_space<vmem>> -> memref<100xi32, #tpu.memory_space<vmem>>
    %dma_wait3A_63 = arith.constant 0 : i32
    %dma_wait3A_64 = arith.constant 0 : i32
    %dma_wait3A_65 = tpu.memref_slice %arg2[%dma_wait3A_63, %dma_wait3A_64] : memref<100000x128xf32, #tpu.memory_space<hbm>> -> memref<100000x128xf32, #tpu.memory_space<hbm>>
    tpu.wait_indirect_dma semaphore(%arg13 : memref<!tpu.dma_semaphore, #tpu.memory_space<semaphore_mem>>) src(%dma_wait3A_65 : memref<100000x128xf32, #tpu.memory_space<hbm>>) dst(%arg8 : memref<100x128xf32, #tpu.memory_space<vmem>>)
    %scan3A_66 = arith.constant 0 : i32
    %scan3A_67 = arith.constant 8 : i32
    %scan3A_68 = arith.addi %scan3A_66, %scan3A_67 : i32
    %scan3A_69 = arith.constant 1 : i32
    scf.for %scan3A_83 = %scan3A_66 to %scan3A_68 step %scan3A_69  : i32 {
      %mul3A_84 = arith.constant 1 : i32
      %mul3A_85 = arith.muli %scan3A_83, %mul3A_84 : i32
      %add3A_86 = arith.constant 0 : i32
      %add3A_87 = arith.addi %add3A_86, %mul3A_85 : i32
      %mul3A_88 = arith.constant 16 : i32
      %mul3A_89 = arith.muli %add3A_87, %mul3A_88 : i32
      %get3A = arith.constant 0 : i32
      %get3A_90 = arith.index_cast %get3A : i32 to index
      %get3A_91 = arith.index_cast %mul3A_89 : i32 to index
      %get3A_92 = tpu.vector_load %arg8[%get3A_90, %get3A_91] {strides = array<i32>} : memref<100x128xf32, #tpu.memory_space<vmem>>, vector<16xf32>,
      %get3A_93 = arith.constant 1 : i32
      %get3A_94 = arith.index_cast %get3A_93 : i32 to index
      %get3A_95 = arith.index_cast %mul3A_89 : i32 to index
      %get3A_96 = tpu.vector_load %arg8[%get3A_94, %get3A_95] {strides = array<i32>} : memref<100x128xf32, #tpu.memory_space<vmem>>, vector<16xf32>,
      %get3A_97 = arith.constant 2 : i32
      %get3A_98 = arith.index_cast %get3A_97 : i32 to index
      %get3A_99 = arith.index_cast %mul3A_89 : i32 to index
      %get3A_100 = tpu.vector_load %arg8[%get3A_98, %get3A_99] {strides = array<i32>} : memref<100x128xf32, #tpu.memory_space<vmem>>, vector<16xf32>,
      %get3A_101 = arith.constant 3 : i32
      %get3A_102 = arith.index_cast %get3A_101 : i32 to index
      %get3A_103 = arith.index_cast %mul3A_89 : i32 to index
      %get3A_104 = tpu.vector_load %arg8[%get3A_102, %get3A_103] {strides = array<i32>} : memref<100x128xf32, #tpu.memory_space<vmem>>, vector<16xf32>,
      %get3A_105 = arith.constant 4 : i32
      %get3A_106 = arith.index_cast %get3A_105 : i32 to index
      %get3A_107 = arith.index_cast %mul3A_89 : i32 to index
      %get3A_108 = tpu.vector_load %arg8[%get3A_106, %get3A_107] {strides = array<i32>} : memref<100x128xf32, #tpu.memory_space<vmem>>, vector<16xf32>,
      %add3A_109 = arith.addf %get3A_92, %get3A_108 : vector<16xf32>
      %get3A_110 = arith.constant 5 : i32
      %get3A_111 = arith.index_cast %get3A_110 : i32 to index
      %get3A_112 = arith.index_cast %mul3A_89 : i32 to index
      %get3A_113 = tpu.vector_load %arg8[%get3A_111, %get3A_112] {strides = array<i32>} : memref<100x128xf32, #tpu.memory_space<vmem>>, vector<16xf32>,
      %add3A_114 = arith.addf %get3A_96, %get3A_113 : vector<16xf32>
      %get3A_115 = arith.constant 6 : i32
      %get3A_116 = arith.index_cast %get3A_115 : i32 to index
      %get3A_117 = arith.index_cast %mul3A_89 : i32 to index
      %get3A_118 = tpu.vector_load %arg8[%get3A_116, %get3A_117] {strides = array<i32>} : memref<100x128xf32, #tpu.memory_space<vmem>>, vector<16xf32>,
      %add3A_119 = arith.addf %get3A_100, %get3A_118 : vector<16xf32>
      %get3A_120 = arith.constant 7 : i32
      %get3A_121 = arith.index_cast %get3A_120 : i32 to index
      %get3A_122 = arith.index_cast %mul3A_89 : i32 to index
      %get3A_123 = tpu.vector_load %arg8[%get3A_121, %get3A_122] {strides = array<i32>} : memref<100x128xf32, #tpu.memory_space<vmem>>, vector<16xf32>,
      %add3A_124 = arith.addf %get3A_104, %get3A_123 : vector<16xf32>
      %get3A_125 = arith.constant 8 : i32
      %get3A_126 = arith.index_cast %get3A_125 : i32 to index
      %get3A_127 = arith.index_cast %mul3A_89 : i32 to index
      %get3A_128 = tpu.vector_load %arg8[%get3A_126, %get3A_127] {strides = array<i32>} : memref<100x128xf32, #tpu.memory_space<vmem>>, vector<16xf32>,
      %add3A_129 = arith.addf %add3A_109, %get3A_128 : vector<16xf32>
      %get3A_130 = arith.constant 9 : i32
      %get3A_131 = arith.index_cast %get3A_130 : i32 to index
      %get3A_132 = arith.index_cast %mul3A_89 : i32 to index
      %get3A_133 = tpu.vector_load %arg8[%get3A_131, %get3A_132] {strides = array<i32>} : memref<100x128xf32, #tpu.memory_space<vmem>>, vector<16xf32>,
      %add3A_134 = arith.addf %add3A_114, %get3A_133 : vector<16xf32>
      %get3A_135 = arith.constant 10 : i32
      %get3A_136 = arith.index_cast %get3A_135 : i32 to index
      %get3A_137 = arith.index_cast %mul3A_89 : i32 to index
      %get3A_138 = tpu.vector_load %arg8[%get3A_136, %get3A_137] {strides = array<i32>} : memref<100x128xf32, #tpu.memory_space<vmem>>, vector<16xf32>,
      %add3A_139 = arith.addf %add3A_119, %get3A_138 : vector<16xf32>
      %get3A_140 = arith.constant 11 : i32
      %get3A_141 = arith.index_cast %get3A_140 : i32 to index
      %get3A_142 = arith.index_cast %mul3A_89 : i32 to index
      %get3A_143 = tpu.vector_load %arg8[%get3A_141, %get3A_142] {strides = array<i32>} : memref<100x128xf32, #tpu.memory_space<vmem>>, vector<16xf32>,
      %add3A_144 = arith.addf %add3A_124, %get3A_143 : vector<16xf32>
      %get3A_145 = arith.constant 12 : i32
      %get3A_146 = arith.index_cast %get3A_145 : i32 to index
      %get3A_147 = arith.index_cast %mul3A_89 : i32 to index
      %get3A_148 = tpu.vector_load %arg8[%get3A_146, %get3A_147] {strides = array<i32>} : memref<100x128xf32, #tpu.memory_space<vmem>>, vector<16xf32>,
      %add3A_149 = arith.addf %add3A_129, %get3A_148 : vector<16xf32>
      %get3A_150 = arith.constant 13 : i32
      %get3A_151 = arith.index_cast %get3A_150 : i32 to index
      %get3A_152 = arith.index_cast %mul3A_89 : i32 to index
      %get3A_153 = tpu.vector_load %arg8[%get3A_151, %get3A_152] {strides = array<i32>} : memref<100x128xf32, #tpu.memory_space<vmem>>, vector<16xf32>,
      %add3A_154 = arith.addf %add3A_134, %get3A_153 : vector<16xf32>
      %get3A_155 = arith.constant 14 : i32
      %get3A_156 = arith.index_cast %get3A_155 : i32 to index
      %get3A_157 = arith.index_cast %mul3A_89 : i32 to index
      %get3A_158 = tpu.vector_load %arg8[%get3A_156, %get3A_157] {strides = array<i32>} : memref<100x128xf32, #tpu.memory_space<vmem>>, vector<16xf32>,
      %add3A_159 = arith.addf %add3A_139, %get3A_158 : vector<16xf32>
      %get3A_160 = arith.constant 15 : i32
      %get3A_161 = arith.index_cast %get3A_160 : i32 to index
      %get3A_162 = arith.index_cast %mul3A_89 : i32 to index
      %get3A_163 = tpu.vector_load %arg8[%get3A_161, %get3A_162] {strides = array<i32>} : memref<100x128xf32, #tpu.memory_space<vmem>>, vector<16xf32>,
      %add3A_164 = arith.addf %add3A_144, %get3A_163 : vector<16xf32>
      %get3A_165 = arith.constant 16 : i32
      %get3A_166 = arith.index_cast %get3A_165 : i32 to index
      %get3A_167 = arith.index_cast %mul3A_89 : i32 to index
      %get3A_168 = tpu.vector_load %arg8[%get3A_166, %get3A_167] {strides = array<i32>} : memref<100x128xf32, #tpu.memory_space<vmem>>, vector<16xf32>,
      %add3A_169 = arith.addf %add3A_149, %get3A_168 : vector<16xf32>
      %get3A_170 = arith.constant 17 : i32
      %get3A_171 = arith.index_cast %get3A_170 : i32 to index
      %get3A_172 = arith.index_cast %mul3A_89 : i32 to index
      %get3A_173 = tpu.vector_load %arg8[%get3A_171, %get3A_172] {strides = array<i32>} : memref<100x128xf32, #tpu.memory_space<vmem>>, vector<16xf32>,
      %add3A_174 = arith.addf %add3A_154, %get3A_173 : vector<16xf32>
      %get3A_175 = arith.constant 18 : i32
      %get3A_176 = arith.index_cast %get3A_175 : i32 to index
      %get3A_177 = arith.index_cast %mul3A_89 : i32 to index
      %get3A_178 = tpu.vector_load %arg8[%get3A_176, %get3A_177] {strides = array<i32>} : memref<100x128xf32, #tpu.memory_space<vmem>>, vector<16xf32>,
      %add3A_179 = arith.addf %add3A_159, %get3A_178 : vector<16xf32>
      %get3A_180 = arith.constant 19 : i32
      %get3A_181 = arith.index_cast %get3A_180 : i32 to index
      %get3A_182 = arith.index_cast %mul3A_89 : i32 to index
      %get3A_183 = tpu.vector_load %arg8[%get3A_181, %get3A_182] {strides = array<i32>} : memref<100x128xf32, #tpu.memory_space<vmem>>, vector<16xf32>,
      %add3A_184 = arith.addf %add3A_164, %get3A_183 : vector<16xf32>
      %get3A_185 = arith.constant 20 : i32
      %get3A_186 = arith.index_cast %get3A_185 : i32 to index
      %get3A_187 = arith.index_cast %mul3A_89 : i32 to index
      %get3A_188 = tpu.vector_load %arg8[%get3A_186, %get3A_187] {strides = array<i32>} : memref<100x128xf32, #tpu.memory_space<vmem>>, vector<16xf32>,
      %add3A_189 = arith.addf %add3A_169, %get3A_188 : vector<16xf32>
      %get3A_190 = arith.constant 21 : i32
      %get3A_191 = arith.index_cast %get3A_190 : i32 to index
      %get3A_192 = arith.index_cast %mul3A_89 : i32 to index
      %get3A_193 = tpu.vector_load %arg8[%get3A_191, %get3A_192] {strides = array<i32>} : memref<100x128xf32, #tpu.memory_space<vmem>>, vector<16xf32>,
      %add3A_194 = arith.addf %add3A_174, %get3A_193 : vector<16xf32>
      %get3A_195 = arith.constant 22 : i32
      %get3A_196 = arith.index_cast %get3A_195 : i32 to index
      %get3A_197 = arith.index_cast %mul3A_89 : i32 to index
      %get3A_198 = tpu.vector_load %arg8[%get3A_196, %get3A_197] {strides = array<i32>} : memref<100x128xf32, #tpu.memory_space<vmem>>, vector<16xf32>,
      %add3A_199 = arith.addf %add3A_179, %get3A_198 : vector<16xf32>
      %get3A_200 = arith.constant 23 : i32
      %get3A_201 = arith.index_cast %get3A_200 : i32 to index
      %get3A_202 = arith.index_cast %mul3A_89 : i32 to index
      %get3A_203 = tpu.vector_load %arg8[%get3A_201, %get3A_202] {strides = array<i32>} : memref<100x128xf32, #tpu.memory_space<vmem>>, vector<16xf32>,
      %add3A_204 = arith.addf %add3A_184, %get3A_203 : vector<16xf32>
      %get3A_205 = arith.constant 24 : i32
      %get3A_206 = arith.index_cast %get3A_205 : i32 to index
      %get3A_207 = arith.index_cast %mul3A_89 : i32 to index
      %get3A_208 = tpu.vector_load %arg8[%get3A_206, %get3A_207] {strides = array<i32>} : memref<100x128xf32, #tpu.memory_space<vmem>>, vector<16xf32>,
      %add3A_209 = arith.addf %add3A_189, %get3A_208 : vector<16xf32>
      %get3A_210 = arith.constant 25 : i32
      %get3A_211 = arith.index_cast %get3A_210 : i32 to index
      %get3A_212 = arith.index_cast %mul3A_89 : i32 to index
      %get3A_213 = tpu.vector_load %arg8[%get3A_211, %get3A_212] {strides = array<i32>} : memref<100x128xf32, #tpu.memory_space<vmem>>, vector<16xf32>,
      %add3A_214 = arith.addf %add3A_194, %get3A_213 : vector<16xf32>
      %get3A_215 = arith.constant 26 : i32
      %get3A_216 = arith.index_cast %get3A_215 : i32 to index
      %get3A_217 = arith.index_cast %mul3A_89 : i32 to index
      %get3A_218 = tpu.vector_load %arg8[%get3A_216, %get3A_217] {strides = array<i32>} : memref<100x128xf32, #tpu.memory_space<vmem>>, vector<16xf32>,
      %add3A_219 = arith.addf %add3A_199, %get3A_218 : vector<16xf32>
      %get3A_220 = arith.constant 27 : i32
      %get3A_221 = arith.index_cast %get3A_220 : i32 to index
      %get3A_222 = arith.index_cast %mul3A_89 : i32 to index
      %get3A_223 = tpu.vector_load %arg8[%get3A_221, %get3A_222] {strides = array<i32>} : memref<100x128xf32, #tpu.memory_space<vmem>>, vector<16xf32>,
      %add3A_224 = arith.addf %add3A_204, %get3A_223 : vector<16xf32>
      %get3A_225 = arith.constant 28 : i32
      %get3A_226 = arith.index_cast %get3A_225 : i32 to index
      %get3A_227 = arith.index_cast %mul3A_89 : i32 to index
      %get3A_228 = tpu.vector_load %arg8[%get3A_226, %get3A_227] {strides = array<i32>} : memref<100x128xf32, #tpu.memory_space<vmem>>, vector<16xf32>,
      %add3A_229 = arith.addf %add3A_209, %get3A_228 : vector<16xf32>
      %get3A_230 = arith.constant 29 : i32
      %get3A_231 = arith.index_cast %get3A_230 : i32 to index
      %get3A_232 = arith.index_cast %mul3A_89 : i32 to index
      %get3A_233 = tpu.vector_load %arg8[%get3A_231, %get3A_232] {strides = array<i32>} : memref<100x128xf32, #tpu.memory_space<vmem>>, vector<16xf32>,
      %add3A_234 = arith.addf %add3A_214, %get3A_233 : vector<16xf32>
      %get3A_235 = arith.constant 30 : i32
      %get3A_236 = arith.index_cast %get3A_235 : i32 to index
      %get3A_237 = arith.index_cast %mul3A_89 : i32 to index
      %get3A_238 = tpu.vector_load %arg8[%get3A_236, %get3A_237] {strides = array<i32>} : memref<100x128xf32, #tpu.memory_space<vmem>>, vector<16xf32>,
      %add3A_239 = arith.addf %add3A_219, %get3A_238 : vector<16xf32>
      %get3A_240 = arith.constant 31 : i32
      %get3A_241 = arith.index_cast %get3A_240 : i32 to index
      %get3A_242 = arith.index_cast %mul3A_89 : i32 to index
      %get3A_243 = tpu.vector_load %arg8[%get3A_241, %get3A_242] {strides = array<i32>} : memref<100x128xf32, #tpu.memory_space<vmem>>, vector<16xf32>,
      %add3A_244 = arith.addf %add3A_224, %get3A_243 : vector<16xf32>
      %get3A_245 = arith.constant 32 : i32
      %get3A_246 = arith.index_cast %get3A_245 : i32 to index
      %get3A_247 = arith.index_cast %mul3A_89 : i32 to index
      %get3A_248 = tpu.vector_load %arg8[%get3A_246, %get3A_247] {strides = array<i32>} : memref<100x128xf32, #tpu.memory_space<vmem>>, vector<16xf32>,
      %add3A_249 = arith.addf %add3A_229, %get3A_248 : vector<16xf32>
      %get3A_250 = arith.constant 33 : i32
      %get3A_251 = arith.index_cast %get3A_250 : i32 to index
      %get3A_252 = arith.index_cast %mul3A_89 : i32 to index
      %get3A_253 = tpu.vector_load %arg8[%get3A_251, %get3A_252] {strides = array<i32>} : memref<100x128xf32, #tpu.memory_space<vmem>>, vector<16xf32>,
      %add3A_254 = arith.addf %add3A_234, %get3A_253 : vector<16xf32>
      %get3A_255 = arith.constant 34 : i32
      %get3A_256 = arith.index_cast %get3A_255 : i32 to index
      %get3A_257 = arith.index_cast %mul3A_89 : i32 to index
      %get3A_258 = tpu.vector_load %arg8[%get3A_256, %get3A_257] {strides = array<i32>} : memref<100x128xf32, #tpu.memory_space<vmem>>, vector<16xf32>,
      %add3A_259 = arith.addf %add3A_239, %get3A_258 : vector<16xf32>
      %get3A_260 = arith.constant 35 : i32
      %get3A_261 = arith.index_cast %get3A_260 : i32 to index
      %get3A_262 = arith.index_cast %mul3A_89 : i32 to index
      %get3A_263 = tpu.vector_load %arg8[%get3A_261, %get3A_262] {strides = array<i32>} : memref<100x128xf32, #tpu.memory_space<vmem>>, vector<16xf32>,
      %add3A_264 = arith.addf %add3A_244, %get3A_263 : vector<16xf32>
      %get3A_265 = arith.constant 36 : i32
      %get3A_266 = arith.index_cast %get3A_265 : i32 to index
      %get3A_267 = arith.index_cast %mul3A_89 : i32 to index
      %get3A_268 = tpu.vector_load %arg8[%get3A_266, %get3A_267] {strides = array<i32>} : memref<100x128xf32, #tpu.memory_space<vmem>>, vector<16xf32>,
      %add3A_269 = arith.addf %add3A_249, %get3A_268 : vector<16xf32>
      %get3A_270 = arith.constant 37 : i32
      %get3A_271 = arith.index_cast %get3A_270 : i32 to index
      %get3A_272 = arith.index_cast %mul3A_89 : i32 to index
      %get3A_273 = tpu.vector_load %arg8[%get3A_271, %get3A_272] {strides = array<i32>} : memref<100x128xf32, #tpu.memory_space<vmem>>, vector<16xf32>,
      %add3A_274 = arith.addf %add3A_254, %get3A_273 : vector<16xf32>
      %get3A_275 = arith.constant 38 : i32
      %get3A_276 = arith.index_cast %get3A_275 : i32 to index
      %get3A_277 = arith.index_cast %mul3A_89 : i32 to index
      %get3A_278 = tpu.vector_load %arg8[%get3A_276, %get3A_277] {strides = array<i32>} : memref<100x128xf32, #tpu.memory_space<vmem>>, vector<16xf32>,
      %add3A_279 = arith.addf %add3A_259, %get3A_278 : vector<16xf32>
      %get3A_280 = arith.constant 39 : i32
      %get3A_281 = arith.index_cast %get3A_280 : i32 to index
      %get3A_282 = arith.index_cast %mul3A_89 : i32 to index
      %get3A_283 = tpu.vector_load %arg8[%get3A_281, %get3A_282] {strides = array<i32>} : memref<100x128xf32, #tpu.memory_space<vmem>>, vector<16xf32>,
      %add3A_284 = arith.addf %add3A_264, %get3A_283 : vector<16xf32>
      %get3A_285 = arith.constant 40 : i32
      %get3A_286 = arith.index_cast %get3A_285 : i32 to index
      %get3A_287 = arith.index_cast %mul3A_89 : i32 to index
      %get3A_288 = tpu.vector_load %arg8[%get3A_286, %get3A_287] {strides = array<i32>} : memref<100x128xf32, #tpu.memory_space<vmem>>, vector<16xf32>,
      %add3A_289 = arith.addf %add3A_269, %get3A_288 : vector<16xf32>
      %get3A_290 = arith.constant 41 : i32
      %get3A_291 = arith.index_cast %get3A_290 : i32 to index
      %get3A_292 = arith.index_cast %mul3A_89 : i32 to index
      %get3A_293 = tpu.vector_load %arg8[%get3A_291, %get3A_292] {strides = array<i32>} : memref<100x128xf32, #tpu.memory_space<vmem>>, vector<16xf32>,
      %add3A_294 = arith.addf %add3A_274, %get3A_293 : vector<16xf32>
      %get3A_295 = arith.constant 42 : i32
      %get3A_296 = arith.index_cast %get3A_295 : i32 to index
      %get3A_297 = arith.index_cast %mul3A_89 : i32 to index
      %get3A_298 = tpu.vector_load %arg8[%get3A_296, %get3A_297] {strides = array<i32>} : memref<100x128xf32, #tpu.memory_space<vmem>>, vector<16xf32>,
      %add3A_299 = arith.addf %add3A_279, %get3A_298 : vector<16xf32>
      %get3A_300 = arith.constant 43 : i32
      %get3A_301 = arith.index_cast %get3A_300 : i32 to index
      %get3A_302 = arith.index_cast %mul3A_89 : i32 to index
      %get3A_303 = tpu.vector_load %arg8[%get3A_301, %get3A_302] {strides = array<i32>} : memref<100x128xf32, #tpu.memory_space<vmem>>, vector<16xf32>,
      %add3A_304 = arith.addf %add3A_284, %get3A_303 : vector<16xf32>
      %get3A_305 = arith.constant 44 : i32
      %get3A_306 = arith.index_cast %get3A_305 : i32 to index
      %get3A_307 = arith.index_cast %mul3A_89 : i32 to index
      %get3A_308 = tpu.vector_load %arg8[%get3A_306, %get3A_307] {strides = array<i32>} : memref<100x128xf32, #tpu.memory_space<vmem>>, vector<16xf32>,
      %add3A_309 = arith.addf %add3A_289, %get3A_308 : vector<16xf32>
      %get3A_310 = arith.constant 45 : i32
      %get3A_311 = arith.index_cast %get3A_310 : i32 to index
      %get3A_312 = arith.index_cast %mul3A_89 : i32 to index
      %get3A_313 = tpu.vector_load %arg8[%get3A_311, %get3A_312] {strides = array<i32>} : memref<100x128xf32, #tpu.memory_space<vmem>>, vector<16xf32>,
      %add3A_314 = arith.addf %add3A_294, %get3A_313 : vector<16xf32>
      %get3A_315 = arith.constant 46 : i32
      %get3A_316 = arith.index_cast %get3A_315 : i32 to index
      %get3A_317 = arith.index_cast %mul3A_89 : i32 to index
      %get3A_318 = tpu.vector_load %arg8[%get3A_316, %get3A_317] {strides = array<i32>} : memref<100x128xf32, #tpu.memory_space<vmem>>, vector<16xf32>,
      %add3A_319 = arith.addf %add3A_299, %get3A_318 : vector<16xf32>
      %get3A_320 = arith.constant 47 : i32
      %get3A_321 = arith.index_cast %get3A_320 : i32 to index
      %get3A_322 = arith.index_cast %mul3A_89 : i32 to index
      %get3A_323 = tpu.vector_load %arg8[%get3A_321, %get3A_322] {strides = array<i32>} : memref<100x128xf32, #tpu.memory_space<vmem>>, vector<16xf32>,
      %add3A_324 = arith.addf %add3A_304, %get3A_323 : vector<16xf32>
      %get3A_325 = arith.constant 48 : i32
      %get3A_326 = arith.index_cast %get3A_325 : i32 to index
      %get3A_327 = arith.index_cast %mul3A_89 : i32 to index
      %get3A_328 = tpu.vector_load %arg8[%get3A_326, %get3A_327] {strides = array<i32>} : memref<100x128xf32, #tpu.memory_space<vmem>>, vector<16xf32>,
      %add3A_329 = arith.addf %add3A_309, %get3A_328 : vector<16xf32>
      %get3A_330 = arith.constant 49 : i32
      %get3A_331 = arith.index_cast %get3A_330 : i32 to index
      %get3A_332 = arith.index_cast %mul3A_89 : i32 to index
      %get3A_333 = tpu.vector_load %arg8[%get3A_331, %get3A_332] {strides = array<i32>} : memref<100x128xf32, #tpu.memory_space<vmem>>, vector<16xf32>,
      %add3A_334 = arith.addf %add3A_314, %get3A_333 : vector<16xf32>
      %add3A_335 = arith.addf %add3A_329, %add3A_334 : vector<16xf32>
      %add3A_336 = arith.addf %add3A_319, %add3A_324 : vector<16xf32>
      %add3A_337 = arith.addf %add3A_335, %add3A_336 : vector<16xf32>
      %mul3A_338 = arith.constant 2.000000e-02 : f32
      %mul3A_339 = vector.broadcast %mul3A_338 : f32 to vector<16xf32>
      %mul3A_340 = arith.mulf %add3A_337, %mul3A_339 : vector<16xf32>
      %swap3A = arith.constant 124 : i32
      %swap3A_341 = arith.index_cast %swap3A : i32 to index
      %swap3A_342 = arith.index_cast %mul3A_89 : i32 to index
      %swap3A_343 = tpu.vector_load %arg10[%swap3A_341, %swap3A_342] {strides = array<i32>} : memref<128x128xf32, #tpu.memory_space<vmem>>, vector<16xf32>,
      tpu.vector_store %arg10[%swap3A_341, %swap3A_342], %mul3A_340 {strides = array<i32>} : memref<128x128xf32, #tpu.memory_space<vmem>>, vector<16xf32>,
      %get3A_344 = arith.constant 50 : i32
      %get3A_345 = arith.index_cast %get3A_344 : i32 to index
      %get3A_346 = arith.index_cast %mul3A_89 : i32 to index
      %get3A_347 = tpu.vector_load %arg8[%get3A_345, %get3A_346] {strides = array<i32>} : memref<100x128xf32, #tpu.memory_space<vmem>>, vector<16xf32>,
      %get3A_348 = arith.constant 51 : i32
      %get3A_349 = arith.index_cast %get3A_348 : i32 to index
      %get3A_350 = arith.index_cast %mul3A_89 : i32 to index
      %get3A_351 = tpu.vector_load %arg8[%get3A_349, %get3A_350] {strides = array<i32>} : memref<100x128xf32, #tpu.memory_space<vmem>>, vector<16xf32>,
      %get3A_352 = arith.constant 52 : i32
      %get3A_353 = arith.index_cast %get3A_352 : i32 to index
      %get3A_354 = arith.index_cast %mul3A_89 : i32 to index
      %get3A_355 = tpu.vector_load %arg8[%get3A_353, %get3A_354] {strides = array<i32>} : memref<100x128xf32, #tpu.memory_space<vmem>>, vector<16xf32>,
      %get3A_356 = arith.constant 53 : i32
      %get3A_357 = arith.index_cast %get3A_356 : i32 to index
      %get3A_358 = arith.index_cast %mul3A_89 : i32 to index
      %get3A_359 = tpu.vector_load %arg8[%get3A_357, %get3A_358] {strides = array<i32>} : memref<100x128xf32, #tpu.memory_space<vmem>>, vector<16xf32>,
      %get3A_360 = arith.constant 54 : i32
      %get3A_361 = arith.index_cast %get3A_360 : i32 to index
      %get3A_362 = arith.index_cast %mul3A_89 : i32 to index
      %get3A_363 = tpu.vector_load %arg8[%get3A_361, %get3A_362] {strides = array<i32>} : memref<100x128xf32, #tpu.memory_space<vmem>>, vector<16xf32>,
      %add3A_364 = arith.addf %get3A_347, %get3A_363 : vector<16xf32>
      %get3A_365 = arith.constant 55 : i32
      %get3A_366 = arith.index_cast %get3A_365 : i32 to index
      %get3A_367 = arith.index_cast %mul3A_89 : i32 to index
      %get3A_368 = tpu.vector_load %arg8[%get3A_366, %get3A_367] {strides = array<i32>} : memref<100x128xf32, #tpu.memory_space<vmem>>, vector<16xf32>,
      %add3A_369 = arith.addf %get3A_351, %get3A_368 : vector<16xf32>
      %get3A_370 = arith.constant 56 : i32
      %get3A_371 = arith.index_cast %get3A_370 : i32 to index
      %get3A_372 = arith.index_cast %mul3A_89 : i32 to index
      %get3A_373 = tpu.vector_load %arg8[%get3A_371, %get3A_372] {strides = array<i32>} : memref<100x128xf32, #tpu.memory_space<vmem>>, vector<16xf32>,
      %add3A_374 = arith.addf %get3A_355, %get3A_373 : vector<16xf32>
      %get3A_375 = arith.constant 57 : i32
      %get3A_376 = arith.index_cast %get3A_375 : i32 to index
      %get3A_377 = arith.index_cast %mul3A_89 : i32 to index
      %get3A_378 = tpu.vector_load %arg8[%get3A_376, %get3A_377] {strides = array<i32>} : memref<100x128xf32, #tpu.memory_space<vmem>>, vector<16xf32>,
      %add3A_379 = arith.addf %get3A_359, %get3A_378 : vector<16xf32>
      %get3A_380 = arith.constant 58 : i32
      %get3A_381 = arith.index_cast %get3A_380 : i32 to index
      %get3A_382 = arith.index_cast %mul3A_89 : i32 to index
      %get3A_383 = tpu.vector_load %arg8[%get3A_381, %get3A_382] {strides = array<i32>} : memref<100x128xf32, #tpu.memory_space<vmem>>, vector<16xf32>,
      %add3A_384 = arith.addf %add3A_364, %get3A_383 : vector<16xf32>
      %get3A_385 = arith.constant 59 : i32
      %get3A_386 = arith.index_cast %get3A_385 : i32 to index
      %get3A_387 = arith.index_cast %mul3A_89 : i32 to index
      %get3A_388 = tpu.vector_load %arg8[%get3A_386, %get3A_387] {strides = array<i32>} : memref<100x128xf32, #tpu.memory_space<vmem>>, vector<16xf32>,
      %add3A_389 = arith.addf %add3A_369, %get3A_388 : vector<16xf32>
      %get3A_390 = arith.constant 60 : i32
      %get3A_391 = arith.index_cast %get3A_390 : i32 to index
      %get3A_392 = arith.index_cast %mul3A_89 : i32 to index
      %get3A_393 = tpu.vector_load %arg8[%get3A_391, %get3A_392] {strides = array<i32>} : memref<100x128xf32, #tpu.memory_space<vmem>>, vector<16xf32>,
      %add3A_394 = arith.addf %add3A_374, %get3A_393 : vector<16xf32>
      %get3A_395 = arith.constant 61 : i32
      %get3A_396 = arith.index_cast %get3A_395 : i32 to index
      %get3A_397 = arith.index_cast %mul3A_89 : i32 to index
      %get3A_398 = tpu.vector_load %arg8[%get3A_396, %get3A_397] {strides = array<i32>} : memref<100x128xf32, #tpu.memory_space<vmem>>, vector<16xf32>,
      %add3A_399 = arith.addf %add3A_379, %get3A_398 : vector<16xf32>
      %get3A_400 = arith.constant 62 : i32
      %get3A_401 = arith.index_cast %get3A_400 : i32 to index
      %get3A_402 = arith.index_cast %mul3A_89 : i32 to index
      %get3A_403 = tpu.vector_load %arg8[%get3A_401, %get3A_402] {strides = array<i32>} : memref<100x128xf32, #tpu.memory_space<vmem>>, vector<16xf32>,
      %add3A_404 = arith.addf %add3A_384, %get3A_403 : vector<16xf32>
      %get3A_405 = arith.constant 63 : i32
      %get3A_406 = arith.index_cast %get3A_405 : i32 to index
      %get3A_407 = arith.index_cast %mul3A_89 : i32 to index
      %get3A_408 = tpu.vector_load %arg8[%get3A_406, %get3A_407] {strides = array<i32>} : memref<100x128xf32, #tpu.memory_space<vmem>>, vector<16xf32>,
      %add3A_409 = arith.addf %add3A_389, %get3A_408 : vector<16xf32>
      %get3A_410 = arith.constant 64 : i32
      %get3A_411 = arith.index_cast %get3A_410 : i32 to index
      %get3A_412 = arith.index_cast %mul3A_89 : i32 to index
      %get3A_413 = tpu.vector_load %arg8[%get3A_411, %get3A_412] {strides = array<i32>} : memref<100x128xf32, #tpu.memory_space<vmem>>, vector<16xf32>,
      %add3A_414 = arith.addf %add3A_394, %get3A_413 : vector<16xf32>
      %get3A_415 = arith.constant 65 : i32
      %get3A_416 = arith.index_cast %get3A_415 : i32 to index
      %get3A_417 = arith.index_cast %mul3A_89 : i32 to index
      %get3A_418 = tpu.vector_load %arg8[%get3A_416, %get3A_417] {strides = array<i32>} : memref<100x128xf32, #tpu.memory_space<vmem>>, vector<16xf32>,
      %add3A_419 = arith.addf %add3A_399, %get3A_418 : vector<16xf32>
      %get3A_420 = arith.constant 66 : i32
      %get3A_421 = arith.index_cast %get3A_420 : i32 to index
      %get3A_422 = arith.index_cast %mul3A_89 : i32 to index
      %get3A_423 = tpu.vector_load %arg8[%get3A_421, %get3A_422] {strides = array<i32>} : memref<100x128xf32, #tpu.memory_space<vmem>>, vector<16xf32>,
      %add3A_424 = arith.addf %add3A_404, %get3A_423 : vector<16xf32>
      %get3A_425 = arith.constant 67 : i32
      %get3A_426 = arith.index_cast %get3A_425 : i32 to index
      %get3A_427 = arith.index_cast %mul3A_89 : i32 to index
      %get3A_428 = tpu.vector_load %arg8[%get3A_426, %get3A_427] {strides = array<i32>} : memref<100x128xf32, #tpu.memory_space<vmem>>, vector<16xf32>,
      %add3A_429 = arith.addf %add3A_409, %get3A_428 : vector<16xf32>
      %get3A_430 = arith.constant 68 : i32
      %get3A_431 = arith.index_cast %get3A_430 : i32 to index
      %get3A_432 = arith.index_cast %mul3A_89 : i32 to index
      %get3A_433 = tpu.vector_load %arg8[%get3A_431, %get3A_432] {strides = array<i32>} : memref<100x128xf32, #tpu.memory_space<vmem>>, vector<16xf32>,
      %add3A_434 = arith.addf %add3A_414, %get3A_433 : vector<16xf32>
      %get3A_435 = arith.constant 69 : i32
      %get3A_436 = arith.index_cast %get3A_435 : i32 to index
      %get3A_437 = arith.index_cast %mul3A_89 : i32 to index
      %get3A_438 = tpu.vector_load %arg8[%get3A_436, %get3A_437] {strides = array<i32>} : memref<100x128xf32, #tpu.memory_space<vmem>>, vector<16xf32>,
      %add3A_439 = arith.addf %add3A_419, %get3A_438 : vector<16xf32>
      %get3A_440 = arith.constant 70 : i32
      %get3A_441 = arith.index_cast %get3A_440 : i32 to index
      %get3A_442 = arith.index_cast %mul3A_89 : i32 to index
      %get3A_443 = tpu.vector_load %arg8[%get3A_441, %get3A_442] {strides = array<i32>} : memref<100x128xf32, #tpu.memory_space<vmem>>, vector<16xf32>,
      %add3A_444 = arith.addf %add3A_424, %get3A_443 : vector<16xf32>
      %get3A_445 = arith.constant 71 : i32
      %get3A_446 = arith.index_cast %get3A_445 : i32 to index
      %get3A_447 = arith.index_cast %mul3A_89 : i32 to index
      %get3A_448 = tpu.vector_load %arg8[%get3A_446, %get3A_447] {strides = array<i32>} : memref<100x128xf32, #tpu.memory_space<vmem>>, vector<16xf32>,
      %add3A_449 = arith.addf %add3A_429, %get3A_448 : vector<16xf32>
      %get3A_450 = arith.constant 72 : i32
      %get3A_451 = arith.index_cast %get3A_450 : i32 to index
      %get3A_452 = arith.index_cast %mul3A_89 : i32 to index
      %get3A_453 = tpu.vector_load %arg8[%get3A_451, %get3A_452] {strides = array<i32>} : memref<100x128xf32, #tpu.memory_space<vmem>>, vector<16xf32>,
      %add3A_454 = arith.addf %add3A_434, %get3A_453 : vector<16xf32>
      %get3A_455 = arith.constant 73 : i32
      %get3A_456 = arith.index_cast %get3A_455 : i32 to index
      %get3A_457 = arith.index_cast %mul3A_89 : i32 to index
      %get3A_458 = tpu.vector_load %arg8[%get3A_456, %get3A_457] {strides = array<i32>} : memref<100x128xf32, #tpu.memory_space<vmem>>, vector<16xf32>,
      %add3A_459 = arith.addf %add3A_439, %get3A_458 : vector<16xf32>
      %get3A_460 = arith.constant 74 : i32
      %get3A_461 = arith.index_cast %get3A_460 : i32 to index
      %get3A_462 = arith.index_cast %mul3A_89 : i32 to index
      %get3A_463 = tpu.vector_load %arg8[%get3A_461, %get3A_462] {strides = array<i32>} : memref<100x128xf32, #tpu.memory_space<vmem>>, vector<16xf32>,
      %add3A_464 = arith.addf %add3A_444, %get3A_463 : vector<16xf32>
      %get3A_465 = arith.constant 75 : i32
      %get3A_466 = arith.index_cast %get3A_465 : i32 to index
      %get3A_467 = arith.index_cast %mul3A_89 : i32 to index
      %get3A_468 = tpu.vector_load %arg8[%get3A_466, %get3A_467] {strides = array<i32>} : memref<100x128xf32, #tpu.memory_space<vmem>>, vector<16xf32>,
      %add3A_469 = arith.addf %add3A_449, %get3A_468 : vector<16xf32>
      %get3A_470 = arith.constant 76 : i32
      %get3A_471 = arith.index_cast %get3A_470 : i32 to index
      %get3A_472 = arith.index_cast %mul3A_89 : i32 to index
      %get3A_473 = tpu.vector_load %arg8[%get3A_471, %get3A_472] {strides = array<i32>} : memref<100x128xf32, #tpu.memory_space<vmem>>, vector<16xf32>,
      %add3A_474 = arith.addf %add3A_454, %get3A_473 : vector<16xf32>
      %get3A_475 = arith.constant 77 : i32
      %get3A_476 = arith.index_cast %get3A_475 : i32 to index
      %get3A_477 = arith.index_cast %mul3A_89 : i32 to index
      %get3A_478 = tpu.vector_load %arg8[%get3A_476, %get3A_477] {strides = array<i32>} : memref<100x128xf32, #tpu.memory_space<vmem>>, vector<16xf32>,
      %add3A_479 = arith.addf %add3A_459, %get3A_478 : vector<16xf32>
      %get3A_480 = arith.constant 78 : i32
      %get3A_481 = arith.index_cast %get3A_480 : i32 to index
      %get3A_482 = arith.index_cast %mul3A_89 : i32 to index
      %get3A_483 = tpu.vector_load %arg8[%get3A_481, %get3A_482] {strides = array<i32>} : memref<100x128xf32, #tpu.memory_space<vmem>>, vector<16xf32>,
      %add3A_484 = arith.addf %add3A_464, %get3A_483 : vector<16xf32>
      %get3A_485 = arith.constant 79 : i32
      %get3A_486 = arith.index_cast %get3A_485 : i32 to index
      %get3A_487 = arith.index_cast %mul3A_89 : i32 to index
      %get3A_488 = tpu.vector_load %arg8[%get3A_486, %get3A_487] {strides = array<i32>} : memref<100x128xf32, #tpu.memory_space<vmem>>, vector<16xf32>,
      %add3A_489 = arith.addf %add3A_469, %get3A_488 : vector<16xf32>
      %get3A_490 = arith.constant 80 : i32
      %get3A_491 = arith.index_cast %get3A_490 : i32 to index
      %get3A_492 = arith.index_cast %mul3A_89 : i32 to index
      %get3A_493 = tpu.vector_load %arg8[%get3A_491, %get3A_492] {strides = array<i32>} : memref<100x128xf32, #tpu.memory_space<vmem>>, vector<16xf32>,
      %add3A_494 = arith.addf %add3A_474, %get3A_493 : vector<16xf32>
      %get3A_495 = arith.constant 81 : i32
      %get3A_496 = arith.index_cast %get3A_495 : i32 to index
      %get3A_497 = arith.index_cast %mul3A_89 : i32 to index
      %get3A_498 = tpu.vector_load %arg8[%get3A_496, %get3A_497] {strides = array<i32>} : memref<100x128xf32, #tpu.memory_space<vmem>>, vector<16xf32>,
      %add3A_499 = arith.addf %add3A_479, %get3A_498 : vector<16xf32>
      %get3A_500 = arith.constant 82 : i32
      %get3A_501 = arith.index_cast %get3A_500 : i32 to index
      %get3A_502 = arith.index_cast %mul3A_89 : i32 to index
      %get3A_503 = tpu.vector_load %arg8[%get3A_501, %get3A_502] {strides = array<i32>} : memref<100x128xf32, #tpu.memory_space<vmem>>, vector<16xf32>,
      %add3A_504 = arith.addf %add3A_484, %get3A_503 : vector<16xf32>
      %get3A_505 = arith.constant 83 : i32
      %get3A_506 = arith.index_cast %get3A_505 : i32 to index
      %get3A_507 = arith.index_cast %mul3A_89 : i32 to index
      %get3A_508 = tpu.vector_load %arg8[%get3A_506, %get3A_507] {strides = array<i32>} : memref<100x128xf32, #tpu.memory_space<vmem>>, vector<16xf32>,
      %add3A_509 = arith.addf %add3A_489, %get3A_508 : vector<16xf32>
      %get3A_510 = arith.constant 84 : i32
      %get3A_511 = arith.index_cast %get3A_510 : i32 to index
      %get3A_512 = arith.index_cast %mul3A_89 : i32 to index
      %get3A_513 = tpu.vector_load %arg8[%get3A_511, %get3A_512] {strides = array<i32>} : memref<100x128xf32, #tpu.memory_space<vmem>>, vector<16xf32>,
      %add3A_514 = arith.addf %add3A_494, %get3A_513 : vector<16xf32>
      %get3A_515 = arith.constant 85 : i32
      %get3A_516 = arith.index_cast %get3A_515 : i32 to index
      %get3A_517 = arith.index_cast %mul3A_89 : i32 to index
      %get3A_518 = tpu.vector_load %arg8[%get3A_516, %get3A_517] {strides = array<i32>} : memref<100x128xf32, #tpu.memory_space<vmem>>, vector<16xf32>,
      %add3A_519 = arith.addf %add3A_499, %get3A_518 : vector<16xf32>
      %get3A_520 = arith.constant 86 : i32
      %get3A_521 = arith.index_cast %get3A_520 : i32 to index
      %get3A_522 = arith.index_cast %mul3A_89 : i32 to index
      %get3A_523 = tpu.vector_load %arg8[%get3A_521, %get3A_522] {strides = array<i32>} : memref<100x128xf32, #tpu.memory_space<vmem>>, vector<16xf32>,
      %add3A_524 = arith.addf %add3A_504, %get3A_523 : vector<16xf32>
      %get3A_525 = arith.constant 87 : i32
      %get3A_526 = arith.index_cast %get3A_525 : i32 to index
      %get3A_527 = arith.index_cast %mul3A_89 : i32 to index
      %get3A_528 = tpu.vector_load %arg8[%get3A_526, %get3A_527] {strides = array<i32>} : memref<100x128xf32, #tpu.memory_space<vmem>>, vector<16xf32>,
      %add3A_529 = arith.addf %add3A_509, %get3A_528 : vector<16xf32>
      %get3A_530 = arith.constant 88 : i32
      %get3A_531 = arith.index_cast %get3A_530 : i32 to index
      %get3A_532 = arith.index_cast %mul3A_89 : i32 to index
      %get3A_533 = tpu.vector_load %arg8[%get3A_531, %get3A_532] {strides = array<i32>} : memref<100x128xf32, #tpu.memory_space<vmem>>, vector<16xf32>,
      %add3A_534 = arith.addf %add3A_514, %get3A_533 : vector<16xf32>
      %get3A_535 = arith.constant 89 : i32
      %get3A_536 = arith.index_cast %get3A_535 : i32 to index
      %get3A_537 = arith.index_cast %mul3A_89 : i32 to index
      %get3A_538 = tpu.vector_load %arg8[%get3A_536, %get3A_537] {strides = array<i32>} : memref<100x128xf32, #tpu.memory_space<vmem>>, vector<16xf32>,
      %add3A_539 = arith.addf %add3A_519, %get3A_538 : vector<16xf32>
      %get3A_540 = arith.constant 90 : i32
      %get3A_541 = arith.index_cast %get3A_540 : i32 to index
      %get3A_542 = arith.index_cast %mul3A_89 : i32 to index
      %get3A_543 = tpu.vector_load %arg8[%get3A_541, %get3A_542] {strides = array<i32>} : memref<100x128xf32, #tpu.memory_space<vmem>>, vector<16xf32>,
      %add3A_544 = arith.addf %add3A_524, %get3A_543 : vector<16xf32>
      %get3A_545 = arith.constant 91 : i32
      %get3A_546 = arith.index_cast %get3A_545 : i32 to index
      %get3A_547 = arith.index_cast %mul3A_89 : i32 to index
      %get3A_548 = tpu.vector_load %arg8[%get3A_546, %get3A_547] {strides = array<i32>} : memref<100x128xf32, #tpu.memory_space<vmem>>, vector<16xf32>,
      %add3A_549 = arith.addf %add3A_529, %get3A_548 : vector<16xf32>
      %get3A_550 = arith.constant 92 : i32
      %get3A_551 = arith.index_cast %get3A_550 : i32 to index
      %get3A_552 = arith.index_cast %mul3A_89 : i32 to index
      %get3A_553 = tpu.vector_load %arg8[%get3A_551, %get3A_552] {strides = array<i32>} : memref<100x128xf32, #tpu.memory_space<vmem>>, vector<16xf32>,
      %add3A_554 = arith.addf %add3A_534, %get3A_553 : vector<16xf32>
      %get3A_555 = arith.constant 93 : i32
      %get3A_556 = arith.index_cast %get3A_555 : i32 to index
      %get3A_557 = arith.index_cast %mul3A_89 : i32 to index
      %get3A_558 = tpu.vector_load %arg8[%get3A_556, %get3A_557] {strides = array<i32>} : memref<100x128xf32, #tpu.memory_space<vmem>>, vector<16xf32>,
      %add3A_559 = arith.addf %add3A_539, %get3A_558 : vector<16xf32>
      %get3A_560 = arith.constant 94 : i32
      %get3A_561 = arith.index_cast %get3A_560 : i32 to index
      %get3A_562 = arith.index_cast %mul3A_89 : i32 to index
      %get3A_563 = tpu.vector_load %arg8[%get3A_561, %get3A_562] {strides = array<i32>} : memref<100x128xf32, #tpu.memory_space<vmem>>, vector<16xf32>,
      %add3A_564 = arith.addf %add3A_544, %get3A_563 : vector<16xf32>
      %get3A_565 = arith.constant 95 : i32
      %get3A_566 = arith.index_cast %get3A_565 : i32 to index
      %get3A_567 = arith.index_cast %mul3A_89 : i32 to index
      %get3A_568 = tpu.vector_load %arg8[%get3A_566, %get3A_567] {strides = array<i32>} : memref<100x128xf32, #tpu.memory_space<vmem>>, vector<16xf32>,
      %add3A_569 = arith.addf %add3A_549, %get3A_568 : vector<16xf32>
      %get3A_570 = arith.constant 96 : i32
      %get3A_571 = arith.index_cast %get3A_570 : i32 to index
      %get3A_572 = arith.index_cast %mul3A_89 : i32 to index
      %get3A_573 = tpu.vector_load %arg8[%get3A_571, %get3A_572] {strides = array<i32>} : memref<100x128xf32, #tpu.memory_space<vmem>>, vector<16xf32>,
      %add3A_574 = arith.addf %add3A_554, %get3A_573 : vector<16xf32>
      %get3A_575 = arith.constant 97 : i32
      %get3A_576 = arith.index_cast %get3A_575 : i32 to index
      %get3A_577 = arith.index_cast %mul3A_89 : i32 to index
      %get3A_578 = tpu.vector_load %arg8[%get3A_576, %get3A_577] {strides = array<i32>} : memref<100x128xf32, #tpu.memory_space<vmem>>, vector<16xf32>,
      %add3A_579 = arith.addf %add3A_559, %get3A_578 : vector<16xf32>
      %get3A_580 = arith.constant 98 : i32
      %get3A_581 = arith.index_cast %get3A_580 : i32 to index
      %get3A_582 = arith.index_cast %mul3A_89 : i32 to index
      %get3A_583 = tpu.vector_load %arg8[%get3A_581, %get3A_582] {strides = array<i32>} : memref<100x128xf32, #tpu.memory_space<vmem>>, vector<16xf32>,
      %add3A_584 = arith.addf %add3A_564, %get3A_583 : vector<16xf32>
      %get3A_585 = arith.constant 99 : i32
      %get3A_586 = arith.index_cast %get3A_585 : i32 to index
      %get3A_587 = arith.index_cast %mul3A_89 : i32 to index
      %get3A_588 = tpu.vector_load %arg8[%get3A_586, %get3A_587] {strides = array<i32>} : memref<100x128xf32, #tpu.memory_space<vmem>>, vector<16xf32>,
      %add3A_589 = arith.addf %add3A_569, %get3A_588 : vector<16xf32>
      %add3A_590 = arith.addf %add3A_584, %add3A_589 : vector<16xf32>
      %add3A_591 = arith.addf %add3A_574, %add3A_579 : vector<16xf32>
      %add3A_592 = arith.addf %add3A_590, %add3A_591 : vector<16xf32>
      %mul3A_593 = arith.constant 2.000000e-02 : f32
      %mul3A_594 = vector.broadcast %mul3A_593 : f32 to vector<16xf32>
      %mul3A_595 = arith.mulf %add3A_592, %mul3A_594 : vector<16xf32>
      %swap3A_596 = arith.constant 125 : i32
      %swap3A_597 = arith.index_cast %swap3A_596 : i32 to index
      %swap3A_598 = arith.index_cast %mul3A_89 : i32 to index
      %swap3A_599 = tpu.vector_load %arg10[%swap3A_597, %swap3A_598] {strides = array<i32>} : memref<128x128xf32, #tpu.memory_space<vmem>>, vector<16xf32>,
      tpu.vector_store %arg10[%swap3A_597, %swap3A_598], %mul3A_595 {strides = array<i32>} : memref<128x128xf32, #tpu.memory_space<vmem>>, vector<16xf32>,
    }
    %scan3A_70 = arith.constant 8 : i32
    %dma_wait3A_71 = arith.constant 63 : i32
    %dma_wait3A_72 = arith.constant 0 : i32
    %dma_wait3A_73 = tpu.memref_slice %arg5[%dma_wait3A_71, %dma_wait3A_72] : memref<64x100xi32, #tpu.memory_space<vmem>> -> memref<1x100xi32, #tpu.memory_space<vmem>>
    %dma_wait3A_74 = tpu.memref_squeeze %dma_wait3A_73 : memref<1x100xi32, #tpu.memory_space<vmem>> -> memref<100xi32, #tpu.memory_space<vmem>>
    %dma_wait3A_75 = arith.constant 0 : i32
    %dma_wait3A_76 = arith.constant 0 : i32
    %dma_wait3A_77 = tpu.memref_slice %arg2[%dma_wait3A_75, %dma_wait3A_76] : memref<100000x128xf32, #tpu.memory_space<hbm>> -> memref<100000x128xf32, #tpu.memory_space<hbm>>
    tpu.wait_indirect_dma semaphore(%arg14 : memref<!tpu.dma_semaphore, #tpu.memory_space<semaphore_mem>>) src(%dma_wait3A_77 : memref<100000x128xf32, #tpu.memory_space<hbm>>) dst(%arg9 : memref<100x128xf32, #tpu.memory_space<vmem>>)
    %scan3A_78 = arith.constant 0 : i32
    %scan3A_79 = arith.constant 8 : i32
    %scan3A_80 = arith.addi %scan3A_78, %scan3A_79 : i32
    %scan3A_81 = arith.constant 1 : i32
    scf.for %scan3A_83 = %scan3A_78 to %scan3A_80 step %scan3A_81  : i32 {
      %mul3A_84 = arith.constant 1 : i32
      %mul3A_85 = arith.muli %scan3A_83, %mul3A_84 : i32
      %add3A_86 = arith.constant 0 : i32
      %add3A_87 = arith.addi %add3A_86, %mul3A_85 : i32
      %mul3A_88 = arith.constant 16 : i32
      %mul3A_89 = arith.muli %add3A_87, %mul3A_88 : i32
      %get3A = arith.constant 0 : i32
      %get3A_90 = arith.index_cast %get3A : i32 to index
      %get3A_91 = arith.index_cast %mul3A_89 : i32 to index
      %get3A_92 = tpu.vector_load %arg9[%get3A_90, %get3A_91] {strides = array<i32>} : memref<100x128xf32, #tpu.memory_space<vmem>>, vector<16xf32>,
      %get3A_93 = arith.constant 1 : i32
      %get3A_94 = arith.index_cast %get3A_93 : i32 to index
      %get3A_95 = arith.index_cast %mul3A_89 : i32 to index
      %get3A_96 = tpu.vector_load %arg9[%get3A_94, %get3A_95] {strides = array<i32>} : memref<100x128xf32, #tpu.memory_space<vmem>>, vector<16xf32>,
      %get3A_97 = arith.constant 2 : i32
      %get3A_98 = arith.index_cast %get3A_97 : i32 to index
      %get3A_99 = arith.index_cast %mul3A_89 : i32 to index
      %get3A_100 = tpu.vector_load %arg9[%get3A_98, %get3A_99] {strides = array<i32>} : memref<100x128xf32, #tpu.memory_space<vmem>>, vector<16xf32>,
      %get3A_101 = arith.constant 3 : i32
      %get3A_102 = arith.index_cast %get3A_101 : i32 to index
      %get3A_103 = arith.index_cast %mul3A_89 : i32 to index
      %get3A_104 = tpu.vector_load %arg9[%get3A_102, %get3A_103] {strides = array<i32>} : memref<100x128xf32, #tpu.memory_space<vmem>>, vector<16xf32>,
      %get3A_105 = arith.constant 4 : i32
      %get3A_106 = arith.index_cast %get3A_105 : i32 to index
      %get3A_107 = arith.index_cast %mul3A_89 : i32 to index
      %get3A_108 = tpu.vector_load %arg9[%get3A_106, %get3A_107] {strides = array<i32>} : memref<100x128xf32, #tpu.memory_space<vmem>>, vector<16xf32>,
      %add3A_109 = arith.addf %get3A_92, %get3A_108 : vector<16xf32>
      %get3A_110 = arith.constant 5 : i32
      %get3A_111 = arith.index_cast %get3A_110 : i32 to index
      %get3A_112 = arith.index_cast %mul3A_89 : i32 to index
      %get3A_113 = tpu.vector_load %arg9[%get3A_111, %get3A_112] {strides = array<i32>} : memref<100x128xf32, #tpu.memory_space<vmem>>, vector<16xf32>,
      %add3A_114 = arith.addf %get3A_96, %get3A_113 : vector<16xf32>
      %get3A_115 = arith.constant 6 : i32
      %get3A_116 = arith.index_cast %get3A_115 : i32 to index
      %get3A_117 = arith.index_cast %mul3A_89 : i32 to index
      %get3A_118 = tpu.vector_load %arg9[%get3A_116, %get3A_117] {strides = array<i32>} : memref<100x128xf32, #tpu.memory_space<vmem>>, vector<16xf32>,
      %add3A_119 = arith.addf %get3A_100, %get3A_118 : vector<16xf32>
      %get3A_120 = arith.constant 7 : i32
      %get3A_121 = arith.index_cast %get3A_120 : i32 to index
      %get3A_122 = arith.index_cast %mul3A_89 : i32 to index
      %get3A_123 = tpu.vector_load %arg9[%get3A_121, %get3A_122] {strides = array<i32>} : memref<100x128xf32, #tpu.memory_space<vmem>>, vector<16xf32>,
      %add3A_124 = arith.addf %get3A_104, %get3A_123 : vector<16xf32>
      %get3A_125 = arith.constant 8 : i32
      %get3A_126 = arith.index_cast %get3A_125 : i32 to index
      %get3A_127 = arith.index_cast %mul3A_89 : i32 to index
      %get3A_128 = tpu.vector_load %arg9[%get3A_126, %get3A_127] {strides = array<i32>} : memref<100x128xf32, #tpu.memory_space<vmem>>, vector<16xf32>,
      %add3A_129 = arith.addf %add3A_109, %get3A_128 : vector<16xf32>
      %get3A_130 = arith.constant 9 : i32
      %get3A_131 = arith.index_cast %get3A_130 : i32 to index
      %get3A_132 = arith.index_cast %mul3A_89 : i32 to index
      %get3A_133 = tpu.vector_load %arg9[%get3A_131, %get3A_132] {strides = array<i32>} : memref<100x128xf32, #tpu.memory_space<vmem>>, vector<16xf32>,
      %add3A_134 = arith.addf %add3A_114, %get3A_133 : vector<16xf32>
      %get3A_135 = arith.constant 10 : i32
      %get3A_136 = arith.index_cast %get3A_135 : i32 to index
      %get3A_137 = arith.index_cast %mul3A_89 : i32 to index
      %get3A_138 = tpu.vector_load %arg9[%get3A_136, %get3A_137] {strides = array<i32>} : memref<100x128xf32, #tpu.memory_space<vmem>>, vector<16xf32>,
      %add3A_139 = arith.addf %add3A_119, %get3A_138 : vector<16xf32>
      %get3A_140 = arith.constant 11 : i32
      %get3A_141 = arith.index_cast %get3A_140 : i32 to index
      %get3A_142 = arith.index_cast %mul3A_89 : i32 to index
      %get3A_143 = tpu.vector_load %arg9[%get3A_141, %get3A_142] {strides = array<i32>} : memref<100x128xf32, #tpu.memory_space<vmem>>, vector<16xf32>,
      %add3A_144 = arith.addf %add3A_124, %get3A_143 : vector<16xf32>
      %get3A_145 = arith.constant 12 : i32
      %get3A_146 = arith.index_cast %get3A_145 : i32 to index
      %get3A_147 = arith.index_cast %mul3A_89 : i32 to index
      %get3A_148 = tpu.vector_load %arg9[%get3A_146, %get3A_147] {strides = array<i32>} : memref<100x128xf32, #tpu.memory_space<vmem>>, vector<16xf32>,
      %add3A_149 = arith.addf %add3A_129, %get3A_148 : vector<16xf32>
      %get3A_150 = arith.constant 13 : i32
      %get3A_151 = arith.index_cast %get3A_150 : i32 to index
      %get3A_152 = arith.index_cast %mul3A_89 : i32 to index
      %get3A_153 = tpu.vector_load %arg9[%get3A_151, %get3A_152] {strides = array<i32>} : memref<100x128xf32, #tpu.memory_space<vmem>>, vector<16xf32>,
      %add3A_154 = arith.addf %add3A_134, %get3A_153 : vector<16xf32>
      %get3A_155 = arith.constant 14 : i32
      %get3A_156 = arith.index_cast %get3A_155 : i32 to index
      %get3A_157 = arith.index_cast %mul3A_89 : i32 to index
      %get3A_158 = tpu.vector_load %arg9[%get3A_156, %get3A_157] {strides = array<i32>} : memref<100x128xf32, #tpu.memory_space<vmem>>, vector<16xf32>,
      %add3A_159 = arith.addf %add3A_139, %get3A_158 : vector<16xf32>
      %get3A_160 = arith.constant 15 : i32
      %get3A_161 = arith.index_cast %get3A_160 : i32 to index
      %get3A_162 = arith.index_cast %mul3A_89 : i32 to index
      %get3A_163 = tpu.vector_load %arg9[%get3A_161, %get3A_162] {strides = array<i32>} : memref<100x128xf32, #tpu.memory_space<vmem>>, vector<16xf32>,
      %add3A_164 = arith.addf %add3A_144, %get3A_163 : vector<16xf32>
      %get3A_165 = arith.constant 16 : i32
      %get3A_166 = arith.index_cast %get3A_165 : i32 to index
      %get3A_167 = arith.index_cast %mul3A_89 : i32 to index
      %get3A_168 = tpu.vector_load %arg9[%get3A_166, %get3A_167] {strides = array<i32>} : memref<100x128xf32, #tpu.memory_space<vmem>>, vector<16xf32>,
      %add3A_169 = arith.addf %add3A_149, %get3A_168 : vector<16xf32>
      %get3A_170 = arith.constant 17 : i32
      %get3A_171 = arith.index_cast %get3A_170 : i32 to index
      %get3A_172 = arith.index_cast %mul3A_89 : i32 to index
      %get3A_173 = tpu.vector_load %arg9[%get3A_171, %get3A_172] {strides = array<i32>} : memref<100x128xf32, #tpu.memory_space<vmem>>, vector<16xf32>,
      %add3A_174 = arith.addf %add3A_154, %get3A_173 : vector<16xf32>
      %get3A_175 = arith.constant 18 : i32
      %get3A_176 = arith.index_cast %get3A_175 : i32 to index
      %get3A_177 = arith.index_cast %mul3A_89 : i32 to index
      %get3A_178 = tpu.vector_load %arg9[%get3A_176, %get3A_177] {strides = array<i32>} : memref<100x128xf32, #tpu.memory_space<vmem>>, vector<16xf32>,
      %add3A_179 = arith.addf %add3A_159, %get3A_178 : vector<16xf32>
      %get3A_180 = arith.constant 19 : i32
      %get3A_181 = arith.index_cast %get3A_180 : i32 to index
      %get3A_182 = arith.index_cast %mul3A_89 : i32 to index
      %get3A_183 = tpu.vector_load %arg9[%get3A_181, %get3A_182] {strides = array<i32>} : memref<100x128xf32, #tpu.memory_space<vmem>>, vector<16xf32>,
      %add3A_184 = arith.addf %add3A_164, %get3A_183 : vector<16xf32>
      %get3A_185 = arith.constant 20 : i32
      %get3A_186 = arith.index_cast %get3A_185 : i32 to index
      %get3A_187 = arith.index_cast %mul3A_89 : i32 to index
      %get3A_188 = tpu.vector_load %arg9[%get3A_186, %get3A_187] {strides = array<i32>} : memref<100x128xf32, #tpu.memory_space<vmem>>, vector<16xf32>,
      %add3A_189 = arith.addf %add3A_169, %get3A_188 : vector<16xf32>
      %get3A_190 = arith.constant 21 : i32
      %get3A_191 = arith.index_cast %get3A_190 : i32 to index
      %get3A_192 = arith.index_cast %mul3A_89 : i32 to index
      %get3A_193 = tpu.vector_load %arg9[%get3A_191, %get3A_192] {strides = array<i32>} : memref<100x128xf32, #tpu.memory_space<vmem>>, vector<16xf32>,
      %add3A_194 = arith.addf %add3A_174, %get3A_193 : vector<16xf32>
      %get3A_195 = arith.constant 22 : i32
      %get3A_196 = arith.index_cast %get3A_195 : i32 to index
      %get3A_197 = arith.index_cast %mul3A_89 : i32 to index
      %get3A_198 = tpu.vector_load %arg9[%get3A_196, %get3A_197] {strides = array<i32>} : memref<100x128xf32, #tpu.memory_space<vmem>>, vector<16xf32>,
      %add3A_199 = arith.addf %add3A_179, %get3A_198 : vector<16xf32>
      %get3A_200 = arith.constant 23 : i32
      %get3A_201 = arith.index_cast %get3A_200 : i32 to index
      %get3A_202 = arith.index_cast %mul3A_89 : i32 to index
      %get3A_203 = tpu.vector_load %arg9[%get3A_201, %get3A_202] {strides = array<i32>} : memref<100x128xf32, #tpu.memory_space<vmem>>, vector<16xf32>,
      %add3A_204 = arith.addf %add3A_184, %get3A_203 : vector<16xf32>
      %get3A_205 = arith.constant 24 : i32
      %get3A_206 = arith.index_cast %get3A_205 : i32 to index
      %get3A_207 = arith.index_cast %mul3A_89 : i32 to index
      %get3A_208 = tpu.vector_load %arg9[%get3A_206, %get3A_207] {strides = array<i32>} : memref<100x128xf32, #tpu.memory_space<vmem>>, vector<16xf32>,
      %add3A_209 = arith.addf %add3A_189, %get3A_208 : vector<16xf32>
      %get3A_210 = arith.constant 25 : i32
      %get3A_211 = arith.index_cast %get3A_210 : i32 to index
      %get3A_212 = arith.index_cast %mul3A_89 : i32 to index
      %get3A_213 = tpu.vector_load %arg9[%get3A_211, %get3A_212] {strides = array<i32>} : memref<100x128xf32, #tpu.memory_space<vmem>>, vector<16xf32>,
      %add3A_214 = arith.addf %add3A_194, %get3A_213 : vector<16xf32>
      %get3A_215 = arith.constant 26 : i32
      %get3A_216 = arith.index_cast %get3A_215 : i32 to index
      %get3A_217 = arith.index_cast %mul3A_89 : i32 to index
      %get3A_218 = tpu.vector_load %arg9[%get3A_216, %get3A_217] {strides = array<i32>} : memref<100x128xf32, #tpu.memory_space<vmem>>, vector<16xf32>,
      %add3A_219 = arith.addf %add3A_199, %get3A_218 : vector<16xf32>
      %get3A_220 = arith.constant 27 : i32
      %get3A_221 = arith.index_cast %get3A_220 : i32 to index
      %get3A_222 = arith.index_cast %mul3A_89 : i32 to index
      %get3A_223 = tpu.vector_load %arg9[%get3A_221, %get3A_222] {strides = array<i32>} : memref<100x128xf32, #tpu.memory_space<vmem>>, vector<16xf32>,
      %add3A_224 = arith.addf %add3A_204, %get3A_223 : vector<16xf32>
      %get3A_225 = arith.constant 28 : i32
      %get3A_226 = arith.index_cast %get3A_225 : i32 to index
      %get3A_227 = arith.index_cast %mul3A_89 : i32 to index
      %get3A_228 = tpu.vector_load %arg9[%get3A_226, %get3A_227] {strides = array<i32>} : memref<100x128xf32, #tpu.memory_space<vmem>>, vector<16xf32>,
      %add3A_229 = arith.addf %add3A_209, %get3A_228 : vector<16xf32>
      %get3A_230 = arith.constant 29 : i32
      %get3A_231 = arith.index_cast %get3A_230 : i32 to index
      %get3A_232 = arith.index_cast %mul3A_89 : i32 to index
      %get3A_233 = tpu.vector_load %arg9[%get3A_231, %get3A_232] {strides = array<i32>} : memref<100x128xf32, #tpu.memory_space<vmem>>, vector<16xf32>,
      %add3A_234 = arith.addf %add3A_214, %get3A_233 : vector<16xf32>
      %get3A_235 = arith.constant 30 : i32
      %get3A_236 = arith.index_cast %get3A_235 : i32 to index
      %get3A_237 = arith.index_cast %mul3A_89 : i32 to index
      %get3A_238 = tpu.vector_load %arg9[%get3A_236, %get3A_237] {strides = array<i32>} : memref<100x128xf32, #tpu.memory_space<vmem>>, vector<16xf32>,
      %add3A_239 = arith.addf %add3A_219, %get3A_238 : vector<16xf32>
      %get3A_240 = arith.constant 31 : i32
      %get3A_241 = arith.index_cast %get3A_240 : i32 to index
      %get3A_242 = arith.index_cast %mul3A_89 : i32 to index
      %get3A_243 = tpu.vector_load %arg9[%get3A_241, %get3A_242] {strides = array<i32>} : memref<100x128xf32, #tpu.memory_space<vmem>>, vector<16xf32>,
      %add3A_244 = arith.addf %add3A_224, %get3A_243 : vector<16xf32>
      %get3A_245 = arith.constant 32 : i32
      %get3A_246 = arith.index_cast %get3A_245 : i32 to index
      %get3A_247 = arith.index_cast %mul3A_89 : i32 to index
      %get3A_248 = tpu.vector_load %arg9[%get3A_246, %get3A_247] {strides = array<i32>} : memref<100x128xf32, #tpu.memory_space<vmem>>, vector<16xf32>,
      %add3A_249 = arith.addf %add3A_229, %get3A_248 : vector<16xf32>
      %get3A_250 = arith.constant 33 : i32
      %get3A_251 = arith.index_cast %get3A_250 : i32 to index
      %get3A_252 = arith.index_cast %mul3A_89 : i32 to index
      %get3A_253 = tpu.vector_load %arg9[%get3A_251, %get3A_252] {strides = array<i32>} : memref<100x128xf32, #tpu.memory_space<vmem>>, vector<16xf32>,
      %add3A_254 = arith.addf %add3A_234, %get3A_253 : vector<16xf32>
      %get3A_255 = arith.constant 34 : i32
      %get3A_256 = arith.index_cast %get3A_255 : i32 to index
      %get3A_257 = arith.index_cast %mul3A_89 : i32 to index
      %get3A_258 = tpu.vector_load %arg9[%get3A_256, %get3A_257] {strides = array<i32>} : memref<100x128xf32, #tpu.memory_space<vmem>>, vector<16xf32>,
      %add3A_259 = arith.addf %add3A_239, %get3A_258 : vector<16xf32>
      %get3A_260 = arith.constant 35 : i32
      %get3A_261 = arith.index_cast %get3A_260 : i32 to index
      %get3A_262 = arith.index_cast %mul3A_89 : i32 to index
      %get3A_263 = tpu.vector_load %arg9[%get3A_261, %get3A_262] {strides = array<i32>} : memref<100x128xf32, #tpu.memory_space<vmem>>, vector<16xf32>,
      %add3A_264 = arith.addf %add3A_244, %get3A_263 : vector<16xf32>
      %get3A_265 = arith.constant 36 : i32
      %get3A_266 = arith.index_cast %get3A_265 : i32 to index
      %get3A_267 = arith.index_cast %mul3A_89 : i32 to index
      %get3A_268 = tpu.vector_load %arg9[%get3A_266, %get3A_267] {strides = array<i32>} : memref<100x128xf32, #tpu.memory_space<vmem>>, vector<16xf32>,
      %add3A_269 = arith.addf %add3A_249, %get3A_268 : vector<16xf32>
      %get3A_270 = arith.constant 37 : i32
      %get3A_271 = arith.index_cast %get3A_270 : i32 to index
      %get3A_272 = arith.index_cast %mul3A_89 : i32 to index
      %get3A_273 = tpu.vector_load %arg9[%get3A_271, %get3A_272] {strides = array<i32>} : memref<100x128xf32, #tpu.memory_space<vmem>>, vector<16xf32>,
      %add3A_274 = arith.addf %add3A_254, %get3A_273 : vector<16xf32>
      %get3A_275 = arith.constant 38 : i32
      %get3A_276 = arith.index_cast %get3A_275 : i32 to index
      %get3A_277 = arith.index_cast %mul3A_89 : i32 to index
      %get3A_278 = tpu.vector_load %arg9[%get3A_276, %get3A_277] {strides = array<i32>} : memref<100x128xf32, #tpu.memory_space<vmem>>, vector<16xf32>,
      %add3A_279 = arith.addf %add3A_259, %get3A_278 : vector<16xf32>
      %get3A_280 = arith.constant 39 : i32
      %get3A_281 = arith.index_cast %get3A_280 : i32 to index
      %get3A_282 = arith.index_cast %mul3A_89 : i32 to index
      %get3A_283 = tpu.vector_load %arg9[%get3A_281, %get3A_282] {strides = array<i32>} : memref<100x128xf32, #tpu.memory_space<vmem>>, vector<16xf32>,
      %add3A_284 = arith.addf %add3A_264, %get3A_283 : vector<16xf32>
      %get3A_285 = arith.constant 40 : i32
      %get3A_286 = arith.index_cast %get3A_285 : i32 to index
      %get3A_287 = arith.index_cast %mul3A_89 : i32 to index
      %get3A_288 = tpu.vector_load %arg9[%get3A_286, %get3A_287] {strides = array<i32>} : memref<100x128xf32, #tpu.memory_space<vmem>>, vector<16xf32>,
      %add3A_289 = arith.addf %add3A_269, %get3A_288 : vector<16xf32>
      %get3A_290 = arith.constant 41 : i32
      %get3A_291 = arith.index_cast %get3A_290 : i32 to index
      %get3A_292 = arith.index_cast %mul3A_89 : i32 to index
      %get3A_293 = tpu.vector_load %arg9[%get3A_291, %get3A_292] {strides = array<i32>} : memref<100x128xf32, #tpu.memory_space<vmem>>, vector<16xf32>,
      %add3A_294 = arith.addf %add3A_274, %get3A_293 : vector<16xf32>
      %get3A_295 = arith.constant 42 : i32
      %get3A_296 = arith.index_cast %get3A_295 : i32 to index
      %get3A_297 = arith.index_cast %mul3A_89 : i32 to index
      %get3A_298 = tpu.vector_load %arg9[%get3A_296, %get3A_297] {strides = array<i32>} : memref<100x128xf32, #tpu.memory_space<vmem>>, vector<16xf32>,
      %add3A_299 = arith.addf %add3A_279, %get3A_298 : vector<16xf32>
      %get3A_300 = arith.constant 43 : i32
      %get3A_301 = arith.index_cast %get3A_300 : i32 to index
      %get3A_302 = arith.index_cast %mul3A_89 : i32 to index
      %get3A_303 = tpu.vector_load %arg9[%get3A_301, %get3A_302] {strides = array<i32>} : memref<100x128xf32, #tpu.memory_space<vmem>>, vector<16xf32>,
      %add3A_304 = arith.addf %add3A_284, %get3A_303 : vector<16xf32>
      %get3A_305 = arith.constant 44 : i32
      %get3A_306 = arith.index_cast %get3A_305 : i32 to index
      %get3A_307 = arith.index_cast %mul3A_89 : i32 to index
      %get3A_308 = tpu.vector_load %arg9[%get3A_306, %get3A_307] {strides = array<i32>} : memref<100x128xf32, #tpu.memory_space<vmem>>, vector<16xf32>,
      %add3A_309 = arith.addf %add3A_289, %get3A_308 : vector<16xf32>
      %get3A_310 = arith.constant 45 : i32
      %get3A_311 = arith.index_cast %get3A_310 : i32 to index
      %get3A_312 = arith.index_cast %mul3A_89 : i32 to index
      %get3A_313 = tpu.vector_load %arg9[%get3A_311, %get3A_312] {strides = array<i32>} : memref<100x128xf32, #tpu.memory_space<vmem>>, vector<16xf32>,
      %add3A_314 = arith.addf %add3A_294, %get3A_313 : vector<16xf32>
      %get3A_315 = arith.constant 46 : i32
      %get3A_316 = arith.index_cast %get3A_315 : i32 to index
      %get3A_317 = arith.index_cast %mul3A_89 : i32 to index
      %get3A_318 = tpu.vector_load %arg9[%get3A_316, %get3A_317] {strides = array<i32>} : memref<100x128xf32, #tpu.memory_space<vmem>>, vector<16xf32>,
      %add3A_319 = arith.addf %add3A_299, %get3A_318 : vector<16xf32>
      %get3A_320 = arith.constant 47 : i32
      %get3A_321 = arith.index_cast %get3A_320 : i32 to index
      %get3A_322 = arith.index_cast %mul3A_89 : i32 to index
      %get3A_323 = tpu.vector_load %arg9[%get3A_321, %get3A_322] {strides = array<i32>} : memref<100x128xf32, #tpu.memory_space<vmem>>, vector<16xf32>,
      %add3A_324 = arith.addf %add3A_304, %get3A_323 : vector<16xf32>
      %get3A_325 = arith.constant 48 : i32
      %get3A_326 = arith.index_cast %get3A_325 : i32 to index
      %get3A_327 = arith.index_cast %mul3A_89 : i32 to index
      %get3A_328 = tpu.vector_load %arg9[%get3A_326, %get3A_327] {strides = array<i32>} : memref<100x128xf32, #tpu.memory_space<vmem>>, vector<16xf32>,
      %add3A_329 = arith.addf %add3A_309, %get3A_328 : vector<16xf32>
      %get3A_330 = arith.constant 49 : i32
      %get3A_331 = arith.index_cast %get3A_330 : i32 to index
      %get3A_332 = arith.index_cast %mul3A_89 : i32 to index
      %get3A_333 = tpu.vector_load %arg9[%get3A_331, %get3A_332] {strides = array<i32>} : memref<100x128xf32, #tpu.memory_space<vmem>>, vector<16xf32>,
      %add3A_334 = arith.addf %add3A_314, %get3A_333 : vector<16xf32>
      %add3A_335 = arith.addf %add3A_329, %add3A_334 : vector<16xf32>
      %add3A_336 = arith.addf %add3A_319, %add3A_324 : vector<16xf32>
      %add3A_337 = arith.addf %add3A_335, %add3A_336 : vector<16xf32>
      %mul3A_338 = arith.constant 2.000000e-02 : f32
      %mul3A_339 = vector.broadcast %mul3A_338 : f32 to vector<16xf32>
      %mul3A_340 = arith.mulf %add3A_337, %mul3A_339 : vector<16xf32>
      %swap3A = arith.constant 126 : i32
      %swap3A_341 = arith.index_cast %swap3A : i32 to index
      %swap3A_342 = arith.index_cast %mul3A_89 : i32 to index
      %swap3A_343 = tpu.vector_load %arg10[%swap3A_341, %swap3A_342] {strides = array<i32>} : memref<128x128xf32, #tpu.memory_space<vmem>>, vector<16xf32>,
      tpu.vector_store %arg10[%swap3A_341, %swap3A_342], %mul3A_340 {strides = array<i32>} : memref<128x128xf32, #tpu.memory_space<vmem>>, vector<16xf32>,
      %get3A_344 = arith.constant 50 : i32
      %get3A_345 = arith.index_cast %get3A_344 : i32 to index
      %get3A_346 = arith.index_cast %mul3A_89 : i32 to index
      %get3A_347 = tpu.vector_load %arg9[%get3A_345, %get3A_346] {strides = array<i32>} : memref<100x128xf32, #tpu.memory_space<vmem>>, vector<16xf32>,
      %get3A_348 = arith.constant 51 : i32
      %get3A_349 = arith.index_cast %get3A_348 : i32 to index
      %get3A_350 = arith.index_cast %mul3A_89 : i32 to index
      %get3A_351 = tpu.vector_load %arg9[%get3A_349, %get3A_350] {strides = array<i32>} : memref<100x128xf32, #tpu.memory_space<vmem>>, vector<16xf32>,
      %get3A_352 = arith.constant 52 : i32
      %get3A_353 = arith.index_cast %get3A_352 : i32 to index
      %get3A_354 = arith.index_cast %mul3A_89 : i32 to index
      %get3A_355 = tpu.vector_load %arg9[%get3A_353, %get3A_354] {strides = array<i32>} : memref<100x128xf32, #tpu.memory_space<vmem>>, vector<16xf32>,
      %get3A_356 = arith.constant 53 : i32
      %get3A_357 = arith.index_cast %get3A_356 : i32 to index
      %get3A_358 = arith.index_cast %mul3A_89 : i32 to index
      %get3A_359 = tpu.vector_load %arg9[%get3A_357, %get3A_358] {strides = array<i32>} : memref<100x128xf32, #tpu.memory_space<vmem>>, vector<16xf32>,
      %get3A_360 = arith.constant 54 : i32
      %get3A_361 = arith.index_cast %get3A_360 : i32 to index
      %get3A_362 = arith.index_cast %mul3A_89 : i32 to index
      %get3A_363 = tpu.vector_load %arg9[%get3A_361, %get3A_362] {strides = array<i32>} : memref<100x128xf32, #tpu.memory_space<vmem>>, vector<16xf32>,
      %add3A_364 = arith.addf %get3A_347, %get3A_363 : vector<16xf32>
      %get3A_365 = arith.constant 55 : i32
      %get3A_366 = arith.index_cast %get3A_365 : i32 to index
      %get3A_367 = arith.index_cast %mul3A_89 : i32 to index
      %get3A_368 = tpu.vector_load %arg9[%get3A_366, %get3A_367] {strides = array<i32>} : memref<100x128xf32, #tpu.memory_space<vmem>>, vector<16xf32>,
      %add3A_369 = arith.addf %get3A_351, %get3A_368 : vector<16xf32>
      %get3A_370 = arith.constant 56 : i32
      %get3A_371 = arith.index_cast %get3A_370 : i32 to index
      %get3A_372 = arith.index_cast %mul3A_89 : i32 to index
      %get3A_373 = tpu.vector_load %arg9[%get3A_371, %get3A_372] {strides = array<i32>} : memref<100x128xf32, #tpu.memory_space<vmem>>, vector<16xf32>,
      %add3A_374 = arith.addf %get3A_355, %get3A_373 : vector<16xf32>
      %get3A_375 = arith.constant 57 : i32
      %get3A_376 = arith.index_cast %get3A_375 : i32 to index
      %get3A_377 = arith.index_cast %mul3A_89 : i32 to index
      %get3A_378 = tpu.vector_load %arg9[%get3A_376, %get3A_377] {strides = array<i32>} : memref<100x128xf32, #tpu.memory_space<vmem>>, vector<16xf32>,
      %add3A_379 = arith.addf %get3A_359, %get3A_378 : vector<16xf32>
      %get3A_380 = arith.constant 58 : i32
      %get3A_381 = arith.index_cast %get3A_380 : i32 to index
      %get3A_382 = arith.index_cast %mul3A_89 : i32 to index
      %get3A_383 = tpu.vector_load %arg9[%get3A_381, %get3A_382] {strides = array<i32>} : memref<100x128xf32, #tpu.memory_space<vmem>>, vector<16xf32>,
      %add3A_384 = arith.addf %add3A_364, %get3A_383 : vector<16xf32>
      %get3A_385 = arith.constant 59 : i32
      %get3A_386 = arith.index_cast %get3A_385 : i32 to index
      %get3A_387 = arith.index_cast %mul3A_89 : i32 to index
      %get3A_388 = tpu.vector_load %arg9[%get3A_386, %get3A_387] {strides = array<i32>} : memref<100x128xf32, #tpu.memory_space<vmem>>, vector<16xf32>,
      %add3A_389 = arith.addf %add3A_369, %get3A_388 : vector<16xf32>
      %get3A_390 = arith.constant 60 : i32
      %get3A_391 = arith.index_cast %get3A_390 : i32 to index
      %get3A_392 = arith.index_cast %mul3A_89 : i32 to index
      %get3A_393 = tpu.vector_load %arg9[%get3A_391, %get3A_392] {strides = array<i32>} : memref<100x128xf32, #tpu.memory_space<vmem>>, vector<16xf32>,
      %add3A_394 = arith.addf %add3A_374, %get3A_393 : vector<16xf32>
      %get3A_395 = arith.constant 61 : i32
      %get3A_396 = arith.index_cast %get3A_395 : i32 to index
      %get3A_397 = arith.index_cast %mul3A_89 : i32 to index
      %get3A_398 = tpu.vector_load %arg9[%get3A_396, %get3A_397] {strides = array<i32>} : memref<100x128xf32, #tpu.memory_space<vmem>>, vector<16xf32>,
      %add3A_399 = arith.addf %add3A_379, %get3A_398 : vector<16xf32>
      %get3A_400 = arith.constant 62 : i32
      %get3A_401 = arith.index_cast %get3A_400 : i32 to index
      %get3A_402 = arith.index_cast %mul3A_89 : i32 to index
      %get3A_403 = tpu.vector_load %arg9[%get3A_401, %get3A_402] {strides = array<i32>} : memref<100x128xf32, #tpu.memory_space<vmem>>, vector<16xf32>,
      %add3A_404 = arith.addf %add3A_384, %get3A_403 : vector<16xf32>
      %get3A_405 = arith.constant 63 : i32
      %get3A_406 = arith.index_cast %get3A_405 : i32 to index
      %get3A_407 = arith.index_cast %mul3A_89 : i32 to index
      %get3A_408 = tpu.vector_load %arg9[%get3A_406, %get3A_407] {strides = array<i32>} : memref<100x128xf32, #tpu.memory_space<vmem>>, vector<16xf32>,
      %add3A_409 = arith.addf %add3A_389, %get3A_408 : vector<16xf32>
      %get3A_410 = arith.constant 64 : i32
      %get3A_411 = arith.index_cast %get3A_410 : i32 to index
      %get3A_412 = arith.index_cast %mul3A_89 : i32 to index
      %get3A_413 = tpu.vector_load %arg9[%get3A_411, %get3A_412] {strides = array<i32>} : memref<100x128xf32, #tpu.memory_space<vmem>>, vector<16xf32>,
      %add3A_414 = arith.addf %add3A_394, %get3A_413 : vector<16xf32>
      %get3A_415 = arith.constant 65 : i32
      %get3A_416 = arith.index_cast %get3A_415 : i32 to index
      %get3A_417 = arith.index_cast %mul3A_89 : i32 to index
      %get3A_418 = tpu.vector_load %arg9[%get3A_416, %get3A_417] {strides = array<i32>} : memref<100x128xf32, #tpu.memory_space<vmem>>, vector<16xf32>,
      %add3A_419 = arith.addf %add3A_399, %get3A_418 : vector<16xf32>
      %get3A_420 = arith.constant 66 : i32
      %get3A_421 = arith.index_cast %get3A_420 : i32 to index
      %get3A_422 = arith.index_cast %mul3A_89 : i32 to index
      %get3A_423 = tpu.vector_load %arg9[%get3A_421, %get3A_422] {strides = array<i32>} : memref<100x128xf32, #tpu.memory_space<vmem>>, vector<16xf32>,
      %add3A_424 = arith.addf %add3A_404, %get3A_423 : vector<16xf32>
      %get3A_425 = arith.constant 67 : i32
      %get3A_426 = arith.index_cast %get3A_425 : i32 to index
      %get3A_427 = arith.index_cast %mul3A_89 : i32 to index
      %get3A_428 = tpu.vector_load %arg9[%get3A_426, %get3A_427] {strides = array<i32>} : memref<100x128xf32, #tpu.memory_space<vmem>>, vector<16xf32>,
      %add3A_429 = arith.addf %add3A_409, %get3A_428 : vector<16xf32>
      %get3A_430 = arith.constant 68 : i32
      %get3A_431 = arith.index_cast %get3A_430 : i32 to index
      %get3A_432 = arith.index_cast %mul3A_89 : i32 to index
      %get3A_433 = tpu.vector_load %arg9[%get3A_431, %get3A_432] {strides = array<i32>} : memref<100x128xf32, #tpu.memory_space<vmem>>, vector<16xf32>,
      %add3A_434 = arith.addf %add3A_414, %get3A_433 : vector<16xf32>
      %get3A_435 = arith.constant 69 : i32
      %get3A_436 = arith.index_cast %get3A_435 : i32 to index
      %get3A_437 = arith.index_cast %mul3A_89 : i32 to index
      %get3A_438 = tpu.vector_load %arg9[%get3A_436, %get3A_437] {strides = array<i32>} : memref<100x128xf32, #tpu.memory_space<vmem>>, vector<16xf32>,
      %add3A_439 = arith.addf %add3A_419, %get3A_438 : vector<16xf32>
      %get3A_440 = arith.constant 70 : i32
      %get3A_441 = arith.index_cast %get3A_440 : i32 to index
      %get3A_442 = arith.index_cast %mul3A_89 : i32 to index
      %get3A_443 = tpu.vector_load %arg9[%get3A_441, %get3A_442] {strides = array<i32>} : memref<100x128xf32, #tpu.memory_space<vmem>>, vector<16xf32>,
      %add3A_444 = arith.addf %add3A_424, %get3A_443 : vector<16xf32>
      %get3A_445 = arith.constant 71 : i32
      %get3A_446 = arith.index_cast %get3A_445 : i32 to index
      %get3A_447 = arith.index_cast %mul3A_89 : i32 to index
      %get3A_448 = tpu.vector_load %arg9[%get3A_446, %get3A_447] {strides = array<i32>} : memref<100x128xf32, #tpu.memory_space<vmem>>, vector<16xf32>,
      %add3A_449 = arith.addf %add3A_429, %get3A_448 : vector<16xf32>
      %get3A_450 = arith.constant 72 : i32
      %get3A_451 = arith.index_cast %get3A_450 : i32 to index
      %get3A_452 = arith.index_cast %mul3A_89 : i32 to index
      %get3A_453 = tpu.vector_load %arg9[%get3A_451, %get3A_452] {strides = array<i32>} : memref<100x128xf32, #tpu.memory_space<vmem>>, vector<16xf32>,
      %add3A_454 = arith.addf %add3A_434, %get3A_453 : vector<16xf32>
      %get3A_455 = arith.constant 73 : i32
      %get3A_456 = arith.index_cast %get3A_455 : i32 to index
      %get3A_457 = arith.index_cast %mul3A_89 : i32 to index
      %get3A_458 = tpu.vector_load %arg9[%get3A_456, %get3A_457] {strides = array<i32>} : memref<100x128xf32, #tpu.memory_space<vmem>>, vector<16xf32>,
      %add3A_459 = arith.addf %add3A_439, %get3A_458 : vector<16xf32>
      %get3A_460 = arith.constant 74 : i32
      %get3A_461 = arith.index_cast %get3A_460 : i32 to index
      %get3A_462 = arith.index_cast %mul3A_89 : i32 to index
      %get3A_463 = tpu.vector_load %arg9[%get3A_461, %get3A_462] {strides = array<i32>} : memref<100x128xf32, #tpu.memory_space<vmem>>, vector<16xf32>,
      %add3A_464 = arith.addf %add3A_444, %get3A_463 : vector<16xf32>
      %get3A_465 = arith.constant 75 : i32
      %get3A_466 = arith.index_cast %get3A_465 : i32 to index
      %get3A_467 = arith.index_cast %mul3A_89 : i32 to index
      %get3A_468 = tpu.vector_load %arg9[%get3A_466, %get3A_467] {strides = array<i32>} : memref<100x128xf32, #tpu.memory_space<vmem>>, vector<16xf32>,
      %add3A_469 = arith.addf %add3A_449, %get3A_468 : vector<16xf32>
      %get3A_470 = arith.constant 76 : i32
      %get3A_471 = arith.index_cast %get3A_470 : i32 to index
      %get3A_472 = arith.index_cast %mul3A_89 : i32 to index
      %get3A_473 = tpu.vector_load %arg9[%get3A_471, %get3A_472] {strides = array<i32>} : memref<100x128xf32, #tpu.memory_space<vmem>>, vector<16xf32>,
      %add3A_474 = arith.addf %add3A_454, %get3A_473 : vector<16xf32>
      %get3A_475 = arith.constant 77 : i32
      %get3A_476 = arith.index_cast %get3A_475 : i32 to index
      %get3A_477 = arith.index_cast %mul3A_89 : i32 to index
      %get3A_478 = tpu.vector_load %arg9[%get3A_476, %get3A_477] {strides = array<i32>} : memref<100x128xf32, #tpu.memory_space<vmem>>, vector<16xf32>,
      %add3A_479 = arith.addf %add3A_459, %get3A_478 : vector<16xf32>
      %get3A_480 = arith.constant 78 : i32
      %get3A_481 = arith.index_cast %get3A_480 : i32 to index
      %get3A_482 = arith.index_cast %mul3A_89 : i32 to index
      %get3A_483 = tpu.vector_load %arg9[%get3A_481, %get3A_482] {strides = array<i32>} : memref<100x128xf32, #tpu.memory_space<vmem>>, vector<16xf32>,
      %add3A_484 = arith.addf %add3A_464, %get3A_483 : vector<16xf32>
      %get3A_485 = arith.constant 79 : i32
      %get3A_486 = arith.index_cast %get3A_485 : i32 to index
      %get3A_487 = arith.index_cast %mul3A_89 : i32 to index
      %get3A_488 = tpu.vector_load %arg9[%get3A_486, %get3A_487] {strides = array<i32>} : memref<100x128xf32, #tpu.memory_space<vmem>>, vector<16xf32>,
      %add3A_489 = arith.addf %add3A_469, %get3A_488 : vector<16xf32>
      %get3A_490 = arith.constant 80 : i32
      %get3A_491 = arith.index_cast %get3A_490 : i32 to index
      %get3A_492 = arith.index_cast %mul3A_89 : i32 to index
      %get3A_493 = tpu.vector_load %arg9[%get3A_491, %get3A_492] {strides = array<i32>} : memref<100x128xf32, #tpu.memory_space<vmem>>, vector<16xf32>,
      %add3A_494 = arith.addf %add3A_474, %get3A_493 : vector<16xf32>
      %get3A_495 = arith.constant 81 : i32
      %get3A_496 = arith.index_cast %get3A_495 : i32 to index
      %get3A_497 = arith.index_cast %mul3A_89 : i32 to index
      %get3A_498 = tpu.vector_load %arg9[%get3A_496, %get3A_497] {strides = array<i32>} : memref<100x128xf32, #tpu.memory_space<vmem>>, vector<16xf32>,
      %add3A_499 = arith.addf %add3A_479, %get3A_498 : vector<16xf32>
      %get3A_500 = arith.constant 82 : i32
      %get3A_501 = arith.index_cast %get3A_500 : i32 to index
      %get3A_502 = arith.index_cast %mul3A_89 : i32 to index
      %get3A_503 = tpu.vector_load %arg9[%get3A_501, %get3A_502] {strides = array<i32>} : memref<100x128xf32, #tpu.memory_space<vmem>>, vector<16xf32>,
      %add3A_504 = arith.addf %add3A_484, %get3A_503 : vector<16xf32>
      %get3A_505 = arith.constant 83 : i32
      %get3A_506 = arith.index_cast %get3A_505 : i32 to index
      %get3A_507 = arith.index_cast %mul3A_89 : i32 to index
      %get3A_508 = tpu.vector_load %arg9[%get3A_506, %get3A_507] {strides = array<i32>} : memref<100x128xf32, #tpu.memory_space<vmem>>, vector<16xf32>,
      %add3A_509 = arith.addf %add3A_489, %get3A_508 : vector<16xf32>
      %get3A_510 = arith.constant 84 : i32
      %get3A_511 = arith.index_cast %get3A_510 : i32 to index
      %get3A_512 = arith.index_cast %mul3A_89 : i32 to index
      %get3A_513 = tpu.vector_load %arg9[%get3A_511, %get3A_512] {strides = array<i32>} : memref<100x128xf32, #tpu.memory_space<vmem>>, vector<16xf32>,
      %add3A_514 = arith.addf %add3A_494, %get3A_513 : vector<16xf32>
      %get3A_515 = arith.constant 85 : i32
      %get3A_516 = arith.index_cast %get3A_515 : i32 to index
      %get3A_517 = arith.index_cast %mul3A_89 : i32 to index
      %get3A_518 = tpu.vector_load %arg9[%get3A_516, %get3A_517] {strides = array<i32>} : memref<100x128xf32, #tpu.memory_space<vmem>>, vector<16xf32>,
      %add3A_519 = arith.addf %add3A_499, %get3A_518 : vector<16xf32>
      %get3A_520 = arith.constant 86 : i32
      %get3A_521 = arith.index_cast %get3A_520 : i32 to index
      %get3A_522 = arith.index_cast %mul3A_89 : i32 to index
      %get3A_523 = tpu.vector_load %arg9[%get3A_521, %get3A_522] {strides = array<i32>} : memref<100x128xf32, #tpu.memory_space<vmem>>, vector<16xf32>,
      %add3A_524 = arith.addf %add3A_504, %get3A_523 : vector<16xf32>
      %get3A_525 = arith.constant 87 : i32
      %get3A_526 = arith.index_cast %get3A_525 : i32 to index
      %get3A_527 = arith.index_cast %mul3A_89 : i32 to index
      %get3A_528 = tpu.vector_load %arg9[%get3A_526, %get3A_527] {strides = array<i32>} : memref<100x128xf32, #tpu.memory_space<vmem>>, vector<16xf32>,
      %add3A_529 = arith.addf %add3A_509, %get3A_528 : vector<16xf32>
      %get3A_530 = arith.constant 88 : i32
      %get3A_531 = arith.index_cast %get3A_530 : i32 to index
      %get3A_532 = arith.index_cast %mul3A_89 : i32 to index
      %get3A_533 = tpu.vector_load %arg9[%get3A_531, %get3A_532] {strides = array<i32>} : memref<100x128xf32, #tpu.memory_space<vmem>>, vector<16xf32>,
      %add3A_534 = arith.addf %add3A_514, %get3A_533 : vector<16xf32>
      %get3A_535 = arith.constant 89 : i32
      %get3A_536 = arith.index_cast %get3A_535 : i32 to index
      %get3A_537 = arith.index_cast %mul3A_89 : i32 to index
      %get3A_538 = tpu.vector_load %arg9[%get3A_536, %get3A_537] {strides = array<i32>} : memref<100x128xf32, #tpu.memory_space<vmem>>, vector<16xf32>,
      %add3A_539 = arith.addf %add3A_519, %get3A_538 : vector<16xf32>
      %get3A_540 = arith.constant 90 : i32
      %get3A_541 = arith.index_cast %get3A_540 : i32 to index
      %get3A_542 = arith.index_cast %mul3A_89 : i32 to index
      %get3A_543 = tpu.vector_load %arg9[%get3A_541, %get3A_542] {strides = array<i32>} : memref<100x128xf32, #tpu.memory_space<vmem>>, vector<16xf32>,
      %add3A_544 = arith.addf %add3A_524, %get3A_543 : vector<16xf32>
      %get3A_545 = arith.constant 91 : i32
      %get3A_546 = arith.index_cast %get3A_545 : i32 to index
      %get3A_547 = arith.index_cast %mul3A_89 : i32 to index
      %get3A_548 = tpu.vector_load %arg9[%get3A_546, %get3A_547] {strides = array<i32>} : memref<100x128xf32, #tpu.memory_space<vmem>>, vector<16xf32>,
      %add3A_549 = arith.addf %add3A_529, %get3A_548 : vector<16xf32>
      %get3A_550 = arith.constant 92 : i32
      %get3A_551 = arith.index_cast %get3A_550 : i32 to index
      %get3A_552 = arith.index_cast %mul3A_89 : i32 to index
      %get3A_553 = tpu.vector_load %arg9[%get3A_551, %get3A_552] {strides = array<i32>} : memref<100x128xf32, #tpu.memory_space<vmem>>, vector<16xf32>,
      %add3A_554 = arith.addf %add3A_534, %get3A_553 : vector<16xf32>
      %get3A_555 = arith.constant 93 : i32
      %get3A_556 = arith.index_cast %get3A_555 : i32 to index
      %get3A_557 = arith.index_cast %mul3A_89 : i32 to index
      %get3A_558 = tpu.vector_load %arg9[%get3A_556, %get3A_557] {strides = array<i32>} : memref<100x128xf32, #tpu.memory_space<vmem>>, vector<16xf32>,
      %add3A_559 = arith.addf %add3A_539, %get3A_558 : vector<16xf32>
      %get3A_560 = arith.constant 94 : i32
      %get3A_561 = arith.index_cast %get3A_560 : i32 to index
      %get3A_562 = arith.index_cast %mul3A_89 : i32 to index
      %get3A_563 = tpu.vector_load %arg9[%get3A_561, %get3A_562] {strides = array<i32>} : memref<100x128xf32, #tpu.memory_space<vmem>>, vector<16xf32>,
      %add3A_564 = arith.addf %add3A_544, %get3A_563 : vector<16xf32>
      %get3A_565 = arith.constant 95 : i32
      %get3A_566 = arith.index_cast %get3A_565 : i32 to index
      %get3A_567 = arith.index_cast %mul3A_89 : i32 to index
      %get3A_568 = tpu.vector_load %arg9[%get3A_566, %get3A_567] {strides = array<i32>} : memref<100x128xf32, #tpu.memory_space<vmem>>, vector<16xf32>,
      %add3A_569 = arith.addf %add3A_549, %get3A_568 : vector<16xf32>
      %get3A_570 = arith.constant 96 : i32
      %get3A_571 = arith.index_cast %get3A_570 : i32 to index
      %get3A_572 = arith.index_cast %mul3A_89 : i32 to index
      %get3A_573 = tpu.vector_load %arg9[%get3A_571, %get3A_572] {strides = array<i32>} : memref<100x128xf32, #tpu.memory_space<vmem>>, vector<16xf32>,
      %add3A_574 = arith.addf %add3A_554, %get3A_573 : vector<16xf32>
      %get3A_575 = arith.constant 97 : i32
      %get3A_576 = arith.index_cast %get3A_575 : i32 to index
      %get3A_577 = arith.index_cast %mul3A_89 : i32 to index
      %get3A_578 = tpu.vector_load %arg9[%get3A_576, %get3A_577] {strides = array<i32>} : memref<100x128xf32, #tpu.memory_space<vmem>>, vector<16xf32>,
      %add3A_579 = arith.addf %add3A_559, %get3A_578 : vector<16xf32>
      %get3A_580 = arith.constant 98 : i32
      %get3A_581 = arith.index_cast %get3A_580 : i32 to index
      %get3A_582 = arith.index_cast %mul3A_89 : i32 to index
      %get3A_583 = tpu.vector_load %arg9[%get3A_581, %get3A_582] {strides = array<i32>} : memref<100x128xf32, #tpu.memory_space<vmem>>, vector<16xf32>,
      %add3A_584 = arith.addf %add3A_564, %get3A_583 : vector<16xf32>
      %get3A_585 = arith.constant 99 : i32
      %get3A_586 = arith.index_cast %get3A_585 : i32 to index
      %get3A_587 = arith.index_cast %mul3A_89 : i32 to index
      %get3A_588 = tpu.vector_load %arg9[%get3A_586, %get3A_587] {strides = array<i32>} : memref<100x128xf32, #tpu.memory_space<vmem>>, vector<16xf32>,
      %add3A_589 = arith.addf %add3A_569, %get3A_588 : vector<16xf32>
      %add3A_590 = arith.addf %add3A_584, %add3A_589 : vector<16xf32>
      %add3A_591 = arith.addf %add3A_574, %add3A_579 : vector<16xf32>
      %add3A_592 = arith.addf %add3A_590, %add3A_591 : vector<16xf32>
      %mul3A_593 = arith.constant 2.000000e-02 : f32
      %mul3A_594 = vector.broadcast %mul3A_593 : f32 to vector<16xf32>
      %mul3A_595 = arith.mulf %add3A_592, %mul3A_594 : vector<16xf32>
      %swap3A_596 = arith.constant 127 : i32
      %swap3A_597 = arith.index_cast %swap3A_596 : i32 to index
      %swap3A_598 = arith.index_cast %mul3A_89 : i32 to index
      %swap3A_599 = tpu.vector_load %arg10[%swap3A_597, %swap3A_598] {strides = array<i32>} : memref<128x128xf32, #tpu.memory_space<vmem>>, vector<16xf32>,
      tpu.vector_store %arg10[%swap3A_597, %swap3A_598], %mul3A_595 {strides = array<i32>} : memref<128x128xf32, #tpu.memory_space<vmem>>, vector<16xf32>,
    }
    %scan3A_82 = arith.constant 8 : i32
    "tpu.region"() ({
      %run_scoped3A = tpu.sem_alloc : memref<!tpu.dma_semaphore, #tpu.memory_space<semaphore_mem>>
      %dma_start3A_83 = arith.constant 0 : i32
      %dma_start3A_84 = tpu.memref_slice %arg4[%mul3A_2, %dma_start3A_83] : memref<4096x128xf32, #tpu.memory_space<hbm>> -> memref<128x128xf32, #tpu.memory_space<hbm>>
      %dma_start3A_85 = arith.constant 0 : i32
      %dma_start3A_86 = tpu.memref_slice %arg4[%mul3A_2, %dma_start3A_85] : memref<4096x128xf32, #tpu.memory_space<hbm>> -> memref<128x128xf32, #tpu.memory_space<hbm>>
      tpu.enqueue_dma source(%arg10 : memref<128x128xf32, #tpu.memory_space<vmem>>) target(%dma_start3A_86 : memref<128x128xf32, #tpu.memory_space<hbm>>) target_semaphore(%run_scoped3A : memref<!tpu.dma_semaphore, #tpu.memory_space<semaphore_mem>>)
      %dma_wait3A_87 = arith.constant 0 : i32
      %dma_wait3A_88 = tpu.memref_slice %arg4[%mul3A_2, %dma_wait3A_87] : memref<4096x128xf32, #tpu.memory_space<hbm>> -> memref<128x128xf32, #tpu.memory_space<hbm>>
      %dma_wait3A_89 = arith.constant 0 : i32
      %dma_wait3A_90 = tpu.memref_slice %arg4[%mul3A_2, %dma_wait3A_89] : memref<4096x128xf32, #tpu.memory_space<hbm>> -> memref<128x128xf32, #tpu.memory_space<hbm>>
      tpu.wait_dma2 semaphore(%run_scoped3A : memref<!tpu.dma_semaphore, #tpu.memory_space<semaphore_mem>>) src(%arg10 : memref<128x128xf32, #tpu.memory_space<vmem>>) dst(%dma_wait3A_90 : memref<128x128xf32, #tpu.memory_space<hbm>>)
      tpu.yield
    }) : () -> ()
    return
  }
}

module attributes {stable_mosaic.version = 14 : i64} {
  func.func @body(%arg0: i32, %arg1: memref<2048x128xf32, #tpu.memory_space<vmem>>, %arg2: memref<128x512xf32, #tpu.memory_space<vmem>>, %arg3: memref<1x512xf32, #tpu.memory_space<vmem>>, %arg4: memref<2048x512xf32, #tpu.memory_space<vmem>>) attributes {dimension_semantics = [#tpu.dimension_semantics<arbitrary>], iteration_bounds = array<i64: 2>, scalar_prefetch = 0 : i64, scratch_operands = 0 : i64, tpu.core_type = #tpu.core_type<tc>, window_params = [{transform_indices = @transform_0, window_bounds = array<i64: 2048, 128>}, {pipeline_mode = #tpu.pipeline_mode<synchronous>, transform_indices = @transform_1, window_bounds = array<i64: 128, 512>}, {pipeline_mode = #tpu.pipeline_mode<synchronous>, transform_indices = @transform_2, window_bounds = array<i64: 1, 512>}, {transform_indices = @transform_3, window_bounds = array<i64: 2048, 512>}]} {
    %get3A = arith.constant 0 : index
    %get3A_0 = arith.constant 0 : index
    %get3A_1 = vector.load %arg1[%get3A, %get3A_0] : memref<2048x128xf32, #tpu.memory_space<vmem>>, vector<2048x128xf32>
    %get3A_2 = arith.constant 0 : index
    %get3A_3 = arith.constant 0 : index
    %get3A_4 = vector.load %arg2[%get3A_2, %get3A_3] : memref<128x512xf32, #tpu.memory_space<vmem>>, vector<128x512xf32>
    %dot_general3A = arith.constant dense<0.000000e+00> : vector<2048x512xf32>
    %dot_general3A_5 = tpu.matmul %get3A_1, %get3A_4, %dot_general3A {dimension_numbers = #tpu.dot_dimension_numbers<[1], [0], [0], [1], [0, 0, 1, 1], [], []>, transpose_lhs_hint = false} : vector<2048x128xf32>, vector<128x512xf32>, vector<2048x512xf32> -> vector<2048x512xf32>
    %get3A_6 = arith.constant 0 : index
    %get3A_7 = arith.constant 0 : index
    %get3A_8 = vector.load %arg3[%get3A_6, %get3A_7] : memref<1x512xf32, #tpu.memory_space<vmem>>, vector<1x512xf32>
    %add3A = vector.broadcast %get3A_8 : vector<1x512xf32> to vector<2048x512xf32>
    %add3A_9 = arith.addf %dot_general3A_5, %add3A : vector<2048x512xf32>
    %swap3A = arith.constant 0 : index
    %swap3A_10 = arith.constant 0 : index
    %swap3A_11 = vector.load %arg4[%swap3A, %swap3A_10] : memref<2048x512xf32, #tpu.memory_space<vmem>>, vector<2048x512xf32>
    tpu.vector_store %arg4[%swap3A, %swap3A_10], %add3A_9 {strides = array<i32>} : memref<2048x512xf32, #tpu.memory_space<vmem>>, vector<2048x512xf32>,
    return
  }
  func.func @transform_0(%arg0: i32) -> (i32, i32) {
    %c0_i32 = arith.constant 0 : i32
    %c0_i32_0 = arith.constant 0 : i32
    return %arg0, %c0_i32 : i32, i32
  }
  func.func @transform_1(%arg0: i32) -> (i32, i32) {
    %c0_i32 = arith.constant 0 : i32
    %c0_i32_0 = arith.constant 0 : i32
    %c0_i32_1 = arith.constant 0 : i32
    return %c0_i32, %c0_i32_0 : i32, i32
  }
  func.func @transform_2(%arg0: i32) -> (i32, i32) {
    %c0_i32 = arith.constant 0 : i32
    %c0_i32_0 = arith.constant 0 : i32
    %c0_i32_1 = arith.constant 0 : i32
    return %c0_i32, %c0_i32_0 : i32, i32
  }
  func.func @transform_3(%arg0: i32) -> (i32, i32) {
    %c0_i32 = arith.constant 0 : i32
    %c0_i32_0 = arith.constant 0 : i32
    return %arg0, %c0_i32 : i32, i32
  }
}

</mosaic_0001>

<sc_bundles>
// kernel: kernel.4.cloned.1.call-start
scs
__scs_entry_jumppad:
0x0: {  	(pc) =	sbr.rel $0x88, $3  }
0x1: {  	(tag) =	ssettag $0x0;
	lr =	simm.s32 $0x1  }
0x2: {  	[smem:$0x3F9D] =	sst lr;
	_ =	strace $0xD0000000  }
0x3: {  	_ = 	snop  }
0x4: {  	_ = 	snop  }
0x5: {  	_ = 	snop  }
0x6: {  	_ = 	snop  }
0x7: {  	_ = 	snop  }
__scs_overlays_trampoline_lowered:
0x8: {  	[smem:$0x3FAC] =	sst s0  }
0x9: {  	[smem:$0x3FAD] =	sst s1  }
0xa: {  	[smem:$0x3FAE] =	sst s2  }
0xb: {  	[smem:$0x3FAF] =	sst s3  }
0xc: {  	[smem:$0x3FB0] =	sst s4  }
0xd: {  	[smem:$0x3FB1] =	sst s5  }
0xe: {  	[smem:$0x3FB2] =	sst s6  }
0xf: {  	[smem:$0x3FB3] =	sst s7  }
0x10: {  	[smem:$0x3FB4] =	sst s8  }
0x11: {  	[smem:$0x3FB5] =	sst s9;
	s0 =	simm.s32 @!p0 $0x0  }
0x12: {  	s1 =	sld [smem:$0x3F9B];
	s0 =	simm.s32 @p0 $0x1  }
0x13: {  	[smem:$0x3FB6] =	sst s0;
	s0 =	simm.s32 @!p1 $0x0  }
0x14: {  	s2 =	sld [smem:$0x3F9A];
	s0 =	simm.s32 @p1 $0x1  }
0x15: {  	[smem:$0x3FB7] =	sst s0;
	s0 =	simm.s32 @!p2 $0x0  }
0x16: {  	s3 =	sld [smem:$0x3FDB];
	s0 =	simm.s32 @p2 $0x1  }
0x17: {  	s4 =	simm.s32 $0x1BF5;
	[smem:$0x3FB9] =	sst s0  }
0x18: {  	s0 =	sld [smem:$0x3F9C];
	_ =	swait.ge [sflag:s4], $0x0  }
0x19: {  	s7 =	sld [smem:$0x3F9D]  }
0x1a: {  	s8 =	sadd.s32 $0xFFFFE003, lr  }
0x1b: {  	s9 =	sadd.s32 $0xFFFFFEF7, lr;
	s5 =	simm.s32 $0xFFFFFFFF;
	p2 =	slt.u32 s8, $0xFFFFF086  }
0x1c: {  	p1 =	slt.u32 s9, $0xF7A;
	s5 =	simm.s32 @!p2 $0x0  }
0x1d: {  	s5 =	simm.s32 @p1 $0x1;
	p0 =	seq.s32 s7, s2  }
0x1e: {  	s7 =	smul.u32 @!p0 $0xF7A, s2;
	p2 =	seq.s32 @!p0 s5, $0x0  }
0x1f: {  	s9 =	smul.u32 $0xF7A, s1;
	s8 =	simm.s32 @!p0 $0x1BF5;
	p2 =	por !p2, p0  }
0x20: {  	[sflag:s8] =	ssyncset.s32 @!p0 $0xFFFFF086;
	s6 =	sadd.s32 @!p0 s3, s7;
	s7 =	simm.s32 @!p0 $0x108  }
0x21: {  	s3 =	sadd.s32 s3, s9;
	s6 =	sadd.s32 @!p0 $0x88, s6;
	s7 =	simm.s32 @p2 $0x1082  }
0x22: {  	[simem:s7], [sflag:s8] =	dma.local @!p0 [hbm:s6], $0xF7A  }
0x23: {  	s9 =	sor.u32 $0xD0000000, s2;
	s6 =	simm.s32 $0x108;
	_ =	swait.ge @!p0 [sflag:s8], $0x0  }
0x24: {  	s3 =	sadd.s32 $0x88, s3;
	s6 =	simm.s32 @!p1 $0x1082;
	[sflag:s4] =	ssyncset.s32 $0xFFFFF086  }
0x25: {  	[simem:s6], [sflag:s4] =	dma.local [hbm:s3], $0xF7A  }
0x26: {  	[smem:$0x3F9D] =	sst s1;
	(tag) =	ssettag s2;
	_ =	strace s9  }
0x27: {  	s1 =	sld [smem:$0x3FAD]  }
0x28: {  	s2 =	sld [smem:$0x3FAE]  }
0x29: {  	s4 =	sld [smem:$0x3FB0]  }
0x2a: {  	p0 =	seq.s32 s5, $0x0;
	s5 =	sld [smem:$0x3FB1]  }
0x2b: {  	s6 =	sld [smem:$0x3FB2]  }
0x2c: {  	s7 =	sld [smem:$0x3FB3]  }
0x2d: {  	s3 =	simm.s32 $0x108;
	s8 =	sld [smem:$0x3FB4]  }
0x2e: {  	s3 =	simm.s32 @!p0 $0x1082;
	s9 =	sld [smem:$0x3FB5]  }
0x2f: {  	lr =	sadd.s32 s0, s3;
	s0 =	sld [smem:$0x3FAC]  }
0x30: {  	s3 =	sld [smem:$0x3FAF]  }
0x31: {  	[smem:$0x3FB8] =	sst s10  }
0x32: {  	s10 =	sld [smem:$0x3FB6];
	_ =	sdelay $0x3  }
0x33: {  	p0 =	seq.s32 s10, $0x1;
	s10 =	sld [smem:$0x3FB8];
	_ =	sdelay $0x3  }
0x34: {  	[smem:$0x3FB8] =	sst s10  }
0x35: {  	s10 =	sld [smem:$0x3FB7];
	_ =	sdelay $0x3  }
0x36: {  	p1 =	seq.s32 s10, $0x1;
	s10 =	sld [smem:$0x3FB8];
	_ =	sdelay $0x3  }
0x37: {  	[smem:$0x3FB8] =	sst s10  }
0x38: {  	s10 =	sld [smem:$0x3FB9]  }
0x39: {  	_ = 	snop;
	(pc) =	sbr.ind lr, $3  }
0x3a: {  	_ = 	snop  }
0x3b: {  	_ = 	snop  }
0x3c: {  	p2 =	seq.s32 s10, $0x1;
	s10 =	sld [smem:$0x3FB8]  }
0x3d: {  	_ =	shalt  }
0x3e: {  	_ =	shalt  }
0x3f: {  	_ =	shalt  }
0x40: {  	_ =	shalt  }
0x41: {  	_ =	shalt  }
0x42: {  	_ =	shalt  }
0x43: {  	_ =	shalt  }
0x44: {  	_ =	shalt  }
0x45: {  	_ =	shalt  }
0x46: {  	_ =	shalt  }
0x47: {  	_ =	shalt  }
0x48: {  	_ =	shalt  }
0x49: {  	_ =	shalt  }
0x4a: {  	_ =	shalt  }
0x4b: {  	_ =	shalt  }
0x4c: {  	_ =	shalt  }
0x4d: {  	_ =	shalt  }
0x4e: {  	_ =	shalt  }
0x4f: {  	_ =	shalt  }
0x50: {  	_ =	shalt  }
0x51: {  	_ =	shalt  }
0x52: {  	_ =	shalt  }
0x53: {  	_ =	shalt  }
0x54: {  	_ =	shalt  }
0x55: {  	_ =	shalt  }
0x56: {  	_ =	shalt  }
0x57: {  	_ =	shalt  }
0x58: {  	_ =	shalt  }
0x59: {  	_ =	shalt  }
0x5a: {  	_ =	shalt  }
0x5b: {  	_ =	shalt  }
0x5c: {  	_ =	shalt  }
0x5d: {  	_ =	shalt  }
0x5e: {  	_ =	shalt  }
0x5f: {  	_ =	shalt  }
0x60: {  	_ =	shalt  }
0x61: {  	_ =	shalt  }
0x62: {  	_ =	shalt  }
0x63: {  	_ =	shalt  }
0x64: {  	_ =	shalt  }
0x65: {  	_ =	shalt  }
0x66: {  	_ =	shalt  }
0x67: {  	_ =	shalt  }
0x68: {  	_ =	shalt  }
0x69: {  	_ =	shalt  }
0x6a: {  	_ =	shalt  }
0x6b: {  	_ =	shalt  }
0x6c: {  	_ =	shalt  }
0x6d: {  	_ =	shalt  }
0x6e: {  	_ =	shalt  }
0x6f: {  	_ =	shalt  }
0x70: {  	_ =	shalt  }
0x71: {  	_ =	shalt  }
0x72: {  	_ =	shalt  }
0x73: {  	_ =	shalt  }
0x74: {  	_ =	shalt  }
0x75: {  	_ =	shalt  }
0x76: {  	_ =	shalt  }
0x77: {  	_ =	shalt  }
0x78: {  	_ =	shalt  }
0x79: {  	_ =	shalt  }
0x7a: {  	_ =	shalt  }
0x7b: {  	_ =	shalt  }
0x7c: {  	_ =	shalt  }
0x7d: {  	_ =	shalt  }
0x7e: {  	_ =	shalt  }
0x7f: {  	_ =	shalt  }
0x80: {  	_ =	shalt  }
0x81: {  	_ =	shalt  }
0x82: {  	_ =	shalt  }
0x83: {  	_ =	shalt  }
0x84: {  	_ =	shalt  }
0x85: {  	_ =	shalt  }
0x86: {  	_ =	shalt  }
0x87: {  	_ =	shalt  }
.Lfunc_end0:
.L_simem_size_0:
called_computation_lowered:
.L_overlay_start_0:
0x88: {  	s2 =	sld [smem:$0x3FD9]  }
0x89: {  	s3 =	sld [smem:$0x3FFE];
	_ =	sdelay $0x1  }
0x8a: {  	s1 =	srdreg.scid  }
0x8b: {  	s0 =	sand.u32 $0x1, s1  }
0x8c: {  	s17 =	sshll.u32 s0, $0xA;
	s2 =	sadd.s32 s3, s2  }
0x8d: {  	s2 =	sadd.s32 s2, s17  }
0x8e: {  	[smem:$0x3FC4] =	sst s2  }
0x8f: {  	_ = 	snop  }
0x90: {  	s2 =	sld [smem:$0x3FC8]  }
0x91: {  	s18 =	sld [smem:$0x3FD0];
	(tm) =	ssettm $0x1  }
0x92: {  	s4 =	sld [smem:$0x3FFB];
	_ =	sdelay $0x3  }
0x93: {  	_ =	strace s4  }
0x94: {  	s4 =	sld [smem:$0x3FFC];
	_ =	sdelay $0x3  }
0x95: {  	_ =	strace s4  }
0x96: {  	s4 =	sld [smem:$0x3FFD];
	_ =	sdelay $0x3  }
0x97: {  	_ =	strace s4  }
0x98: {  	_ =	strace $0x8FFFFFFF  }
0x99: {  	s19 =	sld [smem:$0x3FDB];
	_ =	sdelay $0x1  }
0x9a: {  	s5 =	simm.s32 $_scs_section_size  }
0x9b: {  	s6 =	simm.s32 $_size__tile_overlayer_lowered;
	s7 =	simm.s32 $_tile_overlayer_lowered  }
0x9c: {  	s22 =	simm.s32 $0x1BFF;
	s21 =	sshll.u32 s7, $0x1;
	s4 =	sadd.s32 s5, s19  }
0x9d: {  	s8 =	simm.s32 $0x0;
	s20 =	sshll.u32 s6, $0x1;
	s6 =	sadd.s32 s21, s4  }
0x9e: {  	[timem:s8], [sflag:s22] =	dma.local [hbm:s6], s20  }
0x9f: {  	_ =	swait.ge [sflag:s22], s20  }
0xa0: {  	s5 =	ssub.s32 $0x0, s20;
	[sflag:s22] =	ssyncset.done $0x0  }
0xa1: {  	[sflag:s22] =	ssyncadd.s32 s5;
	_ =	sdelay $0x1  }
0xa2: {  	s23 =	simm.s32 $0x1B8B  }
0xa3: {  	_ =	swait.ge [sflag:s23], $0x1  }
0xa4: {  	[sflag:s23] =	ssyncset.done $0x0  }
0xa5: {  	s25 =	simm.s32 $0x1B8E;
	s24 =	sld [smem:$0x3FFE];
	[sflag:s23] =	ssyncadd.s32 $0xFFFFFFFF  }
0xa6: {  	s26 =	simm.s32 $execute0_lowered;
	[smem:$0x3FD2] =	sst s25  }
0xa7: {  	s6 =	sshll.u32 s26, $0x1;
	_ =	strace $0x80000046;
	[dreg:$0x1] =	wrdreg $0xFFFFFFFF  }
0xa8: {  	s28 =	simm.s32 $_size_execute0_lowered;
	s4 =	sadd.s32 s4, s6;
	[dreg:$0x0] =	wrdreg $0x0  }
0xa9: {  	s6 =	sshll.u32 s28, $0x1;
	[dreg:$0x2] =	wrdreg s4  }
0xaa: {  	[dreg:$0x3] =	wrdreg s6  }
0xab: {  	[dreg:$0x4] =	wrdreg $0xC0  }
0xac: {  	_ =	task [dreg:s8], $0x5FFFF  }
0xad: {  	[dreg:$0x1] =	wrdreg $0xFFFFFFFF  }
0xae: {  	[dreg:$0x0] =	wrdreg $0x60  }
0xaf: {  	[dreg:$0x2] =	wrdreg s2  }
0xb0: {  	[dreg:$0x3] =	wrdreg s24  }
0xb1: {  	[dreg:$0x4] =	wrdreg s18  }
0xb2: {  	[dreg:$0x5] =	wrdreg $0x9  }
0xb3: {  	_ =	task.clear_ibuf [dreg:s8], $0x6FFFF;
	_ =	strace $0x90000046  }
0xb4: {  	s29 =	simm.s32 $0x9;
	_ =	strace $0x80000048  }
0xb5: {  	_ =	swait.ge [sflag:s29], $0x1  }
0xb6: {  	[sflag:s29] =	ssyncadd.s32 $0xFFFFFFFF  }
0xb7: {  	_ =	strace $0x90000048  }
0xb8: {  	_ =	sfence  }
0xb9: {  	s30 =	sld [smem:$0x0];
	_ =	sdelay $0x2  }
0xba: {  	s31 =	sshll.u32 s1, $0xD;
	s1 =	sshrl.u32 s1, $0x2  }
0xbb: {  	s3 =	sand.u32 $0x4000, s31;
	s1 =	sadd.s32 s1, s30  }
0xbc: {  	s0 =	sor.u32 s3, s0;
	s1 =	sshll.u32 s1, $0x11  }
0xbd: {  	s0 =	sor.u32 s1, s0  }
0xbe: {  	s0 =	sadd.s32 $0x8F2B, s0  }
0xbf: {  	[sflag:s0] =	ssyncadd.remote.s32 $0x1  }
0xc0: {  	_ =	sfence.sel $0xFFFF  }
0xc1: {  	[dreg:$0x0] =	wrdreg $0xFFFFFFFF;
	(pc) =	sbr.abs _section_cstart, $3  }
0xc2: {  	[dreg:$0x1] =	wrdreg $0xFFFFFFFF  }
0xc3: {  	_ =	task.clear_ibuf [dreg:s8], $0x2FFFF;
	_ =	strace $0x9FFFFFFF  }
0xc4: {  	(tm) =	ssettm $0x7FFFFFFF  }
0xc5: {  	_ =	shalt  }
tec
execute0_lowered:
.L_overlay_start_1:
0x0: {  	(tag) =	ssettag $0x1  }
0x1: {  	s1 =	rddreg [dreg:$0x0]  }
0x2: {  	s4 =	rddreg [dreg:$0x1];
	s2 =	srdreg.scid  }
0x3: {  	s0 =	stileid.u32;
	s5 =	rddreg [dreg:$0x2];
	s3 =	simm.s32 $0x0  }
0x4: {  	s10 =	simm.s32 $0x68;
	s11 =	simm.s32 $0x4C00;
	s12 =	simm.s32 $0xD0  }
0x5: {  	s13 =	simm.s32 $0x7E00;
	s14 =	simm.s32 $0x138;
	s15 =	simm.s32 $0xB000  }
0x6: {  	s16 =	simm.s32 $0x1;
	s17 =	simm.s32 $0x2;
	s18 =	simm.s32 $0x3  }
0x7: {  	s19 =	simm.s32 $0x4;
	s20 =	simm.s32 $0xE200;
	s21 =	simm.s32 $0x0  }
0x8: {  	s6 =	sand.u32 $0x1, s2;
	s7 =	sshll.u32 s0, $0x1;
	s2 =	rddreg [dreg:$0x3]  }
0x9: {  	[smem:$0x7FF] =	sst s3;
	s7 =	sor.u32 s6, s7;
	s6 =	ssub.s32 $0x2, s6  }
0xa: {  	s8 =	smul.u32 $0x340, s7;
	s9 =	sshrl.u32 s6, $0x1;
	s7 =	sshll.u32 s7, $0xB  }
0xb: {  	_ =	strace $0x80000047;
	s6 =	ssub.s32 s6, s9;
	s5 =	sadd.s32 s5, s7  }
0xc: {  	s7 =	simm.s32 $0x5;
	s9 =	simm.s32 $0x1A00;
	s4 =	sadd.s32 s8, s4  }
0xd: {  	s6 =	smax.u32 s6, $0x1;
	s8 =	simm.s32 $0x64;
	s4 =	sadd.s32 $0xA00, s4  }
.LBB2_1:
0xe: {  	[tilespmem:s3], [sflag:$0x5] =	stream.linear.gather [hbm4b:s4+s3], $0x1A00, $0x38;
	[tilespmem:$0x12200] =	vst v63  }
0xf: {  	_ =	swait.ge [sflag:s7], $0x1A00  }
0x10: {  	[sflag:s7] =	ssyncset.done $0x0  }
0x11: {  	[sflag:s7] =	ssyncadd.s32 $0xFFFFE600  }
0x12: {  	[tilespmem:s9], [sflag:$0x1] =	stream.indirect.gather [hbm4b:s1+s8], $0x80, s3, s8, $0xb8;
	[tilespmem:$0x12200] =	vst v63  }
0x13: {  	_ = 	snop  }
0x14: {  	[tilespmem:s11], [sflag:$0x2] =	stream.indirect.gather [hbm4b:s1+s8], $0x80, s10, s8, $0xb8;
	[tilespmem:$0x12200] =	vst v63  }
0x15: {  	s22 =	simm.s32 $0xE300;
	s23 =	simm.s32 $0xE400  }
0x16: {  	[tilespmem:s13], [sflag:$0x3] =	stream.indirect.gather [hbm4b:s1+s8], $0x80, s12, s8, $0xb8;
	[tilespmem:$0x12200] =	vst v63  }
0x17: {  	s24 =	simm.s32 $0xE500;
	s25 =	simm.s32 $0xE200;
	s26 =	simm.s32 $0x0  }
0x18: {  	[tilespmem:s15], [sflag:$0x4] =	stream.indirect.gather [hbm4b:s1+s8], $0x80, s14, s8, $0xb8;
	[tilespmem:$0x12200] =	vst v63  }
.LBB2_2:
0x19: {  	_ =	swait.ge [sflag:s16], $0x3200  }
0x1a: {  	[sflag:s16] =	ssyncset.done $0x0  }
0x1b: {  	s28 =	simm.s32 $0x0;
	v0 =	vmov s25;
	[sflag:s16] =	ssyncadd.s32 $0xFFFFCE00  }
.LBB2_3:
0x1c: {  	s29 =	sshra.s32 s28, $0x2  }
0x1d: {  	v1 =	vld [tilespmem:s29+$0x1A00]  }
0x1e: {  	v2 =	vld [tilespmem:s29+$0x1A80]  }
0x1f: {  	v3 =	vld [tilespmem:s29+$0x1B00]  }
0x20: {  	v4 =	vld [tilespmem:s29+$0x1B80]  }
0x21: {  	v5 =	vld [tilespmem:s29+$0x1C00]  }
0x22: {  	v6 =	vld [tilespmem:s29+$0x1C80]  }
0x23: {  	v7 =	vld [tilespmem:s29+$0x1D00]  }
0x24: {  	v8 =	vld [tilespmem:s29+$0x1D80]  }
0x25: {  	v9 =	vld [tilespmem:s29+$0x1E00]  }
0x26: {  	v10 =	vld [tilespmem:s29+$0x1E80]  }
0x27: {  	v11 =	vld [tilespmem:s29+$0x1F00]  }
0x28: {  	v12 =	vld [tilespmem:s29+$0x1F80]  }
0x29: {  	v13 =	vld [tilespmem:s29+$0x2000]  }
0x2a: {  	v14 =	vld [tilespmem:s29+$0x2080]  }
0x2b: {  	v15 =	vld [tilespmem:s29+$0x2100]  }
0x2c: {  	v16 =	vld [tilespmem:s29+$0x2180]  }
0x2d: {  	v17 =	vld [tilespmem:s29+$0x2200]  }
0x2e: {  	v18 =	vld [tilespmem:s29+$0x2280]  }
0x2f: {  	v19 =	vld [tilespmem:s29+$0x2300]  }
0x30: {  	v20 =	vld [tilespmem:s29+$0x2380]  }
0x31: {  	v21 =	vld [tilespmem:s29+$0x2400]  }
0x32: {  	v22 =	vld [tilespmem:s29+$0x2480]  }
0x33: {  	v23 =	vld [tilespmem:s29+$0x2500]  }
0x34: {  	v24 =	vld [tilespmem:s29+$0x2580]  }
0x35: {  	v25 =	vld [tilespmem:s29+$0x2600]  }
0x36: {  	v26 =	vld [tilespmem:s29+$0x2680]  }
0x37: {  	v27 =	vld [tilespmem:s29+$0x2700]  }
0x38: {  	v28 =	vld [tilespmem:s29+$0x2780]  }
0x39: {  	v29 =	vld [tilespmem:s29+$0x2800]  }
0x3a: {  	v30 =	vld [tilespmem:s29+$0x2880]  }
0x3b: {  	v31 =	vld [tilespmem:s29+$0x2900]  }
0x3c: {  	v32 =	vld [tilespmem:s29+$0x2980]  }
0x3d: {  	v59 =	vld [tilespmem:s29+$0x2A00];
	v1 =	vadd.f32 v5, v1;
	v2 =	vadd.f32 v6, v2  }
0x3e: {  	v60 =	vld [tilespmem:s29+$0x2A80];
	v3 =	vadd.f32 v7, v3;
	v4 =	vadd.f32 v8, v4  }
0x3f: {  	v61 =	vld [tilespmem:s29+$0x2B00];
	v1 =	vadd.f32 v9, v1;
	v2 =	vadd.f32 v10, v2  }
0x40: {  	v62 =	vld [tilespmem:s29+$0x2B80];
	v3 =	vadd.f32 v11, v3;
	v4 =	vadd.f32 v12, v4  }
0x41: {  	v63 =	vld [tilespmem:s29+$0x2C00];
	v1 =	vadd.f32 v13, v1;
	v2 =	vadd.f32 v14, v2  }
0x42: {  	v33 =	vld [tilespmem:s29+$0x2C80];
	v3 =	vadd.f32 v15, v3;
	v4 =	vadd.f32 v16, v4  }
0x43: {  	v34 =	vld [tilespmem:s29+$0x2D00];
	v1 =	vadd.f32 v17, v1;
	v2 =	vadd.f32 v18, v2  }
0x44: {  	v35 =	vld [tilespmem:s29+$0x2D80];
	v3 =	vadd.f32 v19, v3;
	v4 =	vadd.f32 v20, v4  }
0x45: {  	v36 =	vld [tilespmem:s29+$0x2E00];
	v1 =	vadd.f32 v21, v1;
	v2 =	vadd.f32 v22, v2  }
0x46: {  	v37 =	vld [tilespmem:s29+$0x2E80];
	v3 =	vadd.f32 v23, v3;
	v4 =	vadd.f32 v24, v4  }
0x47: {  	v38 =	vld [tilespmem:s29+$0x2F00];
	v1 =	vadd.f32 v25, v1;
	v2 =	vadd.f32 v26, v2  }
0x48: {  	v39 =	vld [tilespmem:s29+$0x2F80];
	v3 =	vadd.f32 v27, v3;
	v4 =	vadd.f32 v28, v4  }
0x49: {  	v40 =	vld [tilespmem:s29+$0x3000];
	v1 =	vadd.f32 v29, v1;
	v2 =	vadd.f32 v30, v2  }
0x4a: {  	v41 =	vld [tilespmem:s29+$0x3080];
	v3 =	vadd.f32 v31, v3;
	v4 =	vadd.f32 v32, v4  }
0x4b: {  	v42 =	vld [tilespmem:s29+$0x3100];
	v1 =	vadd.f32 v59, v1;
	v2 =	vadd.f32 v60, v2  }
0x4c: {  	v43 =	vld [tilespmem:s29+$0x3180];
	v3 =	vadd.f32 v61, v3;
	v4 =	vadd.f32 v62, v4  }
0x4d: {  	v44 =	vld [tilespmem:s29+$0x3200];
	v1 =	vadd.f32 v63, v1;
	v2 =	vadd.f32 v33, v2  }
0x4e: {  	v45 =	vld [tilespmem:s29+$0x3280];
	v3 =	vadd.f32 v34, v3;
	v4 =	vadd.f32 v35, v4  }
0x4f: {  	v1 =	vadd.f32 v36, v1;
	v2 =	vadd.f32 v37, v2  }
0x50: {  	v3 =	vadd.f32 v38, v3;
	v4 =	vadd.f32 v39, v4  }
0x51: {  	v1 =	vadd.f32 v40, v1;
	v2 =	vadd.f32 v41, v2  }
0x52: {  	v3 =	vadd.f32 v42, v3;
	v4 =	vadd.f32 v43, v4  }
0x53: {  	v1 =	vadd.f32 v44, v1;
	v2 =	vadd.f32 v45, v2;
	_ =	sdelay $0x1  }
0x54: {  	v1 =	vadd.f32 v2, v1;
	v2 =	vadd.f32 v4, v3;
	_ =	sdelay $0x1  }
0x55: {  	v1 =	vadd.f32 v1, v2;
	_ =	sdelay $0x1  }
0x56: {  	v1 =	vmul.f32 $1.999999960e-02, v1;
	_ =	sdelay $0x1  }
0x57: {  	[tilespmem:v0+s29+$0x0 ss:$0x1] =	vst.idx.msk $0xffff, v1  }
0x58: {  	v1 =	vld [tilespmem:s29+$0x3300]  }
0x59: {  	v2 =	vld [tilespmem:s29+$0x3380]  }
0x5a: {  	v3 =	vld [tilespmem:s29+$0x3400]  }
0x5b: {  	v4 =	vld [tilespmem:s29+$0x3480]  }
0x5c: {  	v46 =	vld [tilespmem:s29+$0x3500]  }
0x5d: {  	v47 =	vld [tilespmem:s29+$0x3580]  }
0x5e: {  	v48 =	vld [tilespmem:s29+$0x3600]  }
0x5f: {  	v49 =	vld [tilespmem:s29+$0x3680]  }
0x60: {  	v50 =	vld [tilespmem:s29+$0x3700]  }
0x61: {  	v51 =	vld [tilespmem:s29+$0x3780]  }
0x62: {  	v52 =	vld [tilespmem:s29+$0x3800]  }
0x63: {  	v53 =	vld [tilespmem:s29+$0x3880]  }
0x64: {  	v54 =	vld [tilespmem:s29+$0x3900]  }
0x65: {  	v55 =	vld [tilespmem:s29+$0x3980]  }
0x66: {  	v56 =	vld [tilespmem:s29+$0x3A00]  }
0x67: {  	v57 =	vld [tilespmem:s29+$0x3A80]  }
0x68: {  	v58 =	vld [tilespmem:s29+$0x3B00]  }
0x69: {  	v59 =	vld [tilespmem:s29+$0x3B80]  }
0x6a: {  	v60 =	vld [tilespmem:s29+$0x3C00]  }
0x6b: {  	v61 =	vld [tilespmem:s29+$0x3C80]  }
0x6c: {  	v62 =	vld [tilespmem:s29+$0x3D00]  }
0x6d: {  	v63 =	vld [tilespmem:s29+$0x3D80]  }
0x6e: {  	v36 =	vld [tilespmem:s29+$0x3E00]  }
0x6f: {  	v37 =	vld [tilespmem:s29+$0x3E80]  }
0x70: {  	v38 =	vld [tilespmem:s29+$0x3F00]  }
0x71: {  	v39 =	vld [tilespmem:s29+$0x3F80]  }
0x72: {  	v40 =	vld [tilespmem:s29+$0x4000]  }
0x73: {  	v41 =	vld [tilespmem:s29+$0x4080]  }
0x74: {  	v42 =	vld [tilespmem:s29+$0x4100]  }
0x75: {  	v43 =	vld [tilespmem:s29+$0x4180]  }
0x76: {  	v44 =	vld [tilespmem:s29+$0x4200]  }
0x77: {  	v45 =	vld [tilespmem:s29+$0x4280]  }
0x78: {  	v1 =	vadd.f32 v46, v1;
	v2 =	vadd.f32 v47, v2;
	v46 =	vld [tilespmem:s29+$0x4300]  }
0x79: {  	v3 =	vadd.f32 v48, v3;
	v4 =	vadd.f32 v49, v4;
	v47 =	vld [tilespmem:s29+$0x4380]  }
0x7a: {  	v48 =	vld [tilespmem:s29+$0x4400];
	v1 =	vadd.f32 v50, v1;
	v2 =	vadd.f32 v51, v2  }
0x7b: {  	v49 =	vld [tilespmem:s29+$0x4480];
	v3 =	vadd.f32 v52, v3;
	v4 =	vadd.f32 v53, v4  }
0x7c: {  	v50 =	vld [tilespmem:s29+$0x4500];
	v1 =	vadd.f32 v54, v1;
	v2 =	vadd.f32 v55, v2  }
0x7d: {  	v51 =	vld [tilespmem:s29+$0x4580];
	v3 =	vadd.f32 v56, v3;
	v4 =	vadd.f32 v57, v4  }
0x7e: {  	v52 =	vld [tilespmem:s29+$0x4600];
	v1 =	vadd.f32 v58, v1;
	v2 =	vadd.f32 v59, v2  }
0x7f: {  	v53 =	vld [tilespmem:s29+$0x4680];
	v3 =	vadd.f32 v60, v3;
	v4 =	vadd.f32 v61, v4  }
0x80: {  	v54 =	vld [tilespmem:s29+$0x4700];
	v1 =	vadd.f32 v62, v1;
	v2 =	vadd.f32 v63, v2  }
0x81: {  	v55 =	vld [tilespmem:s29+$0x4780];
	v3 =	vadd.f32 v36, v3;
	v4 =	vadd.f32 v37, v4  }
0x82: {  	v56 =	vld [tilespmem:s29+$0x4800];
	v1 =	vadd.f32 v38, v1;
	v2 =	vadd.f32 v39, v2  }
0x83: {  	v57 =	vld [tilespmem:s29+$0x4880];
	v3 =	vadd.f32 v40, v3;
	v4 =	vadd.f32 v41, v4  }
0x84: {  	v58 =	vld [tilespmem:s29+$0x4900];
	v1 =	vadd.f32 v42, v1;
	v2 =	vadd.f32 v43, v2  }
0x85: {  	v59 =	vld [tilespmem:s29+$0x4980];
	v3 =	vadd.f32 v44, v3;
	v4 =	vadd.f32 v45, v4  }
0x86: {  	v60 =	vld [tilespmem:s29+$0x4A00];
	v1 =	vadd.f32 v46, v1;
	v2 =	vadd.f32 v47, v2  }
0x87: {  	v61 =	vld [tilespmem:s29+$0x4A80];
	v3 =	vadd.f32 v48, v3;
	v4 =	vadd.f32 v49, v4  }
0x88: {  	v62 =	vld [tilespmem:s29+$0x4B00];
	v1 =	vadd.f32 v50, v1;
	v2 =	vadd.f32 v51, v2  }
0x89: {  	v63 =	vld [tilespmem:s29+$0x4B80];
	v3 =	vadd.f32 v52, v3;
	v4 =	vadd.f32 v53, v4  }
0x8a: {  	v1 =	vadd.f32 v54, v1;
	v2 =	vadd.f32 v55, v2  }
0x8b: {  	v3 =	vadd.f32 v56, v3;
	v4 =	vadd.f32 v57, v4  }
0x8c: {  	v1 =	vadd.f32 v58, v1;
	v2 =	vadd.f32 v59, v2  }
0x8d: {  	v3 =	vadd.f32 v60, v3;
	v4 =	vadd.f32 v61, v4  }
0x8e: {  	v1 =	vadd.f32 v62, v1;
	v2 =	vadd.f32 v63, v2;
	_ =	sdelay $0x1  }
0x8f: {  	v1 =	vadd.f32 v2, v1;
	v2 =	vadd.f32 v4, v3  }
0x90: {  	p0 =	sne.s32 s28, $0x1C0  }
.Ltmp0:
0x91: {  	v1 =	vadd.f32 v1, v2;
	(pc) =	sbr.rel @p0 .LBB2_3-.Ltmp0, $3  }
0x92: {  	_ = 	snop  }
0x93: {  	v1 =	vmul.f32 $1.999999960e-02, v1;
	_ =	sdelay $0x1  }
0x94: {  	s28 =	sadd.s32 $0x40, s28;
	[tilespmem:v0+s29+$0x80 ss:$0x1] =	vst.idx.msk $0xffff, v1  }
0x95: {  	s28 =	smul.u32 $0x680, s26;
	_ =	sdelay $0x1  }
0x96: {  	s28 =	sshra.s32 s28, $0x2  }
0x97: {  	s29 =	sadd.s32 $0x1A0, s28  }
0x98: {  	[tilespmem:s9], [sflag:$0x1] =	stream.indirect.gather [hbm4b:s1+s8], $0x80, s29, s8, $0xb8;
	[tilespmem:$0x12200] =	vst v63  }
0x99: {  	_ =	swait.ge [sflag:s17], $0x3200  }
0x9a: {  	[sflag:s17] =	ssyncset.done $0x0  }
0x9b: {  	v0 =	vmov s22;
	s29 =	simm.s32 $0x0;
	[sflag:s17] =	ssyncadd.s32 $0xFFFFCE00  }
.LBB2_5:
0x9c: {  	s30 =	sshra.s32 s29, $0x2  }
0x9d: {  	v1 =	vld [tilespmem:s30+$0x4C00]  }
0x9e: {  	v2 =	vld [tilespmem:s30+$0x4C80]  }
0x9f: {  	v3 =	vld [tilespmem:s30+$0x4D00]  }
0xa0: {  	v4 =	vld [tilespmem:s30+$0x4D80]  }
0xa1: {  	v5 =	vld [tilespmem:s30+$0x4E00]  }
0xa2: {  	v6 =	vld [tilespmem:s30+$0x4E80]  }
0xa3: {  	v7 =	vld [tilespmem:s30+$0x4F00]  }
0xa4: {  	v8 =	vld [tilespmem:s30+$0x4F80]  }
0xa5: {  	v9 =	vld [tilespmem:s30+$0x5000]  }
0xa6: {  	v10 =	vld [tilespmem:s30+$0x5080]  }
0xa7: {  	v11 =	vld [tilespmem:s30+$0x5100]  }
0xa8: {  	v12 =	vld [tilespmem:s30+$0x5180]  }
0xa9: {  	v13 =	vld [tilespmem:s30+$0x5200]  }
0xaa: {  	v14 =	vld [tilespmem:s30+$0x5280]  }
0xab: {  	v15 =	vld [tilespmem:s30+$0x5300]  }
0xac: {  	v16 =	vld [tilespmem:s30+$0x5380]  }
0xad: {  	v17 =	vld [tilespmem:s30+$0x5400]  }
0xae: {  	v18 =	vld [tilespmem:s30+$0x5480]  }
0xaf: {  	v19 =	vld [tilespmem:s30+$0x5500]  }
0xb0: {  	v20 =	vld [tilespmem:s30+$0x5580]  }
0xb1: {  	v21 =	vld [tilespmem:s30+$0x5600]  }
0xb2: {  	v22 =	vld [tilespmem:s30+$0x5680]  }
0xb3: {  	v23 =	vld [tilespmem:s30+$0x5700]  }
0xb4: {  	v24 =	vld [tilespmem:s30+$0x5780]  }
0xb5: {  	v25 =	vld [tilespmem:s30+$0x5800]  }
0xb6: {  	v26 =	vld [tilespmem:s30+$0x5880]  }
0xb7: {  	v27 =	vld [tilespmem:s30+$0x5900]  }
0xb8: {  	v28 =	vld [tilespmem:s30+$0x5980]  }
0xb9: {  	v29 =	vld [tilespmem:s30+$0x5A00]  }
0xba: {  	v30 =	vld [tilespmem:s30+$0x5A80]  }
0xbb: {  	v31 =	vld [tilespmem:s30+$0x5B00]  }
0xbc: {  	v32 =	vld [tilespmem:s30+$0x5B80]  }
0xbd: {  	v59 =	vld [tilespmem:s30+$0x5C00];
	v1 =	vadd.f32 v5, v1;
	v2 =	vadd.f32 v6, v2  }
0xbe: {  	v60 =	vld [tilespmem:s30+$0x5C80];
	v3 =	vadd.f32 v7, v3;
	v4 =	vadd.f32 v8, v4  }
0xbf: {  	v61 =	vld [tilespmem:s30+$0x5D00];
	v1 =	vadd.f32 v9, v1;
	v2 =	vadd.f32 v10, v2  }
0xc0: {  	v62 =	vld [tilespmem:s30+$0x5D80];
	v3 =	vadd.f32 v11, v3;
	v4 =	vadd.f32 v12, v4  }
0xc1: {  	v63 =	vld [tilespmem:s30+$0x5E00];
	v1 =	vadd.f32 v13, v1;
	v2 =	vadd.f32 v14, v2  }
0xc2: {  	v33 =	vld [tilespmem:s30+$0x5E80];
	v3 =	vadd.f32 v15, v3;
	v4 =	vadd.f32 v16, v4  }
0xc3: {  	v34 =	vld [tilespmem:s30+$0x5F00];
	v1 =	vadd.f32 v17, v1;
	v2 =	vadd.f32 v18, v2  }
0xc4: {  	v35 =	vld [tilespmem:s30+$0x5F80];
	v3 =	vadd.f32 v19, v3;
	v4 =	vadd.f32 v20, v4  }
0xc5: {  	v36 =	vld [tilespmem:s30+$0x6000];
	v1 =	vadd.f32 v21, v1;
	v2 =	vadd.f32 v22, v2  }
0xc6: {  	v37 =	vld [tilespmem:s30+$0x6080];
	v3 =	vadd.f32 v23, v3;
	v4 =	vadd.f32 v24, v4  }
0xc7: {  	v38 =	vld [tilespmem:s30+$0x6100];
	v1 =	vadd.f32 v25, v1;
	v2 =	vadd.f32 v26, v2  }
0xc8: {  	v39 =	vld [tilespmem:s30+$0x6180];
	v3 =	vadd.f32 v27, v3;
	v4 =	vadd.f32 v28, v4  }
0xc9: {  	v40 =	vld [tilespmem:s30+$0x6200];
	v1 =	vadd.f32 v29, v1;
	v2 =	vadd.f32 v30, v2  }
0xca: {  	v41 =	vld [tilespmem:s30+$0x6280];
	v3 =	vadd.f32 v31, v3;
	v4 =	vadd.f32 v32, v4  }
0xcb: {  	v42 =	vld [tilespmem:s30+$0x6300];
	v1 =	vadd.f32 v59, v1;
	v2 =	vadd.f32 v60, v2  }
0xcc: {  	v43 =	vld [tilespmem:s30+$0x6380];
	v3 =	vadd.f32 v61, v3;
	v4 =	vadd.f32 v62, v4  }
0xcd: {  	v44 =	vld [tilespmem:s30+$0x6400];
	v1 =	vadd.f32 v63, v1;
	v2 =	vadd.f32 v33, v2  }
0xce: {  	v45 =	vld [tilespmem:s30+$0x6480];
	v3 =	vadd.f32 v34, v3;
	v4 =	vadd.f32 v35, v4  }
0xcf: {  	v1 =	vadd.f32 v36, v1;
	v2 =	vadd.f32 v37, v2  }
0xd0: {  	v3 =	vadd.f32 v38, v3;
	v4 =	vadd.f32 v39, v4  }
0xd1: {  	v1 =	vadd.f32 v40, v1;
	v2 =	vadd.f32 v41, v2  }
0xd2: {  	v3 =	vadd.f32 v42, v3;
	v4 =	vadd.f32 v43, v4  }
0xd3: {  	v1 =	vadd.f32 v44, v1;
	v2 =	vadd.f32 v45, v2;
	_ =	sdelay $0x1  }
0xd4: {  	v1 =	vadd.f32 v2, v1;
	v2 =	vadd.f32 v4, v3;
	_ =	sdelay $0x1  }
0xd5: {  	v1 =	vadd.f32 v1, v2;
	_ =	sdelay $0x1  }
0xd6: {  	v1 =	vmul.f32 $1.999999960e-02, v1;
	_ =	sdelay $0x1  }
0xd7: {  	[tilespmem:v0+s30+$0x0 ss:$0x1] =	vst.idx.msk $0xffff, v1  }
0xd8: {  	v1 =	vld [tilespmem:s30+$0x6500]  }
0xd9: {  	v2 =	vld [tilespmem:s30+$0x6580]  }
0xda: {  	v3 =	vld [tilespmem:s30+$0x6600]  }
0xdb: {  	v4 =	vld [tilespmem:s30+$0x6680]  }
0xdc: {  	v46 =	vld [tilespmem:s30+$0x6700]  }
0xdd: {  	v47 =	vld [tilespmem:s30+$0x6780]  }
0xde: {  	v48 =	vld [tilespmem:s30+$0x6800]  }
0xdf: {  	v49 =	vld [tilespmem:s30+$0x6880]  }
0xe0: {  	v50 =	vld [tilespmem:s30+$0x6900]  }
0xe1: {  	v51 =	vld [tilespmem:s30+$0x6980]  }
0xe2: {  	v52 =	vld [tilespmem:s30+$0x6A00]  }
0xe3: {  	v53 =	vld [tilespmem:s30+$0x6A80]  }
0xe4: {  	v54 =	vld [tilespmem:s30+$0x6B00]  }
0xe5: {  	v55 =	vld [tilespmem:s30+$0x6B80]  }
0xe6: {  	v56 =	vld [tilespmem:s30+$0x6C00]  }
0xe7: {  	v57 =	vld [tilespmem:s30+$0x6C80]  }
0xe8: {  	v58 =	vld [tilespmem:s30+$0x6D00]  }
0xe9: {  	v59 =	vld [tilespmem:s30+$0x6D80]  }
0xea: {  	v60 =	vld [tilespmem:s30+$0x6E00]  }
0xeb: {  	v61 =	vld [tilespmem:s30+$0x6E80]  }
0xec: {  	v62 =	vld [tilespmem:s30+$0x6F00]  }
0xed: {  	v63 =	vld [tilespmem:s30+$0x6F80]  }
0xee: {  	v36 =	vld [tilespmem:s30+$0x7000]  }
0xef: {  	v37 =	vld [tilespmem:s30+$0x7080]  }
0xf0: {  	v38 =	vld [tilespmem:s30+$0x7100]  }
0xf1: {  	v39 =	vld [tilespmem:s30+$0x7180]  }
0xf2: {  	v40 =	vld [tilespmem:s30+$0x7200]  }
0xf3: {  	v41 =	vld [tilespmem:s30+$0x7280]  }
0xf4: {  	v42 =	vld [tilespmem:s30+$0x7300]  }
0xf5: {  	v43 =	vld [tilespmem:s30+$0x7380]  }
0xf6: {  	v44 =	vld [tilespmem:s30+$0x7400]  }
0xf7: {  	v45 =	vld [tilespmem:s30+$0x7480]  }
0xf8: {  	v1 =	vadd.f32 v46, v1;
	v2 =	vadd.f32 v47, v2;
	v46 =	vld [tilespmem:s30+$0x7500]  }
0xf9: {  	v3 =	vadd.f32 v48, v3;
	v4 =	vadd.f32 v49, v4;
	v47 =	vld [tilespmem:s30+$0x7580]  }
0xfa: {  	v48 =	vld [tilespmem:s30+$0x7600];
	v1 =	vadd.f32 v50, v1;
	v2 =	vadd.f32 v51, v2  }
0xfb: {  	v49 =	vld [tilespmem:s30+$0x7680];
	v3 =	vadd.f32 v52, v3;
	v4 =	vadd.f32 v53, v4  }
0xfc: {  	v50 =	vld [tilespmem:s30+$0x7700];
	v1 =	vadd.f32 v54, v1;
	v2 =	vadd.f32 v55, v2  }
0xfd: {  	v51 =	vld [tilespmem:s30+$0x7780];
	v3 =	vadd.f32 v56, v3;
	v4 =	vadd.f32 v57, v4  }
0xfe: {  	v52 =	vld [tilespmem:s30+$0x7800];
	v1 =	vadd.f32 v58, v1;
	v2 =	vadd.f32 v59, v2  }
0xff: {  	v53 =	vld [tilespmem:s30+$0x7880];
	v3 =	vadd.f32 v60, v3;
	v4 =	vadd.f32 v61, v4  }
0x100: {  	v54 =	vld [tilespmem:s30+$0x7900];
	v1 =	vadd.f32 v62, v1;
	v2 =	vadd.f32 v63, v2  }
0x101: {  	v55 =	vld [tilespmem:s30+$0x7980];
	v3 =	vadd.f32 v36, v3;
	v4 =	vadd.f32 v37, v4  }
0x102: {  	v56 =	vld [tilespmem:s30+$0x7A00];
	v1 =	vadd.f32 v38, v1;
	v2 =	vadd.f32 v39, v2  }
0x103: {  	v57 =	vld [tilespmem:s30+$0x7A80];
	v3 =	vadd.f32 v40, v3;
	v4 =	vadd.f32 v41, v4  }
0x104: {  	v58 =	vld [tilespmem:s30+$0x7B00];
	v1 =	vadd.f32 v42, v1;
	v2 =	vadd.f32 v43, v2  }
0x105: {  	v59 =	vld [tilespmem:s30+$0x7B80];
	v3 =	vadd.f32 v44, v3;
	v4 =	vadd.f32 v45, v4  }
0x106: {  	v60 =	vld [tilespmem:s30+$0x7C00];
	v1 =	vadd.f32 v46, v1;
	v2 =	vadd.f32 v47, v2  }
0x107: {  	v61 =	vld [tilespmem:s30+$0x7C80];
	v3 =	vadd.f32 v48, v3;
	v4 =	vadd.f32 v49, v4  }
0x108: {  	v62 =	vld [tilespmem:s30+$0x7D00];
	v1 =	vadd.f32 v50, v1;
	v2 =	vadd.f32 v51, v2  }
0x109: {  	v63 =	vld [tilespmem:s30+$0x7D80];
	v3 =	vadd.f32 v52, v3;
	v4 =	vadd.f32 v53, v4  }
0x10a: {  	v1 =	vadd.f32 v54, v1;
	v2 =	vadd.f32 v55, v2  }
0x10b: {  	v3 =	vadd.f32 v56, v3;
	v4 =	vadd.f32 v57, v4  }
0x10c: {  	v1 =	vadd.f32 v58, v1;
	v2 =	vadd.f32 v59, v2  }
0x10d: {  	v3 =	vadd.f32 v60, v3;
	v4 =	vadd.f32 v61, v4  }
0x10e: {  	v1 =	vadd.f32 v62, v1;
	v2 =	vadd.f32 v63, v2;
	_ =	sdelay $0x1  }
0x10f: {  	v1 =	vadd.f32 v2, v1;
	v2 =	vadd.f32 v4, v3  }
0x110: {  	p0 =	sne.s32 s29, $0x1C0  }
.Ltmp1:
0x111: {  	v1 =	vadd.f32 v1, v2;
	(pc) =	sbr.rel @p0 .LBB2_5-.Ltmp1, $3  }
0x112: {  	_ = 	snop  }
0x113: {  	v1 =	vmul.f32 $1.999999960e-02, v1;
	_ =	sdelay $0x1  }
0x114: {  	s29 =	sadd.s32 $0x40, s29;
	[tilespmem:v0+s30+$0x80 ss:$0x1] =	vst.idx.msk $0xffff, v1  }
0x115: {  	s29 =	sadd.s32 $0x208, s28  }
0x116: {  	[tilespmem:s11], [sflag:$0x2] =	stream.indirect.gather [hbm4b:s1+s8], $0x80, s29, s8, $0xb8;
	[tilespmem:$0x12200] =	vst v63  }
0x117: {  	_ =	swait.ge [sflag:s18], $0x3200  }
0x118: {  	[sflag:s18] =	ssyncset.done $0x0  }
0x119: {  	v0 =	vmov s23;
	s29 =	simm.s32 $0x0;
	[sflag:s18] =	ssyncadd.s32 $0xFFFFCE00  }
.LBB2_7:
0x11a: {  	s30 =	sshra.s32 s29, $0x2  }
0x11b: {  	v1 =	vld [tilespmem:s30+$0x7E00]  }
0x11c: {  	v2 =	vld [tilespmem:s30+$0x7E80]  }
0x11d: {  	v3 =	vld [tilespmem:s30+$0x7F00]  }
0x11e: {  	v4 =	vld [tilespmem:s30+$0x7F80]  }
0x11f: {  	v5 =	vld [tilespmem:s30+$0x8000]  }
0x120: {  	v6 =	vld [tilespmem:s30+$0x8080]  }
0x121: {  	v7 =	vld [tilespmem:s30+$0x8100]  }
0x122: {  	v8 =	vld [tilespmem:s30+$0x8180]  }
0x123: {  	v9 =	vld [tilespmem:s30+$0x8200]  }
0x124: {  	v10 =	vld [tilespmem:s30+$0x8280]  }
0x125: {  	v11 =	vld [tilespmem:s30+$0x8300]  }
0x126: {  	v12 =	vld [tilespmem:s30+$0x8380]  }
0x127: {  	v13 =	vld [tilespmem:s30+$0x8400]  }
0x128: {  	v14 =	vld [tilespmem:s30+$0x8480]  }
0x129: {  	v15 =	vld [tilespmem:s30+$0x8500]  }
0x12a: {  	v16 =	vld [tilespmem:s30+$0x8580]  }
0x12b: {  	v17 =	vld [tilespmem:s30+$0x8600]  }
0x12c: {  	v18 =	vld [tilespmem:s30+$0x8680]  }
0x12d: {  	v19 =	vld [tilespmem:s30+$0x8700]  }
0x12e: {  	v20 =	vld [tilespmem:s30+$0x8780]  }
0x12f: {  	v21 =	vld [tilespmem:s30+$0x8800]  }
0x130: {  	v22 =	vld [tilespmem:s30+$0x8880]  }
0x131: {  	v23 =	vld [tilespmem:s30+$0x8900]  }
0x132: {  	v24 =	vld [tilespmem:s30+$0x8980]  }
0x133: {  	v25 =	vld [tilespmem:s30+$0x8A00]  }
0x134: {  	v26 =	vld [tilespmem:s30+$0x8A80]  }
0x135: {  	v27 =	vld [tilespmem:s30+$0x8B00]  }
0x136: {  	v28 =	vld [tilespmem:s30+$0x8B80]  }
0x137: {  	v29 =	vld [tilespmem:s30+$0x8C00]  }
0x138: {  	v30 =	vld [tilespmem:s30+$0x8C80]  }
0x139: {  	v31 =	vld [tilespmem:s30+$0x8D00]  }
0x13a: {  	v32 =	vld [tilespmem:s30+$0x8D80]  }
0x13b: {  	v59 =	vld [tilespmem:s30+$0x8E00];
	v1 =	vadd.f32 v5, v1;
	v2 =	vadd.f32 v6, v2  }
0x13c: {  	v60 =	vld [tilespmem:s30+$0x8E80];
	v3 =	vadd.f32 v7, v3;
	v4 =	vadd.f32 v8, v4  }
0x13d: {  	v61 =	vld [tilespmem:s30+$0x8F00];
	v1 =	vadd.f32 v9, v1;
	v2 =	vadd.f32 v10, v2  }
0x13e: {  	v62 =	vld [tilespmem:s30+$0x8F80];
	v3 =	vadd.f32 v11, v3;
	v4 =	vadd.f32 v12, v4  }
0x13f: {  	v63 =	vld [tilespmem:s30+$0x9000];
	v1 =	vadd.f32 v13, v1;
	v2 =	vadd.f32 v14, v2  }
0x140: {  	v33 =	vld [tilespmem:s30+$0x9080];
	v3 =	vadd.f32 v15, v3;
	v4 =	vadd.f32 v16, v4  }
0x141: {  	v34 =	vld [tilespmem:s30+$0x9100];
	v1 =	vadd.f32 v17, v1;
	v2 =	vadd.f32 v18, v2  }
0x142: {  	v35 =	vld [tilespmem:s30+$0x9180];
	v3 =	vadd.f32 v19, v3;
	v4 =	vadd.f32 v20, v4  }
0x143: {  	v36 =	vld [tilespmem:s30+$0x9200];
	v1 =	vadd.f32 v21, v1;
	v2 =	vadd.f32 v22, v2  }
0x144: {  	v37 =	vld [tilespmem:s30+$0x9280];
	v3 =	vadd.f32 v23, v3;
	v4 =	vadd.f32 v24, v4  }
0x145: {  	v38 =	vld [tilespmem:s30+$0x9300];
	v1 =	vadd.f32 v25, v1;
	v2 =	vadd.f32 v26, v2  }
0x146: {  	v39 =	vld [tilespmem:s30+$0x9380];
	v3 =	vadd.f32 v27, v3;
	v4 =	vadd.f32 v28, v4  }
0x147: {  	v40 =	vld [tilespmem:s30+$0x9400];
	v1 =	vadd.f32 v29, v1;
	v2 =	vadd.f32 v30, v2  }
0x148: {  	v41 =	vld [tilespmem:s30+$0x9480];
	v3 =	vadd.f32 v31, v3;
	v4 =	vadd.f32 v32, v4  }
0x149: {  	v42 =	vld [tilespmem:s30+$0x9500];
	v1 =	vadd.f32 v59, v1;
	v2 =	vadd.f32 v60, v2  }
0x14a: {  	v43 =	vld [tilespmem:s30+$0x9580];
	v3 =	vadd.f32 v61, v3;
	v4 =	vadd.f32 v62, v4  }
0x14b: {  	v44 =	vld [tilespmem:s30+$0x9600];
	v1 =	vadd.f32 v63, v1;
	v2 =	vadd.f32 v33, v2  }
0x14c: {  	v45 =	vld [tilespmem:s30+$0x9680];
	v3 =	vadd.f32 v34, v3;
	v4 =	vadd.f32 v35, v4  }
0x14d: {  	v1 =	vadd.f32 v36, v1;
	v2 =	vadd.f32 v37, v2  }
0x14e: {  	v3 =	vadd.f32 v38, v3;
	v4 =	vadd.f32 v39, v4  }
0x14f: {  	v1 =	vadd.f32 v40, v1;
	v2 =	vadd.f32 v41, v2  }
0x150: {  	v3 =	vadd.f32 v42, v3;
	v4 =	vadd.f32 v43, v4  }
0x151: {  	v1 =	vadd.f32 v44, v1;
	v2 =	vadd.f32 v45, v2;
	_ =	sdelay $0x1  }
0x152: {  	v1 =	vadd.f32 v2, v1;
	v2 =	vadd.f32 v4, v3;
	_ =	sdelay $0x1  }
0x153: {  	v1 =	vadd.f32 v1, v2;
	_ =	sdelay $0x1  }
0x154: {  	v1 =	vmul.f32 $1.999999960e-02, v1;
	_ =	sdelay $0x1  }
0x155: {  	[tilespmem:v0+s30+$0x0 ss:$0x1] =	vst.idx.msk $0xffff, v1  }
0x156: {  	v1 =	vld [tilespmem:s30+$0x9700]  }
0x157: {  	v2 =	vld [tilespmem:s30+$0x9780]  }
0x158: {  	v3 =	vld [tilespmem:s30+$0x9800]  }
0x159: {  	v4 =	vld [tilespmem:s30+$0x9880]  }
0x15a: {  	v46 =	vld [tilespmem:s30+$0x9900]  }
0x15b: {  	v47 =	vld [tilespmem:s30+$0x9980]  }
0x15c: {  	v48 =	vld [tilespmem:s30+$0x9A00]  }
0x15d: {  	v49 =	vld [tilespmem:s30+$0x9A80]  }
0x15e: {  	v50 =	vld [tilespmem:s30+$0x9B00]  }
0x15f: {  	v51 =	vld [tilespmem:s30+$0x9B80]  }
0x160: {  	v52 =	vld [tilespmem:s30+$0x9C00]  }
0x161: {  	v53 =	vld [tilespmem:s30+$0x9C80]  }
0x162: {  	v54 =	vld [tilespmem:s30+$0x9D00]  }
0x163: {  	v55 =	vld [tilespmem:s30+$0x9D80]  }
0x164: {  	v56 =	vld [tilespmem:s30+$0x9E00]  }
0x165: {  	v57 =	vld [tilespmem:s30+$0x9E80]  }
0x166: {  	v58 =	vld [tilespmem:s30+$0x9F00]  }
0x167: {  	v59 =	vld [tilespmem:s30+$0x9F80]  }
0x168: {  	v60 =	vld [tilespmem:s30+$0xA000]  }
0x169: {  	v61 =	vld [tilespmem:s30+$0xA080]  }
0x16a: {  	v62 =	vld [tilespmem:s30+$0xA100]  }
0x16b: {  	v63 =	vld [tilespmem:s30+$0xA180]  }
0x16c: {  	v36 =	vld [tilespmem:s30+$0xA200]  }
0x16d: {  	v37 =	vld [tilespmem:s30+$0xA280]  }
0x16e: {  	v38 =	vld [tilespmem:s30+$0xA300]  }
0x16f: {  	v39 =	vld [tilespmem:s30+$0xA380]  }
0x170: {  	v40 =	vld [tilespmem:s30+$0xA400]  }
0x171: {  	v41 =	vld [tilespmem:s30+$0xA480]  }
0x172: {  	v42 =	vld [tilespmem:s30+$0xA500]  }
0x173: {  	v43 =	vld [tilespmem:s30+$0xA580]  }
0x174: {  	v44 =	vld [tilespmem:s30+$0xA600]  }
0x175: {  	v45 =	vld [tilespmem:s30+$0xA680]  }
0x176: {  	v1 =	vadd.f32 v46, v1;
	v2 =	vadd.f32 v47, v2;
	v46 =	vld [tilespmem:s30+$0xA700]  }
0x177: {  	v3 =	vadd.f32 v48, v3;
	v4 =	vadd.f32 v49, v4;
	v47 =	vld [tilespmem:s30+$0xA780]  }
0x178: {  	v48 =	vld [tilespmem:s30+$0xA800];
	v1 =	vadd.f32 v50, v1;
	v2 =	vadd.f32 v51, v2  }
0x179: {  	v49 =	vld [tilespmem:s30+$0xA880];
	v3 =	vadd.f32 v52, v3;
	v4 =	vadd.f32 v53, v4  }
0x17a: {  	v50 =	vld [tilespmem:s30+$0xA900];
	v1 =	vadd.f32 v54, v1;
	v2 =	vadd.f32 v55, v2  }
0x17b: {  	v51 =	vld [tilespmem:s30+$0xA980];
	v3 =	vadd.f32 v56, v3;
	v4 =	vadd.f32 v57, v4  }
0x17c: {  	v52 =	vld [tilespmem:s30+$0xAA00];
	v1 =	vadd.f32 v58, v1;
	v2 =	vadd.f32 v59, v2  }
0x17d: {  	v53 =	vld [tilespmem:s30+$0xAA80];
	v3 =	vadd.f32 v60, v3;
	v4 =	vadd.f32 v61, v4  }
0x17e: {  	v54 =	vld [tilespmem:s30+$0xAB00];
	v1 =	vadd.f32 v62, v1;
	v2 =	vadd.f32 v63, v2  }
0x17f: {  	v55 =	vld [tilespmem:s30+$0xAB80];
	v3 =	vadd.f32 v36, v3;
	v4 =	vadd.f32 v37, v4  }
0x180: {  	v56 =	vld [tilespmem:s30+$0xAC00];
	v1 =	vadd.f32 v38, v1;
	v2 =	vadd.f32 v39, v2  }
0x181: {  	v57 =	vld [tilespmem:s30+$0xAC80];
	v3 =	vadd.f32 v40, v3;
	v4 =	vadd.f32 v41, v4  }
0x182: {  	v58 =	vld [tilespmem:s30+$0xAD00];
	v1 =	vadd.f32 v42, v1;
	v2 =	vadd.f32 v43, v2  }
0x183: {  	v59 =	vld [tilespmem:s30+$0xAD80];
	v3 =	vadd.f32 v44, v3;
	v4 =	vadd.f32 v45, v4  }
0x184: {  	v60 =	vld [tilespmem:s30+$0xAE00];
	v1 =	vadd.f32 v46, v1;
	v2 =	vadd.f32 v47, v2  }
0x185: {  	v61 =	vld [tilespmem:s30+$0xAE80];
	v3 =	vadd.f32 v48, v3;
	v4 =	vadd.f32 v49, v4  }
0x186: {  	v62 =	vld [tilespmem:s30+$0xAF00];
	v1 =	vadd.f32 v50, v1;
	v2 =	vadd.f32 v51, v2  }
0x187: {  	v63 =	vld [tilespmem:s30+$0xAF80];
	v3 =	vadd.f32 v52, v3;
	v4 =	vadd.f32 v53, v4  }
0x188: {  	v1 =	vadd.f32 v54, v1;
	v2 =	vadd.f32 v55, v2  }
0x189: {  	v3 =	vadd.f32 v56, v3;
	v4 =	vadd.f32 v57, v4  }
0x18a: {  	v1 =	vadd.f32 v58, v1;
	v2 =	vadd.f32 v59, v2  }
0x18b: {  	v3 =	vadd.f32 v60, v3;
	v4 =	vadd.f32 v61, v4  }
0x18c: {  	v1 =	vadd.f32 v62, v1;
	v2 =	vadd.f32 v63, v2;
	_ =	sdelay $0x1  }
0x18d: {  	v1 =	vadd.f32 v2, v1;
	v2 =	vadd.f32 v4, v3  }
0x18e: {  	p0 =	sne.s32 s29, $0x1C0  }
.Ltmp2:
0x18f: {  	v1 =	vadd.f32 v1, v2;
	(pc) =	sbr.rel @p0 .LBB2_7-.Ltmp2, $3  }
0x190: {  	_ = 	snop  }
0x191: {  	v1 =	vmul.f32 $1.999999960e-02, v1;
	_ =	sdelay $0x1  }
0x192: {  	s29 =	sadd.s32 $0x40, s29;
	[tilespmem:v0+s30+$0x80 ss:$0x1] =	vst.idx.msk $0xffff, v1  }
0x193: {  	s29 =	sadd.s32 $0x270, s28  }
0x194: {  	[tilespmem:s13], [sflag:$0x3] =	stream.indirect.gather [hbm4b:s1+s8], $0x80, s29, s8, $0xb8;
	[tilespmem:$0x12200] =	vst v63  }
0x195: {  	_ =	swait.ge [sflag:s19], $0x3200  }
0x196: {  	[sflag:s19] =	ssyncset.done $0x0  }
0x197: {  	v0 =	vmov s24;
	s29 =	simm.s32 $0x0;
	[sflag:s19] =	ssyncadd.s32 $0xFFFFCE00  }
.LBB2_9:
0x198: {  	s30 =	sshra.s32 s29, $0x2  }
0x199: {  	v1 =	vld [tilespmem:s30+$0xB000]  }
0x19a: {  	v2 =	vld [tilespmem:s30+$0xB080]  }
0x19b: {  	v3 =	vld [tilespmem:s30+$0xB100]  }
0x19c: {  	v4 =	vld [tilespmem:s30+$0xB180]  }
0x19d: {  	v5 =	vld [tilespmem:s30+$0xB200]  }
0x19e: {  	v6 =	vld [tilespmem:s30+$0xB280]  }
0x19f: {  	v7 =	vld [tilespmem:s30+$0xB300]  }
0x1a0: {  	v8 =	vld [tilespmem:s30+$0xB380]  }
0x1a1: {  	v9 =	vld [tilespmem:s30+$0xB400]  }
0x1a2: {  	v10 =	vld [tilespmem:s30+$0xB480]  }
0x1a3: {  	v11 =	vld [tilespmem:s30+$0xB500]  }
0x1a4: {  	v12 =	vld [tilespmem:s30+$0xB580]  }
0x1a5: {  	v13 =	vld [tilespmem:s30+$0xB600]  }
0x1a6: {  	v14 =	vld [tilespmem:s30+$0xB680]  }
0x1a7: {  	v15 =	vld [tilespmem:s30+$0xB700]  }
0x1a8: {  	v16 =	vld [tilespmem:s30+$0xB780]  }
0x1a9: {  	v17 =	vld [tilespmem:s30+$0xB800]  }
0x1aa: {  	v18 =	vld [tilespmem:s30+$0xB880]  }
0x1ab: {  	v19 =	vld [tilespmem:s30+$0xB900]  }
0x1ac: {  	v20 =	vld [tilespmem:s30+$0xB980]  }
0x1ad: {  	v21 =	vld [tilespmem:s30+$0xBA00]  }
0x1ae: {  	v22 =	vld [tilespmem:s30+$0xBA80]  }
0x1af: {  	v23 =	vld [tilespmem:s30+$0xBB00]  }
0x1b0: {  	v24 =	vld [tilespmem:s30+$0xBB80]  }
0x1b1: {  	v25 =	vld [tilespmem:s30+$0xBC00]  }
0x1b2: {  	v26 =	vld [tilespmem:s30+$0xBC80]  }
0x1b3: {  	v27 =	vld [tilespmem:s30+$0xBD00]  }
0x1b4: {  	v28 =	vld [tilespmem:s30+$0xBD80]  }
0x1b5: {  	v29 =	vld [tilespmem:s30+$0xBE00]  }
0x1b6: {  	v30 =	vld [tilespmem:s30+$0xBE80]  }
0x1b7: {  	v31 =	vld [tilespmem:s30+$0xBF00]  }
0x1b8: {  	v32 =	vld [tilespmem:s30+$0xBF80]  }
0x1b9: {  	v59 =	vld [tilespmem:s30+$0xC000];
	v1 =	vadd.f32 v5, v1;
	v2 =	vadd.f32 v6, v2  }
0x1ba: {  	v60 =	vld [tilespmem:s30+$0xC080];
	v3 =	vadd.f32 v7, v3;
	v4 =	vadd.f32 v8, v4  }
0x1bb: {  	v61 =	vld [tilespmem:s30+$0xC100];
	v1 =	vadd.f32 v9, v1;
	v2 =	vadd.f32 v10, v2  }
0x1bc: {  	v62 =	vld [tilespmem:s30+$0xC180];
	v3 =	vadd.f32 v11, v3;
	v4 =	vadd.f32 v12, v4  }
0x1bd: {  	v63 =	vld [tilespmem:s30+$0xC200];
	v1 =	vadd.f32 v13, v1;
	v2 =	vadd.f32 v14, v2  }
0x1be: {  	v33 =	vld [tilespmem:s30+$0xC280];
	v3 =	vadd.f32 v15, v3;
	v4 =	vadd.f32 v16, v4  }
0x1bf: {  	v34 =	vld [tilespmem:s30+$0xC300];
	v1 =	vadd.f32 v17, v1;
	v2 =	vadd.f32 v18, v2  }
0x1c0: {  	v35 =	vld [tilespmem:s30+$0xC380];
	v3 =	vadd.f32 v19, v3;
	v4 =	vadd.f32 v20, v4  }
0x1c1: {  	v36 =	vld [tilespmem:s30+$0xC400];
	v1 =	vadd.f32 v21, v1;
	v2 =	vadd.f32 v22, v2  }
0x1c2: {  	v37 =	vld [tilespmem:s30+$0xC480];
	v3 =	vadd.f32 v23, v3;
	v4 =	vadd.f32 v24, v4  }
0x1c3: {  	v38 =	vld [tilespmem:s30+$0xC500];
	v1 =	vadd.f32 v25, v1;
	v2 =	vadd.f32 v26, v2  }
0x1c4: {  	v39 =	vld [tilespmem:s30+$0xC580];
	v3 =	vadd.f32 v27, v3;
	v4 =	vadd.f32 v28, v4  }
0x1c5: {  	v40 =	vld [tilespmem:s30+$0xC600];
	v1 =	vadd.f32 v29, v1;
	v2 =	vadd.f32 v30, v2  }
0x1c6: {  	v41 =	vld [tilespmem:s30+$0xC680];
	v3 =	vadd.f32 v31, v3;
	v4 =	vadd.f32 v32, v4  }
0x1c7: {  	v42 =	vld [tilespmem:s30+$0xC700];
	v1 =	vadd.f32 v59, v1;
	v2 =	vadd.f32 v60, v2  }
0x1c8: {  	v43 =	vld [tilespmem:s30+$0xC780];
	v3 =	vadd.f32 v61, v3;
	v4 =	vadd.f32 v62, v4  }
0x1c9: {  	v44 =	vld [tilespmem:s30+$0xC800];
	v1 =	vadd.f32 v63, v1;
	v2 =	vadd.f32 v33, v2  }
0x1ca: {  	v45 =	vld [tilespmem:s30+$0xC880];
	v3 =	vadd.f32 v34, v3;
	v4 =	vadd.f32 v35, v4  }
0x1cb: {  	v1 =	vadd.f32 v36, v1;
	v2 =	vadd.f32 v37, v2  }
0x1cc: {  	v3 =	vadd.f32 v38, v3;
	v4 =	vadd.f32 v39, v4  }
0x1cd: {  	v1 =	vadd.f32 v40, v1;
	v2 =	vadd.f32 v41, v2  }
0x1ce: {  	v3 =	vadd.f32 v42, v3;
	v4 =	vadd.f32 v43, v4  }
0x1cf: {  	v1 =	vadd.f32 v44, v1;
	v2 =	vadd.f32 v45, v2;
	_ =	sdelay $0x1  }
0x1d0: {  	v1 =	vadd.f32 v2, v1;
	v2 =	vadd.f32 v4, v3;
	_ =	sdelay $0x1  }
0x1d1: {  	v1 =	vadd.f32 v1, v2;
	_ =	sdelay $0x1  }
0x1d2: {  	v1 =	vmul.f32 $1.999999960e-02, v1;
	_ =	sdelay $0x1  }
0x1d3: {  	[tilespmem:v0+s30+$0x0 ss:$0x1] =	vst.idx.msk $0xffff, v1  }
0x1d4: {  	v1 =	vld [tilespmem:s30+$0xC900]  }
0x1d5: {  	v2 =	vld [tilespmem:s30+$0xC980]  }
0x1d6: {  	v3 =	vld [tilespmem:s30+$0xCA00]  }
0x1d7: {  	v4 =	vld [tilespmem:s30+$0xCA80]  }
0x1d8: {  	v46 =	vld [tilespmem:s30+$0xCB00]  }
0x1d9: {  	v47 =	vld [tilespmem:s30+$0xCB80]  }
0x1da: {  	v48 =	vld [tilespmem:s30+$0xCC00]  }
0x1db: {  	v49 =	vld [tilespmem:s30+$0xCC80]  }
0x1dc: {  	v50 =	vld [tilespmem:s30+$0xCD00]  }
0x1dd: {  	v51 =	vld [tilespmem:s30+$0xCD80]  }
0x1de: {  	v52 =	vld [tilespmem:s30+$0xCE00]  }
0x1df: {  	v53 =	vld [tilespmem:s30+$0xCE80]  }
0x1e0: {  	v54 =	vld [tilespmem:s30+$0xCF00]  }
0x1e1: {  	v55 =	vld [tilespmem:s30+$0xCF80]  }
0x1e2: {  	v56 =	vld [tilespmem:s30+$0xD000]  }
0x1e3: {  	v57 =	vld [tilespmem:s30+$0xD080]  }
0x1e4: {  	v58 =	vld [tilespmem:s30+$0xD100]  }
0x1e5: {  	v59 =	vld [tilespmem:s30+$0xD180]  }
0x1e6: {  	v60 =	vld [tilespmem:s30+$0xD200]  }
0x1e7: {  	v61 =	vld [tilespmem:s30+$0xD280]  }
0x1e8: {  	v62 =	vld [tilespmem:s30+$0xD300]  }
0x1e9: {  	v63 =	vld [tilespmem:s30+$0xD380]  }
0x1ea: {  	v36 =	vld [tilespmem:s30+$0xD400]  }
0x1eb: {  	v37 =	vld [tilespmem:s30+$0xD480]  }
0x1ec: {  	v38 =	vld [tilespmem:s30+$0xD500]  }
0x1ed: {  	v39 =	vld [tilespmem:s30+$0xD580]  }
0x1ee: {  	v40 =	vld [tilespmem:s30+$0xD600]  }
0x1ef: {  	v41 =	vld [tilespmem:s30+$0xD680]  }
0x1f0: {  	v42 =	vld [tilespmem:s30+$0xD700]  }
0x1f1: {  	v43 =	vld [tilespmem:s30+$0xD780]  }
0x1f2: {  	v44 =	vld [tilespmem:s30+$0xD800]  }
0x1f3: {  	v45 =	vld [tilespmem:s30+$0xD880]  }
0x1f4: {  	v1 =	vadd.f32 v46, v1;
	v2 =	vadd.f32 v47, v2;
	v46 =	vld [tilespmem:s30+$0xD900]  }
0x1f5: {  	v3 =	vadd.f32 v48, v3;
	v4 =	vadd.f32 v49, v4;
	v47 =	vld [tilespmem:s30+$0xD980]  }
0x1f6: {  	v48 =	vld [tilespmem:s30+$0xDA00];
	v1 =	vadd.f32 v50, v1;
	v2 =	vadd.f32 v51, v2  }
0x1f7: {  	v49 =	vld [tilespmem:s30+$0xDA80];
	v3 =	vadd.f32 v52, v3;
	v4 =	vadd.f32 v53, v4  }
0x1f8: {  	v50 =	vld [tilespmem:s30+$0xDB00];
	v1 =	vadd.f32 v54, v1;
	v2 =	vadd.f32 v55, v2  }
0x1f9: {  	v51 =	vld [tilespmem:s30+$0xDB80];
	v3 =	vadd.f32 v56, v3;
	v4 =	vadd.f32 v57, v4  }
0x1fa: {  	v52 =	vld [tilespmem:s30+$0xDC00];
	v1 =	vadd.f32 v58, v1;
	v2 =	vadd.f32 v59, v2  }
0x1fb: {  	v53 =	vld [tilespmem:s30+$0xDC80];
	v3 =	vadd.f32 v60, v3;
	v4 =	vadd.f32 v61, v4  }
0x1fc: {  	v54 =	vld [tilespmem:s30+$0xDD00];
	v1 =	vadd.f32 v62, v1;
	v2 =	vadd.f32 v63, v2  }
0x1fd: {  	v55 =	vld [tilespmem:s30+$0xDD80];
	v3 =	vadd.f32 v36, v3;
	v4 =	vadd.f32 v37, v4  }
0x1fe: {  	v56 =	vld [tilespmem:s30+$0xDE00];
	v1 =	vadd.f32 v38, v1;
	v2 =	vadd.f32 v39, v2  }
0x1ff: {  	v57 =	vld [tilespmem:s30+$0xDE80];
	v3 =	vadd.f32 v40, v3;
	v4 =	vadd.f32 v41, v4  }
0x200: {  	v58 =	vld [tilespmem:s30+$0xDF00];
	v1 =	vadd.f32 v42, v1;
	v2 =	vadd.f32 v43, v2  }
0x201: {  	v59 =	vld [tilespmem:s30+$0xDF80];
	v3 =	vadd.f32 v44, v3;
	v4 =	vadd.f32 v45, v4  }
0x202: {  	v60 =	vld [tilespmem:s30+$0xE000];
	v1 =	vadd.f32 v46, v1;
	v2 =	vadd.f32 v47, v2  }
0x203: {  	v61 =	vld [tilespmem:s30+$0xE080];
	v3 =	vadd.f32 v48, v3;
	v4 =	vadd.f32 v49, v4  }
0x204: {  	v62 =	vld [tilespmem:s30+$0xE100];
	v1 =	vadd.f32 v50, v1;
	v2 =	vadd.f32 v51, v2  }
0x205: {  	v63 =	vld [tilespmem:s30+$0xE180];
	v3 =	vadd.f32 v52, v3;
	v4 =	vadd.f32 v53, v4  }
0x206: {  	v1 =	vadd.f32 v54, v1;
	v2 =	vadd.f32 v55, v2  }
0x207: {  	v3 =	vadd.f32 v56, v3;
	v4 =	vadd.f32 v57, v4  }
0x208: {  	v1 =	vadd.f32 v58, v1;
	v2 =	vadd.f32 v59, v2  }
0x209: {  	v3 =	vadd.f32 v60, v3;
	v4 =	vadd.f32 v61, v4  }
0x20a: {  	v1 =	vadd.f32 v62, v1;
	v2 =	vadd.f32 v63, v2;
	_ =	sdelay $0x1  }
0x20b: {  	v1 =	vadd.f32 v2, v1;
	v2 =	vadd.f32 v4, v3  }
0x20c: {  	p0 =	sne.s32 s29, $0x1C0  }
.Ltmp3:
0x20d: {  	v1 =	vadd.f32 v1, v2;
	(pc) =	sbr.rel @p0 .LBB2_9-.Ltmp3, $3  }
0x20e: {  	_ = 	snop  }
0x20f: {  	v1 =	vmul.f32 $1.999999960e-02, v1;
	_ =	sdelay $0x1  }
0x210: {  	s29 =	sadd.s32 $0x40, s29;
	[tilespmem:v0+s30+$0x80 ss:$0x1] =	vst.idx.msk $0xffff, v1  }
0x211: {  	s26 =	sadd.s32 $0x1, s26  }
0x212: {  	p0 =	sne.s32 s26, $0xF  }
.Ltmp4:
0x213: {  	_ = 	snop;
	(pc) =	sbr.rel @p0 .LBB2_2-.Ltmp4, $4  }
0x214: {  	_ = 	snop  }
0x215: {  	s28 =	sadd.s32 $0x2D8, s28;
	s25 =	sadd.s32 $0x400, s25  }
0x216: {  	s22 =	sadd.s32 $0x400, s22;
	s23 =	sadd.s32 $0x400, s23;
	s24 =	sadd.s32 $0x400, s24  }
0x217: {  	[tilespmem:s15], [sflag:$0x4] =	stream.indirect.gather [hbm4b:s1+s8], $0x80, s28, s8, $0xb8;
	[tilespmem:$0x12200] =	vst v63  }
0x218: {  	_ =	swait.ge [sflag:s16], $0x3200  }
0x219: {  	[sflag:s16] =	ssyncset.done $0x0  }
0x21a: {  	s22 =	simm.s32 $0x0;
	[sflag:s16] =	ssyncadd.s32 $0xFFFFCE00  }
0x21b: {  	v0 =	vld [tilespmem:s22+$0x4A00]  }
0x21c: {  	v1 =	vld [tilespmem:s22+$0x4A80]  }
0x21d: {  	v2 =	vld [tilespmem:s22+$0x4800]  }
0x21e: {  	v3 =	vld [tilespmem:s22+$0x4880]  }
0x21f: {  	v4 =	vld [tilespmem:s22+$0x4600]  }
0x220: {  	v5 =	vld [tilespmem:s22+$0x4680]  }
0x221: {  	v6 =	vld [tilespmem:s22+$0x4400]  }
0x222: {  	v7 =	vld [tilespmem:s22+$0x4480]  }
0x223: {  	v8 =	vld [tilespmem:s22+$0x4200]  }
0x224: {  	v9 =	vld [tilespmem:s22+$0x4280]  }
0x225: {  	v10 =	vld [tilespmem:s22+$0x4000]  }
0x226: {  	v11 =	vld [tilespmem:s22+$0x4080]  }
0x227: {  	v12 =	vld [tilespmem:s22+$0x3E00]  }
0x228: {  	v13 =	vld [tilespmem:s22+$0x3E80]  }
0x229: {  	v14 =	vld [tilespmem:s22+$0x3C00]  }
0x22a: {  	v15 =	vld [tilespmem:s22+$0x3C80]  }
0x22b: {  	v16 =	vld [tilespmem:s22+$0x3A00]  }
0x22c: {  	v17 =	vld [tilespmem:s22+$0x3A80]  }
0x22d: {  	v18 =	vld [tilespmem:s22+$0x3800]  }
0x22e: {  	v19 =	vld [tilespmem:s22+$0x3880]  }
0x22f: {  	v20 =	vld [tilespmem:s22+$0x3400]  }
0x230: {  	v21 =	vld [tilespmem:s22+$0x3480]  }
0x231: {  	v22 =	vld [tilespmem:s22+$0x3600]  }
0x232: {  	v23 =	vld [tilespmem:s22+$0x3680]  }
0x233: {  	v24 =	vld [tilespmem:s22+$0x3300]  }
0x234: {  	v25 =	vld [tilespmem:s22+$0x3380]  }
0x235: {  	s23 =	simm.s32 $0x40;
	v26 =	vld [tilespmem:s22+$0x3500]  }
.LBB2_12:
0x236: {  	p0 =	sne.s32 s23, $0x1C0;
	v27 =	vld [tilespmem:s22+$0x3580]  }
0x237: {  	v28 =	vld [tilespmem:s22+$0x3700]  }
0x238: {  	v29 =	vld [tilespmem:s22+$0x3780]  }
0x239: {  	v30 =	vld [tilespmem:s22+$0x3900]  }
0x23a: {  	v31 =	vld [tilespmem:s22+$0x3980]  }
0x23b: {  	v24 =	vadd.f32 v26, v24;
	v25 =	vadd.f32 v27, v25;
	v26 =	vld [tilespmem:s22+$0x3B00]  }
0x23c: {  	v20 =	vadd.f32 v22, v20;
	v21 =	vadd.f32 v23, v21;
	v22 =	vld [tilespmem:s22+$0x3B80]  }
0x23d: {  	v23 =	vadd.f32 v28, v24;
	v24 =	vadd.f32 v29, v25;
	v25 =	vld [tilespmem:s22+$0x3D00]  }
0x23e: {  	v18 =	vadd.f32 v18, v20;
	v19 =	vadd.f32 v19, v21;
	v20 =	vld [tilespmem:s22+$0x3D80]  }
0x23f: {  	v21 =	vadd.f32 v30, v23;
	v23 =	vadd.f32 v31, v24;
	v24 =	vld [tilespmem:s22+$0x3F00]  }
0x240: {  	v16 =	vadd.f32 v16, v18;
	v17 =	vadd.f32 v17, v19;
	v18 =	vld [tilespmem:s22+$0x3F80]  }
0x241: {  	v19 =	vadd.f32 v26, v21;
	v21 =	vadd.f32 v22, v23;
	v22 =	vld [tilespmem:s22+$0x4100]  }
0x242: {  	v14 =	vadd.f32 v14, v16;
	v15 =	vadd.f32 v15, v17;
	v16 =	vld [tilespmem:s22+$0x4180]  }
0x243: {  	v17 =	vadd.f32 v25, v19;
	v19 =	vadd.f32 v20, v21;
	v20 =	vld [tilespmem:s22+$0x4300]  }
0x244: {  	v12 =	vadd.f32 v12, v14;
	v13 =	vadd.f32 v13, v15;
	v14 =	vld [tilespmem:s22+$0x4380]  }
0x245: {  	v15 =	vadd.f32 v24, v17;
	v17 =	vadd.f32 v18, v19;
	v18 =	vld [tilespmem:s22+$0x4500]  }
0x246: {  	v10 =	vadd.f32 v10, v12;
	v11 =	vadd.f32 v11, v13;
	v12 =	vld [tilespmem:s22+$0x4580]  }
0x247: {  	v13 =	vadd.f32 v22, v15;
	v15 =	vadd.f32 v16, v17;
	v16 =	vld [tilespmem:s22+$0x4700]  }
0x248: {  	v8 =	vadd.f32 v8, v10;
	v9 =	vadd.f32 v9, v11;
	v10 =	vld [tilespmem:s22+$0x4780]  }
0x249: {  	v11 =	vadd.f32 v20, v13;
	v13 =	vadd.f32 v14, v15;
	v14 =	vld [tilespmem:s22+$0x4900]  }
0x24a: {  	v6 =	vadd.f32 v6, v8;
	v7 =	vadd.f32 v7, v9;
	v8 =	vld [tilespmem:s22+$0x4980]  }
0x24b: {  	v9 =	vadd.f32 v18, v11;
	v11 =	vadd.f32 v12, v13;
	v12 =	vld [tilespmem:s22+$0x4B00]  }
0x24c: {  	v4 =	vadd.f32 v4, v6;
	v5 =	vadd.f32 v5, v7;
	v6 =	vld [tilespmem:s22+$0x4B80]  }
0x24d: {  	v9 =	vadd.f32 v16, v9;
	v7 =	vld [tilespmem:s22+$0x1A00];
	v10 =	vadd.f32 v10, v11  }
0x24e: {  	v2 =	vadd.f32 v2, v4;
	v3 =	vadd.f32 v3, v5;
	v11 =	vld [tilespmem:s22+$0x1A80]  }
0x24f: {  	v5 =	vadd.f32 v14, v9;
	v4 =	vld [tilespmem:s22+$0x1C00];
	v8 =	vadd.f32 v8, v10  }
0x250: {  	v0 =	vadd.f32 v0, v2;
	v1 =	vadd.f32 v1, v3;
	v9 =	vld [tilespmem:s22+$0x1C80]  }
0x251: {  	v3 =	vadd.f32 v12, v5;
	v2 =	vld [tilespmem:s22+$0x1B00];
	v5 =	vadd.f32 v6, v8  }
0x252: {  	v6 =	vld [tilespmem:s22+$0x1B80]  }
0x253: {  	v0 =	vadd.f32 v1, v0;
	v8 =	vld [tilespmem:s22+$0x1D00];
	v3 =	vadd.f32 v5, v3  }
0x254: {  	v1 =	vadd.f32 v4, v7;
	v4 =	vld [tilespmem:s22+$0x1D80]  }
0x255: {  	v5 =	vadd.f32 v9, v11;
	v7 =	vld [tilespmem:s22+$0x1E00];
	v0 =	vadd.f32 v3, v0  }
0x256: {  	v3 =	vld [tilespmem:s22+$0x1E80]  }
0x257: {  	v9 =	vld [tilespmem:s22+$0x1F00];
	v0 =	vmul.f32 $1.999999960e-02, v0  }
0x258: {  	v2 =	vadd.f32 v8, v2;
	v8 =	vld [tilespmem:s22+$0x1F80]  }
0x259: {  	v4 =	vadd.f32 v4, v6;
	v6 =	vld [tilespmem:s22+$0x2000];
	[tilespmem:s22+$0x11E80] =	vst v0  }
0x25a: {  	v0 =	vadd.f32 v7, v1;
	v1 =	vld [tilespmem:s22+$0x2080]  }
0x25b: {  	v3 =	vadd.f32 v3, v5;
	v5 =	vld [tilespmem:s22+$0x2100]  }
0x25c: {  	v2 =	vadd.f32 v9, v2;
	v7 =	vld [tilespmem:s22+$0x2180]  }
0x25d: {  	v4 =	vadd.f32 v8, v4;
	v8 =	vld [tilespmem:s22+$0x2200]  }
0x25e: {  	v0 =	vadd.f32 v6, v0;
	v6 =	vld [tilespmem:s22+$0x2280]  }
0x25f: {  	v1 =	vadd.f32 v1, v3;
	v3 =	vld [tilespmem:s22+$0x2300]  }
0x260: {  	v2 =	vadd.f32 v5, v2;
	v5 =	vld [tilespmem:s22+$0x2380]  }
0x261: {  	v4 =	vadd.f32 v7, v4;
	v7 =	vld [tilespmem:s22+$0x2400]  }
0x262: {  	v0 =	vadd.f32 v8, v0;
	v8 =	vld [tilespmem:s22+$0x2480]  }
0x263: {  	v1 =	vadd.f32 v6, v1;
	v6 =	vld [tilespmem:s22+$0x2500]  }
0x264: {  	v2 =	vadd.f32 v3, v2;
	v3 =	vld [tilespmem:s22+$0x2580]  }
0x265: {  	v4 =	vadd.f32 v5, v4;
	v5 =	vld [tilespmem:s22+$0x2600]  }
0x266: {  	v0 =	vadd.f32 v7, v0;
	v7 =	vld [tilespmem:s22+$0x2680]  }
0x267: {  	v1 =	vadd.f32 v8, v1;
	v8 =	vld [tilespmem:s22+$0x2700]  }
0x268: {  	v2 =	vadd.f32 v6, v2;
	v6 =	vld [tilespmem:s22+$0x2780]  }
0x269: {  	v3 =	vadd.f32 v3, v4;
	v4 =	vld [tilespmem:s22+$0x2800]  }
0x26a: {  	v0 =	vadd.f32 v5, v0;
	v5 =	vld [tilespmem:s22+$0x2880]  }
0x26b: {  	v1 =	vadd.f32 v7, v1;
	v7 =	vld [tilespmem:s22+$0x2900]  }
0x26c: {  	v2 =	vadd.f32 v8, v2;
	v8 =	vld [tilespmem:s22+$0x2980]  }
0x26d: {  	v3 =	vadd.f32 v6, v3;
	v6 =	vld [tilespmem:s22+$0x2A00]  }
0x26e: {  	v0 =	vadd.f32 v4, v0;
	v4 =	vld [tilespmem:s22+$0x2A80]  }
0x26f: {  	v1 =	vadd.f32 v5, v1;
	v5 =	vld [tilespmem:s22+$0x2B00]  }
0x270: {  	v2 =	vadd.f32 v7, v2;
	v7 =	vld [tilespmem:s22+$0x2B80]  }
0x271: {  	v3 =	vadd.f32 v8, v3;
	v8 =	vld [tilespmem:s22+$0x2C00]  }
0x272: {  	v0 =	vadd.f32 v6, v0;
	v6 =	vld [tilespmem:s22+$0x2C80]  }
0x273: {  	v1 =	vadd.f32 v4, v1;
	v4 =	vld [tilespmem:s22+$0x2D00]  }
0x274: {  	v2 =	vadd.f32 v5, v2;
	v5 =	vld [tilespmem:s22+$0x2D80]  }
0x275: {  	v3 =	vadd.f32 v7, v3;
	v7 =	vld [tilespmem:s22+$0x2E00]  }
0x276: {  	v0 =	vadd.f32 v8, v0;
	v8 =	vld [tilespmem:s22+$0x2E80]  }
0x277: {  	v1 =	vadd.f32 v6, v1;
	v6 =	vld [tilespmem:s22+$0x2F00]  }
0x278: {  	v2 =	vadd.f32 v4, v2;
	v4 =	vld [tilespmem:s22+$0x2F80]  }
0x279: {  	v3 =	vadd.f32 v5, v3;
	v5 =	vld [tilespmem:s22+$0x3000]  }
0x27a: {  	v0 =	vadd.f32 v7, v0;
	v7 =	vld [tilespmem:s22+$0x3080]  }
0x27b: {  	v1 =	vadd.f32 v8, v1;
	v8 =	vld [tilespmem:s22+$0x3100]  }
0x27c: {  	v2 =	vadd.f32 v6, v2;
	v6 =	vld [tilespmem:s22+$0x3180]  }
0x27d: {  	v3 =	vadd.f32 v4, v3;
	v4 =	vld [tilespmem:s22+$0x3200]  }
0x27e: {  	s24 =	sshra.s32 s23, $0x2;
	v5 =	vadd.f32 v5, v0;
	v9 =	vld [tilespmem:s22+$0x3280]  }
0x27f: {  	v0 =	vld [tilespmem:s24+$0x4A00];
	v7 =	vadd.f32 v7, v1  }
0x280: {  	v1 =	vld [tilespmem:s24+$0x4A80];
	v8 =	vadd.f32 v8, v2  }
0x281: {  	v2 =	vld [tilespmem:s24+$0x4800];
	v6 =	vadd.f32 v6, v3  }
0x282: {  	v3 =	vld [tilespmem:s24+$0x4880];
	v10 =	vadd.f32 v4, v5  }
0x283: {  	v4 =	vld [tilespmem:s24+$0x4600];
	v7 =	vadd.f32 v9, v7;
	v9 =	vadd.f32 v6, v8  }
0x284: {  	v5 =	vld [tilespmem:s24+$0x4680]  }
0x285: {  	v6 =	vld [tilespmem:s24+$0x4400];
	v10 =	vadd.f32 v7, v10  }
0x286: {  	v7 =	vld [tilespmem:s24+$0x4480]  }
0x287: {  	v8 =	vld [tilespmem:s24+$0x4200];
	v11 =	vadd.f32 v10, v9  }
0x288: {  	v9 =	vld [tilespmem:s24+$0x4280]  }
0x289: {  	v10 =	vld [tilespmem:s24+$0x4000];
	v13 =	vmul.f32 $1.999999960e-02, v11  }
0x28a: {  	v11 =	vld [tilespmem:s24+$0x4080]  }
0x28b: {  	v12 =	vld [tilespmem:s24+$0x3E00];
	[tilespmem:s22+$0x11E00] =	vst v13;
	s22 =	smov.u32 s24  }
0x28c: {  	v13 =	vld [tilespmem:s22+$0x3E80]  }
0x28d: {  	v14 =	vld [tilespmem:s22+$0x3C00]  }
0x28e: {  	v15 =	vld [tilespmem:s22+$0x3C80]  }
0x28f: {  	v16 =	vld [tilespmem:s22+$0x3A00]  }
0x290: {  	v17 =	vld [tilespmem:s22+$0x3A80]  }
0x291: {  	v18 =	vld [tilespmem:s22+$0x3800]  }
0x292: {  	v19 =	vld [tilespmem:s22+$0x3880]  }
0x293: {  	v20 =	vld [tilespmem:s22+$0x3400]  }
0x294: {  	v21 =	vld [tilespmem:s22+$0x3480]  }
.Ltmp5:
0x295: {  	v22 =	vld [tilespmem:s22+$0x3600];
	(pc) =	sbr.rel @p0 .LBB2_12-.Ltmp5, $4  }
0x296: {  	v23 =	vld [tilespmem:s22+$0x3680]  }
0x297: {  	v24 =	vld [tilespmem:s22+$0x3300]  }
0x298: {  	v25 =	vld [tilespmem:s22+$0x3380]  }
0x299: {  	s23 =	sadd.s32 $0x40, s23;
	v26 =	vld [tilespmem:s22+$0x3500]  }
0x29a: {  	v27 =	vld [tilespmem:s22+$0x3580]  }
0x29b: {  	v28 =	vld [tilespmem:s22+$0x3700]  }
0x29c: {  	v29 =	vld [tilespmem:s22+$0x3780]  }
0x29d: {  	v30 =	vld [tilespmem:s22+$0x3900]  }
0x29e: {  	v31 =	vld [tilespmem:s22+$0x3980]  }
0x29f: {  	v32 =	vld [tilespmem:s22+$0x3B00]  }
0x2a0: {  	v20 =	vadd.f32 v22, v20;
	v22 =	vld [tilespmem:s22+$0x3D00]  }
0x2a1: {  	v60 =	vld [tilespmem:s22+$0x2800]  }
0x2a2: {  	v61 =	vld [tilespmem:s22+$0x2880]  }
0x2a3: {  	v62 =	vld [tilespmem:s22+$0x2900]  }
0x2a4: {  	v63 =	vld [tilespmem:s22+$0x2980]  }
0x2a5: {  	v18 =	vadd.f32 v18, v20;
	v20 =	vld [tilespmem:s22+$0x3F00]  }
0x2a6: {  	v24 =	vadd.f32 v26, v24;
	v26 =	vld [tilespmem:s22+$0x3B80]  }
0x2a7: {  	v16 =	vadd.f32 v16, v18;
	v18 =	vld [tilespmem:s22+$0x4100]  }
0x2a8: {  	v25 =	vadd.f32 v27, v25;
	v27 =	vld [tilespmem:s22+$0x2780]  }
0x2a9: {  	v21 =	vadd.f32 v23, v21;
	v14 =	vadd.f32 v14, v16;
	v16 =	vld [tilespmem:s22+$0x4300]  }
0x2aa: {  	v23 =	vadd.f32 v28, v24;
	v24 =	vadd.f32 v29, v25;
	v25 =	vld [tilespmem:s22+$0x3D80]  }
0x2ab: {  	v19 =	vadd.f32 v19, v21;
	v12 =	vadd.f32 v12, v14;
	v14 =	vld [tilespmem:s22+$0x4500]  }
0x2ac: {  	v21 =	vadd.f32 v30, v23;
	v23 =	vadd.f32 v31, v24;
	v24 =	vld [tilespmem:s22+$0x3F80]  }
0x2ad: {  	v17 =	vadd.f32 v17, v19;
	v10 =	vadd.f32 v10, v12;
	v12 =	vld [tilespmem:s22+$0x4700]  }
0x2ae: {  	v19 =	vadd.f32 v32, v21;
	v21 =	vadd.f32 v26, v23;
	v23 =	vld [tilespmem:s22+$0x4180]  }
0x2af: {  	v26 =	vld [tilespmem:s22+$0x2700]  }
0x2b0: {  	v8 =	vadd.f32 v8, v10;
	v10 =	vld [tilespmem:s22+$0x4900]  }
0x2b1: {  	v15 =	vadd.f32 v15, v17;
	v17 =	vadd.f32 v22, v19;
	v22 =	vld [tilespmem:s22+$0x2500]  }
0x2b2: {  	v19 =	vadd.f32 v25, v21;
	v21 =	vld [tilespmem:s22+$0x4380]  }
0x2b3: {  	v25 =	vld [tilespmem:s22+$0x2680]  }
0x2b4: {  	v6 =	vadd.f32 v6, v8;
	v8 =	vld [tilespmem:s22+$0x4B00]  }
0x2b5: {  	v13 =	vadd.f32 v13, v15;
	v15 =	vadd.f32 v20, v17;
	v20 =	vld [tilespmem:s22+$0x2400]  }
0x2b6: {  	v17 =	vadd.f32 v24, v19;
	v19 =	vld [tilespmem:s22+$0x4580]  }
0x2b7: {  	v24 =	vld [tilespmem:s22+$0x2600]  }
0x2b8: {  	v4 =	vadd.f32 v4, v6;
	v6 =	vld [tilespmem:s22+$0x1A00]  }
0x2b9: {  	v11 =	vadd.f32 v11, v13;
	v13 =	vadd.f32 v18, v15;
	v18 =	vld [tilespmem:s22+$0x2300]  }
0x2ba: {  	v15 =	vadd.f32 v23, v17;
	v17 =	vld [tilespmem:s22+$0x4780]  }
0x2bb: {  	v9 =	vadd.f32 v9, v11;
	v23 =	vld [tilespmem:s22+$0x2580]  }
0x2bc: {  	v2 =	vadd.f32 v2, v4;
	v4 =	vld [tilespmem:s22+$0x1C00]  }
0x2bd: {  	v7 =	vadd.f32 v7, v9;
	v11 =	vadd.f32 v16, v13;
	v16 =	vld [tilespmem:s22+$0x2200]  }
0x2be: {  	v13 =	vadd.f32 v21, v15;
	v15 =	vld [tilespmem:s22+$0x4980]  }
0x2bf: {  	v5 =	vadd.f32 v5, v7;
	v21 =	vld [tilespmem:s22+$0x2480]  }
0x2c0: {  	v0 =	vadd.f32 v0, v2;
	v2 =	vld [tilespmem:s22+$0x1B00]  }
0x2c1: {  	v3 =	vadd.f32 v3, v5;
	v9 =	vadd.f32 v14, v11;
	v14 =	vld [tilespmem:s22+$0x2100]  }
0x2c2: {  	v11 =	vadd.f32 v19, v13;
	v13 =	vld [tilespmem:s22+$0x4B80]  }
0x2c3: {  	v1 =	vadd.f32 v1, v3;
	v19 =	vld [tilespmem:s22+$0x2380]  }
0x2c4: {  	v7 =	vadd.f32 v12, v9;
	v12 =	vld [tilespmem:s22+$0x1F80];
	v9 =	vadd.f32 v17, v11  }
0x2c5: {  	v11 =	vld [tilespmem:s22+$0x1A80];
	v0 =	vadd.f32 v1, v0  }
0x2c6: {  	v1 =	vld [tilespmem:s22+$0x1D80];
	v5 =	vadd.f32 v10, v7;
	v7 =	vadd.f32 v15, v9  }
0x2c7: {  	v17 =	vld [tilespmem:s22+$0x2280]  }
0x2c8: {  	v10 =	vld [tilespmem:s22+$0x1F00];
	v3 =	vadd.f32 v8, v5;
	v5 =	vadd.f32 v13, v7  }
0x2c9: {  	v9 =	vld [tilespmem:s22+$0x1C80]  }
0x2ca: {  	v15 =	vld [tilespmem:s22+$0x2180];
	v3 =	vadd.f32 v5, v3  }
0x2cb: {  	v8 =	vld [tilespmem:s22+$0x1D00]  }
0x2cc: {  	v7 =	vld [tilespmem:s22+$0x1B80];
	v0 =	vadd.f32 v3, v0  }
0x2cd: {  	v5 =	vld [tilespmem:s22+$0x1E00]  }
0x2ce: {  	v3 =	vld [tilespmem:s22+$0x1E80];
	v0 =	vmul.f32 $1.999999960e-02, v0  }
0x2cf: {  	v13 =	vld [tilespmem:s22+$0x2000]  }
0x2d0: {  	v4 =	vadd.f32 v4, v6;
	[tilespmem:s22+$0x11E80] =	vst v0;
	v0 =	vld [tilespmem:s22+$0x2080]  }
0x2d1: {  	v6 =	vadd.f32 v9, v11;
	v9 =	vld [tilespmem:s22+$0x2A00];
	v2 =	vadd.f32 v8, v2  }
0x2d2: {  	v11 =	vld [tilespmem:s22+$0x2D80];
	v1 =	vadd.f32 v1, v7;
	v4 =	vadd.f32 v5, v4  }
0x2d3: {  	v8 =	vld [tilespmem:s22+$0x2C80];
	v2 =	vadd.f32 v10, v2;
	v3 =	vadd.f32 v3, v6  }
0x2d4: {  	v7 =	vld [tilespmem:s22+$0x2A80];
	v1 =	vadd.f32 v12, v1;
	v4 =	vadd.f32 v13, v4  }
0x2d5: {  	v10 =	vld [tilespmem:s22+$0x2D00];
	v2 =	vadd.f32 v14, v2;
	v0 =	vadd.f32 v0, v3  }
0x2d6: {  	v5 =	vld [tilespmem:s22+$0x2B00];
	v1 =	vadd.f32 v15, v1;
	v4 =	vadd.f32 v16, v4  }
0x2d7: {  	v12 =	vld [tilespmem:s22+$0x2E00];
	v2 =	vadd.f32 v18, v2;
	v0 =	vadd.f32 v17, v0  }
0x2d8: {  	v14 =	vld [tilespmem:s22+$0x2F00];
	v1 =	vadd.f32 v19, v1;
	v4 =	vadd.f32 v20, v4  }
0x2d9: {  	v6 =	vld [tilespmem:s22+$0x2B80];
	v2 =	vadd.f32 v22, v2;
	v0 =	vadd.f32 v21, v0  }
0x2da: {  	v13 =	vld [tilespmem:s22+$0x2E80];
	v1 =	vadd.f32 v23, v1;
	v4 =	vadd.f32 v24, v4  }
0x2db: {  	v3 =	vld [tilespmem:s22+$0x2C00];
	v2 =	vadd.f32 v26, v2;
	v0 =	vadd.f32 v25, v0  }
0x2dc: {  	v15 =	vld [tilespmem:s22+$0x2F80];
	v1 =	vadd.f32 v27, v1;
	v4 =	vadd.f32 v60, v4  }
0x2dd: {  	v16 =	vld [tilespmem:s22+$0x3000];
	v2 =	vadd.f32 v62, v2;
	v0 =	vadd.f32 v61, v0  }
0x2de: {  	v17 =	vld [tilespmem:s22+$0x3080];
	v1 =	vadd.f32 v63, v1;
	v4 =	vadd.f32 v9, v4  }
0x2df: {  	v2 =	vadd.f32 v5, v2;
	v5 =	vld [tilespmem:s22+$0x3180];
	v0 =	vadd.f32 v7, v0  }
0x2e0: {  	v1 =	vadd.f32 v6, v1;
	v6 =	vld [tilespmem:s22+$0x3280];
	v3 =	vadd.f32 v3, v4  }
0x2e1: {  	v4 =	vld [tilespmem:s22+$0x3200];
	v0 =	vadd.f32 v8, v0  }
0x2e2: {  	v1 =	vadd.f32 v11, v1;
	v7 =	vld [tilespmem:s22+$0x3100];
	v3 =	vadd.f32 v12, v3  }
0x2e3: {  	v2 =	vadd.f32 v10, v2;
	v0 =	vadd.f32 v13, v0  }
0x2e4: {  	v1 =	vadd.f32 v15, v1;
	v3 =	vadd.f32 v16, v3  }
0x2e5: {  	v2 =	vadd.f32 v14, v2;
	v0 =	vadd.f32 v17, v0  }
0x2e6: {  	v1 =	vadd.f32 v5, v1;
	v3 =	vadd.f32 v4, v3  }
0x2e7: {  	v2 =	vadd.f32 v7, v2;
	v0 =	vadd.f32 v6, v0;
	_ =	sdelay $0x1  }
0x2e8: {  	v1 =	vadd.f32 v1, v2;
	v0 =	vadd.f32 v0, v3;
	_ =	sdelay $0x1  }
0x2e9: {  	v0 =	vadd.f32 v0, v1;
	_ =	sdelay $0x1  }
0x2ea: {  	v0 =	vmul.f32 $1.999999960e-02, v0;
	_ =	sdelay $0x1  }
0x2eb: {  	[tilespmem:s22+$0x11E00] =	vst v0  }
0x2ec: {  	_ =	swait.ge [sflag:s17], $0x3200  }
0x2ed: {  	[sflag:s17] =	ssyncset.done $0x0  }
0x2ee: {  	s22 =	simm.s32 $0x0;
	[sflag:s17] =	ssyncadd.s32 $0xFFFFCE00  }
0x2ef: {  	v0 =	vld [tilespmem:s22+$0x7C00]  }
0x2f0: {  	v1 =	vld [tilespmem:s22+$0x7C80]  }
0x2f1: {  	v2 =	vld [tilespmem:s22+$0x7A00]  }
0x2f2: {  	v3 =	vld [tilespmem:s22+$0x7A80]  }
0x2f3: {  	v4 =	vld [tilespmem:s22+$0x7800]  }
0x2f4: {  	v5 =	vld [tilespmem:s22+$0x7880]  }
0x2f5: {  	v6 =	vld [tilespmem:s22+$0x7600]  }
0x2f6: {  	v7 =	vld [tilespmem:s22+$0x7680]  }
0x2f7: {  	v8 =	vld [tilespmem:s22+$0x7400]  }
0x2f8: {  	v9 =	vld [tilespmem:s22+$0x7480]  }
0x2f9: {  	v10 =	vld [tilespmem:s22+$0x7200]  }
0x2fa: {  	v11 =	vld [tilespmem:s22+$0x7280]  }
0x2fb: {  	v12 =	vld [tilespmem:s22+$0x7000]  }
0x2fc: {  	v13 =	vld [tilespmem:s22+$0x7080]  }
0x2fd: {  	v14 =	vld [tilespmem:s22+$0x6E00]  }
0x2fe: {  	v15 =	vld [tilespmem:s22+$0x6E80]  }
0x2ff: {  	v16 =	vld [tilespmem:s22+$0x6C00]  }
0x300: {  	v17 =	vld [tilespmem:s22+$0x6C80]  }
0x301: {  	v18 =	vld [tilespmem:s22+$0x6A00]  }
0x302: {  	v19 =	vld [tilespmem:s22+$0x6A80]  }
0x303: {  	v20 =	vld [tilespmem:s22+$0x6600]  }
0x304: {  	v21 =	vld [tilespmem:s22+$0x6680]  }
0x305: {  	v22 =	vld [tilespmem:s22+$0x6800]  }
0x306: {  	v23 =	vld [tilespmem:s22+$0x6880]  }
0x307: {  	v24 =	vld [tilespmem:s22+$0x6500]  }
0x308: {  	v25 =	vld [tilespmem:s22+$0x6580]  }
0x309: {  	s23 =	simm.s32 $0x40;
	v26 =	vld [tilespmem:s22+$0x6700]  }
.LBB2_14:
0x30a: {  	p0 =	sne.s32 s23, $0x1C0;
	v27 =	vld [tilespmem:s22+$0x6780]  }
0x30b: {  	v28 =	vld [tilespmem:s22+$0x6900]  }
0x30c: {  	v29 =	vld [tilespmem:s22+$0x6980]  }
0x30d: {  	v30 =	vld [tilespmem:s22+$0x6B00]  }
0x30e: {  	v31 =	vld [tilespmem:s22+$0x6B80]  }
0x30f: {  	v24 =	vadd.f32 v26, v24;
	v25 =	vadd.f32 v27, v25;
	v26 =	vld [tilespmem:s22+$0x6D00]  }
0x310: {  	v20 =	vadd.f32 v22, v20;
	v21 =	vadd.f32 v23, v21;
	v22 =	vld [tilespmem:s22+$0x6D80]  }
0x311: {  	v23 =	vadd.f32 v28, v24;
	v24 =	vadd.f32 v29, v25;
	v25 =	vld [tilespmem:s22+$0x6F00]  }
0x312: {  	v18 =	vadd.f32 v18, v20;
	v19 =	vadd.f32 v19, v21;
	v20 =	vld [tilespmem:s22+$0x6F80]  }
0x313: {  	v21 =	vadd.f32 v30, v23;
	v23 =	vadd.f32 v31, v24;
	v24 =	vld [tilespmem:s22+$0x7100]  }
0x314: {  	v16 =	vadd.f32 v16, v18;
	v17 =	vadd.f32 v17, v19;
	v18 =	vld [tilespmem:s22+$0x7180]  }
0x315: {  	v19 =	vadd.f32 v26, v21;
	v21 =	vadd.f32 v22, v23;
	v22 =	vld [tilespmem:s22+$0x7300]  }
0x316: {  	v14 =	vadd.f32 v14, v16;
	v15 =	vadd.f32 v15, v17;
	v16 =	vld [tilespmem:s22+$0x7380]  }
0x317: {  	v17 =	vadd.f32 v25, v19;
	v19 =	vadd.f32 v20, v21;
	v20 =	vld [tilespmem:s22+$0x7500]  }
0x318: {  	v12 =	vadd.f32 v12, v14;
	v13 =	vadd.f32 v13, v15;
	v14 =	vld [tilespmem:s22+$0x7580]  }
0x319: {  	v15 =	vadd.f32 v24, v17;
	v17 =	vadd.f32 v18, v19;
	v18 =	vld [tilespmem:s22+$0x7700]  }
0x31a: {  	v10 =	vadd.f32 v10, v12;
	v11 =	vadd.f32 v11, v13;
	v12 =	vld [tilespmem:s22+$0x7780]  }
0x31b: {  	v13 =	vadd.f32 v22, v15;
	v15 =	vadd.f32 v16, v17;
	v16 =	vld [tilespmem:s22+$0x7900]  }
0x31c: {  	v8 =	vadd.f32 v8, v10;
	v9 =	vadd.f32 v9, v11;
	v10 =	vld [tilespmem:s22+$0x7980]  }
0x31d: {  	v11 =	vadd.f32 v20, v13;
	v13 =	vadd.f32 v14, v15;
	v14 =	vld [tilespmem:s22+$0x7B00]  }
0x31e: {  	v6 =	vadd.f32 v6, v8;
	v7 =	vadd.f32 v7, v9;
	v8 =	vld [tilespmem:s22+$0x7B80]  }
0x31f: {  	v9 =	vadd.f32 v18, v11;
	v11 =	vadd.f32 v12, v13;
	v12 =	vld [tilespmem:s22+$0x7D00]  }
0x320: {  	v4 =	vadd.f32 v4, v6;
	v5 =	vadd.f32 v5, v7;
	v6 =	vld [tilespmem:s22+$0x7D80]  }
0x321: {  	v9 =	vadd.f32 v16, v9;
	v7 =	vld [tilespmem:s22+$0x4C00];
	v10 =	vadd.f32 v10, v11  }
0x322: {  	v2 =	vadd.f32 v2, v4;
	v3 =	vadd.f32 v3, v5;
	v11 =	vld [tilespmem:s22+$0x4C80]  }
0x323: {  	v5 =	vadd.f32 v14, v9;
	v4 =	vld [tilespmem:s22+$0x4E00];
	v8 =	vadd.f32 v8, v10  }
0x324: {  	v0 =	vadd.f32 v0, v2;
	v1 =	vadd.f32 v1, v3;
	v9 =	vld [tilespmem:s22+$0x4E80]  }
0x325: {  	v3 =	vadd.f32 v12, v5;
	v2 =	vld [tilespmem:s22+$0x4D00];
	v5 =	vadd.f32 v6, v8  }
0x326: {  	v6 =	vld [tilespmem:s22+$0x4D80]  }
0x327: {  	v0 =	vadd.f32 v1, v0;
	v8 =	vld [tilespmem:s22+$0x4F00];
	v3 =	vadd.f32 v5, v3  }
0x328: {  	v1 =	vadd.f32 v4, v7;
	v4 =	vld [tilespmem:s22+$0x4F80]  }
0x329: {  	v5 =	vadd.f32 v9, v11;
	v7 =	vld [tilespmem:s22+$0x5000];
	v0 =	vadd.f32 v3, v0  }
0x32a: {  	v3 =	vld [tilespmem:s22+$0x5080]  }
0x32b: {  	v9 =	vld [tilespmem:s22+$0x5100];
	v0 =	vmul.f32 $1.999999960e-02, v0  }
0x32c: {  	v2 =	vadd.f32 v8, v2;
	v8 =	vld [tilespmem:s22+$0x5180]  }
0x32d: {  	v4 =	vadd.f32 v4, v6;
	v6 =	vld [tilespmem:s22+$0x5200];
	[tilespmem:s22+$0x11F80] =	vst v0  }
0x32e: {  	v0 =	vadd.f32 v7, v1;
	v1 =	vld [tilespmem:s22+$0x5280]  }
0x32f: {  	v3 =	vadd.f32 v3, v5;
	v5 =	vld [tilespmem:s22+$0x5300]  }
0x330: {  	v2 =	vadd.f32 v9, v2;
	v7 =	vld [tilespmem:s22+$0x5380]  }
0x331: {  	v4 =	vadd.f32 v8, v4;
	v8 =	vld [tilespmem:s22+$0x5400]  }
0x332: {  	v0 =	vadd.f32 v6, v0;
	v6 =	vld [tilespmem:s22+$0x5480]  }
0x333: {  	v1 =	vadd.f32 v1, v3;
	v3 =	vld [tilespmem:s22+$0x5500]  }
0x334: {  	v2 =	vadd.f32 v5, v2;
	v5 =	vld [tilespmem:s22+$0x5580]  }
0x335: {  	v4 =	vadd.f32 v7, v4;
	v7 =	vld [tilespmem:s22+$0x5600]  }
0x336: {  	v0 =	vadd.f32 v8, v0;
	v8 =	vld [tilespmem:s22+$0x5680]  }
0x337: {  	v1 =	vadd.f32 v6, v1;
	v6 =	vld [tilespmem:s22+$0x5700]  }
0x338: {  	v2 =	vadd.f32 v3, v2;
	v3 =	vld [tilespmem:s22+$0x5780]  }
0x339: {  	v4 =	vadd.f32 v5, v4;
	v5 =	vld [tilespmem:s22+$0x5800]  }
0x33a: {  	v0 =	vadd.f32 v7, v0;
	v7 =	vld [tilespmem:s22+$0x5880]  }
0x33b: {  	v1 =	vadd.f32 v8, v1;
	v8 =	vld [tilespmem:s22+$0x5900]  }
0x33c: {  	v2 =	vadd.f32 v6, v2;
	v6 =	vld [tilespmem:s22+$0x5980]  }
0x33d: {  	v3 =	vadd.f32 v3, v4;
	v4 =	vld [tilespmem:s22+$0x5A00]  }
0x33e: {  	v0 =	vadd.f32 v5, v0;
	v5 =	vld [tilespmem:s22+$0x5A80]  }
0x33f: {  	v1 =	vadd.f32 v7, v1;
	v7 =	vld [tilespmem:s22+$0x5B00]  }
0x340: {  	v2 =	vadd.f32 v8, v2;
	v8 =	vld [tilespmem:s22+$0x5B80]  }
0x341: {  	v3 =	vadd.f32 v6, v3;
	v6 =	vld [tilespmem:s22+$0x5C00]  }
0x342: {  	v0 =	vadd.f32 v4, v0;
	v4 =	vld [tilespmem:s22+$0x5C80]  }
0x343: {  	v1 =	vadd.f32 v5, v1;
	v5 =	vld [tilespmem:s22+$0x5D00]  }
0x344: {  	v2 =	vadd.f32 v7, v2;
	v7 =	vld [tilespmem:s22+$0x5D80]  }
0x345: {  	v3 =	vadd.f32 v8, v3;
	v8 =	vld [tilespmem:s22+$0x5E00]  }
0x346: {  	v0 =	vadd.f32 v6, v0;
	v6 =	vld [tilespmem:s22+$0x5E80]  }
0x347: {  	v1 =	vadd.f32 v4, v1;
	v4 =	vld [tilespmem:s22+$0x5F00]  }
0x348: {  	v2 =	vadd.f32 v5, v2;
	v5 =	vld [tilespmem:s22+$0x5F80]  }
0x349: {  	v3 =	vadd.f32 v7, v3;
	v7 =	vld [tilespmem:s22+$0x6000]  }
0x34a: {  	v0 =	vadd.f32 v8, v0;
	v8 =	vld [tilespmem:s22+$0x6080]  }
0x34b: {  	v1 =	vadd.f32 v6, v1;
	v6 =	vld [tilespmem:s22+$0x6100]  }
0x34c: {  	v2 =	vadd.f32 v4, v2;
	v4 =	vld [tilespmem:s22+$0x6180]  }
0x34d: {  	v3 =	vadd.f32 v5, v3;
	v5 =	vld [tilespmem:s22+$0x6200]  }
0x34e: {  	v0 =	vadd.f32 v7, v0;
	v7 =	vld [tilespmem:s22+$0x6280]  }
0x34f: {  	v1 =	vadd.f32 v8, v1;
	v8 =	vld [tilespmem:s22+$0x6300]  }
0x350: {  	v2 =	vadd.f32 v6, v2;
	v6 =	vld [tilespmem:s22+$0x6380]  }
0x351: {  	v3 =	vadd.f32 v4, v3;
	v4 =	vld [tilespmem:s22+$0x6400]  }
0x352: {  	s24 =	sshra.s32 s23, $0x2;
	v5 =	vadd.f32 v5, v0;
	v9 =	vld [tilespmem:s22+$0x6480]  }
0x353: {  	v0 =	vld [tilespmem:s24+$0x7C00];
	v7 =	vadd.f32 v7, v1  }
0x354: {  	v1 =	vld [tilespmem:s24+$0x7C80];
	v8 =	vadd.f32 v8, v2  }
0x355: {  	v2 =	vld [tilespmem:s24+$0x7A00];
	v6 =	vadd.f32 v6, v3  }
0x356: {  	v3 =	vld [tilespmem:s24+$0x7A80];
	v10 =	vadd.f32 v4, v5  }
0x357: {  	v4 =	vld [tilespmem:s24+$0x7800];
	v7 =	vadd.f32 v9, v7;
	v9 =	vadd.f32 v6, v8  }
0x358: {  	v5 =	vld [tilespmem:s24+$0x7880]  }
0x359: {  	v6 =	vld [tilespmem:s24+$0x7600];
	v10 =	vadd.f32 v7, v10  }
0x35a: {  	v7 =	vld [tilespmem:s24+$0x7680]  }
0x35b: {  	v8 =	vld [tilespmem:s24+$0x7400];
	v11 =	vadd.f32 v10, v9  }
0x35c: {  	v9 =	vld [tilespmem:s24+$0x7480]  }
0x35d: {  	v10 =	vld [tilespmem:s24+$0x7200];
	v13 =	vmul.f32 $1.999999960e-02, v11  }
0x35e: {  	v11 =	vld [tilespmem:s24+$0x7280]  }
0x35f: {  	v12 =	vld [tilespmem:s24+$0x7000];
	[tilespmem:s22+$0x11F00] =	vst v13;
	s22 =	smov.u32 s24  }
0x360: {  	v13 =	vld [tilespmem:s22+$0x7080]  }
0x361: {  	v14 =	vld [tilespmem:s22+$0x6E00]  }
0x362: {  	v15 =	vld [tilespmem:s22+$0x6E80]  }
0x363: {  	v16 =	vld [tilespmem:s22+$0x6C00]  }
0x364: {  	v17 =	vld [tilespmem:s22+$0x6C80]  }
0x365: {  	v18 =	vld [tilespmem:s22+$0x6A00]  }
0x366: {  	v19 =	vld [tilespmem:s22+$0x6A80]  }
0x367: {  	v20 =	vld [tilespmem:s22+$0x6600]  }
0x368: {  	v21 =	vld [tilespmem:s22+$0x6680]  }
.Ltmp6:
0x369: {  	v22 =	vld [tilespmem:s22+$0x6800];
	(pc) =	sbr.rel @p0 .LBB2_14-.Ltmp6, $4  }
0x36a: {  	v23 =	vld [tilespmem:s22+$0x6880]  }
0x36b: {  	v24 =	vld [tilespmem:s22+$0x6500]  }
0x36c: {  	v25 =	vld [tilespmem:s22+$0x6580]  }
0x36d: {  	s23 =	sadd.s32 $0x40, s23;
	v26 =	vld [tilespmem:s22+$0x6700]  }
0x36e: {  	v27 =	vld [tilespmem:s22+$0x6780]  }
0x36f: {  	v28 =	vld [tilespmem:s22+$0x6900]  }
0x370: {  	v29 =	vld [tilespmem:s22+$0x6980]  }
0x371: {  	v30 =	vld [tilespmem:s22+$0x6B00]  }
0x372: {  	v31 =	vld [tilespmem:s22+$0x6B80]  }
0x373: {  	v32 =	vld [tilespmem:s22+$0x6D00]  }
0x374: {  	v20 =	vadd.f32 v22, v20;
	v22 =	vld [tilespmem:s22+$0x6F00]  }
0x375: {  	v60 =	vld [tilespmem:s22+$0x5A00]  }
0x376: {  	v61 =	vld [tilespmem:s22+$0x5A80]  }
0x377: {  	v62 =	vld [tilespmem:s22+$0x5B00]  }
0x378: {  	v63 =	vld [tilespmem:s22+$0x5B80]  }
0x379: {  	v18 =	vadd.f32 v18, v20;
	v20 =	vld [tilespmem:s22+$0x7100]  }
0x37a: {  	v24 =	vadd.f32 v26, v24;
	v26 =	vld [tilespmem:s22+$0x6D80]  }
0x37b: {  	v16 =	vadd.f32 v16, v18;
	v18 =	vld [tilespmem:s22+$0x7300]  }
0x37c: {  	v25 =	vadd.f32 v27, v25;
	v27 =	vld [tilespmem:s22+$0x5980]  }
0x37d: {  	v21 =	vadd.f32 v23, v21;
	v14 =	vadd.f32 v14, v16;
	v16 =	vld [tilespmem:s22+$0x7500]  }
0x37e: {  	v23 =	vadd.f32 v28, v24;
	v24 =	vadd.f32 v29, v25;
	v25 =	vld [tilespmem:s22+$0x6F80]  }
0x37f: {  	v19 =	vadd.f32 v19, v21;
	v12 =	vadd.f32 v12, v14;
	v14 =	vld [tilespmem:s22+$0x7700]  }
0x380: {  	v21 =	vadd.f32 v30, v23;
	v23 =	vadd.f32 v31, v24;
	v24 =	vld [tilespmem:s22+$0x7180]  }
0x381: {  	v17 =	vadd.f32 v17, v19;
	v10 =	vadd.f32 v10, v12;
	v12 =	vld [tilespmem:s22+$0x7900]  }
0x382: {  	v19 =	vadd.f32 v32, v21;
	v21 =	vadd.f32 v26, v23;
	v23 =	vld [tilespmem:s22+$0x7380]  }
0x383: {  	v26 =	vld [tilespmem:s22+$0x5900]  }
0x384: {  	v8 =	vadd.f32 v8, v10;
	v10 =	vld [tilespmem:s22+$0x7B00]  }
0x385: {  	v15 =	vadd.f32 v15, v17;
	v17 =	vadd.f32 v22, v19;
	v22 =	vld [tilespmem:s22+$0x5700]  }
0x386: {  	v19 =	vadd.f32 v25, v21;
	v21 =	vld [tilespmem:s22+$0x7580]  }
0x387: {  	v25 =	vld [tilespmem:s22+$0x5880]  }
0x388: {  	v6 =	vadd.f32 v6, v8;
	v8 =	vld [tilespmem:s22+$0x7D00]  }
0x389: {  	v13 =	vadd.f32 v13, v15;
	v15 =	vadd.f32 v20, v17;
	v20 =	vld [tilespmem:s22+$0x5600]  }
0x38a: {  	v17 =	vadd.f32 v24, v19;
	v19 =	vld [tilespmem:s22+$0x7780]  }
0x38b: {  	v24 =	vld [tilespmem:s22+$0x5800]  }
0x38c: {  	v4 =	vadd.f32 v4, v6;
	v6 =	vld [tilespmem:s22+$0x4C00]  }
0x38d: {  	v11 =	vadd.f32 v11, v13;
	v13 =	vadd.f32 v18, v15;
	v18 =	vld [tilespmem:s22+$0x5500]  }
0x38e: {  	v15 =	vadd.f32 v23, v17;
	v17 =	vld [tilespmem:s22+$0x7980]  }
0x38f: {  	v9 =	vadd.f32 v9, v11;
	v23 =	vld [tilespmem:s22+$0x5780]  }
0x390: {  	v2 =	vadd.f32 v2, v4;
	v4 =	vld [tilespmem:s22+$0x4E00]  }
0x391: {  	v7 =	vadd.f32 v7, v9;
	v11 =	vadd.f32 v16, v13;
	v16 =	vld [tilespmem:s22+$0x5400]  }
0x392: {  	v13 =	vadd.f32 v21, v15;
	v15 =	vld [tilespmem:s22+$0x7B80]  }
0x393: {  	v5 =	vadd.f32 v5, v7;
	v21 =	vld [tilespmem:s22+$0x5680]  }
0x394: {  	v0 =	vadd.f32 v0, v2;
	v2 =	vld [tilespmem:s22+$0x4D00]  }
0x395: {  	v3 =	vadd.f32 v3, v5;
	v9 =	vadd.f32 v14, v11;
	v14 =	vld [tilespmem:s22+$0x5300]  }
0x396: {  	v11 =	vadd.f32 v19, v13;
	v13 =	vld [tilespmem:s22+$0x7D80]  }
0x397: {  	v1 =	vadd.f32 v1, v3;
	v19 =	vld [tilespmem:s22+$0x5580]  }
0x398: {  	v7 =	vadd.f32 v12, v9;
	v12 =	vld [tilespmem:s22+$0x5180];
	v9 =	vadd.f32 v17, v11  }
0x399: {  	v11 =	vld [tilespmem:s22+$0x4C80];
	v0 =	vadd.f32 v1, v0  }
0x39a: {  	v1 =	vld [tilespmem:s22+$0x4F80];
	v5 =	vadd.f32 v10, v7;
	v7 =	vadd.f32 v15, v9  }
0x39b: {  	v17 =	vld [tilespmem:s22+$0x5480]  }
0x39c: {  	v10 =	vld [tilespmem:s22+$0x5100];
	v3 =	vadd.f32 v8, v5;
	v5 =	vadd.f32 v13, v7  }
0x39d: {  	v9 =	vld [tilespmem:s22+$0x4E80]  }
0x39e: {  	v15 =	vld [tilespmem:s22+$0x5380];
	v3 =	vadd.f32 v5, v3  }
0x39f: {  	v8 =	vld [tilespmem:s22+$0x4F00]  }
0x3a0: {  	v7 =	vld [tilespmem:s22+$0x4D80];
	v0 =	vadd.f32 v3, v0  }
0x3a1: {  	v5 =	vld [tilespmem:s22+$0x5000]  }
0x3a2: {  	v3 =	vld [tilespmem:s22+$0x5080];
	v0 =	vmul.f32 $1.999999960e-02, v0  }
0x3a3: {  	v13 =	vld [tilespmem:s22+$0x5200]  }
0x3a4: {  	v4 =	vadd.f32 v4, v6;
	[tilespmem:s22+$0x11F80] =	vst v0;
	v0 =	vld [tilespmem:s22+$0x5280]  }
0x3a5: {  	v6 =	vadd.f32 v9, v11;
	v9 =	vld [tilespmem:s22+$0x5C00];
	v2 =	vadd.f32 v8, v2  }
0x3a6: {  	v11 =	vld [tilespmem:s22+$0x5F80];
	v1 =	vadd.f32 v1, v7;
	v4 =	vadd.f32 v5, v4  }
0x3a7: {  	v8 =	vld [tilespmem:s22+$0x5E80];
	v2 =	vadd.f32 v10, v2;
	v3 =	vadd.f32 v3, v6  }
0x3a8: {  	v7 =	vld [tilespmem:s22+$0x5C80];
	v1 =	vadd.f32 v12, v1;
	v4 =	vadd.f32 v13, v4  }
0x3a9: {  	v10 =	vld [tilespmem:s22+$0x5F00];
	v2 =	vadd.f32 v14, v2;
	v0 =	vadd.f32 v0, v3  }
0x3aa: {  	v5 =	vld [tilespmem:s22+$0x5D00];
	v1 =	vadd.f32 v15, v1;
	v4 =	vadd.f32 v16, v4  }
0x3ab: {  	v12 =	vld [tilespmem:s22+$0x6000];
	v2 =	vadd.f32 v18, v2;
	v0 =	vadd.f32 v17, v0  }
0x3ac: {  	v14 =	vld [tilespmem:s22+$0x6100];
	v1 =	vadd.f32 v19, v1;
	v4 =	vadd.f32 v20, v4  }
0x3ad: {  	v6 =	vld [tilespmem:s22+$0x5D80];
	v2 =	vadd.f32 v22, v2;
	v0 =	vadd.f32 v21, v0  }
0x3ae: {  	v13 =	vld [tilespmem:s22+$0x6080];
	v1 =	vadd.f32 v23, v1;
	v4 =	vadd.f32 v24, v4  }
0x3af: {  	v3 =	vld [tilespmem:s22+$0x5E00];
	v2 =	vadd.f32 v26, v2;
	v0 =	vadd.f32 v25, v0  }
0x3b0: {  	v15 =	vld [tilespmem:s22+$0x6180];
	v1 =	vadd.f32 v27, v1;
	v4 =	vadd.f32 v60, v4  }
0x3b1: {  	v16 =	vld [tilespmem:s22+$0x6200];
	v2 =	vadd.f32 v62, v2;
	v0 =	vadd.f32 v61, v0  }
0x3b2: {  	v17 =	vld [tilespmem:s22+$0x6280];
	v1 =	vadd.f32 v63, v1;
	v4 =	vadd.f32 v9, v4  }
0x3b3: {  	v2 =	vadd.f32 v5, v2;
	v5 =	vld [tilespmem:s22+$0x6380];
	v0 =	vadd.f32 v7, v0  }
0x3b4: {  	v1 =	vadd.f32 v6, v1;
	v6 =	vld [tilespmem:s22+$0x6480];
	v3 =	vadd.f32 v3, v4  }
0x3b5: {  	v4 =	vld [tilespmem:s22+$0x6400];
	v0 =	vadd.f32 v8, v0  }
0x3b6: {  	v1 =	vadd.f32 v11, v1;
	v7 =	vld [tilespmem:s22+$0x6300];
	v3 =	vadd.f32 v12, v3  }
0x3b7: {  	v2 =	vadd.f32 v10, v2;
	v0 =	vadd.f32 v13, v0  }
0x3b8: {  	v1 =	vadd.f32 v15, v1;
	v3 =	vadd.f32 v16, v3  }
0x3b9: {  	v2 =	vadd.f32 v14, v2;
	v0 =	vadd.f32 v17, v0  }
0x3ba: {  	v1 =	vadd.f32 v5, v1;
	v3 =	vadd.f32 v4, v3  }
0x3bb: {  	v2 =	vadd.f32 v7, v2;
	v0 =	vadd.f32 v6, v0;
	_ =	sdelay $0x1  }
0x3bc: {  	v1 =	vadd.f32 v1, v2;
	v0 =	vadd.f32 v0, v3;
	_ =	sdelay $0x1  }
0x3bd: {  	v0 =	vadd.f32 v0, v1;
	_ =	sdelay $0x1  }
0x3be: {  	v0 =	vmul.f32 $1.999999960e-02, v0;
	_ =	sdelay $0x1  }
0x3bf: {  	[tilespmem:s22+$0x11F00] =	vst v0  }
0x3c0: {  	_ =	swait.ge [sflag:s18], $0x3200  }
0x3c1: {  	[sflag:s18] =	ssyncset.done $0x0  }
0x3c2: {  	s22 =	simm.s32 $0x0;
	[sflag:s18] =	ssyncadd.s32 $0xFFFFCE00  }
0x3c3: {  	v0 =	vld [tilespmem:s22+$0xAE00]  }
0x3c4: {  	v1 =	vld [tilespmem:s22+$0xAE80]  }
0x3c5: {  	v2 =	vld [tilespmem:s22+$0xAC00]  }
0x3c6: {  	v3 =	vld [tilespmem:s22+$0xAC80]  }
0x3c7: {  	v4 =	vld [tilespmem:s22+$0xAA00]  }
0x3c8: {  	v5 =	vld [tilespmem:s22+$0xAA80]  }
0x3c9: {  	v6 =	vld [tilespmem:s22+$0xA800]  }
0x3ca: {  	v7 =	vld [tilespmem:s22+$0xA880]  }
0x3cb: {  	v8 =	vld [tilespmem:s22+$0xA600]  }
0x3cc: {  	v9 =	vld [tilespmem:s22+$0xA680]  }
0x3cd: {  	v10 =	vld [tilespmem:s22+$0xA400]  }
0x3ce: {  	v11 =	vld [tilespmem:s22+$0xA480]  }
0x3cf: {  	v12 =	vld [tilespmem:s22+$0xA200]  }
0x3d0: {  	v13 =	vld [tilespmem:s22+$0xA280]  }
0x3d1: {  	v14 =	vld [tilespmem:s22+$0xA000]  }
0x3d2: {  	v15 =	vld [tilespmem:s22+$0xA080]  }
0x3d3: {  	v16 =	vld [tilespmem:s22+$0x9E00]  }
0x3d4: {  	v17 =	vld [tilespmem:s22+$0x9E80]  }
0x3d5: {  	v18 =	vld [tilespmem:s22+$0x9C00]  }
0x3d6: {  	v19 =	vld [tilespmem:s22+$0x9C80]  }
0x3d7: {  	v20 =	vld [tilespmem:s22+$0x9800]  }
0x3d8: {  	v21 =	vld [tilespmem:s22+$0x9880]  }
0x3d9: {  	v22 =	vld [tilespmem:s22+$0x9A00]  }
0x3da: {  	v23 =	vld [tilespmem:s22+$0x9A80]  }
0x3db: {  	v24 =	vld [tilespmem:s22+$0x9700]  }
0x3dc: {  	v25 =	vld [tilespmem:s22+$0x9780]  }
0x3dd: {  	s23 =	simm.s32 $0x40;
	v26 =	vld [tilespmem:s22+$0x9900]  }
.LBB2_16:
0x3de: {  	p0 =	sne.s32 s23, $0x1C0;
	v27 =	vld [tilespmem:s22+$0x9980]  }
0x3df: {  	v28 =	vld [tilespmem:s22+$0x9B00]  }
0x3e0: {  	v29 =	vld [tilespmem:s22+$0x9B80]  }
0x3e1: {  	v30 =	vld [tilespmem:s22+$0x9D00]  }
0x3e2: {  	v31 =	vld [tilespmem:s22+$0x9D80]  }
0x3e3: {  	v24 =	vadd.f32 v26, v24;
	v25 =	vadd.f32 v27, v25;
	v26 =	vld [tilespmem:s22+$0x9F00]  }
0x3e4: {  	v20 =	vadd.f32 v22, v20;
	v21 =	vadd.f32 v23, v21;
	v22 =	vld [tilespmem:s22+$0x9F80]  }
0x3e5: {  	v23 =	vadd.f32 v28, v24;
	v24 =	vadd.f32 v29, v25;
	v25 =	vld [tilespmem:s22+$0xA100]  }
0x3e6: {  	v18 =	vadd.f32 v18, v20;
	v19 =	vadd.f32 v19, v21;
	v20 =	vld [tilespmem:s22+$0xA180]  }
0x3e7: {  	v21 =	vadd.f32 v30, v23;
	v23 =	vadd.f32 v31, v24;
	v24 =	vld [tilespmem:s22+$0xA300]  }
0x3e8: {  	v16 =	vadd.f32 v16, v18;
	v17 =	vadd.f32 v17, v19;
	v18 =	vld [tilespmem:s22+$0xA380]  }
0x3e9: {  	v19 =	vadd.f32 v26, v21;
	v21 =	vadd.f32 v22, v23;
	v22 =	vld [tilespmem:s22+$0xA500]  }
0x3ea: {  	v14 =	vadd.f32 v14, v16;
	v15 =	vadd.f32 v15, v17;
	v16 =	vld [tilespmem:s22+$0xA580]  }
0x3eb: {  	v17 =	vadd.f32 v25, v19;
	v19 =	vadd.f32 v20, v21;
	v20 =	vld [tilespmem:s22+$0xA700]  }
0x3ec: {  	v12 =	vadd.f32 v12, v14;
	v13 =	vadd.f32 v13, v15;
	v14 =	vld [tilespmem:s22+$0xA780]  }
0x3ed: {  	v15 =	vadd.f32 v24, v17;
	v17 =	vadd.f32 v18, v19;
	v18 =	vld [tilespmem:s22+$0xA900]  }
0x3ee: {  	v10 =	vadd.f32 v10, v12;
	v11 =	vadd.f32 v11, v13;
	v12 =	vld [tilespmem:s22+$0xA980]  }
0x3ef: {  	v13 =	vadd.f32 v22, v15;
	v15 =	vadd.f32 v16, v17;
	v16 =	vld [tilespmem:s22+$0xAB00]  }
0x3f0: {  	v8 =	vadd.f32 v8, v10;
	v9 =	vadd.f32 v9, v11;
	v10 =	vld [tilespmem:s22+$0xAB80]  }
0x3f1: {  	v11 =	vadd.f32 v20, v13;
	v13 =	vadd.f32 v14, v15;
	v14 =	vld [tilespmem:s22+$0xAD00]  }
0x3f2: {  	v6 =	vadd.f32 v6, v8;
	v7 =	vadd.f32 v7, v9;
	v8 =	vld [tilespmem:s22+$0xAD80]  }
0x3f3: {  	v9 =	vadd.f32 v18, v11;
	v11 =	vadd.f32 v12, v13;
	v12 =	vld [tilespmem:s22+$0xAF00]  }
0x3f4: {  	v4 =	vadd.f32 v4, v6;
	v5 =	vadd.f32 v5, v7;
	v6 =	vld [tilespmem:s22+$0xAF80]  }
0x3f5: {  	v9 =	vadd.f32 v16, v9;
	v7 =	vld [tilespmem:s22+$0x7E00];
	v10 =	vadd.f32 v10, v11  }
0x3f6: {  	v2 =	vadd.f32 v2, v4;
	v3 =	vadd.f32 v3, v5;
	v11 =	vld [tilespmem:s22+$0x7E80]  }
0x3f7: {  	v5 =	vadd.f32 v14, v9;
	v4 =	vld [tilespmem:s22+$0x8000];
	v8 =	vadd.f32 v8, v10  }
0x3f8: {  	v0 =	vadd.f32 v0, v2;
	v1 =	vadd.f32 v1, v3;
	v9 =	vld [tilespmem:s22+$0x8080]  }
0x3f9: {  	v3 =	vadd.f32 v12, v5;
	v2 =	vld [tilespmem:s22+$0x7F00];
	v5 =	vadd.f32 v6, v8  }
0x3fa: {  	v6 =	vld [tilespmem:s22+$0x7F80]  }
0x3fb: {  	v0 =	vadd.f32 v1, v0;
	v8 =	vld [tilespmem:s22+$0x8100];
	v3 =	vadd.f32 v5, v3  }
0x3fc: {  	v1 =	vadd.f32 v4, v7;
	v4 =	vld [tilespmem:s22+$0x8180]  }
0x3fd: {  	v5 =	vadd.f32 v9, v11;
	v7 =	vld [tilespmem:s22+$0x8200];
	v0 =	vadd.f32 v3, v0  }
0x3fe: {  	v3 =	vld [tilespmem:s22+$0x8280]  }
0x3ff: {  	v9 =	vld [tilespmem:s22+$0x8300];
	v0 =	vmul.f32 $1.999999960e-02, v0  }
0x400: {  	v2 =	vadd.f32 v8, v2;
	v8 =	vld [tilespmem:s22+$0x8380]  }
0x401: {  	v4 =	vadd.f32 v4, v6;
	v6 =	vld [tilespmem:s22+$0x8400];
	[tilespmem:s22+$0x12080] =	vst v0  }
0x402: {  	v0 =	vadd.f32 v7, v1;
	v1 =	vld [tilespmem:s22+$0x8480]  }
0x403: {  	v3 =	vadd.f32 v3, v5;
	v5 =	vld [tilespmem:s22+$0x8500]  }
0x404: {  	v2 =	vadd.f32 v9, v2;
	v7 =	vld [tilespmem:s22+$0x8580]  }
0x405: {  	v4 =	vadd.f32 v8, v4;
	v8 =	vld [tilespmem:s22+$0x8600]  }
0x406: {  	v0 =	vadd.f32 v6, v0;
	v6 =	vld [tilespmem:s22+$0x8680]  }
0x407: {  	v1 =	vadd.f32 v1, v3;
	v3 =	vld [tilespmem:s22+$0x8700]  }
0x408: {  	v2 =	vadd.f32 v5, v2;
	v5 =	vld [tilespmem:s22+$0x8780]  }
0x409: {  	v4 =	vadd.f32 v7, v4;
	v7 =	vld [tilespmem:s22+$0x8800]  }
0x40a: {  	v0 =	vadd.f32 v8, v0;
	v8 =	vld [tilespmem:s22+$0x8880]  }
0x40b: {  	v1 =	vadd.f32 v6, v1;
	v6 =	vld [tilespmem:s22+$0x8900]  }
0x40c: {  	v2 =	vadd.f32 v3, v2;
	v3 =	vld [tilespmem:s22+$0x8980]  }
0x40d: {  	v4 =	vadd.f32 v5, v4;
	v5 =	vld [tilespmem:s22+$0x8A00]  }
0x40e: {  	v0 =	vadd.f32 v7, v0;
	v7 =	vld [tilespmem:s22+$0x8A80]  }
0x40f: {  	v1 =	vadd.f32 v8, v1;
	v8 =	vld [tilespmem:s22+$0x8B00]  }
0x410: {  	v2 =	vadd.f32 v6, v2;
	v6 =	vld [tilespmem:s22+$0x8B80]  }
0x411: {  	v3 =	vadd.f32 v3, v4;
	v4 =	vld [tilespmem:s22+$0x8C00]  }
0x412: {  	v0 =	vadd.f32 v5, v0;
	v5 =	vld [tilespmem:s22+$0x8C80]  }
0x413: {  	v1 =	vadd.f32 v7, v1;
	v7 =	vld [tilespmem:s22+$0x8D00]  }
0x414: {  	v2 =	vadd.f32 v8, v2;
	v8 =	vld [tilespmem:s22+$0x8D80]  }
0x415: {  	v3 =	vadd.f32 v6, v3;
	v6 =	vld [tilespmem:s22+$0x8E00]  }
0x416: {  	v0 =	vadd.f32 v4, v0;
	v4 =	vld [tilespmem:s22+$0x8E80]  }
0x417: {  	v1 =	vadd.f32 v5, v1;
	v5 =	vld [tilespmem:s22+$0x8F00]  }
0x418: {  	v2 =	vadd.f32 v7, v2;
	v7 =	vld [tilespmem:s22+$0x8F80]  }
0x419: {  	v3 =	vadd.f32 v8, v3;
	v8 =	vld [tilespmem:s22+$0x9000]  }
0x41a: {  	v0 =	vadd.f32 v6, v0;
	v6 =	vld [tilespmem:s22+$0x9080]  }
0x41b: {  	v1 =	vadd.f32 v4, v1;
	v4 =	vld [tilespmem:s22+$0x9100]  }
0x41c: {  	v2 =	vadd.f32 v5, v2;
	v5 =	vld [tilespmem:s22+$0x9180]  }
0x41d: {  	v3 =	vadd.f32 v7, v3;
	v7 =	vld [tilespmem:s22+$0x9200]  }
0x41e: {  	v0 =	vadd.f32 v8, v0;
	v8 =	vld [tilespmem:s22+$0x9280]  }
0x41f: {  	v1 =	vadd.f32 v6, v1;
	v6 =	vld [tilespmem:s22+$0x9300]  }
0x420: {  	v2 =	vadd.f32 v4, v2;
	v4 =	vld [tilespmem:s22+$0x9380]  }
0x421: {  	v3 =	vadd.f32 v5, v3;
	v5 =	vld [tilespmem:s22+$0x9400]  }
0x422: {  	v0 =	vadd.f32 v7, v0;
	v7 =	vld [tilespmem:s22+$0x9480]  }
0x423: {  	v1 =	vadd.f32 v8, v1;
	v8 =	vld [tilespmem:s22+$0x9500]  }
0x424: {  	v2 =	vadd.f32 v6, v2;
	v6 =	vld [tilespmem:s22+$0x9580]  }
0x425: {  	v3 =	vadd.f32 v4, v3;
	v4 =	vld [tilespmem:s22+$0x9600]  }
0x426: {  	s24 =	sshra.s32 s23, $0x2;
	v5 =	vadd.f32 v5, v0;
	v9 =	vld [tilespmem:s22+$0x9680]  }
0x427: {  	v0 =	vld [tilespmem:s24+$0xAE00];
	v7 =	vadd.f32 v7, v1  }
0x428: {  	v1 =	vld [tilespmem:s24+$0xAE80];
	v8 =	vadd.f32 v8, v2  }
0x429: {  	v2 =	vld [tilespmem:s24+$0xAC00];
	v6 =	vadd.f32 v6, v3  }
0x42a: {  	v3 =	vld [tilespmem:s24+$0xAC80];
	v10 =	vadd.f32 v4, v5  }
0x42b: {  	v4 =	vld [tilespmem:s24+$0xAA00];
	v7 =	vadd.f32 v9, v7;
	v9 =	vadd.f32 v6, v8  }
0x42c: {  	v5 =	vld [tilespmem:s24+$0xAA80]  }
0x42d: {  	v6 =	vld [tilespmem:s24+$0xA800];
	v10 =	vadd.f32 v7, v10  }
0x42e: {  	v7 =	vld [tilespmem:s24+$0xA880]  }
0x42f: {  	v8 =	vld [tilespmem:s24+$0xA600];
	v11 =	vadd.f32 v10, v9  }
0x430: {  	v9 =	vld [tilespmem:s24+$0xA680]  }
0x431: {  	v10 =	vld [tilespmem:s24+$0xA400];
	v13 =	vmul.f32 $1.999999960e-02, v11  }
0x432: {  	v11 =	vld [tilespmem:s24+$0xA480]  }
0x433: {  	v12 =	vld [tilespmem:s24+$0xA200];
	[tilespmem:s22+$0x12000] =	vst v13;
	s22 =	smov.u32 s24  }
0x434: {  	v13 =	vld [tilespmem:s22+$0xA280]  }
0x435: {  	v14 =	vld [tilespmem:s22+$0xA000]  }
0x436: {  	v15 =	vld [tilespmem:s22+$0xA080]  }
0x437: {  	v16 =	vld [tilespmem:s22+$0x9E00]  }
0x438: {  	v17 =	vld [tilespmem:s22+$0x9E80]  }
0x439: {  	v18 =	vld [tilespmem:s22+$0x9C00]  }
0x43a: {  	v19 =	vld [tilespmem:s22+$0x9C80]  }
0x43b: {  	v20 =	vld [tilespmem:s22+$0x9800]  }
0x43c: {  	v21 =	vld [tilespmem:s22+$0x9880]  }
.Ltmp7:
0x43d: {  	v22 =	vld [tilespmem:s22+$0x9A00];
	(pc) =	sbr.rel @p0 .LBB2_16-.Ltmp7, $4  }
0x43e: {  	v23 =	vld [tilespmem:s22+$0x9A80]  }
0x43f: {  	v24 =	vld [tilespmem:s22+$0x9700]  }
0x440: {  	v25 =	vld [tilespmem:s22+$0x9780]  }
0x441: {  	s23 =	sadd.s32 $0x40, s23;
	v26 =	vld [tilespmem:s22+$0x9900]  }
0x442: {  	v27 =	vld [tilespmem:s22+$0x9980]  }
0x443: {  	v28 =	vld [tilespmem:s22+$0x9B00]  }
0x444: {  	v29 =	vld [tilespmem:s22+$0x9B80]  }
0x445: {  	v30 =	vld [tilespmem:s22+$0x9D00]  }
0x446: {  	v31 =	vld [tilespmem:s22+$0x9D80]  }
0x447: {  	v32 =	vld [tilespmem:s22+$0x9F00]  }
0x448: {  	v20 =	vadd.f32 v22, v20;
	v22 =	vld [tilespmem:s22+$0xA100]  }
0x449: {  	v60 =	vld [tilespmem:s22+$0x8C00]  }
0x44a: {  	v61 =	vld [tilespmem:s22+$0x8C80]  }
0x44b: {  	v62 =	vld [tilespmem:s22+$0x8D00]  }
0x44c: {  	v63 =	vld [tilespmem:s22+$0x8D80]  }
0x44d: {  	v18 =	vadd.f32 v18, v20;
	v20 =	vld [tilespmem:s22+$0xA300]  }
0x44e: {  	v24 =	vadd.f32 v26, v24;
	v26 =	vld [tilespmem:s22+$0x9F80]  }
0x44f: {  	v16 =	vadd.f32 v16, v18;
	v18 =	vld [tilespmem:s22+$0xA500]  }
0x450: {  	v25 =	vadd.f32 v27, v25;
	v27 =	vld [tilespmem:s22+$0x8B80]  }
0x451: {  	v21 =	vadd.f32 v23, v21;
	v14 =	vadd.f32 v14, v16;
	v16 =	vld [tilespmem:s22+$0xA700]  }
0x452: {  	v23 =	vadd.f32 v28, v24;
	v24 =	vadd.f32 v29, v25;
	v25 =	vld [tilespmem:s22+$0xA180]  }
0x453: {  	v19 =	vadd.f32 v19, v21;
	v12 =	vadd.f32 v12, v14;
	v14 =	vld [tilespmem:s22+$0xA900]  }
0x454: {  	v21 =	vadd.f32 v30, v23;
	v23 =	vadd.f32 v31, v24;
	v24 =	vld [tilespmem:s22+$0xA380]  }
0x455: {  	v17 =	vadd.f32 v17, v19;
	v10 =	vadd.f32 v10, v12;
	v12 =	vld [tilespmem:s22+$0xAB00]  }
0x456: {  	v19 =	vadd.f32 v32, v21;
	v21 =	vadd.f32 v26, v23;
	v23 =	vld [tilespmem:s22+$0xA580]  }
0x457: {  	v26 =	vld [tilespmem:s22+$0x8B00]  }
0x458: {  	v8 =	vadd.f32 v8, v10;
	v10 =	vld [tilespmem:s22+$0xAD00]  }
0x459: {  	v15 =	vadd.f32 v15, v17;
	v17 =	vadd.f32 v22, v19;
	v22 =	vld [tilespmem:s22+$0x8900]  }
0x45a: {  	v19 =	vadd.f32 v25, v21;
	v21 =	vld [tilespmem:s22+$0xA780]  }
0x45b: {  	v25 =	vld [tilespmem:s22+$0x8A80]  }
0x45c: {  	v6 =	vadd.f32 v6, v8;
	v8 =	vld [tilespmem:s22+$0xAF00]  }
0x45d: {  	v13 =	vadd.f32 v13, v15;
	v15 =	vadd.f32 v20, v17;
	v20 =	vld [tilespmem:s22+$0x8800]  }
0x45e: {  	v17 =	vadd.f32 v24, v19;
	v19 =	vld [tilespmem:s22+$0xA980]  }
0x45f: {  	v24 =	vld [tilespmem:s22+$0x8A00]  }
0x460: {  	v4 =	vadd.f32 v4, v6;
	v6 =	vld [tilespmem:s22+$0x7E00]  }
0x461: {  	v11 =	vadd.f32 v11, v13;
	v13 =	vadd.f32 v18, v15;
	v18 =	vld [tilespmem:s22+$0x8700]  }
0x462: {  	v15 =	vadd.f32 v23, v17;
	v17 =	vld [tilespmem:s22+$0xAB80]  }
0x463: {  	v9 =	vadd.f32 v9, v11;
	v23 =	vld [tilespmem:s22+$0x8980]  }
0x464: {  	v2 =	vadd.f32 v2, v4;
	v4 =	vld [tilespmem:s22+$0x8000]  }
0x465: {  	v7 =	vadd.f32 v7, v9;
	v11 =	vadd.f32 v16, v13;
	v16 =	vld [tilespmem:s22+$0x8600]  }
0x466: {  	v13 =	vadd.f32 v21, v15;
	v15 =	vld [tilespmem:s22+$0xAD80]  }
0x467: {  	v5 =	vadd.f32 v5, v7;
	v21 =	vld [tilespmem:s22+$0x8880]  }
0x468: {  	v0 =	vadd.f32 v0, v2;
	v2 =	vld [tilespmem:s22+$0x7F00]  }
0x469: {  	v3 =	vadd.f32 v3, v5;
	v9 =	vadd.f32 v14, v11;
	v14 =	vld [tilespmem:s22+$0x8500]  }
0x46a: {  	v11 =	vadd.f32 v19, v13;
	v13 =	vld [tilespmem:s22+$0xAF80]  }
0x46b: {  	v1 =	vadd.f32 v1, v3;
	v19 =	vld [tilespmem:s22+$0x8780]  }
0x46c: {  	v7 =	vadd.f32 v12, v9;
	v12 =	vld [tilespmem:s22+$0x8380];
	v9 =	vadd.f32 v17, v11  }
0x46d: {  	v11 =	vld [tilespmem:s22+$0x7E80];
	v0 =	vadd.f32 v1, v0  }
0x46e: {  	v1 =	vld [tilespmem:s22+$0x8180];
	v5 =	vadd.f32 v10, v7;
	v7 =	vadd.f32 v15, v9  }
0x46f: {  	v17 =	vld [tilespmem:s22+$0x8680]  }
0x470: {  	v10 =	vld [tilespmem:s22+$0x8300];
	v3 =	vadd.f32 v8, v5;
	v5 =	vadd.f32 v13, v7  }
0x471: {  	v9 =	vld [tilespmem:s22+$0x8080]  }
0x472: {  	v15 =	vld [tilespmem:s22+$0x8580];
	v3 =	vadd.f32 v5, v3  }
0x473: {  	v8 =	vld [tilespmem:s22+$0x8100]  }
0x474: {  	v7 =	vld [tilespmem:s22+$0x7F80];
	v0 =	vadd.f32 v3, v0  }
0x475: {  	v5 =	vld [tilespmem:s22+$0x8200]  }
0x476: {  	v3 =	vld [tilespmem:s22+$0x8280];
	v0 =	vmul.f32 $1.999999960e-02, v0  }
0x477: {  	v13 =	vld [tilespmem:s22+$0x8400]  }
0x478: {  	v4 =	vadd.f32 v4, v6;
	[tilespmem:s22+$0x12080] =	vst v0;
	v0 =	vld [tilespmem:s22+$0x8480]  }
0x479: {  	v6 =	vadd.f32 v9, v11;
	v9 =	vld [tilespmem:s22+$0x8E00];
	v2 =	vadd.f32 v8, v2  }
0x47a: {  	v11 =	vld [tilespmem:s22+$0x9180];
	v1 =	vadd.f32 v1, v7;
	v4 =	vadd.f32 v5, v4  }
0x47b: {  	v8 =	vld [tilespmem:s22+$0x9080];
	v2 =	vadd.f32 v10, v2;
	v3 =	vadd.f32 v3, v6  }
0x47c: {  	v7 =	vld [tilespmem:s22+$0x8E80];
	v1 =	vadd.f32 v12, v1;
	v4 =	vadd.f32 v13, v4  }
0x47d: {  	v10 =	vld [tilespmem:s22+$0x9100];
	v2 =	vadd.f32 v14, v2;
	v0 =	vadd.f32 v0, v3  }
0x47e: {  	v5 =	vld [tilespmem:s22+$0x8F00];
	v1 =	vadd.f32 v15, v1;
	v4 =	vadd.f32 v16, v4  }
0x47f: {  	v12 =	vld [tilespmem:s22+$0x9200];
	v2 =	vadd.f32 v18, v2;
	v0 =	vadd.f32 v17, v0  }
0x480: {  	v14 =	vld [tilespmem:s22+$0x9300];
	v1 =	vadd.f32 v19, v1;
	v4 =	vadd.f32 v20, v4  }
0x481: {  	v6 =	vld [tilespmem:s22+$0x8F80];
	v2 =	vadd.f32 v22, v2;
	v0 =	vadd.f32 v21, v0  }
0x482: {  	v13 =	vld [tilespmem:s22+$0x9280];
	v1 =	vadd.f32 v23, v1;
	v4 =	vadd.f32 v24, v4  }
0x483: {  	v3 =	vld [tilespmem:s22+$0x9000];
	v2 =	vadd.f32 v26, v2;
	v0 =	vadd.f32 v25, v0  }
0x484: {  	v15 =	vld [tilespmem:s22+$0x9380];
	v1 =	vadd.f32 v27, v1;
	v4 =	vadd.f32 v60, v4  }
0x485: {  	v16 =	vld [tilespmem:s22+$0x9400];
	v2 =	vadd.f32 v62, v2;
	v0 =	vadd.f32 v61, v0  }
0x486: {  	v17 =	vld [tilespmem:s22+$0x9480];
	v1 =	vadd.f32 v63, v1;
	v4 =	vadd.f32 v9, v4  }
0x487: {  	v2 =	vadd.f32 v5, v2;
	v5 =	vld [tilespmem:s22+$0x9580];
	v0 =	vadd.f32 v7, v0  }
0x488: {  	v1 =	vadd.f32 v6, v1;
	v6 =	vld [tilespmem:s22+$0x9680];
	v3 =	vadd.f32 v3, v4  }
0x489: {  	v4 =	vld [tilespmem:s22+$0x9600];
	v0 =	vadd.f32 v8, v0  }
0x48a: {  	v1 =	vadd.f32 v11, v1;
	v7 =	vld [tilespmem:s22+$0x9500];
	v3 =	vadd.f32 v12, v3  }
0x48b: {  	v2 =	vadd.f32 v10, v2;
	v0 =	vadd.f32 v13, v0  }
0x48c: {  	v1 =	vadd.f32 v15, v1;
	v3 =	vadd.f32 v16, v3  }
0x48d: {  	v2 =	vadd.f32 v14, v2;
	v0 =	vadd.f32 v17, v0  }
0x48e: {  	v1 =	vadd.f32 v5, v1;
	v3 =	vadd.f32 v4, v3  }
0x48f: {  	v2 =	vadd.f32 v7, v2;
	v0 =	vadd.f32 v6, v0;
	_ =	sdelay $0x1  }
0x490: {  	v1 =	vadd.f32 v1, v2;
	v0 =	vadd.f32 v0, v3;
	_ =	sdelay $0x1  }
0x491: {  	v0 =	vadd.f32 v0, v1;
	_ =	sdelay $0x1  }
0x492: {  	v0 =	vmul.f32 $1.999999960e-02, v0;
	_ =	sdelay $0x1  }
0x493: {  	[tilespmem:s22+$0x12000] =	vst v0  }
0x494: {  	_ =	swait.ge [sflag:s19], $0x3200  }
0x495: {  	[sflag:s19] =	ssyncset.done $0x0  }
0x496: {  	s22 =	simm.s32 $0x0;
	[sflag:s19] =	ssyncadd.s32 $0xFFFFCE00  }
0x497: {  	v0 =	vld [tilespmem:s22+$0xE000]  }
0x498: {  	v1 =	vld [tilespmem:s22+$0xE080]  }
0x499: {  	v2 =	vld [tilespmem:s22+$0xDE00]  }
0x49a: {  	v3 =	vld [tilespmem:s22+$0xDE80]  }
0x49b: {  	v4 =	vld [tilespmem:s22+$0xDC00]  }
0x49c: {  	v5 =	vld [tilespmem:s22+$0xDC80]  }
0x49d: {  	v6 =	vld [tilespmem:s22+$0xDA00]  }
0x49e: {  	v7 =	vld [tilespmem:s22+$0xDA80]  }
0x49f: {  	v8 =	vld [tilespmem:s22+$0xD800]  }
0x4a0: {  	v9 =	vld [tilespmem:s22+$0xD880]  }
0x4a1: {  	v10 =	vld [tilespmem:s22+$0xD600]  }
0x4a2: {  	v11 =	vld [tilespmem:s22+$0xD680]  }
0x4a3: {  	v12 =	vld [tilespmem:s22+$0xD400]  }
0x4a4: {  	v13 =	vld [tilespmem:s22+$0xD480]  }
0x4a5: {  	v14 =	vld [tilespmem:s22+$0xD200]  }
0x4a6: {  	v15 =	vld [tilespmem:s22+$0xD280]  }
0x4a7: {  	v16 =	vld [tilespmem:s22+$0xD000]  }
0x4a8: {  	v17 =	vld [tilespmem:s22+$0xD080]  }
0x4a9: {  	v18 =	vld [tilespmem:s22+$0xCE00]  }
0x4aa: {  	v19 =	vld [tilespmem:s22+$0xCE80]  }
0x4ab: {  	v20 =	vld [tilespmem:s22+$0xCA00]  }
0x4ac: {  	v21 =	vld [tilespmem:s22+$0xCA80]  }
0x4ad: {  	v22 =	vld [tilespmem:s22+$0xCC00]  }
0x4ae: {  	v23 =	vld [tilespmem:s22+$0xCC80]  }
0x4af: {  	v24 =	vld [tilespmem:s22+$0xC900]  }
0x4b0: {  	v25 =	vld [tilespmem:s22+$0xC980]  }
0x4b1: {  	s23 =	simm.s32 $0x40;
	v26 =	vld [tilespmem:s22+$0xCB00]  }
.LBB2_18:
0x4b2: {  	p0 =	sne.s32 s23, $0x1C0;
	v27 =	vld [tilespmem:s22+$0xCB80]  }
0x4b3: {  	v28 =	vld [tilespmem:s22+$0xCD00]  }
0x4b4: {  	v29 =	vld [tilespmem:s22+$0xCD80]  }
0x4b5: {  	v30 =	vld [tilespmem:s22+$0xCF00]  }
0x4b6: {  	v31 =	vld [tilespmem:s22+$0xCF80]  }
0x4b7: {  	v24 =	vadd.f32 v26, v24;
	v25 =	vadd.f32 v27, v25;
	v26 =	vld [tilespmem:s22+$0xD100]  }
0x4b8: {  	v20 =	vadd.f32 v22, v20;
	v21 =	vadd.f32 v23, v21;
	v22 =	vld [tilespmem:s22+$0xD180]  }
0x4b9: {  	v23 =	vadd.f32 v28, v24;
	v24 =	vadd.f32 v29, v25;
	v25 =	vld [tilespmem:s22+$0xD300]  }
0x4ba: {  	v18 =	vadd.f32 v18, v20;
	v19 =	vadd.f32 v19, v21;
	v20 =	vld [tilespmem:s22+$0xD380]  }
0x4bb: {  	v21 =	vadd.f32 v30, v23;
	v23 =	vadd.f32 v31, v24;
	v24 =	vld [tilespmem:s22+$0xD500]  }
0x4bc: {  	v16 =	vadd.f32 v16, v18;
	v17 =	vadd.f32 v17, v19;
	v18 =	vld [tilespmem:s22+$0xD580]  }
0x4bd: {  	v19 =	vadd.f32 v26, v21;
	v21 =	vadd.f32 v22, v23;
	v22 =	vld [tilespmem:s22+$0xD700]  }
0x4be: {  	v14 =	vadd.f32 v14, v16;
	v15 =	vadd.f32 v15, v17;
	v16 =	vld [tilespmem:s22+$0xD780]  }
0x4bf: {  	v17 =	vadd.f32 v25, v19;
	v19 =	vadd.f32 v20, v21;
	v20 =	vld [tilespmem:s22+$0xD900]  }
0x4c0: {  	v12 =	vadd.f32 v12, v14;
	v13 =	vadd.f32 v13, v15;
	v14 =	vld [tilespmem:s22+$0xD980]  }
0x4c1: {  	v15 =	vadd.f32 v24, v17;
	v17 =	vadd.f32 v18, v19;
	v18 =	vld [tilespmem:s22+$0xDB00]  }
0x4c2: {  	v10 =	vadd.f32 v10, v12;
	v11 =	vadd.f32 v11, v13;
	v12 =	vld [tilespmem:s22+$0xDB80]  }
0x4c3: {  	v13 =	vadd.f32 v22, v15;
	v15 =	vadd.f32 v16, v17;
	v16 =	vld [tilespmem:s22+$0xDD00]  }
0x4c4: {  	v8 =	vadd.f32 v8, v10;
	v9 =	vadd.f32 v9, v11;
	v10 =	vld [tilespmem:s22+$0xDD80]  }
0x4c5: {  	v11 =	vadd.f32 v20, v13;
	v13 =	vadd.f32 v14, v15;
	v14 =	vld [tilespmem:s22+$0xDF00]  }
0x4c6: {  	v6 =	vadd.f32 v6, v8;
	v7 =	vadd.f32 v7, v9;
	v8 =	vld [tilespmem:s22+$0xDF80]  }
0x4c7: {  	v9 =	vadd.f32 v18, v11;
	v11 =	vadd.f32 v12, v13;
	v12 =	vld [tilespmem:s22+$0xE100]  }
0x4c8: {  	v4 =	vadd.f32 v4, v6;
	v5 =	vadd.f32 v5, v7;
	v6 =	vld [tilespmem:s22+$0xE180]  }
0x4c9: {  	v9 =	vadd.f32 v16, v9;
	v7 =	vld [tilespmem:s22+$0xB000];
	v10 =	vadd.f32 v10, v11  }
0x4ca: {  	v2 =	vadd.f32 v2, v4;
	v3 =	vadd.f32 v3, v5;
	v11 =	vld [tilespmem:s22+$0xB080]  }
0x4cb: {  	v5 =	vadd.f32 v14, v9;
	v4 =	vld [tilespmem:s22+$0xB200];
	v8 =	vadd.f32 v8, v10  }
0x4cc: {  	v0 =	vadd.f32 v0, v2;
	v1 =	vadd.f32 v1, v3;
	v9 =	vld [tilespmem:s22+$0xB280]  }
0x4cd: {  	v3 =	vadd.f32 v12, v5;
	v2 =	vld [tilespmem:s22+$0xB100];
	v5 =	vadd.f32 v6, v8  }
0x4ce: {  	v6 =	vld [tilespmem:s22+$0xB180]  }
0x4cf: {  	v0 =	vadd.f32 v1, v0;
	v8 =	vld [tilespmem:s22+$0xB300];
	v3 =	vadd.f32 v5, v3  }
0x4d0: {  	v1 =	vadd.f32 v4, v7;
	v4 =	vld [tilespmem:s22+$0xB380]  }
0x4d1: {  	v5 =	vadd.f32 v9, v11;
	v7 =	vld [tilespmem:s22+$0xB400];
	v0 =	vadd.f32 v3, v0  }
0x4d2: {  	v3 =	vld [tilespmem:s22+$0xB480]  }
0x4d3: {  	v9 =	vld [tilespmem:s22+$0xB500];
	v0 =	vmul.f32 $1.999999960e-02, v0  }
0x4d4: {  	v2 =	vadd.f32 v8, v2;
	v8 =	vld [tilespmem:s22+$0xB580]  }
0x4d5: {  	v4 =	vadd.f32 v4, v6;
	v6 =	vld [tilespmem:s22+$0xB600];
	[tilespmem:s22+$0x12180] =	vst v0  }
0x4d6: {  	v0 =	vadd.f32 v7, v1;
	v1 =	vld [tilespmem:s22+$0xB680]  }
0x4d7: {  	v3 =	vadd.f32 v3, v5;
	v5 =	vld [tilespmem:s22+$0xB700]  }
0x4d8: {  	v2 =	vadd.f32 v9, v2;
	v7 =	vld [tilespmem:s22+$0xB780]  }
0x4d9: {  	v4 =	vadd.f32 v8, v4;
	v8 =	vld [tilespmem:s22+$0xB800]  }
0x4da: {  	v0 =	vadd.f32 v6, v0;
	v6 =	vld [tilespmem:s22+$0xB880]  }
0x4db: {  	v1 =	vadd.f32 v1, v3;
	v3 =	vld [tilespmem:s22+$0xB900]  }
0x4dc: {  	v2 =	vadd.f32 v5, v2;
	v5 =	vld [tilespmem:s22+$0xB980]  }
0x4dd: {  	v4 =	vadd.f32 v7, v4;
	v7 =	vld [tilespmem:s22+$0xBA00]  }
0x4de: {  	v0 =	vadd.f32 v8, v0;
	v8 =	vld [tilespmem:s22+$0xBA80]  }
0x4df: {  	v1 =	vadd.f32 v6, v1;
	v6 =	vld [tilespmem:s22+$0xBB00]  }
0x4e0: {  	v2 =	vadd.f32 v3, v2;
	v3 =	vld [tilespmem:s22+$0xBB80]  }
0x4e1: {  	v4 =	vadd.f32 v5, v4;
	v5 =	vld [tilespmem:s22+$0xBC00]  }
0x4e2: {  	v0 =	vadd.f32 v7, v0;
	v7 =	vld [tilespmem:s22+$0xBC80]  }
0x4e3: {  	v1 =	vadd.f32 v8, v1;
	v8 =	vld [tilespmem:s22+$0xBD00]  }
0x4e4: {  	v2 =	vadd.f32 v6, v2;
	v6 =	vld [tilespmem:s22+$0xBD80]  }
0x4e5: {  	v3 =	vadd.f32 v3, v4;
	v4 =	vld [tilespmem:s22+$0xBE00]  }
0x4e6: {  	v0 =	vadd.f32 v5, v0;
	v5 =	vld [tilespmem:s22+$0xBE80]  }
0x4e7: {  	v1 =	vadd.f32 v7, v1;
	v7 =	vld [tilespmem:s22+$0xBF00]  }
0x4e8: {  	v2 =	vadd.f32 v8, v2;
	v8 =	vld [tilespmem:s22+$0xBF80]  }
0x4e9: {  	v3 =	vadd.f32 v6, v3;
	v6 =	vld [tilespmem:s22+$0xC000]  }
0x4ea: {  	v0 =	vadd.f32 v4, v0;
	v4 =	vld [tilespmem:s22+$0xC080]  }
0x4eb: {  	v1 =	vadd.f32 v5, v1;
	v5 =	vld [tilespmem:s22+$0xC100]  }
0x4ec: {  	v2 =	vadd.f32 v7, v2;
	v7 =	vld [tilespmem:s22+$0xC180]  }
0x4ed: {  	v3 =	vadd.f32 v8, v3;
	v8 =	vld [tilespmem:s22+$0xC200]  }
0x4ee: {  	v0 =	vadd.f32 v6, v0;
	v6 =	vld [tilespmem:s22+$0xC280]  }
0x4ef: {  	v1 =	vadd.f32 v4, v1;
	v4 =	vld [tilespmem:s22+$0xC300]  }
0x4f0: {  	v2 =	vadd.f32 v5, v2;
	v5 =	vld [tilespmem:s22+$0xC380]  }
0x4f1: {  	v3 =	vadd.f32 v7, v3;
	v7 =	vld [tilespmem:s22+$0xC400]  }
0x4f2: {  	v0 =	vadd.f32 v8, v0;
	v8 =	vld [tilespmem:s22+$0xC480]  }
0x4f3: {  	v1 =	vadd.f32 v6, v1;
	v6 =	vld [tilespmem:s22+$0xC500]  }
0x4f4: {  	v2 =	vadd.f32 v4, v2;
	v4 =	vld [tilespmem:s22+$0xC580]  }
0x4f5: {  	v3 =	vadd.f32 v5, v3;
	v5 =	vld [tilespmem:s22+$0xC600]  }
0x4f6: {  	v0 =	vadd.f32 v7, v0;
	v7 =	vld [tilespmem:s22+$0xC680]  }
0x4f7: {  	v1 =	vadd.f32 v8, v1;
	v8 =	vld [tilespmem:s22+$0xC700]  }
0x4f8: {  	v2 =	vadd.f32 v6, v2;
	v6 =	vld [tilespmem:s22+$0xC780]  }
0x4f9: {  	v3 =	vadd.f32 v4, v3;
	v4 =	vld [tilespmem:s22+$0xC800]  }
0x4fa: {  	s24 =	sshra.s32 s23, $0x2;
	v5 =	vadd.f32 v5, v0;
	v9 =	vld [tilespmem:s22+$0xC880]  }
0x4fb: {  	v0 =	vld [tilespmem:s24+$0xE000];
	v7 =	vadd.f32 v7, v1  }
0x4fc: {  	v1 =	vld [tilespmem:s24+$0xE080];
	v8 =	vadd.f32 v8, v2  }
0x4fd: {  	v2 =	vld [tilespmem:s24+$0xDE00];
	v6 =	vadd.f32 v6, v3  }
0x4fe: {  	v3 =	vld [tilespmem:s24+$0xDE80];
	v10 =	vadd.f32 v4, v5  }
0x4ff: {  	v4 =	vld [tilespmem:s24+$0xDC00];
	v7 =	vadd.f32 v9, v7;
	v9 =	vadd.f32 v6, v8  }
0x500: {  	v5 =	vld [tilespmem:s24+$0xDC80]  }
0x501: {  	v6 =	vld [tilespmem:s24+$0xDA00];
	v10 =	vadd.f32 v7, v10  }
0x502: {  	v7 =	vld [tilespmem:s24+$0xDA80]  }
0x503: {  	v8 =	vld [tilespmem:s24+$0xD800];
	v11 =	vadd.f32 v10, v9  }
0x504: {  	v9 =	vld [tilespmem:s24+$0xD880]  }
0x505: {  	v10 =	vld [tilespmem:s24+$0xD600];
	v13 =	vmul.f32 $1.999999960e-02, v11  }
0x506: {  	v11 =	vld [tilespmem:s24+$0xD680]  }
0x507: {  	v12 =	vld [tilespmem:s24+$0xD400];
	[tilespmem:s22+$0x12100] =	vst v13;
	s22 =	smov.u32 s24  }
0x508: {  	v13 =	vld [tilespmem:s22+$0xD480]  }
0x509: {  	v14 =	vld [tilespmem:s22+$0xD200]  }
0x50a: {  	v15 =	vld [tilespmem:s22+$0xD280]  }
0x50b: {  	v16 =	vld [tilespmem:s22+$0xD000]  }
0x50c: {  	v17 =	vld [tilespmem:s22+$0xD080]  }
0x50d: {  	v18 =	vld [tilespmem:s22+$0xCE00]  }
0x50e: {  	v19 =	vld [tilespmem:s22+$0xCE80]  }
0x50f: {  	v20 =	vld [tilespmem:s22+$0xCA00]  }
0x510: {  	v21 =	vld [tilespmem:s22+$0xCA80]  }
.Ltmp8:
0x511: {  	v22 =	vld [tilespmem:s22+$0xCC00];
	(pc) =	sbr.rel @p0 .LBB2_18-.Ltmp8, $4  }
0x512: {  	v23 =	vld [tilespmem:s22+$0xCC80]  }
0x513: {  	v24 =	vld [tilespmem:s22+$0xC900]  }
0x514: {  	v25 =	vld [tilespmem:s22+$0xC980]  }
0x515: {  	s23 =	sadd.s32 $0x40, s23;
	v26 =	vld [tilespmem:s22+$0xCB00]  }
0x516: {  	v27 =	vld [tilespmem:s22+$0xCB80]  }
0x517: {  	v28 =	vld [tilespmem:s22+$0xCD00]  }
0x518: {  	v29 =	vld [tilespmem:s22+$0xCD80]  }
0x519: {  	v30 =	vld [tilespmem:s22+$0xCF00]  }
0x51a: {  	v31 =	vld [tilespmem:s22+$0xCF80]  }
0x51b: {  	v32 =	vld [tilespmem:s22+$0xD100]  }
0x51c: {  	v48 =	vld [tilespmem:s22+$0xD180]  }
0x51d: {  	v49 =	vld [tilespmem:s22+$0xD300]  }
0x51e: {  	v52 =	vld [tilespmem:s22+$0xD380]  }
0x51f: {  	v53 =	vld [tilespmem:s22+$0xD500]  }
0x520: {  	v56 =	vld [tilespmem:s22+$0xD580]  }
0x521: {  	v57 =	vld [tilespmem:s22+$0xD700]  }
0x522: {  	v60 =	vld [tilespmem:s22+$0xD780]  }
0x523: {  	v61 =	vld [tilespmem:s22+$0xD900]  }
0x524: {  	v33 =	vld [tilespmem:s22+$0xDD80]  }
0x525: {  	v34 =	vld [tilespmem:s22+$0xDF00]  }
0x526: {  	v37 =	vld [tilespmem:s22+$0xDF80]  }
0x527: {  	v38 =	vld [tilespmem:s22+$0xE100]  }
0x528: {  	v41 =	vld [tilespmem:s22+$0xE180];
	v21 =	vadd.f32 v23, v21  }
0x529: {  	v46 =	vld [tilespmem:s22+$0xB280];
	v24 =	vadd.f32 v26, v24;
	v25 =	vadd.f32 v27, v25  }
0x52a: {  	v20 =	vadd.f32 v22, v20;
	v19 =	vadd.f32 v19, v21;
	v26 =	vld [tilespmem:s22+$0xDB00]  }
0x52b: {  	v50 =	vadd.f32 v28, v24;
	v51 =	vadd.f32 v29, v25;
	v25 =	vld [tilespmem:s22+$0xD980]  }
0x52c: {  	v17 =	vadd.f32 v17, v19;
	v29 =	vld [tilespmem:s22+$0xDB80]  }
0x52d: {  	v18 =	vadd.f32 v18, v20;
	v54 =	vadd.f32 v30, v50;
	v30 =	vld [tilespmem:s22+$0xDD00]  }
0x52e: {  	v15 =	vadd.f32 v15, v17;
	v50 =	vld [tilespmem:s22+$0xB300]  }
0x52f: {  	v16 =	vadd.f32 v16, v18;
	v55 =	vadd.f32 v31, v51;
	v51 =	vld [tilespmem:s22+$0xB380]  }
0x530: {  	v13 =	vadd.f32 v13, v15;
	v58 =	vadd.f32 v32, v54;
	v54 =	vld [tilespmem:s22+$0xB500]  }
0x531: {  	v14 =	vadd.f32 v14, v16;
	v59 =	vadd.f32 v48, v55;
	v55 =	vld [tilespmem:s22+$0xB580]  }
0x532: {  	v11 =	vadd.f32 v11, v13;
	v62 =	vadd.f32 v49, v58;
	v49 =	vld [tilespmem:s22+$0xB180]  }
0x533: {  	v12 =	vadd.f32 v12, v14;
	v58 =	vld [tilespmem:s22+$0xB700]  }
0x534: {  	v9 =	vadd.f32 v9, v11;
	v11 =	vld [tilespmem:s22+$0xB080]  }
0x535: {  	v10 =	vadd.f32 v10, v12;
	v63 =	vadd.f32 v52, v59;
	v52 =	vld [tilespmem:s22+$0xB400]  }
0x536: {  	v59 =	vld [tilespmem:s22+$0xB780]  }
0x537: {  	v8 =	vadd.f32 v8, v10;
	v27 =	vadd.f32 v53, v62;
	v53 =	vld [tilespmem:s22+$0xB480]  }
0x538: {  	v62 =	vld [tilespmem:s22+$0xB900]  }
0x539: {  	v6 =	vadd.f32 v6, v8;
	v28 =	vadd.f32 v56, v63;
	v56 =	vld [tilespmem:s22+$0xB600]  }
0x53a: {  	v63 =	vld [tilespmem:s22+$0xB980]  }
0x53b: {  	v4 =	vadd.f32 v4, v6;
	v6 =	vld [tilespmem:s22+$0xB000]  }
0x53c: {  	v31 =	vadd.f32 v57, v27;
	v57 =	vld [tilespmem:s22+$0xB680]  }
0x53d: {  	v7 =	vadd.f32 v7, v9;
	v32 =	vadd.f32 v60, v28;
	v60 =	vld [tilespmem:s22+$0xB800]  }
0x53e: {  	v2 =	vadd.f32 v2, v4;
	v4 =	vld [tilespmem:s22+$0xB200]  }
0x53f: {  	v5 =	vadd.f32 v5, v7;
	v35 =	vadd.f32 v61, v31;
	v61 =	vld [tilespmem:s22+$0xB880]  }
0x540: {  	v36 =	vadd.f32 v25, v32;
	v0 =	vadd.f32 v0, v2;
	v2 =	vld [tilespmem:s22+$0xB100]  }
0x541: {  	v39 =	vadd.f32 v26, v35;
	v35 =	vld [tilespmem:s22+$0xBB00]  }
0x542: {  	v3 =	vadd.f32 v3, v5;
	v40 =	vadd.f32 v29, v36;
	v36 =	vld [tilespmem:s22+$0xBB80]  }
0x543: {  	v42 =	vadd.f32 v30, v39;
	v39 =	vld [tilespmem:s22+$0xBD00]  }
0x544: {  	v1 =	vadd.f32 v1, v3;
	v43 =	vadd.f32 v33, v40;
	v33 =	vld [tilespmem:s22+$0xBA00]  }
0x545: {  	v40 =	vld [tilespmem:s22+$0xBD80]  }
0x546: {  	v0 =	vadd.f32 v1, v0;
	v1 =	vadd.f32 v51, v49;
	v49 =	vld [tilespmem:s22+$0xC180]  }
0x547: {  	v51 =	vld [tilespmem:s22+$0xC280];
	v44 =	vadd.f32 v34, v42;
	v45 =	vadd.f32 v37, v43  }
0x548: {  	v34 =	vld [tilespmem:s22+$0xBA80]  }
0x549: {  	v42 =	vld [tilespmem:s22+$0xBE80];
	v47 =	vadd.f32 v38, v44;
	v48 =	vadd.f32 v41, v45  }
0x54a: {  	v4 =	vadd.f32 v4, v6;
	v37 =	vld [tilespmem:s22+$0xBC00]  }
0x54b: {  	v43 =	vld [tilespmem:s22+$0xBF00];
	v3 =	vadd.f32 v48, v47  }
0x54c: {  	v2 =	vadd.f32 v50, v2;
	v4 =	vadd.f32 v52, v4;
	v50 =	vld [tilespmem:s22+$0xC200]  }
0x54d: {  	v52 =	vld [tilespmem:s22+$0xC300];
	v45 =	vadd.f32 v46, v11;
	v0 =	vadd.f32 v3, v0  }
0x54e: {  	v1 =	vadd.f32 v55, v1;
	v55 =	vld [tilespmem:s22+$0xC480]  }
0x54f: {  	v38 =	vld [tilespmem:s22+$0xBC80];
	v3 =	vadd.f32 v53, v45;
	v0 =	vmul.f32 $1.999999960e-02, v0  }
0x550: {  	v44 =	vld [tilespmem:s22+$0xBF80];
	v2 =	vadd.f32 v54, v2  }
0x551: {  	v41 =	vld [tilespmem:s22+$0xBE00];
	v4 =	vadd.f32 v56, v4;
	[tilespmem:s22+$0x12180] =	vst v0;
	v0 =	vadd.f32 v57, v3  }
0x552: {  	v46 =	vld [tilespmem:s22+$0xC000];
	v1 =	vadd.f32 v59, v1;
	v2 =	vadd.f32 v58, v2  }
0x553: {  	v54 =	vld [tilespmem:s22+$0xC400];
	v4 =	vadd.f32 v60, v4;
	v0 =	vadd.f32 v61, v0  }
0x554: {  	v56 =	vld [tilespmem:s22+$0xC500];
	v1 =	vadd.f32 v63, v1;
	v2 =	vadd.f32 v62, v2  }
0x555: {  	v59 =	vld [tilespmem:s22+$0xC680];
	v4 =	vadd.f32 v33, v4;
	v0 =	vadd.f32 v34, v0  }
0x556: {  	v47 =	vld [tilespmem:s22+$0xC080];
	v1 =	vadd.f32 v36, v1;
	v2 =	vadd.f32 v35, v2  }
0x557: {  	v48 =	vld [tilespmem:s22+$0xC100];
	v4 =	vadd.f32 v37, v4;
	v0 =	vadd.f32 v38, v0  }
0x558: {  	v58 =	vld [tilespmem:s22+$0xC600];
	v1 =	vadd.f32 v40, v1;
	v2 =	vadd.f32 v39, v2  }
0x559: {  	v53 =	vld [tilespmem:s22+$0xC380];
	v4 =	vadd.f32 v41, v4;
	v0 =	vadd.f32 v42, v0  }
0x55a: {  	v60 =	vld [tilespmem:s22+$0xC700];
	v1 =	vadd.f32 v44, v1;
	v2 =	vadd.f32 v43, v2  }
0x55b: {  	v57 =	vld [tilespmem:s22+$0xC580];
	v4 =	vadd.f32 v46, v4;
	v0 =	vadd.f32 v47, v0  }
0x55c: {  	v63 =	vld [tilespmem:s22+$0xC880];
	v1 =	vadd.f32 v49, v1;
	v2 =	vadd.f32 v48, v2  }
0x55d: {  	v61 =	vld [tilespmem:s22+$0xC780];
	v3 =	vadd.f32 v50, v4;
	v0 =	vadd.f32 v51, v0  }
0x55e: {  	v62 =	vld [tilespmem:s22+$0xC800];
	v1 =	vadd.f32 v53, v1;
	v2 =	vadd.f32 v52, v2  }
0x55f: {  	v3 =	vadd.f32 v54, v3;
	v0 =	vadd.f32 v55, v0  }
0x560: {  	v1 =	vadd.f32 v57, v1;
	v2 =	vadd.f32 v56, v2  }
0x561: {  	v3 =	vadd.f32 v58, v3;
	v0 =	vadd.f32 v59, v0  }
0x562: {  	v1 =	vadd.f32 v61, v1;
	v2 =	vadd.f32 v60, v2  }
0x563: {  	v3 =	vadd.f32 v62, v3;
	v0 =	vadd.f32 v63, v0;
	_ =	sdelay $0x1  }
0x564: {  	v1 =	vadd.f32 v1, v2;
	v0 =	vadd.f32 v0, v3;
	_ =	sdelay $0x1  }
0x565: {  	v0 =	vadd.f32 v0, v1;
	_ =	sdelay $0x1  }
0x566: {  	s21 =	sadd.s32 $0x1, s21;
	v0 =	vmul.f32 $1.999999960e-02, v0  }
0x567: {  	p0 =	sne.s32 s21, s6  }
.Ltmp9:
0x568: {  	[tilespmem:s22+$0x12100] =	vst v0;
	(pc) =	sbr.rel @p0 .LBB2_1-.Ltmp9, $4  }
0x569: {  	[hbm4b:s5+s3] =	stream.linear.scatter [tilespmem:s20], [sflag:$0x5], $0x4000, $0x38;
	[tilespmem:$0x12200] =	vst v63  }
0x56a: {  	_ =	swait.ge [sflag:s7], $0x4000  }
0x56b: {  	[sflag:s7] =	ssyncset.done $0x0  }
0x56c: {  	[sflag:s7] =	ssyncadd.s32 $0xFFFFC000  }
0x56d: {  	_ =	sfence.sel $0x180000  }
0x56e: {  	[bflag:$0x0] =	sbarrier.arrive $0xFFFF  }
0x56f: {  	p0 =	sne.s32 s0, $0x0;
	_ =	strace $0x90000047  }
0x570: {  	s0 =	sadd.s32 @!p0 $0x100000, s2;
	[bflag:$0x2] =	sbarrier.arrive $0xFFFF  }
0x571: {  	[sflag:s0] =	ssyncadd.tile.s32 @!p0 $0x1;
	_ =	shalt  }
.Lfunc_end2:
_tile_overlayer_lowered:
.L_overlay_start_2:
0x572: {  	(tag) =	ssettag $0x2  }
0x573: {  	s0 =	rddreg [dreg:$0x0];
	s2 =	stileid.u32  }
0x574: {  	s1 =	rddreg [dreg:$0x1];
	p0 =	sne.s32 s2, $0x0  }
0x575: {  	s3 =	rddreg [dreg:$0x2];
	[bflag:$0x3] =	sbarrier.arrive $0xFFFF;
	s2 =	simm.s32 @!p0 $0x1C05  }
0x576: {  	[timem:s3], [sflag:s2] =	dma.local @!p0 [hbm:s0], s1  }
0x577: {  	s0 =	simm.s32 @!p0 $0x5  }
0x578: {  	_ =	swait.ge @!p0 [sflag:s0], s1  }
0x579: {  	s1 =	ssub.s32 @!p0 $0x0, s1;
	[sflag:s0] =	ssyncset.done @!p0 $0x0  }
0x57a: {  	[sflag:s0] =	ssyncadd.s32 @!p0 s1  }
0x57b: {  	[bflag:$0x3] =	sbarrier.arrive $0xFFFF  }
0x57c: {  	_ =	shalt  }

</sc_bundles>
